<compile_context>
chip_gen: v7x
topology: tpu7x:2x2x1
jax: 0.10.2.dev20260603
libtpu: 0.0.44.dev20260713+nightly
codegen_flags: <defaults>
</compile_context>

<pallas_src>
import functools

import jax
import jax.numpy as jnp
from jax import lax
from jax.experimental import pallas as pl
from jax.experimental.pallas import tpu as pltpu
from jax.experimental.pallas import tpu_sc as plsc

NC = 2
NS = 16
LANES = 16
IDX_CHUNK = 128
W = 40
CH = 800

_SC_PARAMS = pltpu.CompilerParams(
    needs_layout_passes=False, use_tc_tiling_on_sc=False)


def _build_fuser(NI, D):
    NW = NC * NS
    NCH = NI // CH
    ITER = -(-NCH // NW)
    mesh = plsc.VectorSubcoreMesh(core_axis_name="c", subcore_axis_name="s")

    @functools.partial(
        pl.kernel,
        mesh=mesh,
        compiler_params=_SC_PARAMS,
        out_type=jax.ShapeDtypeStruct((NI, W), jnp.float32),
        scratch_types=[
            pltpu.VMEM((2, CH, W), jnp.float32),
            pltpu.VMEM((2, CH), jnp.float32),
            pltpu.SemaphoreType.DMA,
            pltpu.SemaphoreType.DMA,
            pltpu.SemaphoreType.DMA,
            pltpu.SemaphoreType.DMA,
        ],
    )
    def fuser(iemb_h, ibias_h, fused_h, fuse_v, bias_v,
              isem0, isem1, osem0, osem1):
        w = lax.axis_index("s") * NC + lax.axis_index("c")
        dcol = jnp.full((16,), D, jnp.int32)
        lid = lax.iota(jnp.int32, 16)
        isem = (isem0, isem1)
        osem = (osem0, osem1)
        IT2 = -(-ITER // 2)

        def fire_in(i, b):
            c = w + i * NW

            @pl.when(c < NCH)
            def _():
                sl = pl.ds(c * CH, CH)
                pltpu.async_copy(
                    iemb_h.at[sl], fuse_v.at[b, :, pl.ds(0, D)], isem[b])
                pltpu.async_copy(ibias_h.at[sl], bias_v.at[b], isem[b])

        def body(i2, i, b):
            c = w + i * NW
            cp = w + (i - 2) * NW

            @pl.when(c < NCH)
            def _():
                sl = pl.ds(c * CH, CH)
                pltpu.make_async_copy(
                    iemb_h.at[sl], fuse_v.at[b, :, pl.ds(0, D)],
                    isem[b]).wait()
                pltpu.make_async_copy(
                    ibias_h.at[sl], bias_v.at[b], isem[b]).wait()

            @pl.when((i2 >= 1) & (cp < NCH))
            def _():
                pltpu.make_async_copy(
                    fuse_v.at[b], fused_h.at[pl.ds(cp * CH, CH)],
                    osem[b]).wait()

            @pl.when(c < NCH)
            def _():
                def put(g, c2):
                    rows = g * LANES + lid
                    vals = plsc.load_gather(bias_v.at[b], [rows])
                    plsc.store_scatter(fuse_v.at[b], [rows, dcol], vals)
                    return c2

                lax.fori_loop(0, CH // LANES, put, 0, unroll=False)
                pltpu.async_copy(
                    fuse_v.at[b], fused_h.at[pl.ds(c * CH, CH)], osem[b])

            fire_in(i + 2, b)

        fire_in(jnp.int32(0), 0)
        fire_in(jnp.int32(1), 1)

        def pair(i2, carry):
            body(i2, 2 * i2, 0)
            body(i2, 2 * i2 + 1, 1)
            return carry

        lax.fori_loop(0, IT2, pair, 0, unroll=False)

        for b in range(2):
            cl = w + (2 * (IT2 - 1) + b) * NW

            @pl.when(cl < NCH)
            def _():
                pltpu.make_async_copy(
                    fuse_v.at[b], fused_h.at[pl.ds(cl * CH, CH)],
                    osem[b]).wait()

    return fuser


def _build_kernel(B, L, D, S):
    NW = NC * NS
    UPW = B // NW
    PPW = UPW * L
    NSC = PPW // S
    KI = S // IDX_CHUNK
    NG = S // LANES
    assert NSC % 2 == 0 and NSC >= 4

    mesh = plsc.VectorSubcoreMesh(core_axis_name="c", subcore_axis_name="s")

    @functools.partial(
        pl.kernel,
        mesh=mesh,
        compiler_params=_SC_PARAMS,
        out_type=jax.ShapeDtypeStruct((B * L,), jnp.float32),
        scratch_types=[
            pltpu.VMEM((UPW, D), jnp.float32),
            pltpu.VMEM((UPW,), jnp.float32),
            pltpu.VMEM((2, S), jnp.int32),
            pltpu.VMEM((2, S, W), jnp.float32),
            pltpu.VMEM((2, S), jnp.float32),
            pltpu.SemaphoreType.DMA,
            pltpu.SemaphoreType.DMA,
            pltpu.SemaphoreType.DMA,
            pltpu.SemaphoreType.DMA,
        ],
    )
    def mf_kernel(items_h, ifused_h, ueb_h, ubb_h, out_h,
                  ue_v, ub_v, idx_v, irows_v, out_v,
                  gsem0, gsem1, osem0, osem1):
        w = lax.axis_index("s") * NC + lax.axis_index("c")
        ubase = w * UPW
        pbase0 = w * PPW
        gsem = (gsem0, gsem1)
        osem = (osem0, osem1)

        def fire_gathers(sc, b):
            pbase = pbase0 + sc * S
            pltpu.sync_copy(items_h.at[pl.ds(pbase, S)], idx_v.at[b])
            for k in range(KI):
                sl = pl.ds(k * IDX_CHUNK, IDX_CHUNK)
                idx = idx_v.at[b, sl]
                pltpu.async_copy(ifused_h.at[idx], irows_v.at[b, sl], gsem[b])

        def drain_gathers(sc, b):
            for k in range(KI):
                sl = pl.ds(k * IDX_CHUNK, IDX_CHUNK)
                idx = idx_v.at[b, sl]
                pltpu.make_async_copy(
                    ifused_h.at[idx], irows_v.at[b, sl], gsem[b]).wait()

        pltpu.sync_copy(ueb_h.at[pl.ds(ubase, UPW)], ue_v)
        pltpu.sync_copy(ubb_h.at[pl.ds(ubase, UPW)], ub_v)
        fire_gathers(jnp.int32(0), 0)
        fire_gathers(jnp.int32(1), 1)

        lid = lax.iota(jnp.int32, 16)

        def body(sc, b):
            drain_gathers(sc, b)

            @pl.when(sc >= 2)
            def _():
                pltpu.make_async_copy(
                    out_v.at[b],
                    out_h.at[pl.ds(pbase0 + (sc - 2) * S, S)],
                    osem[b]).wait()

            def group(g, c2):
                p_local = g * LANES + lid
                p_worker = sc * S + p_local
                u_loc = lax.div(p_worker, jnp.int32(L))
                acc = plsc.load_gather(ub_v, [u_loc])
                acc = acc + plsc.load_gather(
                    irows_v.at[b], [p_local, jnp.full((16,), D, jnp.int32)])
                for d in range(D):
                    dv = jnp.full((16,), d, jnp.int32)
                    ie = plsc.load_gather(irows_v.at[b], [p_local, dv])
                    ue = plsc.load_gather(ue_v, [u_loc, dv])
                    acc = acc + ie * ue
                out_v[b, pl.ds(g * LANES, LANES)] = acc
                return c2

            lax.fori_loop(0, NG, group, 0, unroll=False)
            pltpu.async_copy(
                out_v.at[b], out_h.at[pl.ds(pbase0 + sc * S, S)], osem[b])

            @pl.when(sc + 2 < NSC)
            def _():
                fire_gathers(sc + 2, b)

        def pair_body(sc2, carry):
            body(2 * sc2, 0)
            body(2 * sc2 + 1, 1)
            return carry

        lax.fori_loop(0, NSC // 2, pair_body, 0, unroll=False)

        for b in range(2):
            pltpu.make_async_copy(
                out_v.at[b],
                out_h.at[pl.ds(pbase0 + (NSC - 2 + b) * S, S)],
                osem[b]).wait()

    return mf_kernel


def kernel(users, items, user_emb, item_emb, user_bias, item_bias, bias):
    B, L = items.shape
    NI, D = item_emb.shape
    users = users.astype(jnp.int32)
    items_flat = items.astype(jnp.int32).reshape(-1)
    ue_b = jnp.take(user_emb, users, axis=0)
    ub_b = jnp.take(user_bias, users, axis=0) + bias[0]
    ifused = _build_fuser(NI, D)(item_emb, item_bias)
    fn = _build_kernel(B, L, D, S=640)
    out_flat = fn(items_flat, ifused, ue_b, ub_b)
    return out_flat.reshape(B, L)

# --- scband reference (transcript-rebuilt; emitter-appended) ---
"""Pipeline reference for scband-bias-mf-38920993637005 (READ-ONLY COPY).

The authoritative reference and input builder live on the scoring server;
editing this copy changes nothing except your own understanding.
"""

import jax, jax.numpy as jnp
import numpy as np

N_USERS = 1000000
N_ITEMS = 1000000
D = 32
B = 16384
L = 50


def setup_inputs(seed: int = 0) -> dict:
    key = jax.random.key(seed)
    k1, k2, k3, k4, k5, k6, k7 = jax.random.split(key, 7)
    users = jax.random.randint(k1, (B,), 0, N_USERS)
    items = jax.random.randint(k2, (B, L), 0, N_ITEMS)
    user_emb = jax.random.normal(k3, (N_USERS, D), dtype=jnp.float32) * 0.02
    item_emb = jax.random.normal(k4, (N_ITEMS, D), dtype=jnp.float32) * 0.02
    user_bias = jax.random.normal(k5, (N_USERS,), dtype=jnp.float32)
    item_bias = jax.random.normal(k6, (N_ITEMS,), dtype=jnp.float32)
    bias = jax.random.normal(k7, (1,), dtype=jnp.float32)
    return {
        "users": users,
        "items": items,
        "user_emb": user_emb,
        "item_emb": item_emb,
        "user_bias": user_bias,
        "item_bias": item_bias,
        "bias": bias,
    }


def reference(users, items, user_emb, item_emb, user_bias, item_bias, bias):
    # BiasMF forward, items is not None branch:
    # out = item_bias[items] + user_bias[users].view(-1,1) + bias
    #       + (user_emb[users].unsqueeze(1) * item_emb[items]).sum(-1)
    ue = jnp.take(user_emb, users, axis=0)          # [B, D]
    ie = jnp.take(item_emb, items, axis=0)          # [B, L, D]
    dot = jnp.sum(ue[:, None, :] * ie, axis=-1)     # [B, L]
    out = (jnp.take(item_bias, items, axis=0)       # [B, L]
           + jnp.take(user_bias, users, axis=0)[:, None]
           + bias
           + dot)
    return out

if __name__ == "__main__":
    import jax
    _d = setup_inputs()
    print(jax.jit(kernel)(*tuple(_d.values())))

</pallas_src>

<mosaic_0001>
#map = affine_map<(d0, d1) -> (0)>
#map1 = affine_map<(d0, d1) -> (0, 0)>
module attributes {stable_mosaic.version = 14 : i64} {
  func.func @mf_kernel(%arg0: i32, %arg1: i32, %arg2: memref<819200xi32, #tpu.memory_space<hbm>>, %arg3: memref<1000000x40xf32, #tpu.memory_space<hbm>>, %arg4: memref<16384x32xf32, #tpu.memory_space<hbm>>, %arg5: memref<16384xf32, #tpu.memory_space<hbm>>, %arg6: memref<819200xf32, #tpu.memory_space<hbm>>, %arg7: memref<512x32xf32, #tpu.memory_space<vmem>>, %arg8: memref<512xf32, #tpu.memory_space<vmem>>, %arg9: memref<2x640xi32, #tpu.memory_space<vmem>>, %arg10: memref<2x640x40xf32, #tpu.memory_space<vmem>>, %arg11: memref<2x640xf32, #tpu.memory_space<vmem>>, %arg12: memref<!tpu.dma_semaphore, #tpu.memory_space<semaphore_mem>>, %arg13: memref<!tpu.dma_semaphore, #tpu.memory_space<semaphore_mem>>, %arg14: memref<!tpu.dma_semaphore, #tpu.memory_space<semaphore_mem>>, %arg15: memref<!tpu.dma_semaphore, #tpu.memory_space<semaphore_mem>>) attributes {dimension_semantics = [#tpu.dimension_semantics<core_parallel>, #tpu.dimension_semantics<subcore_parallel>], iteration_bounds = array<i64: 2, 16>, scalar_prefetch = 0 : i64, scratch_operands = 9 : i64, tpu.core_type = #tpu.core_type<sc_vector_subcore>, window_params = [{transform_indices = #map}, {transform_indices = #map1}, {transform_indices = #map1}, {transform_indices = #map}, {transform_indices = #map}]} {
    %mul3A = arith.constant 2 : i32
    %mul3A_0 = arith.muli %arg1, %mul3A : i32
    %add3A = arith.addi %mul3A_0, %arg0 : i32
    %mul3A_1 = arith.constant 512 : i32
    %mul3A_2 = arith.muli %add3A, %mul3A_1 : i32
    %mul3A_3 = arith.constant 25600 : i32
    %mul3A_4 = arith.muli %add3A, %mul3A_3 : i32
    "tpu.region"() ({
      %run_scoped3A_159 = tpu.sem_alloc : memref<!tpu.dma_semaphore, #tpu.memory_space<semaphore_mem>>
      %dma_start3A_160 = arith.constant 0 : i32
      %dma_start3A_161 = tpu.memref_slice %arg4[%mul3A_2, %dma_start3A_160] : memref<16384x32xf32, #tpu.memory_space<hbm>> -> memref<512x32xf32, #tpu.memory_space<hbm>>
      %dma_start3A_162 = arith.constant 0 : i32
      %dma_start3A_163 = tpu.memref_slice %arg4[%mul3A_2, %dma_start3A_162] : memref<16384x32xf32, #tpu.memory_space<hbm>> -> memref<512x32xf32, #tpu.memory_space<hbm>>
      tpu.enqueue_dma source(%dma_start3A_163 : memref<512x32xf32, #tpu.memory_space<hbm>>) target(%arg7 : memref<512x32xf32, #tpu.memory_space<vmem>>) target_semaphore(%run_scoped3A_159 : memref<!tpu.dma_semaphore, #tpu.memory_space<semaphore_mem>>)
      %dma_wait3A_164 = arith.constant 0 : i32
      %dma_wait3A_165 = tpu.memref_slice %arg4[%mul3A_2, %dma_wait3A_164] : memref<16384x32xf32, #tpu.memory_space<hbm>> -> memref<512x32xf32, #tpu.memory_space<hbm>>
      %dma_wait3A_166 = arith.constant 0 : i32
      %dma_wait3A_167 = tpu.memref_slice %arg4[%mul3A_2, %dma_wait3A_166] : memref<16384x32xf32, #tpu.memory_space<hbm>> -> memref<512x32xf32, #tpu.memory_space<hbm>>
      tpu.wait_dma2 semaphore(%run_scoped3A_159 : memref<!tpu.dma_semaphore, #tpu.memory_space<semaphore_mem>>) src(%dma_wait3A_167 : memref<512x32xf32, #tpu.memory_space<hbm>>) dst(%arg7 : memref<512x32xf32, #tpu.memory_space<vmem>>)
      tpu.yield
    }) : () -> ()
    "tpu.region"() ({
      %run_scoped3A_159 = tpu.sem_alloc : memref<!tpu.dma_semaphore, #tpu.memory_space<semaphore_mem>>
      %dma_start3A_160 = tpu.memref_slice %arg5[%mul3A_2] : memref<16384xf32, #tpu.memory_space<hbm>> -> memref<512xf32, #tpu.memory_space<hbm>>
      %dma_start3A_161 = tpu.memref_slice %arg5[%mul3A_2] : memref<16384xf32, #tpu.memory_space<hbm>> -> memref<512xf32, #tpu.memory_space<hbm>>
      tpu.enqueue_dma source(%dma_start3A_161 : memref<512xf32, #tpu.memory_space<hbm>>) target(%arg8 : memref<512xf32, #tpu.memory_space<vmem>>) target_semaphore(%run_scoped3A_159 : memref<!tpu.dma_semaphore, #tpu.memory_space<semaphore_mem>>)
      %dma_wait3A_162 = tpu.memref_slice %arg5[%mul3A_2] : memref<16384xf32, #tpu.memory_space<hbm>> -> memref<512xf32, #tpu.memory_space<hbm>>
      %dma_wait3A_163 = tpu.memref_slice %arg5[%mul3A_2] : memref<16384xf32, #tpu.memory_space<hbm>> -> memref<512xf32, #tpu.memory_space<hbm>>
      tpu.wait_dma2 semaphore(%run_scoped3A_159 : memref<!tpu.dma_semaphore, #tpu.memory_space<semaphore_mem>>) src(%dma_wait3A_163 : memref<512xf32, #tpu.memory_space<hbm>>) dst(%arg8 : memref<512xf32, #tpu.memory_space<vmem>>)
      tpu.yield
    }) : () -> ()
    %mul3A_5 = arith.constant 0 : i32
    %mul3A_6 = arith.constant 640 : i32
    %mul3A_7 = arith.muli %mul3A_5, %mul3A_6 : i32
    %add3A_8 = arith.addi %mul3A_4, %mul3A_7 : i32
    %run_scoped3A = arith.constant 0 : i32
    "tpu.region"() ({
      %run_scoped3A_159 = tpu.sem_alloc : memref<!tpu.dma_semaphore, #tpu.memory_space<semaphore_mem>>
      %dma_start3A_160 = arith.constant 0 : i32
      %dma_start3A_161 = tpu.memref_slice %arg9[%run_scoped3A, %dma_start3A_160] : memref<2x640xi32, #tpu.memory_space<vmem>> -> memref<1x640xi32, #tpu.memory_space<vmem>>
      %dma_start3A_162 = tpu.memref_squeeze %dma_start3A_161 : memref<1x640xi32, #tpu.memory_space<vmem>> -> memref<640xi32, #tpu.memory_space<vmem>>
      %dma_start3A_163 = tpu.memref_slice %arg2[%add3A_8] : memref<819200xi32, #tpu.memory_space<hbm>> -> memref<640xi32, #tpu.memory_space<hbm>>
      %dma_start3A_164 = arith.constant 0 : i32
      %dma_start3A_165 = tpu.memref_slice %arg9[%run_scoped3A, %dma_start3A_164] : memref<2x640xi32, #tpu.memory_space<vmem>> -> memref<1x640xi32, #tpu.memory_space<vmem>>
      %dma_start3A_166 = tpu.memref_squeeze %dma_start3A_165 : memref<1x640xi32, #tpu.memory_space<vmem>> -> memref<640xi32, #tpu.memory_space<vmem>>
      %dma_start3A_167 = tpu.memref_slice %arg2[%add3A_8] : memref<819200xi32, #tpu.memory_space<hbm>> -> memref<640xi32, #tpu.memory_space<hbm>>
      tpu.enqueue_dma source(%dma_start3A_167 : memref<640xi32, #tpu.memory_space<hbm>>) target(%dma_start3A_166 : memref<640xi32, #tpu.memory_space<vmem>>) target_semaphore(%run_scoped3A_159 : memref<!tpu.dma_semaphore, #tpu.memory_space<semaphore_mem>>)
      %dma_wait3A_168 = arith.constant 0 : i32
      %dma_wait3A_169 = tpu.memref_slice %arg9[%run_scoped3A, %dma_wait3A_168] : memref<2x640xi32, #tpu.memory_space<vmem>> -> memref<1x640xi32, #tpu.memory_space<vmem>>
      %dma_wait3A_170 = tpu.memref_squeeze %dma_wait3A_169 : memref<1x640xi32, #tpu.memory_space<vmem>> -> memref<640xi32, #tpu.memory_space<vmem>>
      %dma_wait3A_171 = tpu.memref_slice %arg2[%add3A_8] : memref<819200xi32, #tpu.memory_space<hbm>> -> memref<640xi32, #tpu.memory_space<hbm>>
      %dma_wait3A_172 = arith.constant 0 : i32
      %dma_wait3A_173 = tpu.memref_slice %arg9[%run_scoped3A, %dma_wait3A_172] : memref<2x640xi32, #tpu.memory_space<vmem>> -> memref<1x640xi32, #tpu.memory_space<vmem>>
      %dma_wait3A_174 = tpu.memref_squeeze %dma_wait3A_173 : memref<1x640xi32, #tpu.memory_space<vmem>> -> memref<640xi32, #tpu.memory_space<vmem>>
      %dma_wait3A_175 = tpu.memref_slice %arg2[%add3A_8] : memref<819200xi32, #tpu.memory_space<hbm>> -> memref<640xi32, #tpu.memory_space<hbm>>
      tpu.wait_dma2 semaphore(%run_scoped3A_159 : memref<!tpu.dma_semaphore, #tpu.memory_space<semaphore_mem>>) src(%dma_wait3A_175 : memref<640xi32, #tpu.memory_space<hbm>>) dst(%dma_wait3A_174 : memref<640xi32, #tpu.memory_space<vmem>>)
      tpu.yield
    }) : () -> ()
    %dma_start3A = arith.constant 0 : i32
    %dma_start3A_9 = arith.constant 0 : i32
    %dma_start3A_10 = arith.constant 0 : i32
    %dma_start3A_11 = arith.constant 0 : i32
    %dma_start3A_12 = tpu.memref_slice %arg10[%dma_start3A_9, %dma_start3A_10, %dma_start3A_11] : memref<2x640x40xf32, #tpu.memory_space<vmem>> -> memref<1x128x40xf32, #tpu.memory_space<vmem>>
    %dma_start3A_13 = tpu.memref_squeeze %dma_start3A_12 : memref<1x128x40xf32, #tpu.memory_space<vmem>> -> memref<128x40xf32, #tpu.memory_space<vmem>>
    %dma_start3A_14 = arith.constant 0 : i32
    %dma_start3A_15 = tpu.memref_slice %arg9[%dma_start3A, %dma_start3A_14] : memref<2x640xi32, #tpu.memory_space<vmem>> -> memref<1x128xi32, #tpu.memory_space<vmem>>
    %dma_start3A_16 = tpu.memref_squeeze %dma_start3A_15 : memref<1x128xi32, #tpu.memory_space<vmem>> -> memref<128xi32, #tpu.memory_space<vmem>>
    %dma_start3A_17 = arith.constant 0 : i32
    %dma_start3A_18 = arith.constant 0 : i32
    %dma_start3A_19 = tpu.memref_slice %arg3[%dma_start3A_17, %dma_start3A_18] : memref<1000000x40xf32, #tpu.memory_space<hbm>> -> memref<1000000x40xf32, #tpu.memory_space<hbm>>
    tpu.enqueue_indirect_dma source(%dma_start3A_19 : memref<1000000x40xf32, #tpu.memory_space<hbm>>) target(%dma_start3A_13 : memref<128x40xf32, #tpu.memory_space<vmem>>) offsets(%dma_start3A_16 : memref<128xi32, #tpu.memory_space<vmem>>) semaphore(%arg12 : memref<!tpu.dma_semaphore, #tpu.memory_space<semaphore_mem>>)
    %dma_start3A_20 = arith.constant 0 : i32
    %dma_start3A_21 = arith.constant 0 : i32
    %dma_start3A_22 = arith.constant 128 : i32
    %dma_start3A_23 = arith.constant 0 : i32
    %dma_start3A_24 = tpu.memref_slice %arg10[%dma_start3A_21, %dma_start3A_22, %dma_start3A_23] : memref<2x640x40xf32, #tpu.memory_space<vmem>> -> memref<1x128x40xf32, #tpu.memory_space<vmem>>
    %dma_start3A_25 = tpu.memref_squeeze %dma_start3A_24 : memref<1x128x40xf32, #tpu.memory_space<vmem>> -> memref<128x40xf32, #tpu.memory_space<vmem>>
    %dma_start3A_26 = arith.constant 128 : i32
    %dma_start3A_27 = tpu.memref_slice %arg9[%dma_start3A_20, %dma_start3A_26] : memref<2x640xi32, #tpu.memory_space<vmem>> -> memref<1x128xi32, #tpu.memory_space<vmem>>
    %dma_start3A_28 = tpu.memref_squeeze %dma_start3A_27 : memref<1x128xi32, #tpu.memory_space<vmem>> -> memref<128xi32, #tpu.memory_space<vmem>>
    %dma_start3A_29 = arith.constant 0 : i32
    %dma_start3A_30 = arith.constant 0 : i32
    %dma_start3A_31 = tpu.memref_slice %arg3[%dma_start3A_29, %dma_start3A_30] : memref<1000000x40xf32, #tpu.memory_space<hbm>> -> memref<1000000x40xf32, #tpu.memory_space<hbm>>
    tpu.enqueue_indirect_dma source(%dma_start3A_31 : memref<1000000x40xf32, #tpu.memory_space<hbm>>) target(%dma_start3A_25 : memref<128x40xf32, #tpu.memory_space<vmem>>) offsets(%dma_start3A_28 : memref<128xi32, #tpu.memory_space<vmem>>) semaphore(%arg12 : memref<!tpu.dma_semaphore, #tpu.memory_space<semaphore_mem>>)
    %dma_start3A_32 = arith.constant 0 : i32
    %dma_start3A_33 = arith.constant 0 : i32
    %dma_start3A_34 = arith.constant 256 : i32
    %dma_start3A_35 = arith.constant 0 : i32
    %dma_start3A_36 = tpu.memref_slice %arg10[%dma_start3A_33, %dma_start3A_34, %dma_start3A_35] : memref<2x640x40xf32, #tpu.memory_space<vmem>> -> memref<1x128x40xf32, #tpu.memory_space<vmem>>
    %dma_start3A_37 = tpu.memref_squeeze %dma_start3A_36 : memref<1x128x40xf32, #tpu.memory_space<vmem>> -> memref<128x40xf32, #tpu.memory_space<vmem>>
    %dma_start3A_38 = arith.constant 256 : i32
    %dma_start3A_39 = tpu.memref_slice %arg9[%dma_start3A_32, %dma_start3A_38] : memref<2x640xi32, #tpu.memory_space<vmem>> -> memref<1x128xi32, #tpu.memory_space<vmem>>
    %dma_start3A_40 = tpu.memref_squeeze %dma_start3A_39 : memref<1x128xi32, #tpu.memory_space<vmem>> -> memref<128xi32, #tpu.memory_space<vmem>>
    %dma_start3A_41 = arith.constant 0 : i32
    %dma_start3A_42 = arith.constant 0 : i32
    %dma_start3A_43 = tpu.memref_slice %arg3[%dma_start3A_41, %dma_start3A_42] : memref<1000000x40xf32, #tpu.memory_space<hbm>> -> memref<1000000x40xf32, #tpu.memory_space<hbm>>
    tpu.enqueue_indirect_dma source(%dma_start3A_43 : memref<1000000x40xf32, #tpu.memory_space<hbm>>) target(%dma_start3A_37 : memref<128x40xf32, #tpu.memory_space<vmem>>) offsets(%dma_start3A_40 : memref<128xi32, #tpu.memory_space<vmem>>) semaphore(%arg12 : memref<!tpu.dma_semaphore, #tpu.memory_space<semaphore_mem>>)
    %dma_start3A_44 = arith.constant 0 : i32
    %dma_start3A_45 = arith.constant 0 : i32
    %dma_start3A_46 = arith.constant 384 : i32
    %dma_start3A_47 = arith.constant 0 : i32
    %dma_start3A_48 = tpu.memref_slice %arg10[%dma_start3A_45, %dma_start3A_46, %dma_start3A_47] : memref<2x640x40xf32, #tpu.memory_space<vmem>> -> memref<1x128x40xf32, #tpu.memory_space<vmem>>
    %dma_start3A_49 = tpu.memref_squeeze %dma_start3A_48 : memref<1x128x40xf32, #tpu.memory_space<vmem>> -> memref<128x40xf32, #tpu.memory_space<vmem>>
    %dma_start3A_50 = arith.constant 384 : i32
    %dma_start3A_51 = tpu.memref_slice %arg9[%dma_start3A_44, %dma_start3A_50] : memref<2x640xi32, #tpu.memory_space<vmem>> -> memref<1x128xi32, #tpu.memory_space<vmem>>
    %dma_start3A_52 = tpu.memref_squeeze %dma_start3A_51 : memref<1x128xi32, #tpu.memory_space<vmem>> -> memref<128xi32, #tpu.memory_space<vmem>>
    %dma_start3A_53 = arith.constant 0 : i32
    %dma_start3A_54 = arith.constant 0 : i32
    %dma_start3A_55 = tpu.memref_slice %arg3[%dma_start3A_53, %dma_start3A_54] : memref<1000000x40xf32, #tpu.memory_space<hbm>> -> memref<1000000x40xf32, #tpu.memory_space<hbm>>
    tpu.enqueue_indirect_dma source(%dma_start3A_55 : memref<1000000x40xf32, #tpu.memory_space<hbm>>) target(%dma_start3A_49 : memref<128x40xf32, #tpu.memory_space<vmem>>) offsets(%dma_start3A_52 : memref<128xi32, #tpu.memory_space<vmem>>) semaphore(%arg12 : memref<!tpu.dma_semaphore, #tpu.memory_space<semaphore_mem>>)
    %dma_start3A_56 = arith.constant 0 : i32
    %dma_start3A_57 = arith.constant 0 : i32
    %dma_start3A_58 = arith.constant 512 : i32
    %dma_start3A_59 = arith.constant 0 : i32
    %dma_start3A_60 = tpu.memref_slice %arg10[%dma_start3A_57, %dma_start3A_58, %dma_start3A_59] : memref<2x640x40xf32, #tpu.memory_space<vmem>> -> memref<1x128x40xf32, #tpu.memory_space<vmem>>
    %dma_start3A_61 = tpu.memref_squeeze %dma_start3A_60 : memref<1x128x40xf32, #tpu.memory_space<vmem>> -> memref<128x40xf32, #tpu.memory_space<vmem>>
    %dma_start3A_62 = arith.constant 512 : i32
    %dma_start3A_63 = tpu.memref_slice %arg9[%dma_start3A_56, %dma_start3A_62] : memref<2x640xi32, #tpu.memory_space<vmem>> -> memref<1x128xi32, #tpu.memory_space<vmem>>
    %dma_start3A_64 = tpu.memref_squeeze %dma_start3A_63 : memref<1x128xi32, #tpu.memory_space<vmem>> -> memref<128xi32, #tpu.memory_space<vmem>>
    %dma_start3A_65 = arith.constant 0 : i32
    %dma_start3A_66 = arith.constant 0 : i32
    %dma_start3A_67 = tpu.memref_slice %arg3[%dma_start3A_65, %dma_start3A_66] : memref<1000000x40xf32, #tpu.memory_space<hbm>> -> memref<1000000x40xf32, #tpu.memory_space<hbm>>
    tpu.enqueue_indirect_dma source(%dma_start3A_67 : memref<1000000x40xf32, #tpu.memory_space<hbm>>) target(%dma_start3A_61 : memref<128x40xf32, #tpu.memory_space<vmem>>) offsets(%dma_start3A_64 : memref<128xi32, #tpu.memory_space<vmem>>) semaphore(%arg12 : memref<!tpu.dma_semaphore, #tpu.memory_space<semaphore_mem>>)
    %mul3A_68 = arith.constant 1 : i32
    %mul3A_69 = arith.constant 640 : i32
    %mul3A_70 = arith.muli %mul3A_68, %mul3A_69 : i32
    %add3A_71 = arith.addi %mul3A_4, %mul3A_70 : i32
    %run_scoped3A_72 = arith.constant 1 : i32
    "tpu.region"() ({
      %run_scoped3A_159 = tpu.sem_alloc : memref<!tpu.dma_semaphore, #tpu.memory_space<semaphore_mem>>
      %dma_start3A_160 = arith.constant 0 : i32
      %dma_start3A_161 = tpu.memref_slice %arg9[%run_scoped3A_72, %dma_start3A_160] : memref<2x640xi32, #tpu.memory_space<vmem>> -> memref<1x640xi32, #tpu.memory_space<vmem>>
      %dma_start3A_162 = tpu.memref_squeeze %dma_start3A_161 : memref<1x640xi32, #tpu.memory_space<vmem>> -> memref<640xi32, #tpu.memory_space<vmem>>
      %dma_start3A_163 = tpu.memref_slice %arg2[%add3A_71] : memref<819200xi32, #tpu.memory_space<hbm>> -> memref<640xi32, #tpu.memory_space<hbm>>
      %dma_start3A_164 = arith.constant 0 : i32
      %dma_start3A_165 = tpu.memref_slice %arg9[%run_scoped3A_72, %dma_start3A_164] : memref<2x640xi32, #tpu.memory_space<vmem>> -> memref<1x640xi32, #tpu.memory_space<vmem>>
      %dma_start3A_166 = tpu.memref_squeeze %dma_start3A_165 : memref<1x640xi32, #tpu.memory_space<vmem>> -> memref<640xi32, #tpu.memory_space<vmem>>
      %dma_start3A_167 = tpu.memref_slice %arg2[%add3A_71] : memref<819200xi32, #tpu.memory_space<hbm>> -> memref<640xi32, #tpu.memory_space<hbm>>
      tpu.enqueue_dma source(%dma_start3A_167 : memref<640xi32, #tpu.memory_space<hbm>>) target(%dma_start3A_166 : memref<640xi32, #tpu.memory_space<vmem>>) target_semaphore(%run_scoped3A_159 : memref<!tpu.dma_semaphore, #tpu.memory_space<semaphore_mem>>)
      %dma_wait3A_168 = arith.constant 0 : i32
      %dma_wait3A_169 = tpu.memref_slice %arg9[%run_scoped3A_72, %dma_wait3A_168] : memref<2x640xi32, #tpu.memory_space<vmem>> -> memref<1x640xi32, #tpu.memory_space<vmem>>
      %dma_wait3A_170 = tpu.memref_squeeze %dma_wait3A_169 : memref<1x640xi32, #tpu.memory_space<vmem>> -> memref<640xi32, #tpu.memory_space<vmem>>
      %dma_wait3A_171 = tpu.memref_slice %arg2[%add3A_71] : memref<819200xi32, #tpu.memory_space<hbm>> -> memref<640xi32, #tpu.memory_space<hbm>>
      %dma_wait3A_172 = arith.constant 0 : i32
      %dma_wait3A_173 = tpu.memref_slice %arg9[%run_scoped3A_72, %dma_wait3A_172] : memref<2x640xi32, #tpu.memory_space<vmem>> -> memref<1x640xi32, #tpu.memory_space<vmem>>
      %dma_wait3A_174 = tpu.memref_squeeze %dma_wait3A_173 : memref<1x640xi32, #tpu.memory_space<vmem>> -> memref<640xi32, #tpu.memory_space<vmem>>
      %dma_wait3A_175 = tpu.memref_slice %arg2[%add3A_71] : memref<819200xi32, #tpu.memory_space<hbm>> -> memref<640xi32, #tpu.memory_space<hbm>>
      tpu.wait_dma2 semaphore(%run_scoped3A_159 : memref<!tpu.dma_semaphore, #tpu.memory_space<semaphore_mem>>) src(%dma_wait3A_175 : memref<640xi32, #tpu.memory_space<hbm>>) dst(%dma_wait3A_174 : memref<640xi32, #tpu.memory_space<vmem>>)
      tpu.yield
    }) : () -> ()
    %dma_start3A_73 = arith.constant 1 : i32
    %dma_start3A_74 = arith.constant 1 : i32
    %dma_start3A_75 = arith.constant 0 : i32
    %dma_start3A_76 = arith.constant 0 : i32
    %dma_start3A_77 = tpu.memref_slice %arg10[%dma_start3A_74, %dma_start3A_75, %dma_start3A_76] : memref<2x640x40xf32, #tpu.memory_space<vmem>> -> memref<1x128x40xf32, #tpu.memory_space<vmem>>
    %dma_start3A_78 = tpu.memref_squeeze %dma_start3A_77 : memref<1x128x40xf32, #tpu.memory_space<vmem>> -> memref<128x40xf32, #tpu.memory_space<vmem>>
    %dma_start3A_79 = arith.constant 0 : i32
    %dma_start3A_80 = tpu.memref_slice %arg9[%dma_start3A_73, %dma_start3A_79] : memref<2x640xi32, #tpu.memory_space<vmem>> -> memref<1x128xi32, #tpu.memory_space<vmem>>
    %dma_start3A_81 = tpu.memref_squeeze %dma_start3A_80 : memref<1x128xi32, #tpu.memory_space<vmem>> -> memref<128xi32, #tpu.memory_space<vmem>>
    %dma_start3A_82 = arith.constant 0 : i32
    %dma_start3A_83 = arith.constant 0 : i32
    %dma_start3A_84 = tpu.memref_slice %arg3[%dma_start3A_82, %dma_start3A_83] : memref<1000000x40xf32, #tpu.memory_space<hbm>> -> memref<1000000x40xf32, #tpu.memory_space<hbm>>
    tpu.enqueue_indirect_dma source(%dma_start3A_84 : memref<1000000x40xf32, #tpu.memory_space<hbm>>) target(%dma_start3A_78 : memref<128x40xf32, #tpu.memory_space<vmem>>) offsets(%dma_start3A_81 : memref<128xi32, #tpu.memory_space<vmem>>) semaphore(%arg13 : memref<!tpu.dma_semaphore, #tpu.memory_space<semaphore_mem>>)
    %dma_start3A_85 = arith.constant 1 : i32
    %dma_start3A_86 = arith.constant 1 : i32
    %dma_start3A_87 = arith.constant 128 : i32
    %dma_start3A_88 = arith.constant 0 : i32
    %dma_start3A_89 = tpu.memref_slice %arg10[%dma_start3A_86, %dma_start3A_87, %dma_start3A_88] : memref<2x640x40xf32, #tpu.memory_space<vmem>> -> memref<1x128x40xf32, #tpu.memory_space<vmem>>
    %dma_start3A_90 = tpu.memref_squeeze %dma_start3A_89 : memref<1x128x40xf32, #tpu.memory_space<vmem>> -> memref<128x40xf32, #tpu.memory_space<vmem>>
    %dma_start3A_91 = arith.constant 128 : i32
    %dma_start3A_92 = tpu.memref_slice %arg9[%dma_start3A_85, %dma_start3A_91] : memref<2x640xi32, #tpu.memory_space<vmem>> -> memref<1x128xi32, #tpu.memory_space<vmem>>
    %dma_start3A_93 = tpu.memref_squeeze %dma_start3A_92 : memref<1x128xi32, #tpu.memory_space<vmem>> -> memref<128xi32, #tpu.memory_space<vmem>>
    %dma_start3A_94 = arith.constant 0 : i32
    %dma_start3A_95 = arith.constant 0 : i32
    %dma_start3A_96 = tpu.memref_slice %arg3[%dma_start3A_94, %dma_start3A_95] : memref<1000000x40xf32, #tpu.memory_space<hbm>> -> memref<1000000x40xf32, #tpu.memory_space<hbm>>
    tpu.enqueue_indirect_dma source(%dma_start3A_96 : memref<1000000x40xf32, #tpu.memory_space<hbm>>) target(%dma_start3A_90 : memref<128x40xf32, #tpu.memory_space<vmem>>) offsets(%dma_start3A_93 : memref<128xi32, #tpu.memory_space<vmem>>) semaphore(%arg13 : memref<!tpu.dma_semaphore, #tpu.memory_space<semaphore_mem>>)
    %dma_start3A_97 = arith.constant 1 : i32
    %dma_start3A_98 = arith.constant 1 : i32
    %dma_start3A_99 = arith.constant 256 : i32
    %dma_start3A_100 = arith.constant 0 : i32
    %dma_start3A_101 = tpu.memref_slice %arg10[%dma_start3A_98, %dma_start3A_99, %dma_start3A_100] : memref<2x640x40xf32, #tpu.memory_space<vmem>> -> memref<1x128x40xf32, #tpu.memory_space<vmem>>
    %dma_start3A_102 = tpu.memref_squeeze %dma_start3A_101 : memref<1x128x40xf32, #tpu.memory_space<vmem>> -> memref<128x40xf32, #tpu.memory_space<vmem>>
    %dma_start3A_103 = arith.constant 256 : i32
    %dma_start3A_104 = tpu.memref_slice %arg9[%dma_start3A_97, %dma_start3A_103] : memref<2x640xi32, #tpu.memory_space<vmem>> -> memref<1x128xi32, #tpu.memory_space<vmem>>
    %dma_start3A_105 = tpu.memref_squeeze %dma_start3A_104 : memref<1x128xi32, #tpu.memory_space<vmem>> -> memref<128xi32, #tpu.memory_space<vmem>>
    %dma_start3A_106 = arith.constant 0 : i32
    %dma_start3A_107 = arith.constant 0 : i32
    %dma_start3A_108 = tpu.memref_slice %arg3[%dma_start3A_106, %dma_start3A_107] : memref<1000000x40xf32, #tpu.memory_space<hbm>> -> memref<1000000x40xf32, #tpu.memory_space<hbm>>
    tpu.enqueue_indirect_dma source(%dma_start3A_108 : memref<1000000x40xf32, #tpu.memory_space<hbm>>) target(%dma_start3A_102 : memref<128x40xf32, #tpu.memory_space<vmem>>) offsets(%dma_start3A_105 : memref<128xi32, #tpu.memory_space<vmem>>) semaphore(%arg13 : memref<!tpu.dma_semaphore, #tpu.memory_space<semaphore_mem>>)
    %dma_start3A_109 = arith.constant 1 : i32
    %dma_start3A_110 = arith.constant 1 : i32
    %dma_start3A_111 = arith.constant 384 : i32
    %dma_start3A_112 = arith.constant 0 : i32
    %dma_start3A_113 = tpu.memref_slice %arg10[%dma_start3A_110, %dma_start3A_111, %dma_start3A_112] : memref<2x640x40xf32, #tpu.memory_space<vmem>> -> memref<1x128x40xf32, #tpu.memory_space<vmem>>
    %dma_start3A_114 = tpu.memref_squeeze %dma_start3A_113 : memref<1x128x40xf32, #tpu.memory_space<vmem>> -> memref<128x40xf32, #tpu.memory_space<vmem>>
    %dma_start3A_115 = arith.constant 384 : i32
    %dma_start3A_116 = tpu.memref_slice %arg9[%dma_start3A_109, %dma_start3A_115] : memref<2x640xi32, #tpu.memory_space<vmem>> -> memref<1x128xi32, #tpu.memory_space<vmem>>
    %dma_start3A_117 = tpu.memref_squeeze %dma_start3A_116 : memref<1x128xi32, #tpu.memory_space<vmem>> -> memref<128xi32, #tpu.memory_space<vmem>>
    %dma_start3A_118 = arith.constant 0 : i32
    %dma_start3A_119 = arith.constant 0 : i32
    %dma_start3A_120 = tpu.memref_slice %arg3[%dma_start3A_118, %dma_start3A_119] : memref<1000000x40xf32, #tpu.memory_space<hbm>> -> memref<1000000x40xf32, #tpu.memory_space<hbm>>
    tpu.enqueue_indirect_dma source(%dma_start3A_120 : memref<1000000x40xf32, #tpu.memory_space<hbm>>) target(%dma_start3A_114 : memref<128x40xf32, #tpu.memory_space<vmem>>) offsets(%dma_start3A_117 : memref<128xi32, #tpu.memory_space<vmem>>) semaphore(%arg13 : memref<!tpu.dma_semaphore, #tpu.memory_space<semaphore_mem>>)
    %dma_start3A_121 = arith.constant 1 : i32
    %dma_start3A_122 = arith.constant 1 : i32
    %dma_start3A_123 = arith.constant 512 : i32
    %dma_start3A_124 = arith.constant 0 : i32
    %dma_start3A_125 = tpu.memref_slice %arg10[%dma_start3A_122, %dma_start3A_123, %dma_start3A_124] : memref<2x640x40xf32, #tpu.memory_space<vmem>> -> memref<1x128x40xf32, #tpu.memory_space<vmem>>
    %dma_start3A_126 = tpu.memref_squeeze %dma_start3A_125 : memref<1x128x40xf32, #tpu.memory_space<vmem>> -> memref<128x40xf32, #tpu.memory_space<vmem>>
    %dma_start3A_127 = arith.constant 512 : i32
    %dma_start3A_128 = tpu.memref_slice %arg9[%dma_start3A_121, %dma_start3A_127] : memref<2x640xi32, #tpu.memory_space<vmem>> -> memref<1x128xi32, #tpu.memory_space<vmem>>
    %dma_start3A_129 = tpu.memref_squeeze %dma_start3A_128 : memref<1x128xi32, #tpu.memory_space<vmem>> -> memref<128xi32, #tpu.memory_space<vmem>>
    %dma_start3A_130 = arith.constant 0 : i32
    %dma_start3A_131 = arith.constant 0 : i32
    %dma_start3A_132 = tpu.memref_slice %arg3[%dma_start3A_130, %dma_start3A_131] : memref<1000000x40xf32, #tpu.memory_space<hbm>> -> memref<1000000x40xf32, #tpu.memory_space<hbm>>
    tpu.enqueue_indirect_dma source(%dma_start3A_132 : memref<1000000x40xf32, #tpu.memory_space<hbm>>) target(%dma_start3A_126 : memref<128x40xf32, #tpu.memory_space<vmem>>) offsets(%dma_start3A_129 : memref<128xi32, #tpu.memory_space<vmem>>) semaphore(%arg13 : memref<!tpu.dma_semaphore, #tpu.memory_space<semaphore_mem>>)
    %iota3A = tpu.iota {dimensions = array<i32: 0>} : vector<16xi32>
    %scan3A = arith.constant 0 : i32
    %scan3A_133 = arith.constant 0 : i32
    %scan3A_134 = arith.constant 20 : i32
    %scan3A_135 = arith.addi %scan3A_133, %scan3A_134 : i32
    %scan3A_136 = arith.constant 1 : i32
    scf.for %scan3A_159 = %scan3A_133 to %scan3A_135 step %scan3A_136  : i32 {
      %mul3A_160 = arith.constant 2 : i32
      %mul3A_161 = arith.muli %mul3A_160, %scan3A_159 : i32
      %dma_wait3A_162 = arith.constant 0 : i32
      %dma_wait3A_163 = arith.constant 0 : i32
      %dma_wait3A_164 = arith.constant 0 : i32
      %dma_wait3A_165 = arith.constant 0 : i32
      %dma_wait3A_166 = tpu.memref_slice %arg10[%dma_wait3A_163, %dma_wait3A_164, %dma_wait3A_165] : memref<2x640x40xf32, #tpu.memory_space<vmem>> -> memref<1x128x40xf32, #tpu.memory_space<vmem>>
      %dma_wait3A_167 = tpu.memref_squeeze %dma_wait3A_166 : memref<1x128x40xf32, #tpu.memory_space<vmem>> -> memref<128x40xf32, #tpu.memory_space<vmem>>
      %dma_wait3A_168 = arith.constant 0 : i32
      %dma_wait3A_169 = tpu.memref_slice %arg9[%dma_wait3A_162, %dma_wait3A_168] : memref<2x640xi32, #tpu.memory_space<vmem>> -> memref<1x128xi32, #tpu.memory_space<vmem>>
      %dma_wait3A_170 = tpu.memref_squeeze %dma_wait3A_169 : memref<1x128xi32, #tpu.memory_space<vmem>> -> memref<128xi32, #tpu.memory_space<vmem>>
      %dma_wait3A_171 = arith.constant 0 : i32
      %dma_wait3A_172 = arith.constant 0 : i32
      %dma_wait3A_173 = tpu.memref_slice %arg3[%dma_wait3A_171, %dma_wait3A_172] : memref<1000000x40xf32, #tpu.memory_space<hbm>> -> memref<1000000x40xf32, #tpu.memory_space<hbm>>
      tpu.wait_indirect_dma semaphore(%arg12 : memref<!tpu.dma_semaphore, #tpu.memory_space<semaphore_mem>>) src(%dma_wait3A_173 : memref<1000000x40xf32, #tpu.memory_space<hbm>>) dst(%dma_wait3A_167 : memref<128x40xf32, #tpu.memory_space<vmem>>)
      %dma_wait3A_174 = arith.constant 0 : i32
      %dma_wait3A_175 = arith.constant 0 : i32
      %dma_wait3A_176 = arith.constant 128 : i32
      %dma_wait3A_177 = arith.constant 0 : i32
      %dma_wait3A_178 = tpu.memref_slice %arg10[%dma_wait3A_175, %dma_wait3A_176, %dma_wait3A_177] : memref<2x640x40xf32, #tpu.memory_space<vmem>> -> memref<1x128x40xf32, #tpu.memory_space<vmem>>
      %dma_wait3A_179 = tpu.memref_squeeze %dma_wait3A_178 : memref<1x128x40xf32, #tpu.memory_space<vmem>> -> memref<128x40xf32, #tpu.memory_space<vmem>>
      %dma_wait3A_180 = arith.constant 128 : i32
      %dma_wait3A_181 = tpu.memref_slice %arg9[%dma_wait3A_174, %dma_wait3A_180] : memref<2x640xi32, #tpu.memory_space<vmem>> -> memref<1x128xi32, #tpu.memory_space<vmem>>
      %dma_wait3A_182 = tpu.memref_squeeze %dma_wait3A_181 : memref<1x128xi32, #tpu.memory_space<vmem>> -> memref<128xi32, #tpu.memory_space<vmem>>
      %dma_wait3A_183 = arith.constant 0 : i32
      %dma_wait3A_184 = arith.constant 0 : i32
      %dma_wait3A_185 = tpu.memref_slice %arg3[%dma_wait3A_183, %dma_wait3A_184] : memref<1000000x40xf32, #tpu.memory_space<hbm>> -> memref<1000000x40xf32, #tpu.memory_space<hbm>>
      tpu.wait_indirect_dma semaphore(%arg12 : memref<!tpu.dma_semaphore, #tpu.memory_space<semaphore_mem>>) src(%dma_wait3A_185 : memref<1000000x40xf32, #tpu.memory_space<hbm>>) dst(%dma_wait3A_179 : memref<128x40xf32, #tpu.memory_space<vmem>>)
      %dma_wait3A_186 = arith.constant 0 : i32
      %dma_wait3A_187 = arith.constant 0 : i32
      %dma_wait3A_188 = arith.constant 256 : i32
      %dma_wait3A_189 = arith.constant 0 : i32
      %dma_wait3A_190 = tpu.memref_slice %arg10[%dma_wait3A_187, %dma_wait3A_188, %dma_wait3A_189] : memref<2x640x40xf32, #tpu.memory_space<vmem>> -> memref<1x128x40xf32, #tpu.memory_space<vmem>>
      %dma_wait3A_191 = tpu.memref_squeeze %dma_wait3A_190 : memref<1x128x40xf32, #tpu.memory_space<vmem>> -> memref<128x40xf32, #tpu.memory_space<vmem>>
      %dma_wait3A_192 = arith.constant 256 : i32
      %dma_wait3A_193 = tpu.memref_slice %arg9[%dma_wait3A_186, %dma_wait3A_192] : memref<2x640xi32, #tpu.memory_space<vmem>> -> memref<1x128xi32, #tpu.memory_space<vmem>>
      %dma_wait3A_194 = tpu.memref_squeeze %dma_wait3A_193 : memref<1x128xi32, #tpu.memory_space<vmem>> -> memref<128xi32, #tpu.memory_space<vmem>>
      %dma_wait3A_195 = arith.constant 0 : i32
      %dma_wait3A_196 = arith.constant 0 : i32
      %dma_wait3A_197 = tpu.memref_slice %arg3[%dma_wait3A_195, %dma_wait3A_196] : memref<1000000x40xf32, #tpu.memory_space<hbm>> -> memref<1000000x40xf32, #tpu.memory_space<hbm>>
      tpu.wait_indirect_dma semaphore(%arg12 : memref<!tpu.dma_semaphore, #tpu.memory_space<semaphore_mem>>) src(%dma_wait3A_197 : memref<1000000x40xf32, #tpu.memory_space<hbm>>) dst(%dma_wait3A_191 : memref<128x40xf32, #tpu.memory_space<vmem>>)
      %dma_wait3A_198 = arith.constant 0 : i32
      %dma_wait3A_199 = arith.constant 0 : i32
      %dma_wait3A_200 = arith.constant 384 : i32
      %dma_wait3A_201 = arith.constant 0 : i32
      %dma_wait3A_202 = tpu.memref_slice %arg10[%dma_wait3A_199, %dma_wait3A_200, %dma_wait3A_201] : memref<2x640x40xf32, #tpu.memory_space<vmem>> -> memref<1x128x40xf32, #tpu.memory_space<vmem>>
      %dma_wait3A_203 = tpu.memref_squeeze %dma_wait3A_202 : memref<1x128x40xf32, #tpu.memory_space<vmem>> -> memref<128x40xf32, #tpu.memory_space<vmem>>
      %dma_wait3A_204 = arith.constant 384 : i32
      %dma_wait3A_205 = tpu.memref_slice %arg9[%dma_wait3A_198, %dma_wait3A_204] : memref<2x640xi32, #tpu.memory_space<vmem>> -> memref<1x128xi32, #tpu.memory_space<vmem>>
      %dma_wait3A_206 = tpu.memref_squeeze %dma_wait3A_205 : memref<1x128xi32, #tpu.memory_space<vmem>> -> memref<128xi32, #tpu.memory_space<vmem>>
      %dma_wait3A_207 = arith.constant 0 : i32
      %dma_wait3A_208 = arith.constant 0 : i32
      %dma_wait3A_209 = tpu.memref_slice %arg3[%dma_wait3A_207, %dma_wait3A_208] : memref<1000000x40xf32, #tpu.memory_space<hbm>> -> memref<1000000x40xf32, #tpu.memory_space<hbm>>
      tpu.wait_indirect_dma semaphore(%arg12 : memref<!tpu.dma_semaphore, #tpu.memory_space<semaphore_mem>>) src(%dma_wait3A_209 : memref<1000000x40xf32, #tpu.memory_space<hbm>>) dst(%dma_wait3A_203 : memref<128x40xf32, #tpu.memory_space<vmem>>)
      %dma_wait3A_210 = arith.constant 0 : i32
      %dma_wait3A_211 = arith.constant 0 : i32
      %dma_wait3A_212 = arith.constant 512 : i32
      %dma_wait3A_213 = arith.constant 0 : i32
      %dma_wait3A_214 = tpu.memref_slice %arg10[%dma_wait3A_211, %dma_wait3A_212, %dma_wait3A_213] : memref<2x640x40xf32, #tpu.memory_space<vmem>> -> memref<1x128x40xf32, #tpu.memory_space<vmem>>
      %dma_wait3A_215 = tpu.memref_squeeze %dma_wait3A_214 : memref<1x128x40xf32, #tpu.memory_space<vmem>> -> memref<128x40xf32, #tpu.memory_space<vmem>>
      %dma_wait3A_216 = arith.constant 512 : i32
      %dma_wait3A_217 = tpu.memref_slice %arg9[%dma_wait3A_210, %dma_wait3A_216] : memref<2x640xi32, #tpu.memory_space<vmem>> -> memref<1x128xi32, #tpu.memory_space<vmem>>
      %dma_wait3A_218 = tpu.memref_squeeze %dma_wait3A_217 : memref<1x128xi32, #tpu.memory_space<vmem>> -> memref<128xi32, #tpu.memory_space<vmem>>
      %dma_wait3A_219 = arith.constant 0 : i32
      %dma_wait3A_220 = arith.constant 0 : i32
      %dma_wait3A_221 = tpu.memref_slice %arg3[%dma_wait3A_219, %dma_wait3A_220] : memref<1000000x40xf32, #tpu.memory_space<hbm>> -> memref<1000000x40xf32, #tpu.memory_space<hbm>>
      tpu.wait_indirect_dma semaphore(%arg12 : memref<!tpu.dma_semaphore, #tpu.memory_space<semaphore_mem>>) src(%dma_wait3A_221 : memref<1000000x40xf32, #tpu.memory_space<hbm>>) dst(%dma_wait3A_215 : memref<128x40xf32, #tpu.memory_space<vmem>>)
      %ge3A = arith.constant 2 : i32
      %ge3A_222 = arith.cmpi sge, %mul3A_161, %ge3A : i32
      %convert_element_type3A = arith.extui %ge3A_222 : i1 to i32
      %cond3A = arith.constant 0 : i32
      %cond3A_223 = arith.cmpi ne, %convert_element_type3A, %cond3A : i32
      scf.if %cond3A_223 {
        %sub3A = arith.constant 2 : i32
        %sub3A_342 = arith.subi %mul3A_161, %sub3A : i32
        %mul3A_343 = arith.constant 640 : i32
        %mul3A_344 = arith.muli %sub3A_342, %mul3A_343 : i32
        %add3A_345 = arith.addi %mul3A_4, %mul3A_344 : i32
        %dma_wait3A_346 = arith.constant 0 : i32
        %dma_wait3A_347 = arith.constant 0 : i32
        %dma_wait3A_348 = tpu.memref_slice %arg11[%dma_wait3A_346, %dma_wait3A_347] : memref<2x640xf32, #tpu.memory_space<vmem>> -> memref<1x640xf32, #tpu.memory_space<vmem>>
        %dma_wait3A_349 = tpu.memref_squeeze %dma_wait3A_348 : memref<1x640xf32, #tpu.memory_space<vmem>> -> memref<640xf32, #tpu.memory_space<vmem>>
        %dma_wait3A_350 = tpu.memref_slice %arg6[%add3A_345] : memref<819200xf32, #tpu.memory_space<hbm>> -> memref<640xf32, #tpu.memory_space<hbm>>
        %dma_wait3A_351 = tpu.memref_slice %arg6[%add3A_345] : memref<819200xf32, #tpu.memory_space<hbm>> -> memref<640xf32, #tpu.memory_space<hbm>>
        %dma_wait3A_352 = arith.constant 0 : i32
        %dma_wait3A_353 = tpu.memref_slice %arg11[%dma_wait3A_346, %dma_wait3A_352] : memref<2x640xf32, #tpu.memory_space<vmem>> -> memref<1x640xf32, #tpu.memory_space<vmem>>
        %dma_wait3A_354 = tpu.memref_squeeze %dma_wait3A_353 : memref<1x640xf32, #tpu.memory_space<vmem>> -> memref<640xf32, #tpu.memory_space<vmem>>
        tpu.wait_dma2 semaphore(%arg14 : memref<!tpu.dma_semaphore, #tpu.memory_space<semaphore_mem>>) src(%dma_wait3A_354 : memref<640xf32, #tpu.memory_space<vmem>>) dst(%dma_wait3A_351 : memref<640xf32, #tpu.memory_space<hbm>>)
      } else {
      }
      %scan3A_224 = arith.constant 0 : i32
      %scan3A_225 = arith.constant 0 : i32
      %scan3A_226 = arith.constant 40 : i32
      %scan3A_227 = arith.addi %scan3A_225, %scan3A_226 : i32
      %scan3A_228 = arith.constant 1 : i32
      scf.for %scan3A_342 = %scan3A_225 to %scan3A_227 step %scan3A_228  : i32 {
        %mul3A_343 = arith.constant 16 : i32
        %mul3A_344 = arith.muli %scan3A_342, %mul3A_343 : i32
        %add3A_345 = vector.broadcast %mul3A_344 : i32 to vector<16xi32>
        %add3A_346 = arith.addi %add3A_345, %iota3A : vector<16xi32>
        %mul3A_347 = arith.constant 640 : i32
        %mul3A_348 = arith.muli %mul3A_161, %mul3A_347 : i32
        %add3A_349 = vector.broadcast %mul3A_348 : i32 to vector<16xi32>
        %add3A_350 = arith.addi %add3A_349, %add3A_346 : vector<16xi32>
        %div3A = arith.constant 50 : i32
        %div3A_351 = vector.broadcast %div3A : i32 to vector<16xi32>
        %div3A_352 = arith.divsi %add3A_350, %div3A_351 : vector<16xi32>
        %gather3A = tpu.vector_load_idx %arg8[%div3A_352] : memref<512xf32, #tpu.memory_space<vmem>>[vector<16xi32>], vector<16xf32>,
        %broadcast_in_dim3A = arith.constant 32 : i32
        %broadcast_in_dim3A_353 = vector.broadcast %broadcast_in_dim3A : i32 to vector<16xi32>
        %gather3A_354 = arith.constant 0 : i32
        %gather3A_355 = arith.constant 0 : i32
        %gather3A_356 = arith.constant 0 : i32
        %gather3A_357 = tpu.memref_slice %arg10[%gather3A_354, %gather3A_355, %gather3A_356] : memref<2x640x40xf32, #tpu.memory_space<vmem>> -> memref<1x640x40xf32, #tpu.memory_space<vmem>>
        %gather3A_358 = tpu.memref_squeeze %gather3A_357 : memref<1x640x40xf32, #tpu.memory_space<vmem>> -> memref<640x40xf32, #tpu.memory_space<vmem>>
        %gather3A_359 = tpu.vector_load_idx %gather3A_358[%add3A_346, %broadcast_in_dim3A_353] : memref<640x40xf32, #tpu.memory_space<vmem>>[vector<16xi32>, vector<16xi32>], vector<16xf32>,
        %add3A_360 = arith.addf %gather3A, %gather3A_359 : vector<16xf32>
        %broadcast_in_dim3A_361 = arith.constant 0 : i32
        %broadcast_in_dim3A_362 = vector.broadcast %broadcast_in_dim3A_361 : i32 to vector<16xi32>
        %gather3A_363 = arith.constant 0 : i32
        %gather3A_364 = arith.constant 0 : i32
        %gather3A_365 = arith.constant 0 : i32
        %gather3A_366 = tpu.memref_slice %arg10[%gather3A_363, %gather3A_364, %gather3A_365] : memref<2x640x40xf32, #tpu.memory_space<vmem>> -> memref<1x640x40xf32, #tpu.memory_space<vmem>>
        %gather3A_367 = tpu.memref_squeeze %gather3A_366 : memref<1x640x40xf32, #tpu.memory_space<vmem>> -> memref<640x40xf32, #tpu.memory_space<vmem>>
        %gather3A_368 = tpu.vector_load_idx %gather3A_367[%add3A_346, %broadcast_in_dim3A_362] : memref<640x40xf32, #tpu.memory_space<vmem>>[vector<16xi32>, vector<16xi32>], vector<16xf32>,
        %gather3A_369 = tpu.vector_load_idx %arg7[%div3A_352, %broadcast_in_dim3A_362] : memref<512x32xf32, #tpu.memory_space<vmem>>[vector<16xi32>, vector<16xi32>], vector<16xf32>,
        %mul3A_370 = arith.mulf %gather3A_368, %gather3A_369 : vector<16xf32>
        %add3A_371 = arith.addf %add3A_360, %mul3A_370 : vector<16xf32>
        %broadcast_in_dim3A_372 = arith.constant 1 : i32
        %broadcast_in_dim3A_373 = vector.broadcast %broadcast_in_dim3A_372 : i32 to vector<16xi32>
        %gather3A_374 = arith.constant 0 : i32
        %gather3A_375 = arith.constant 0 : i32
        %gather3A_376 = arith.constant 0 : i32
        %gather3A_377 = tpu.memref_slice %arg10[%gather3A_374, %gather3A_375, %gather3A_376] : memref<2x640x40xf32, #tpu.memory_space<vmem>> -> memref<1x640x40xf32, #tpu.memory_space<vmem>>
        %gather3A_378 = tpu.memref_squeeze %gather3A_377 : memref<1x640x40xf32, #tpu.memory_space<vmem>> -> memref<640x40xf32, #tpu.memory_space<vmem>>
        %gather3A_379 = tpu.vector_load_idx %gather3A_378[%add3A_346, %broadcast_in_dim3A_373] : memref<640x40xf32, #tpu.memory_space<vmem>>[vector<16xi32>, vector<16xi32>], vector<16xf32>,
        %gather3A_380 = tpu.vector_load_idx %arg7[%div3A_352, %broadcast_in_dim3A_373] : memref<512x32xf32, #tpu.memory_space<vmem>>[vector<16xi32>, vector<16xi32>], vector<16xf32>,
        %mul3A_381 = arith.mulf %gather3A_379, %gather3A_380 : vector<16xf32>
        %add3A_382 = arith.addf %add3A_371, %mul3A_381 : vector<16xf32>
        %broadcast_in_dim3A_383 = arith.constant 2 : i32
        %broadcast_in_dim3A_384 = vector.broadcast %broadcast_in_dim3A_383 : i32 to vector<16xi32>
        %gather3A_385 = arith.constant 0 : i32
        %gather3A_386 = arith.constant 0 : i32
        %gather3A_387 = arith.constant 0 : i32
        %gather3A_388 = tpu.memref_slice %arg10[%gather3A_385, %gather3A_386, %gather3A_387] : memref<2x640x40xf32, #tpu.memory_space<vmem>> -> memref<1x640x40xf32, #tpu.memory_space<vmem>>
        %gather3A_389 = tpu.memref_squeeze %gather3A_388 : memref<1x640x40xf32, #tpu.memory_space<vmem>> -> memref<640x40xf32, #tpu.memory_space<vmem>>
        %gather3A_390 = tpu.vector_load_idx %gather3A_389[%add3A_346, %broadcast_in_dim3A_384] : memref<640x40xf32, #tpu.memory_space<vmem>>[vector<16xi32>, vector<16xi32>], vector<16xf32>,
        %gather3A_391 = tpu.vector_load_idx %arg7[%div3A_352, %broadcast_in_dim3A_384] : memref<512x32xf32, #tpu.memory_space<vmem>>[vector<16xi32>, vector<16xi32>], vector<16xf32>,
        %mul3A_392 = arith.mulf %gather3A_390, %gather3A_391 : vector<16xf32>
        %add3A_393 = arith.addf %add3A_382, %mul3A_392 : vector<16xf32>
        %broadcast_in_dim3A_394 = arith.constant 3 : i32
        %broadcast_in_dim3A_395 = vector.broadcast %broadcast_in_dim3A_394 : i32 to vector<16xi32>
        %gather3A_396 = arith.constant 0 : i32
        %gather3A_397 = arith.constant 0 : i32
        %gather3A_398 = arith.constant 0 : i32
        %gather3A_399 = tpu.memref_slice %arg10[%gather3A_396, %gather3A_397, %gather3A_398] : memref<2x640x40xf32, #tpu.memory_space<vmem>> -> memref<1x640x40xf32, #tpu.memory_space<vmem>>
        %gather3A_400 = tpu.memref_squeeze %gather3A_399 : memref<1x640x40xf32, #tpu.memory_space<vmem>> -> memref<640x40xf32, #tpu.memory_space<vmem>>
        %gather3A_401 = tpu.vector_load_idx %gather3A_400[%add3A_346, %broadcast_in_dim3A_395] : memref<640x40xf32, #tpu.memory_space<vmem>>[vector<16xi32>, vector<16xi32>], vector<16xf32>,
        %gather3A_402 = tpu.vector_load_idx %arg7[%div3A_352, %broadcast_in_dim3A_395] : memref<512x32xf32, #tpu.memory_space<vmem>>[vector<16xi32>, vector<16xi32>], vector<16xf32>,
        %mul3A_403 = arith.mulf %gather3A_401, %gather3A_402 : vector<16xf32>
        %add3A_404 = arith.addf %add3A_393, %mul3A_403 : vector<16xf32>
        %broadcast_in_dim3A_405 = arith.constant 4 : i32
        %broadcast_in_dim3A_406 = vector.broadcast %broadcast_in_dim3A_405 : i32 to vector<16xi32>
        %gather3A_407 = arith.constant 0 : i32
        %gather3A_408 = arith.constant 0 : i32
        %gather3A_409 = arith.constant 0 : i32
        %gather3A_410 = tpu.memref_slice %arg10[%gather3A_407, %gather3A_408, %gather3A_409] : memref<2x640x40xf32, #tpu.memory_space<vmem>> -> memref<1x640x40xf32, #tpu.memory_space<vmem>>
        %gather3A_411 = tpu.memref_squeeze %gather3A_410 : memref<1x640x40xf32, #tpu.memory_space<vmem>> -> memref<640x40xf32, #tpu.memory_space<vmem>>
        %gather3A_412 = tpu.vector_load_idx %gather3A_411[%add3A_346, %broadcast_in_dim3A_406] : memref<640x40xf32, #tpu.memory_space<vmem>>[vector<16xi32>, vector<16xi32>], vector<16xf32>,
        %gather3A_413 = tpu.vector_load_idx %arg7[%div3A_352, %broadcast_in_dim3A_406] : memref<512x32xf32, #tpu.memory_space<vmem>>[vector<16xi32>, vector<16xi32>], vector<16xf32>,
        %mul3A_414 = arith.mulf %gather3A_412, %gather3A_413 : vector<16xf32>
        %add3A_415 = arith.addf %add3A_404, %mul3A_414 : vector<16xf32>
        %broadcast_in_dim3A_416 = arith.constant 5 : i32
        %broadcast_in_dim3A_417 = vector.broadcast %broadcast_in_dim3A_416 : i32 to vector<16xi32>
        %gather3A_418 = arith.constant 0 : i32
        %gather3A_419 = arith.constant 0 : i32
        %gather3A_420 = arith.constant 0 : i32
        %gather3A_421 = tpu.memref_slice %arg10[%gather3A_418, %gather3A_419, %gather3A_420] : memref<2x640x40xf32, #tpu.memory_space<vmem>> -> memref<1x640x40xf32, #tpu.memory_space<vmem>>
        %gather3A_422 = tpu.memref_squeeze %gather3A_421 : memref<1x640x40xf32, #tpu.memory_space<vmem>> -> memref<640x40xf32, #tpu.memory_space<vmem>>
        %gather3A_423 = tpu.vector_load_idx %gather3A_422[%add3A_346, %broadcast_in_dim3A_417] : memref<640x40xf32, #tpu.memory_space<vmem>>[vector<16xi32>, vector<16xi32>], vector<16xf32>,
        %gather3A_424 = tpu.vector_load_idx %arg7[%div3A_352, %broadcast_in_dim3A_417] : memref<512x32xf32, #tpu.memory_space<vmem>>[vector<16xi32>, vector<16xi32>], vector<16xf32>,
        %mul3A_425 = arith.mulf %gather3A_423, %gather3A_424 : vector<16xf32>
        %add3A_426 = arith.addf %add3A_415, %mul3A_425 : vector<16xf32>
        %broadcast_in_dim3A_427 = arith.constant 6 : i32
        %broadcast_in_dim3A_428 = vector.broadcast %broadcast_in_dim3A_427 : i32 to vector<16xi32>
        %gather3A_429 = arith.constant 0 : i32
        %gather3A_430 = arith.constant 0 : i32
        %gather3A_431 = arith.constant 0 : i32
        %gather3A_432 = tpu.memref_slice %arg10[%gather3A_429, %gather3A_430, %gather3A_431] : memref<2x640x40xf32, #tpu.memory_space<vmem>> -> memref<1x640x40xf32, #tpu.memory_space<vmem>>
        %gather3A_433 = tpu.memref_squeeze %gather3A_432 : memref<1x640x40xf32, #tpu.memory_space<vmem>> -> memref<640x40xf32, #tpu.memory_space<vmem>>
        %gather3A_434 = tpu.vector_load_idx %gather3A_433[%add3A_346, %broadcast_in_dim3A_428] : memref<640x40xf32, #tpu.memory_space<vmem>>[vector<16xi32>, vector<16xi32>], vector<16xf32>,
        %gather3A_435 = tpu.vector_load_idx %arg7[%div3A_352, %broadcast_in_dim3A_428] : memref<512x32xf32, #tpu.memory_space<vmem>>[vector<16xi32>, vector<16xi32>], vector<16xf32>,
        %mul3A_436 = arith.mulf %gather3A_434, %gather3A_435 : vector<16xf32>
        %add3A_437 = arith.addf %add3A_426, %mul3A_436 : vector<16xf32>
        %broadcast_in_dim3A_438 = arith.constant 7 : i32
        %broadcast_in_dim3A_439 = vector.broadcast %broadcast_in_dim3A_438 : i32 to vector<16xi32>
        %gather3A_440 = arith.constant 0 : i32
        %gather3A_441 = arith.constant 0 : i32
        %gather3A_442 = arith.constant 0 : i32
        %gather3A_443 = tpu.memref_slice %arg10[%gather3A_440, %gather3A_441, %gather3A_442] : memref<2x640x40xf32, #tpu.memory_space<vmem>> -> memref<1x640x40xf32, #tpu.memory_space<vmem>>
        %gather3A_444 = tpu.memref_squeeze %gather3A_443 : memref<1x640x40xf32, #tpu.memory_space<vmem>> -> memref<640x40xf32, #tpu.memory_space<vmem>>
        %gather3A_445 = tpu.vector_load_idx %gather3A_444[%add3A_346, %broadcast_in_dim3A_439] : memref<640x40xf32, #tpu.memory_space<vmem>>[vector<16xi32>, vector<16xi32>], vector<16xf32>,
        %gather3A_446 = tpu.vector_load_idx %arg7[%div3A_352, %broadcast_in_dim3A_439] : memref<512x32xf32, #tpu.memory_space<vmem>>[vector<16xi32>, vector<16xi32>], vector<16xf32>,
        %mul3A_447 = arith.mulf %gather3A_445, %gather3A_446 : vector<16xf32>
        %add3A_448 = arith.addf %add3A_437, %mul3A_447 : vector<16xf32>
        %broadcast_in_dim3A_449 = arith.constant 8 : i32
        %broadcast_in_dim3A_450 = vector.broadcast %broadcast_in_dim3A_449 : i32 to vector<16xi32>
        %gather3A_451 = arith.constant 0 : i32
        %gather3A_452 = arith.constant 0 : i32
        %gather3A_453 = arith.constant 0 : i32
        %gather3A_454 = tpu.memref_slice %arg10[%gather3A_451, %gather3A_452, %gather3A_453] : memref<2x640x40xf32, #tpu.memory_space<vmem>> -> memref<1x640x40xf32, #tpu.memory_space<vmem>>
        %gather3A_455 = tpu.memref_squeeze %gather3A_454 : memref<1x640x40xf32, #tpu.memory_space<vmem>> -> memref<640x40xf32, #tpu.memory_space<vmem>>
        %gather3A_456 = tpu.vector_load_idx %gather3A_455[%add3A_346, %broadcast_in_dim3A_450] : memref<640x40xf32, #tpu.memory_space<vmem>>[vector<16xi32>, vector<16xi32>], vector<16xf32>,
        %gather3A_457 = tpu.vector_load_idx %arg7[%div3A_352, %broadcast_in_dim3A_450] : memref<512x32xf32, #tpu.memory_space<vmem>>[vector<16xi32>, vector<16xi32>], vector<16xf32>,
        %mul3A_458 = arith.mulf %gather3A_456, %gather3A_457 : vector<16xf32>
        %add3A_459 = arith.addf %add3A_448, %mul3A_458 : vector<16xf32>
        %broadcast_in_dim3A_460 = arith.constant 9 : i32
        %broadcast_in_dim3A_461 = vector.broadcast %broadcast_in_dim3A_460 : i32 to vector<16xi32>
        %gather3A_462 = arith.constant 0 : i32
        %gather3A_463 = arith.constant 0 : i32
        %gather3A_464 = arith.constant 0 : i32
        %gather3A_465 = tpu.memref_slice %arg10[%gather3A_462, %gather3A_463, %gather3A_464] : memref<2x640x40xf32, #tpu.memory_space<vmem>> -> memref<1x640x40xf32, #tpu.memory_space<vmem>>
        %gather3A_466 = tpu.memref_squeeze %gather3A_465 : memref<1x640x40xf32, #tpu.memory_space<vmem>> -> memref<640x40xf32, #tpu.memory_space<vmem>>
        %gather3A_467 = tpu.vector_load_idx %gather3A_466[%add3A_346, %broadcast_in_dim3A_461] : memref<640x40xf32, #tpu.memory_space<vmem>>[vector<16xi32>, vector<16xi32>], vector<16xf32>,
        %gather3A_468 = tpu.vector_load_idx %arg7[%div3A_352, %broadcast_in_dim3A_461] : memref<512x32xf32, #tpu.memory_space<vmem>>[vector<16xi32>, vector<16xi32>], vector<16xf32>,
        %mul3A_469 = arith.mulf %gather3A_467, %gather3A_468 : vector<16xf32>
        %add3A_470 = arith.addf %add3A_459, %mul3A_469 : vector<16xf32>
        %broadcast_in_dim3A_471 = arith.constant 10 : i32
        %broadcast_in_dim3A_472 = vector.broadcast %broadcast_in_dim3A_471 : i32 to vector<16xi32>
        %gather3A_473 = arith.constant 0 : i32
        %gather3A_474 = arith.constant 0 : i32
        %gather3A_475 = arith.constant 0 : i32
        %gather3A_476 = tpu.memref_slice %arg10[%gather3A_473, %gather3A_474, %gather3A_475] : memref<2x640x40xf32, #tpu.memory_space<vmem>> -> memref<1x640x40xf32, #tpu.memory_space<vmem>>
        %gather3A_477 = tpu.memref_squeeze %gather3A_476 : memref<1x640x40xf32, #tpu.memory_space<vmem>> -> memref<640x40xf32, #tpu.memory_space<vmem>>
        %gather3A_478 = tpu.vector_load_idx %gather3A_477[%add3A_346, %broadcast_in_dim3A_472] : memref<640x40xf32, #tpu.memory_space<vmem>>[vector<16xi32>, vector<16xi32>], vector<16xf32>,
        %gather3A_479 = tpu.vector_load_idx %arg7[%div3A_352, %broadcast_in_dim3A_472] : memref<512x32xf32, #tpu.memory_space<vmem>>[vector<16xi32>, vector<16xi32>], vector<16xf32>,
        %mul3A_480 = arith.mulf %gather3A_478, %gather3A_479 : vector<16xf32>
        %add3A_481 = arith.addf %add3A_470, %mul3A_480 : vector<16xf32>
        %broadcast_in_dim3A_482 = arith.constant 11 : i32
        %broadcast_in_dim3A_483 = vector.broadcast %broadcast_in_dim3A_482 : i32 to vector<16xi32>
        %gather3A_484 = arith.constant 0 : i32
        %gather3A_485 = arith.constant 0 : i32
        %gather3A_486 = arith.constant 0 : i32
        %gather3A_487 = tpu.memref_slice %arg10[%gather3A_484, %gather3A_485, %gather3A_486] : memref<2x640x40xf32, #tpu.memory_space<vmem>> -> memref<1x640x40xf32, #tpu.memory_space<vmem>>
        %gather3A_488 = tpu.memref_squeeze %gather3A_487 : memref<1x640x40xf32, #tpu.memory_space<vmem>> -> memref<640x40xf32, #tpu.memory_space<vmem>>
        %gather3A_489 = tpu.vector_load_idx %gather3A_488[%add3A_346, %broadcast_in_dim3A_483] : memref<640x40xf32, #tpu.memory_space<vmem>>[vector<16xi32>, vector<16xi32>], vector<16xf32>,
        %gather3A_490 = tpu.vector_load_idx %arg7[%div3A_352, %broadcast_in_dim3A_483] : memref<512x32xf32, #tpu.memory_space<vmem>>[vector<16xi32>, vector<16xi32>], vector<16xf32>,
        %mul3A_491 = arith.mulf %gather3A_489, %gather3A_490 : vector<16xf32>
        %add3A_492 = arith.addf %add3A_481, %mul3A_491 : vector<16xf32>
        %broadcast_in_dim3A_493 = arith.constant 12 : i32
        %broadcast_in_dim3A_494 = vector.broadcast %broadcast_in_dim3A_493 : i32 to vector<16xi32>
        %gather3A_495 = arith.constant 0 : i32
        %gather3A_496 = arith.constant 0 : i32
        %gather3A_497 = arith.constant 0 : i32
        %gather3A_498 = tpu.memref_slice %arg10[%gather3A_495, %gather3A_496, %gather3A_497] : memref<2x640x40xf32, #tpu.memory_space<vmem>> -> memref<1x640x40xf32, #tpu.memory_space<vmem>>
        %gather3A_499 = tpu.memref_squeeze %gather3A_498 : memref<1x640x40xf32, #tpu.memory_space<vmem>> -> memref<640x40xf32, #tpu.memory_space<vmem>>
        %gather3A_500 = tpu.vector_load_idx %gather3A_499[%add3A_346, %broadcast_in_dim3A_494] : memref<640x40xf32, #tpu.memory_space<vmem>>[vector<16xi32>, vector<16xi32>], vector<16xf32>,
        %gather3A_501 = tpu.vector_load_idx %arg7[%div3A_352, %broadcast_in_dim3A_494] : memref<512x32xf32, #tpu.memory_space<vmem>>[vector<16xi32>, vector<16xi32>], vector<16xf32>,
        %mul3A_502 = arith.mulf %gather3A_500, %gather3A_501 : vector<16xf32>
        %add3A_503 = arith.addf %add3A_492, %mul3A_502 : vector<16xf32>
        %broadcast_in_dim3A_504 = arith.constant 13 : i32
        %broadcast_in_dim3A_505 = vector.broadcast %broadcast_in_dim3A_504 : i32 to vector<16xi32>
        %gather3A_506 = arith.constant 0 : i32
        %gather3A_507 = arith.constant 0 : i32
        %gather3A_508 = arith.constant 0 : i32
        %gather3A_509 = tpu.memref_slice %arg10[%gather3A_506, %gather3A_507, %gather3A_508] : memref<2x640x40xf32, #tpu.memory_space<vmem>> -> memref<1x640x40xf32, #tpu.memory_space<vmem>>
        %gather3A_510 = tpu.memref_squeeze %gather3A_509 : memref<1x640x40xf32, #tpu.memory_space<vmem>> -> memref<640x40xf32, #tpu.memory_space<vmem>>
        %gather3A_511 = tpu.vector_load_idx %gather3A_510[%add3A_346, %broadcast_in_dim3A_505] : memref<640x40xf32, #tpu.memory_space<vmem>>[vector<16xi32>, vector<16xi32>], vector<16xf32>,
        %gather3A_512 = tpu.vector_load_idx %arg7[%div3A_352, %broadcast_in_dim3A_505] : memref<512x32xf32, #tpu.memory_space<vmem>>[vector<16xi32>, vector<16xi32>], vector<16xf32>,
        %mul3A_513 = arith.mulf %gather3A_511, %gather3A_512 : vector<16xf32>
        %add3A_514 = arith.addf %add3A_503, %mul3A_513 : vector<16xf32>
        %broadcast_in_dim3A_515 = arith.constant 14 : i32
        %broadcast_in_dim3A_516 = vector.broadcast %broadcast_in_dim3A_515 : i32 to vector<16xi32>
        %gather3A_517 = arith.constant 0 : i32
        %gather3A_518 = arith.constant 0 : i32
        %gather3A_519 = arith.constant 0 : i32
        %gather3A_520 = tpu.memref_slice %arg10[%gather3A_517, %gather3A_518, %gather3A_519] : memref<2x640x40xf32, #tpu.memory_space<vmem>> -> memref<1x640x40xf32, #tpu.memory_space<vmem>>
        %gather3A_521 = tpu.memref_squeeze %gather3A_520 : memref<1x640x40xf32, #tpu.memory_space<vmem>> -> memref<640x40xf32, #tpu.memory_space<vmem>>
        %gather3A_522 = tpu.vector_load_idx %gather3A_521[%add3A_346, %broadcast_in_dim3A_516] : memref<640x40xf32, #tpu.memory_space<vmem>>[vector<16xi32>, vector<16xi32>], vector<16xf32>,
        %gather3A_523 = tpu.vector_load_idx %arg7[%div3A_352, %broadcast_in_dim3A_516] : memref<512x32xf32, #tpu.memory_space<vmem>>[vector<16xi32>, vector<16xi32>], vector<16xf32>,
        %mul3A_524 = arith.mulf %gather3A_522, %gather3A_523 : vector<16xf32>
        %add3A_525 = arith.addf %add3A_514, %mul3A_524 : vector<16xf32>
        %broadcast_in_dim3A_526 = arith.constant 15 : i32
        %broadcast_in_dim3A_527 = vector.broadcast %broadcast_in_dim3A_526 : i32 to vector<16xi32>
        %gather3A_528 = arith.constant 0 : i32
        %gather3A_529 = arith.constant 0 : i32
        %gather3A_530 = arith.constant 0 : i32
        %gather3A_531 = tpu.memref_slice %arg10[%gather3A_528, %gather3A_529, %gather3A_530] : memref<2x640x40xf32, #tpu.memory_space<vmem>> -> memref<1x640x40xf32, #tpu.memory_space<vmem>>
        %gather3A_532 = tpu.memref_squeeze %gather3A_531 : memref<1x640x40xf32, #tpu.memory_space<vmem>> -> memref<640x40xf32, #tpu.memory_space<vmem>>
        %gather3A_533 = tpu.vector_load_idx %gather3A_532[%add3A_346, %broadcast_in_dim3A_527] : memref<640x40xf32, #tpu.memory_space<vmem>>[vector<16xi32>, vector<16xi32>], vector<16xf32>,
        %gather3A_534 = tpu.vector_load_idx %arg7[%div3A_352, %broadcast_in_dim3A_527] : memref<512x32xf32, #tpu.memory_space<vmem>>[vector<16xi32>, vector<16xi32>], vector<16xf32>,
        %mul3A_535 = arith.mulf %gather3A_533, %gather3A_534 : vector<16xf32>
        %add3A_536 = arith.addf %add3A_525, %mul3A_535 : vector<16xf32>
        %broadcast_in_dim3A_537 = arith.constant 16 : i32
        %broadcast_in_dim3A_538 = vector.broadcast %broadcast_in_dim3A_537 : i32 to vector<16xi32>
        %gather3A_539 = arith.constant 0 : i32
        %gather3A_540 = arith.constant 0 : i32
        %gather3A_541 = arith.constant 0 : i32
        %gather3A_542 = tpu.memref_slice %arg10[%gather3A_539, %gather3A_540, %gather3A_541] : memref<2x640x40xf32, #tpu.memory_space<vmem>> -> memref<1x640x40xf32, #tpu.memory_space<vmem>>
        %gather3A_543 = tpu.memref_squeeze %gather3A_542 : memref<1x640x40xf32, #tpu.memory_space<vmem>> -> memref<640x40xf32, #tpu.memory_space<vmem>>
        %gather3A_544 = tpu.vector_load_idx %gather3A_543[%add3A_346, %broadcast_in_dim3A_538] : memref<640x40xf32, #tpu.memory_space<vmem>>[vector<16xi32>, vector<16xi32>], vector<16xf32>,
        %gather3A_545 = tpu.vector_load_idx %arg7[%div3A_352, %broadcast_in_dim3A_538] : memref<512x32xf32, #tpu.memory_space<vmem>>[vector<16xi32>, vector<16xi32>], vector<16xf32>,
        %mul3A_546 = arith.mulf %gather3A_544, %gather3A_545 : vector<16xf32>
        %add3A_547 = arith.addf %add3A_536, %mul3A_546 : vector<16xf32>
        %broadcast_in_dim3A_548 = arith.constant 17 : i32
        %broadcast_in_dim3A_549 = vector.broadcast %broadcast_in_dim3A_548 : i32 to vector<16xi32>
        %gather3A_550 = arith.constant 0 : i32
        %gather3A_551 = arith.constant 0 : i32
        %gather3A_552 = arith.constant 0 : i32
        %gather3A_553 = tpu.memref_slice %arg10[%gather3A_550, %gather3A_551, %gather3A_552] : memref<2x640x40xf32, #tpu.memory_space<vmem>> -> memref<1x640x40xf32, #tpu.memory_space<vmem>>
        %gather3A_554 = tpu.memref_squeeze %gather3A_553 : memref<1x640x40xf32, #tpu.memory_space<vmem>> -> memref<640x40xf32, #tpu.memory_space<vmem>>
        %gather3A_555 = tpu.vector_load_idx %gather3A_554[%add3A_346, %broadcast_in_dim3A_549] : memref<640x40xf32, #tpu.memory_space<vmem>>[vector<16xi32>, vector<16xi32>], vector<16xf32>,
        %gather3A_556 = tpu.vector_load_idx %arg7[%div3A_352, %broadcast_in_dim3A_549] : memref<512x32xf32, #tpu.memory_space<vmem>>[vector<16xi32>, vector<16xi32>], vector<16xf32>,
        %mul3A_557 = arith.mulf %gather3A_555, %gather3A_556 : vector<16xf32>
        %add3A_558 = arith.addf %add3A_547, %mul3A_557 : vector<16xf32>
        %broadcast_in_dim3A_559 = arith.constant 18 : i32
        %broadcast_in_dim3A_560 = vector.broadcast %broadcast_in_dim3A_559 : i32 to vector<16xi32>
        %gather3A_561 = arith.constant 0 : i32
        %gather3A_562 = arith.constant 0 : i32
        %gather3A_563 = arith.constant 0 : i32
        %gather3A_564 = tpu.memref_slice %arg10[%gather3A_561, %gather3A_562, %gather3A_563] : memref<2x640x40xf32, #tpu.memory_space<vmem>> -> memref<1x640x40xf32, #tpu.memory_space<vmem>>
        %gather3A_565 = tpu.memref_squeeze %gather3A_564 : memref<1x640x40xf32, #tpu.memory_space<vmem>> -> memref<640x40xf32, #tpu.memory_space<vmem>>
        %gather3A_566 = tpu.vector_load_idx %gather3A_565[%add3A_346, %broadcast_in_dim3A_560] : memref<640x40xf32, #tpu.memory_space<vmem>>[vector<16xi32>, vector<16xi32>], vector<16xf32>,
        %gather3A_567 = tpu.vector_load_idx %arg7[%div3A_352, %broadcast_in_dim3A_560] : memref<512x32xf32, #tpu.memory_space<vmem>>[vector<16xi32>, vector<16xi32>], vector<16xf32>,
        %mul3A_568 = arith.mulf %gather3A_566, %gather3A_567 : vector<16xf32>
        %add3A_569 = arith.addf %add3A_558, %mul3A_568 : vector<16xf32>
        %broadcast_in_dim3A_570 = arith.constant 19 : i32
        %broadcast_in_dim3A_571 = vector.broadcast %broadcast_in_dim3A_570 : i32 to vector<16xi32>
        %gather3A_572 = arith.constant 0 : i32
        %gather3A_573 = arith.constant 0 : i32
        %gather3A_574 = arith.constant 0 : i32
        %gather3A_575 = tpu.memref_slice %arg10[%gather3A_572, %gather3A_573, %gather3A_574] : memref<2x640x40xf32, #tpu.memory_space<vmem>> -> memref<1x640x40xf32, #tpu.memory_space<vmem>>
        %gather3A_576 = tpu.memref_squeeze %gather3A_575 : memref<1x640x40xf32, #tpu.memory_space<vmem>> -> memref<640x40xf32, #tpu.memory_space<vmem>>
        %gather3A_577 = tpu.vector_load_idx %gather3A_576[%add3A_346, %broadcast_in_dim3A_571] : memref<640x40xf32, #tpu.memory_space<vmem>>[vector<16xi32>, vector<16xi32>], vector<16xf32>,
        %gather3A_578 = tpu.vector_load_idx %arg7[%div3A_352, %broadcast_in_dim3A_571] : memref<512x32xf32, #tpu.memory_space<vmem>>[vector<16xi32>, vector<16xi32>], vector<16xf32>,
        %mul3A_579 = arith.mulf %gather3A_577, %gather3A_578 : vector<16xf32>
        %add3A_580 = arith.addf %add3A_569, %mul3A_579 : vector<16xf32>
        %broadcast_in_dim3A_581 = arith.constant 20 : i32
        %broadcast_in_dim3A_582 = vector.broadcast %broadcast_in_dim3A_581 : i32 to vector<16xi32>
        %gather3A_583 = arith.constant 0 : i32
        %gather3A_584 = arith.constant 0 : i32
        %gather3A_585 = arith.constant 0 : i32
        %gather3A_586 = tpu.memref_slice %arg10[%gather3A_583, %gather3A_584, %gather3A_585] : memref<2x640x40xf32, #tpu.memory_space<vmem>> -> memref<1x640x40xf32, #tpu.memory_space<vmem>>
        %gather3A_587 = tpu.memref_squeeze %gather3A_586 : memref<1x640x40xf32, #tpu.memory_space<vmem>> -> memref<640x40xf32, #tpu.memory_space<vmem>>
        %gather3A_588 = tpu.vector_load_idx %gather3A_587[%add3A_346, %broadcast_in_dim3A_582] : memref<640x40xf32, #tpu.memory_space<vmem>>[vector<16xi32>, vector<16xi32>], vector<16xf32>,
        %gather3A_589 = tpu.vector_load_idx %arg7[%div3A_352, %broadcast_in_dim3A_582] : memref<512x32xf32, #tpu.memory_space<vmem>>[vector<16xi32>, vector<16xi32>], vector<16xf32>,
        %mul3A_590 = arith.mulf %gather3A_588, %gather3A_589 : vector<16xf32>
        %add3A_591 = arith.addf %add3A_580, %mul3A_590 : vector<16xf32>
        %broadcast_in_dim3A_592 = arith.constant 21 : i32
        %broadcast_in_dim3A_593 = vector.broadcast %broadcast_in_dim3A_592 : i32 to vector<16xi32>
        %gather3A_594 = arith.constant 0 : i32
        %gather3A_595 = arith.constant 0 : i32
        %gather3A_596 = arith.constant 0 : i32
        %gather3A_597 = tpu.memref_slice %arg10[%gather3A_594, %gather3A_595, %gather3A_596] : memref<2x640x40xf32, #tpu.memory_space<vmem>> -> memref<1x640x40xf32, #tpu.memory_space<vmem>>
        %gather3A_598 = tpu.memref_squeeze %gather3A_597 : memref<1x640x40xf32, #tpu.memory_space<vmem>> -> memref<640x40xf32, #tpu.memory_space<vmem>>
        %gather3A_599 = tpu.vector_load_idx %gather3A_598[%add3A_346, %broadcast_in_dim3A_593] : memref<640x40xf32, #tpu.memory_space<vmem>>[vector<16xi32>, vector<16xi32>], vector<16xf32>,
        %gather3A_600 = tpu.vector_load_idx %arg7[%div3A_352, %broadcast_in_dim3A_593] : memref<512x32xf32, #tpu.memory_space<vmem>>[vector<16xi32>, vector<16xi32>], vector<16xf32>,
        %mul3A_601 = arith.mulf %gather3A_599, %gather3A_600 : vector<16xf32>
        %add3A_602 = arith.addf %add3A_591, %mul3A_601 : vector<16xf32>
        %broadcast_in_dim3A_603 = arith.constant 22 : i32
        %broadcast_in_dim3A_604 = vector.broadcast %broadcast_in_dim3A_603 : i32 to vector<16xi32>
        %gather3A_605 = arith.constant 0 : i32
        %gather3A_606 = arith.constant 0 : i32
        %gather3A_607 = arith.constant 0 : i32
        %gather3A_608 = tpu.memref_slice %arg10[%gather3A_605, %gather3A_606, %gather3A_607] : memref<2x640x40xf32, #tpu.memory_space<vmem>> -> memref<1x640x40xf32, #tpu.memory_space<vmem>>
        %gather3A_609 = tpu.memref_squeeze %gather3A_608 : memref<1x640x40xf32, #tpu.memory_space<vmem>> -> memref<640x40xf32, #tpu.memory_space<vmem>>
        %gather3A_610 = tpu.vector_load_idx %gather3A_609[%add3A_346, %broadcast_in_dim3A_604] : memref<640x40xf32, #tpu.memory_space<vmem>>[vector<16xi32>, vector<16xi32>], vector<16xf32>,
        %gather3A_611 = tpu.vector_load_idx %arg7[%div3A_352, %broadcast_in_dim3A_604] : memref<512x32xf32, #tpu.memory_space<vmem>>[vector<16xi32>, vector<16xi32>], vector<16xf32>,
        %mul3A_612 = arith.mulf %gather3A_610, %gather3A_611 : vector<16xf32>
        %add3A_613 = arith.addf %add3A_602, %mul3A_612 : vector<16xf32>
        %broadcast_in_dim3A_614 = arith.constant 23 : i32
        %broadcast_in_dim3A_615 = vector.broadcast %broadcast_in_dim3A_614 : i32 to vector<16xi32>
        %gather3A_616 = arith.constant 0 : i32
        %gather3A_617 = arith.constant 0 : i32
        %gather3A_618 = arith.constant 0 : i32
        %gather3A_619 = tpu.memref_slice %arg10[%gather3A_616, %gather3A_617, %gather3A_618] : memref<2x640x40xf32, #tpu.memory_space<vmem>> -> memref<1x640x40xf32, #tpu.memory_space<vmem>>
        %gather3A_620 = tpu.memref_squeeze %gather3A_619 : memref<1x640x40xf32, #tpu.memory_space<vmem>> -> memref<640x40xf32, #tpu.memory_space<vmem>>
        %gather3A_621 = tpu.vector_load_idx %gather3A_620[%add3A_346, %broadcast_in_dim3A_615] : memref<640x40xf32, #tpu.memory_space<vmem>>[vector<16xi32>, vector<16xi32>], vector<16xf32>,
        %gather3A_622 = tpu.vector_load_idx %arg7[%div3A_352, %broadcast_in_dim3A_615] : memref<512x32xf32, #tpu.memory_space<vmem>>[vector<16xi32>, vector<16xi32>], vector<16xf32>,
        %mul3A_623 = arith.mulf %gather3A_621, %gather3A_622 : vector<16xf32>
        %add3A_624 = arith.addf %add3A_613, %mul3A_623 : vector<16xf32>
        %broadcast_in_dim3A_625 = arith.constant 24 : i32
        %broadcast_in_dim3A_626 = vector.broadcast %broadcast_in_dim3A_625 : i32 to vector<16xi32>
        %gather3A_627 = arith.constant 0 : i32
        %gather3A_628 = arith.constant 0 : i32
        %gather3A_629 = arith.constant 0 : i32
        %gather3A_630 = tpu.memref_slice %arg10[%gather3A_627, %gather3A_628, %gather3A_629] : memref<2x640x40xf32, #tpu.memory_space<vmem>> -> memref<1x640x40xf32, #tpu.memory_space<vmem>>
        %gather3A_631 = tpu.memref_squeeze %gather3A_630 : memref<1x640x40xf32, #tpu.memory_space<vmem>> -> memref<640x40xf32, #tpu.memory_space<vmem>>
        %gather3A_632 = tpu.vector_load_idx %gather3A_631[%add3A_346, %broadcast_in_dim3A_626] : memref<640x40xf32, #tpu.memory_space<vmem>>[vector<16xi32>, vector<16xi32>], vector<16xf32>,
        %gather3A_633 = tpu.vector_load_idx %arg7[%div3A_352, %broadcast_in_dim3A_626] : memref<512x32xf32, #tpu.memory_space<vmem>>[vector<16xi32>, vector<16xi32>], vector<16xf32>,
        %mul3A_634 = arith.mulf %gather3A_632, %gather3A_633 : vector<16xf32>
        %add3A_635 = arith.addf %add3A_624, %mul3A_634 : vector<16xf32>
        %broadcast_in_dim3A_636 = arith.constant 25 : i32
        %broadcast_in_dim3A_637 = vector.broadcast %broadcast_in_dim3A_636 : i32 to vector<16xi32>
        %gather3A_638 = arith.constant 0 : i32
        %gather3A_639 = arith.constant 0 : i32
        %gather3A_640 = arith.constant 0 : i32
        %gather3A_641 = tpu.memref_slice %arg10[%gather3A_638, %gather3A_639, %gather3A_640] : memref<2x640x40xf32, #tpu.memory_space<vmem>> -> memref<1x640x40xf32, #tpu.memory_space<vmem>>
        %gather3A_642 = tpu.memref_squeeze %gather3A_641 : memref<1x640x40xf32, #tpu.memory_space<vmem>> -> memref<640x40xf32, #tpu.memory_space<vmem>>
        %gather3A_643 = tpu.vector_load_idx %gather3A_642[%add3A_346, %broadcast_in_dim3A_637] : memref<640x40xf32, #tpu.memory_space<vmem>>[vector<16xi32>, vector<16xi32>], vector<16xf32>,
        %gather3A_644 = tpu.vector_load_idx %arg7[%div3A_352, %broadcast_in_dim3A_637] : memref<512x32xf32, #tpu.memory_space<vmem>>[vector<16xi32>, vector<16xi32>], vector<16xf32>,
        %mul3A_645 = arith.mulf %gather3A_643, %gather3A_644 : vector<16xf32>
        %add3A_646 = arith.addf %add3A_635, %mul3A_645 : vector<16xf32>
        %broadcast_in_dim3A_647 = arith.constant 26 : i32
        %broadcast_in_dim3A_648 = vector.broadcast %broadcast_in_dim3A_647 : i32 to vector<16xi32>
        %gather3A_649 = arith.constant 0 : i32
        %gather3A_650 = arith.constant 0 : i32
        %gather3A_651 = arith.constant 0 : i32
        %gather3A_652 = tpu.memref_slice %arg10[%gather3A_649, %gather3A_650, %gather3A_651] : memref<2x640x40xf32, #tpu.memory_space<vmem>> -> memref<1x640x40xf32, #tpu.memory_space<vmem>>
        %gather3A_653 = tpu.memref_squeeze %gather3A_652 : memref<1x640x40xf32, #tpu.memory_space<vmem>> -> memref<640x40xf32, #tpu.memory_space<vmem>>
        %gather3A_654 = tpu.vector_load_idx %gather3A_653[%add3A_346, %broadcast_in_dim3A_648] : memref<640x40xf32, #tpu.memory_space<vmem>>[vector<16xi32>, vector<16xi32>], vector<16xf32>,
        %gather3A_655 = tpu.vector_load_idx %arg7[%div3A_352, %broadcast_in_dim3A_648] : memref<512x32xf32, #tpu.memory_space<vmem>>[vector<16xi32>, vector<16xi32>], vector<16xf32>,
        %mul3A_656 = arith.mulf %gather3A_654, %gather3A_655 : vector<16xf32>
        %add3A_657 = arith.addf %add3A_646, %mul3A_656 : vector<16xf32>
        %broadcast_in_dim3A_658 = arith.constant 27 : i32
        %broadcast_in_dim3A_659 = vector.broadcast %broadcast_in_dim3A_658 : i32 to vector<16xi32>
        %gather3A_660 = arith.constant 0 : i32
        %gather3A_661 = arith.constant 0 : i32
        %gather3A_662 = arith.constant 0 : i32
        %gather3A_663 = tpu.memref_slice %arg10[%gather3A_660, %gather3A_661, %gather3A_662] : memref<2x640x40xf32, #tpu.memory_space<vmem>> -> memref<1x640x40xf32, #tpu.memory_space<vmem>>
        %gather3A_664 = tpu.memref_squeeze %gather3A_663 : memref<1x640x40xf32, #tpu.memory_space<vmem>> -> memref<640x40xf32, #tpu.memory_space<vmem>>
        %gather3A_665 = tpu.vector_load_idx %gather3A_664[%add3A_346, %broadcast_in_dim3A_659] : memref<640x40xf32, #tpu.memory_space<vmem>>[vector<16xi32>, vector<16xi32>], vector<16xf32>,
        %gather3A_666 = tpu.vector_load_idx %arg7[%div3A_352, %broadcast_in_dim3A_659] : memref<512x32xf32, #tpu.memory_space<vmem>>[vector<16xi32>, vector<16xi32>], vector<16xf32>,
        %mul3A_667 = arith.mulf %gather3A_665, %gather3A_666 : vector<16xf32>
        %add3A_668 = arith.addf %add3A_657, %mul3A_667 : vector<16xf32>
        %broadcast_in_dim3A_669 = arith.constant 28 : i32
        %broadcast_in_dim3A_670 = vector.broadcast %broadcast_in_dim3A_669 : i32 to vector<16xi32>
        %gather3A_671 = arith.constant 0 : i32
        %gather3A_672 = arith.constant 0 : i32
        %gather3A_673 = arith.constant 0 : i32
        %gather3A_674 = tpu.memref_slice %arg10[%gather3A_671, %gather3A_672, %gather3A_673] : memref<2x640x40xf32, #tpu.memory_space<vmem>> -> memref<1x640x40xf32, #tpu.memory_space<vmem>>
        %gather3A_675 = tpu.memref_squeeze %gather3A_674 : memref<1x640x40xf32, #tpu.memory_space<vmem>> -> memref<640x40xf32, #tpu.memory_space<vmem>>
        %gather3A_676 = tpu.vector_load_idx %gather3A_675[%add3A_346, %broadcast_in_dim3A_670] : memref<640x40xf32, #tpu.memory_space<vmem>>[vector<16xi32>, vector<16xi32>], vector<16xf32>,
        %gather3A_677 = tpu.vector_load_idx %arg7[%div3A_352, %broadcast_in_dim3A_670] : memref<512x32xf32, #tpu.memory_space<vmem>>[vector<16xi32>, vector<16xi32>], vector<16xf32>,
        %mul3A_678 = arith.mulf %gather3A_676, %gather3A_677 : vector<16xf32>
        %add3A_679 = arith.addf %add3A_668, %mul3A_678 : vector<16xf32>
        %broadcast_in_dim3A_680 = arith.constant 29 : i32
        %broadcast_in_dim3A_681 = vector.broadcast %broadcast_in_dim3A_680 : i32 to vector<16xi32>
        %gather3A_682 = arith.constant 0 : i32
        %gather3A_683 = arith.constant 0 : i32
        %gather3A_684 = arith.constant 0 : i32
        %gather3A_685 = tpu.memref_slice %arg10[%gather3A_682, %gather3A_683, %gather3A_684] : memref<2x640x40xf32, #tpu.memory_space<vmem>> -> memref<1x640x40xf32, #tpu.memory_space<vmem>>
        %gather3A_686 = tpu.memref_squeeze %gather3A_685 : memref<1x640x40xf32, #tpu.memory_space<vmem>> -> memref<640x40xf32, #tpu.memory_space<vmem>>
        %gather3A_687 = tpu.vector_load_idx %gather3A_686[%add3A_346, %broadcast_in_dim3A_681] : memref<640x40xf32, #tpu.memory_space<vmem>>[vector<16xi32>, vector<16xi32>], vector<16xf32>,
        %gather3A_688 = tpu.vector_load_idx %arg7[%div3A_352, %broadcast_in_dim3A_681] : memref<512x32xf32, #tpu.memory_space<vmem>>[vector<16xi32>, vector<16xi32>], vector<16xf32>,
        %mul3A_689 = arith.mulf %gather3A_687, %gather3A_688 : vector<16xf32>
        %add3A_690 = arith.addf %add3A_679, %mul3A_689 : vector<16xf32>
        %broadcast_in_dim3A_691 = arith.constant 30 : i32
        %broadcast_in_dim3A_692 = vector.broadcast %broadcast_in_dim3A_691 : i32 to vector<16xi32>
        %gather3A_693 = arith.constant 0 : i32
        %gather3A_694 = arith.constant 0 : i32
        %gather3A_695 = arith.constant 0 : i32
        %gather3A_696 = tpu.memref_slice %arg10[%gather3A_693, %gather3A_694, %gather3A_695] : memref<2x640x40xf32, #tpu.memory_space<vmem>> -> memref<1x640x40xf32, #tpu.memory_space<vmem>>
        %gather3A_697 = tpu.memref_squeeze %gather3A_696 : memref<1x640x40xf32, #tpu.memory_space<vmem>> -> memref<640x40xf32, #tpu.memory_space<vmem>>
        %gather3A_698 = tpu.vector_load_idx %gather3A_697[%add3A_346, %broadcast_in_dim3A_692] : memref<640x40xf32, #tpu.memory_space<vmem>>[vector<16xi32>, vector<16xi32>], vector<16xf32>,
        %gather3A_699 = tpu.vector_load_idx %arg7[%div3A_352, %broadcast_in_dim3A_692] : memref<512x32xf32, #tpu.memory_space<vmem>>[vector<16xi32>, vector<16xi32>], vector<16xf32>,
        %mul3A_700 = arith.mulf %gather3A_698, %gather3A_699 : vector<16xf32>
        %add3A_701 = arith.addf %add3A_690, %mul3A_700 : vector<16xf32>
        %broadcast_in_dim3A_702 = arith.constant 31 : i32
        %broadcast_in_dim3A_703 = vector.broadcast %broadcast_in_dim3A_702 : i32 to vector<16xi32>
        %gather3A_704 = arith.constant 0 : i32
        %gather3A_705 = arith.constant 0 : i32
        %gather3A_706 = arith.constant 0 : i32
        %gather3A_707 = tpu.memref_slice %arg10[%gather3A_704, %gather3A_705, %gather3A_706] : memref<2x640x40xf32, #tpu.memory_space<vmem>> -> memref<1x640x40xf32, #tpu.memory_space<vmem>>
        %gather3A_708 = tpu.memref_squeeze %gather3A_707 : memref<1x640x40xf32, #tpu.memory_space<vmem>> -> memref<640x40xf32, #tpu.memory_space<vmem>>
        %gather3A_709 = tpu.vector_load_idx %gather3A_708[%add3A_346, %broadcast_in_dim3A_703] : memref<640x40xf32, #tpu.memory_space<vmem>>[vector<16xi32>, vector<16xi32>], vector<16xf32>,
        %gather3A_710 = tpu.vector_load_idx %arg7[%div3A_352, %broadcast_in_dim3A_703] : memref<512x32xf32, #tpu.memory_space<vmem>>[vector<16xi32>, vector<16xi32>], vector<16xf32>,
        %mul3A_711 = arith.mulf %gather3A_709, %gather3A_710 : vector<16xf32>
        %add3A_712 = arith.addf %add3A_701, %mul3A_711 : vector<16xf32>
        %mul3A_713 = arith.constant 16 : i32
        %mul3A_714 = arith.muli %scan3A_342, %mul3A_713 : i32
        %swap3A = arith.constant 0 : i32
        %swap3A_715 = arith.index_cast %swap3A : i32 to index
        %swap3A_716 = arith.index_cast %mul3A_714 : i32 to index
        %swap3A_717 = tpu.vector_load %arg11[%swap3A_715, %swap3A_716] {strides = array<i32>} : memref<2x640xf32, #tpu.memory_space<vmem>>, vector<16xf32>,
        tpu.vector_store %arg11[%swap3A_715, %swap3A_716], %add3A_712 {strides = array<i32>} : memref<2x640xf32, #tpu.memory_space<vmem>>, vector<16xf32>,
      }
      %scan3A_229 = arith.constant 40 : i32
      %mul3A_230 = arith.constant 640 : i32
      %mul3A_231 = arith.muli %mul3A_161, %mul3A_230 : i32
      %add3A_232 = arith.addi %mul3A_4, %mul3A_231 : i32
      %dma_start3A_233 = arith.constant 0 : i32
      %dma_start3A_234 = arith.constant 0 : i32
      %dma_start3A_235 = tpu.memref_slice %arg11[%dma_start3A_233, %dma_start3A_234] : memref<2x640xf32, #tpu.memory_space<vmem>> -> memref<1x640xf32, #tpu.memory_space<vmem>>
      %dma_start3A_236 = tpu.memref_squeeze %dma_start3A_235 : memref<1x640xf32, #tpu.memory_space<vmem>> -> memref<640xf32, #tpu.memory_space<vmem>>
      %dma_start3A_237 = tpu.memref_slice %arg6[%add3A_232] : memref<819200xf32, #tpu.memory_space<hbm>> -> memref<640xf32, #tpu.memory_space<hbm>>
      %dma_start3A_238 = tpu.memref_slice %arg6[%add3A_232] : memref<819200xf32, #tpu.memory_space<hbm>> -> memref<640xf32, #tpu.memory_space<hbm>>
      %dma_start3A_239 = arith.constant 0 : i32
      %dma_start3A_240 = tpu.memref_slice %arg11[%dma_start3A_233, %dma_start3A_239] : memref<2x640xf32, #tpu.memory_space<vmem>> -> memref<1x640xf32, #tpu.memory_space<vmem>>
      %dma_start3A_241 = tpu.memref_squeeze %dma_start3A_240 : memref<1x640xf32, #tpu.memory_space<vmem>> -> memref<640xf32, #tpu.memory_space<vmem>>
      tpu.enqueue_dma source(%dma_start3A_241 : memref<640xf32, #tpu.memory_space<vmem>>) target(%dma_start3A_238 : memref<640xf32, #tpu.memory_space<hbm>>) target_semaphore(%arg14 : memref<!tpu.dma_semaphore, #tpu.memory_space<semaphore_mem>>)
      %add3A_242 = arith.constant 2 : i32
      %add3A_243 = arith.addi %mul3A_161, %add3A_242 : i32
      %lt3A = arith.constant 40 : i32
      %lt3A_244 = arith.cmpi slt, %add3A_243, %lt3A : i32
      %convert_element_type3A_245 = arith.extui %lt3A_244 : i1 to i32
      %cond3A_246 = arith.constant 0 : i32
      %cond3A_247 = arith.cmpi ne, %convert_element_type3A_245, %cond3A_246 : i32
      scf.if %cond3A_247 {
        %add3A_342 = arith.constant 2 : i32
        %add3A_343 = arith.addi %mul3A_161, %add3A_342 : i32
        %mul3A_344 = arith.constant 640 : i32
        %mul3A_345 = arith.muli %add3A_343, %mul3A_344 : i32
        %add3A_346 = arith.addi %mul3A_4, %mul3A_345 : i32
        %run_scoped3A_347 = arith.constant 0 : i32
        "tpu.region"() ({
          %run_scoped3A_408 = tpu.sem_alloc : memref<!tpu.dma_semaphore, #tpu.memory_space<semaphore_mem>>
          %dma_start3A_409 = arith.constant 0 : i32
          %dma_start3A_410 = tpu.memref_slice %arg9[%run_scoped3A_347, %dma_start3A_409] : memref<2x640xi32, #tpu.memory_space<vmem>> -> memref<1x640xi32, #tpu.memory_space<vmem>>
          %dma_start3A_411 = tpu.memref_squeeze %dma_start3A_410 : memref<1x640xi32, #tpu.memory_space<vmem>> -> memref<640xi32, #tpu.memory_space<vmem>>
          %dma_start3A_412 = tpu.memref_slice %arg2[%add3A_346] : memref<819200xi32, #tpu.memory_space<hbm>> -> memref<640xi32, #tpu.memory_space<hbm>>
          %dma_start3A_413 = arith.constant 0 : i32
          %dma_start3A_414 = tpu.memref_slice %arg9[%run_scoped3A_347, %dma_start3A_413] : memref<2x640xi32, #tpu.memory_space<vmem>> -> memref<1x640xi32, #tpu.memory_space<vmem>>
          %dma_start3A_415 = tpu.memref_squeeze %dma_start3A_414 : memref<1x640xi32, #tpu.memory_space<vmem>> -> memref<640xi32, #tpu.memory_space<vmem>>
          %dma_start3A_416 = tpu.memref_slice %arg2[%add3A_346] : memref<819200xi32, #tpu.memory_space<hbm>> -> memref<640xi32, #tpu.memory_space<hbm>>
          tpu.enqueue_dma source(%dma_start3A_416 : memref<640xi32, #tpu.memory_space<hbm>>) target(%dma_start3A_415 : memref<640xi32, #tpu.memory_space<vmem>>) target_semaphore(%run_scoped3A_408 : memref<!tpu.dma_semaphore, #tpu.memory_space<semaphore_mem>>)
          %dma_wait3A_417 = arith.constant 0 : i32
          %dma_wait3A_418 = tpu.memref_slice %arg9[%run_scoped3A_347, %dma_wait3A_417] : memref<2x640xi32, #tpu.memory_space<vmem>> -> memref<1x640xi32, #tpu.memory_space<vmem>>
          %dma_wait3A_419 = tpu.memref_squeeze %dma_wait3A_418 : memref<1x640xi32, #tpu.memory_space<vmem>> -> memref<640xi32, #tpu.memory_space<vmem>>
          %dma_wait3A_420 = tpu.memref_slice %arg2[%add3A_346] : memref<819200xi32, #tpu.memory_space<hbm>> -> memref<640xi32, #tpu.memory_space<hbm>>
          %dma_wait3A_421 = arith.constant 0 : i32
          %dma_wait3A_422 = tpu.memref_slice %arg9[%run_scoped3A_347, %dma_wait3A_421] : memref<2x640xi32, #tpu.memory_space<vmem>> -> memref<1x640xi32, #tpu.memory_space<vmem>>
          %dma_wait3A_423 = tpu.memref_squeeze %dma_wait3A_422 : memref<1x640xi32, #tpu.memory_space<vmem>> -> memref<640xi32, #tpu.memory_space<vmem>>
          %dma_wait3A_424 = tpu.memref_slice %arg2[%add3A_346] : memref<819200xi32, #tpu.memory_space<hbm>> -> memref<640xi32, #tpu.memory_space<hbm>>
          tpu.wait_dma2 semaphore(%run_scoped3A_408 : memref<!tpu.dma_semaphore, #tpu.memory_space<semaphore_mem>>) src(%dma_wait3A_424 : memref<640xi32, #tpu.memory_space<hbm>>) dst(%dma_wait3A_423 : memref<640xi32, #tpu.memory_space<vmem>>)
          tpu.yield
        }) : () -> ()
        %dma_start3A_348 = arith.constant 0 : i32
        %dma_start3A_349 = arith.constant 0 : i32
        %dma_start3A_350 = arith.constant 0 : i32
        %dma_start3A_351 = arith.constant 0 : i32
        %dma_start3A_352 = tpu.memref_slice %arg10[%dma_start3A_349, %dma_start3A_350, %dma_start3A_351] : memref<2x640x40xf32, #tpu.memory_space<vmem>> -> memref<1x128x40xf32, #tpu.memory_space<vmem>>
        %dma_start3A_353 = tpu.memref_squeeze %dma_start3A_352 : memref<1x128x40xf32, #tpu.memory_space<vmem>> -> memref<128x40xf32, #tpu.memory_space<vmem>>
        %dma_start3A_354 = arith.constant 0 : i32
        %dma_start3A_355 = tpu.memref_slice %arg9[%dma_start3A_348, %dma_start3A_354] : memref<2x640xi32, #tpu.memory_space<vmem>> -> memref<1x128xi32, #tpu.memory_space<vmem>>
        %dma_start3A_356 = tpu.memref_squeeze %dma_start3A_355 : memref<1x128xi32, #tpu.memory_space<vmem>> -> memref<128xi32, #tpu.memory_space<vmem>>
        %dma_start3A_357 = arith.constant 0 : i32
        %dma_start3A_358 = arith.constant 0 : i32
        %dma_start3A_359 = tpu.memref_slice %arg3[%dma_start3A_357, %dma_start3A_358] : memref<1000000x40xf32, #tpu.memory_space<hbm>> -> memref<1000000x40xf32, #tpu.memory_space<hbm>>
        tpu.enqueue_indirect_dma source(%dma_start3A_359 : memref<1000000x40xf32, #tpu.memory_space<hbm>>) target(%dma_start3A_353 : memref<128x40xf32, #tpu.memory_space<vmem>>) offsets(%dma_start3A_356 : memref<128xi32, #tpu.memory_space<vmem>>) semaphore(%arg12 : memref<!tpu.dma_semaphore, #tpu.memory_space<semaphore_mem>>)
        %dma_start3A_360 = arith.constant 0 : i32
        %dma_start3A_361 = arith.constant 0 : i32
        %dma_start3A_362 = arith.constant 128 : i32
        %dma_start3A_363 = arith.constant 0 : i32
        %dma_start3A_364 = tpu.memref_slice %arg10[%dma_start3A_361, %dma_start3A_362, %dma_start3A_363] : memref<2x640x40xf32, #tpu.memory_space<vmem>> -> memref<1x128x40xf32, #tpu.memory_space<vmem>>
        %dma_start3A_365 = tpu.memref_squeeze %dma_start3A_364 : memref<1x128x40xf32, #tpu.memory_space<vmem>> -> memref<128x40xf32, #tpu.memory_space<vmem>>
        %dma_start3A_366 = arith.constant 128 : i32
        %dma_start3A_367 = tpu.memref_slice %arg9[%dma_start3A_360, %dma_start3A_366] : memref<2x640xi32, #tpu.memory_space<vmem>> -> memref<1x128xi32, #tpu.memory_space<vmem>>
        %dma_start3A_368 = tpu.memref_squeeze %dma_start3A_367 : memref<1x128xi32, #tpu.memory_space<vmem>> -> memref<128xi32, #tpu.memory_space<vmem>>
        %dma_start3A_369 = arith.constant 0 : i32
        %dma_start3A_370 = arith.constant 0 : i32
        %dma_start3A_371 = tpu.memref_slice %arg3[%dma_start3A_369, %dma_start3A_370] : memref<1000000x40xf32, #tpu.memory_space<hbm>> -> memref<1000000x40xf32, #tpu.memory_space<hbm>>
        tpu.enqueue_indirect_dma source(%dma_start3A_371 : memref<1000000x40xf32, #tpu.memory_space<hbm>>) target(%dma_start3A_365 : memref<128x40xf32, #tpu.memory_space<vmem>>) offsets(%dma_start3A_368 : memref<128xi32, #tpu.memory_space<vmem>>) semaphore(%arg12 : memref<!tpu.dma_semaphore, #tpu.memory_space<semaphore_mem>>)
        %dma_start3A_372 = arith.constant 0 : i32
        %dma_start3A_373 = arith.constant 0 : i32
        %dma_start3A_374 = arith.constant 256 : i32
        %dma_start3A_375 = arith.constant 0 : i32
        %dma_start3A_376 = tpu.memref_slice %arg10[%dma_start3A_373, %dma_start3A_374, %dma_start3A_375] : memref<2x640x40xf32, #tpu.memory_space<vmem>> -> memref<1x128x40xf32, #tpu.memory_space<vmem>>
        %dma_start3A_377 = tpu.memref_squeeze %dma_start3A_376 : memref<1x128x40xf32, #tpu.memory_space<vmem>> -> memref<128x40xf32, #tpu.memory_space<vmem>>
        %dma_start3A_378 = arith.constant 256 : i32
        %dma_start3A_379 = tpu.memref_slice %arg9[%dma_start3A_372, %dma_start3A_378] : memref<2x640xi32, #tpu.memory_space<vmem>> -> memref<1x128xi32, #tpu.memory_space<vmem>>
        %dma_start3A_380 = tpu.memref_squeeze %dma_start3A_379 : memref<1x128xi32, #tpu.memory_space<vmem>> -> memref<128xi32, #tpu.memory_space<vmem>>
        %dma_start3A_381 = arith.constant 0 : i32
        %dma_start3A_382 = arith.constant 0 : i32
        %dma_start3A_383 = tpu.memref_slice %arg3[%dma_start3A_381, %dma_start3A_382] : memref<1000000x40xf32, #tpu.memory_space<hbm>> -> memref<1000000x40xf32, #tpu.memory_space<hbm>>
        tpu.enqueue_indirect_dma source(%dma_start3A_383 : memref<1000000x40xf32, #tpu.memory_space<hbm>>) target(%dma_start3A_377 : memref<128x40xf32, #tpu.memory_space<vmem>>) offsets(%dma_start3A_380 : memref<128xi32, #tpu.memory_space<vmem>>) semaphore(%arg12 : memref<!tpu.dma_semaphore, #tpu.memory_space<semaphore_mem>>)
        %dma_start3A_384 = arith.constant 0 : i32
        %dma_start3A_385 = arith.constant 0 : i32
        %dma_start3A_386 = arith.constant 384 : i32
        %dma_start3A_387 = arith.constant 0 : i32
        %dma_start3A_388 = tpu.memref_slice %arg10[%dma_start3A_385, %dma_start3A_386, %dma_start3A_387] : memref<2x640x40xf32, #tpu.memory_space<vmem>> -> memref<1x128x40xf32, #tpu.memory_space<vmem>>
        %dma_start3A_389 = tpu.memref_squeeze %dma_start3A_388 : memref<1x128x40xf32, #tpu.memory_space<vmem>> -> memref<128x40xf32, #tpu.memory_space<vmem>>
        %dma_start3A_390 = arith.constant 384 : i32
        %dma_start3A_391 = tpu.memref_slice %arg9[%dma_start3A_384, %dma_start3A_390] : memref<2x640xi32, #tpu.memory_space<vmem>> -> memref<1x128xi32, #tpu.memory_space<vmem>>
        %dma_start3A_392 = tpu.memref_squeeze %dma_start3A_391 : memref<1x128xi32, #tpu.memory_space<vmem>> -> memref<128xi32, #tpu.memory_space<vmem>>
        %dma_start3A_393 = arith.constant 0 : i32
        %dma_start3A_394 = arith.constant 0 : i32
        %dma_start3A_395 = tpu.memref_slice %arg3[%dma_start3A_393, %dma_start3A_394] : memref<1000000x40xf32, #tpu.memory_space<hbm>> -> memref<1000000x40xf32, #tpu.memory_space<hbm>>
        tpu.enqueue_indirect_dma source(%dma_start3A_395 : memref<1000000x40xf32, #tpu.memory_space<hbm>>) target(%dma_start3A_389 : memref<128x40xf32, #tpu.memory_space<vmem>>) offsets(%dma_start3A_392 : memref<128xi32, #tpu.memory_space<vmem>>) semaphore(%arg12 : memref<!tpu.dma_semaphore, #tpu.memory_space<semaphore_mem>>)
        %dma_start3A_396 = arith.constant 0 : i32
        %dma_start3A_397 = arith.constant 0 : i32
        %dma_start3A_398 = arith.constant 512 : i32
        %dma_start3A_399 = arith.constant 0 : i32
        %dma_start3A_400 = tpu.memref_slice %arg10[%dma_start3A_397, %dma_start3A_398, %dma_start3A_399] : memref<2x640x40xf32, #tpu.memory_space<vmem>> -> memref<1x128x40xf32, #tpu.memory_space<vmem>>
        %dma_start3A_401 = tpu.memref_squeeze %dma_start3A_400 : memref<1x128x40xf32, #tpu.memory_space<vmem>> -> memref<128x40xf32, #tpu.memory_space<vmem>>
        %dma_start3A_402 = arith.constant 512 : i32
        %dma_start3A_403 = tpu.memref_slice %arg9[%dma_start3A_396, %dma_start3A_402] : memref<2x640xi32, #tpu.memory_space<vmem>> -> memref<1x128xi32, #tpu.memory_space<vmem>>
        %dma_start3A_404 = tpu.memref_squeeze %dma_start3A_403 : memref<1x128xi32, #tpu.memory_space<vmem>> -> memref<128xi32, #tpu.memory_space<vmem>>
        %dma_start3A_405 = arith.constant 0 : i32
        %dma_start3A_406 = arith.constant 0 : i32
        %dma_start3A_407 = tpu.memref_slice %arg3[%dma_start3A_405, %dma_start3A_406] : memref<1000000x40xf32, #tpu.memory_space<hbm>> -> memref<1000000x40xf32, #tpu.memory_space<hbm>>
        tpu.enqueue_indirect_dma source(%dma_start3A_407 : memref<1000000x40xf32, #tpu.memory_space<hbm>>) target(%dma_start3A_401 : memref<128x40xf32, #tpu.memory_space<vmem>>) offsets(%dma_start3A_404 : memref<128xi32, #tpu.memory_space<vmem>>) semaphore(%arg12 : memref<!tpu.dma_semaphore, #tpu.memory_space<semaphore_mem>>)
      } else {
      }
      %mul3A_248 = arith.constant 2 : i32
      %mul3A_249 = arith.muli %mul3A_248, %scan3A_159 : i32
      %add3A_250 = arith.constant 1 : i32
      %add3A_251 = arith.addi %mul3A_249, %add3A_250 : i32
      %dma_wait3A_252 = arith.constant 1 : i32
      %dma_wait3A_253 = arith.constant 1 : i32
      %dma_wait3A_254 = arith.constant 0 : i32
      %dma_wait3A_255 = arith.constant 0 : i32
      %dma_wait3A_256 = tpu.memref_slice %arg10[%dma_wait3A_253, %dma_wait3A_254, %dma_wait3A_255] : memref<2x640x40xf32, #tpu.memory_space<vmem>> -> memref<1x128x40xf32, #tpu.memory_space<vmem>>
      %dma_wait3A_257 = tpu.memref_squeeze %dma_wait3A_256 : memref<1x128x40xf32, #tpu.memory_space<vmem>> -> memref<128x40xf32, #tpu.memory_space<vmem>>
      %dma_wait3A_258 = arith.constant 0 : i32
      %dma_wait3A_259 = tpu.memref_slice %arg9[%dma_wait3A_252, %dma_wait3A_258] : memref<2x640xi32, #tpu.memory_space<vmem>> -> memref<1x128xi32, #tpu.memory_space<vmem>>
      %dma_wait3A_260 = tpu.memref_squeeze %dma_wait3A_259 : memref<1x128xi32, #tpu.memory_space<vmem>> -> memref<128xi32, #tpu.memory_space<vmem>>
      %dma_wait3A_261 = arith.constant 0 : i32
      %dma_wait3A_262 = arith.constant 0 : i32
      %dma_wait3A_263 = tpu.memref_slice %arg3[%dma_wait3A_261, %dma_wait3A_262] : memref<1000000x40xf32, #tpu.memory_space<hbm>> -> memref<1000000x40xf32, #tpu.memory_space<hbm>>
      tpu.wait_indirect_dma semaphore(%arg13 : memref<!tpu.dma_semaphore, #tpu.memory_space<semaphore_mem>>) src(%dma_wait3A_263 : memref<1000000x40xf32, #tpu.memory_space<hbm>>) dst(%dma_wait3A_257 : memref<128x40xf32, #tpu.memory_space<vmem>>)
      %dma_wait3A_264 = arith.constant 1 : i32
      %dma_wait3A_265 = arith.constant 1 : i32
      %dma_wait3A_266 = arith.constant 128 : i32
      %dma_wait3A_267 = arith.constant 0 : i32
      %dma_wait3A_268 = tpu.memref_slice %arg10[%dma_wait3A_265, %dma_wait3A_266, %dma_wait3A_267] : memref<2x640x40xf32, #tpu.memory_space<vmem>> -> memref<1x128x40xf32, #tpu.memory_space<vmem>>
      %dma_wait3A_269 = tpu.memref_squeeze %dma_wait3A_268 : memref<1x128x40xf32, #tpu.memory_space<vmem>> -> memref<128x40xf32, #tpu.memory_space<vmem>>
      %dma_wait3A_270 = arith.constant 128 : i32
      %dma_wait3A_271 = tpu.memref_slice %arg9[%dma_wait3A_264, %dma_wait3A_270] : memref<2x640xi32, #tpu.memory_space<vmem>> -> memref<1x128xi32, #tpu.memory_space<vmem>>
      %dma_wait3A_272 = tpu.memref_squeeze %dma_wait3A_271 : memref<1x128xi32, #tpu.memory_space<vmem>> -> memref<128xi32, #tpu.memory_space<vmem>>
      %dma_wait3A_273 = arith.constant 0 : i32
      %dma_wait3A_274 = arith.constant 0 : i32
      %dma_wait3A_275 = tpu.memref_slice %arg3[%dma_wait3A_273, %dma_wait3A_274] : memref<1000000x40xf32, #tpu.memory_space<hbm>> -> memref<1000000x40xf32, #tpu.memory_space<hbm>>
      tpu.wait_indirect_dma semaphore(%arg13 : memref<!tpu.dma_semaphore, #tpu.memory_space<semaphore_mem>>) src(%dma_wait3A_275 : memref<1000000x40xf32, #tpu.memory_space<hbm>>) dst(%dma_wait3A_269 : memref<128x40xf32, #tpu.memory_space<vmem>>)
      %dma_wait3A_276 = arith.constant 1 : i32
      %dma_wait3A_277 = arith.constant 1 : i32
      %dma_wait3A_278 = arith.constant 256 : i32
      %dma_wait3A_279 = arith.constant 0 : i32
      %dma_wait3A_280 = tpu.memref_slice %arg10[%dma_wait3A_277, %dma_wait3A_278, %dma_wait3A_279] : memref<2x640x40xf32, #tpu.memory_space<vmem>> -> memref<1x128x40xf32, #tpu.memory_space<vmem>>
      %dma_wait3A_281 = tpu.memref_squeeze %dma_wait3A_280 : memref<1x128x40xf32, #tpu.memory_space<vmem>> -> memref<128x40xf32, #tpu.memory_space<vmem>>
      %dma_wait3A_282 = arith.constant 256 : i32
      %dma_wait3A_283 = tpu.memref_slice %arg9[%dma_wait3A_276, %dma_wait3A_282] : memref<2x640xi32, #tpu.memory_space<vmem>> -> memref<1x128xi32, #tpu.memory_space<vmem>>
      %dma_wait3A_284 = tpu.memref_squeeze %dma_wait3A_283 : memref<1x128xi32, #tpu.memory_space<vmem>> -> memref<128xi32, #tpu.memory_space<vmem>>
      %dma_wait3A_285 = arith.constant 0 : i32
      %dma_wait3A_286 = arith.constant 0 : i32
      %dma_wait3A_287 = tpu.memref_slice %arg3[%dma_wait3A_285, %dma_wait3A_286] : memref<1000000x40xf32, #tpu.memory_space<hbm>> -> memref<1000000x40xf32, #tpu.memory_space<hbm>>
      tpu.wait_indirect_dma semaphore(%arg13 : memref<!tpu.dma_semaphore, #tpu.memory_space<semaphore_mem>>) src(%dma_wait3A_287 : memref<1000000x40xf32, #tpu.memory_space<hbm>>) dst(%dma_wait3A_281 : memref<128x40xf32, #tpu.memory_space<vmem>>)
      %dma_wait3A_288 = arith.constant 1 : i32
      %dma_wait3A_289 = arith.constant 1 : i32
      %dma_wait3A_290 = arith.constant 384 : i32
      %dma_wait3A_291 = arith.constant 0 : i32
      %dma_wait3A_292 = tpu.memref_slice %arg10[%dma_wait3A_289, %dma_wait3A_290, %dma_wait3A_291] : memref<2x640x40xf32, #tpu.memory_space<vmem>> -> memref<1x128x40xf32, #tpu.memory_space<vmem>>
      %dma_wait3A_293 = tpu.memref_squeeze %dma_wait3A_292 : memref<1x128x40xf32, #tpu.memory_space<vmem>> -> memref<128x40xf32, #tpu.memory_space<vmem>>
      %dma_wait3A_294 = arith.constant 384 : i32
      %dma_wait3A_295 = tpu.memref_slice %arg9[%dma_wait3A_288, %dma_wait3A_294] : memref<2x640xi32, #tpu.memory_space<vmem>> -> memref<1x128xi32, #tpu.memory_space<vmem>>
      %dma_wait3A_296 = tpu.memref_squeeze %dma_wait3A_295 : memref<1x128xi32, #tpu.memory_space<vmem>> -> memref<128xi32, #tpu.memory_space<vmem>>
      %dma_wait3A_297 = arith.constant 0 : i32
      %dma_wait3A_298 = arith.constant 0 : i32
      %dma_wait3A_299 = tpu.memref_slice %arg3[%dma_wait3A_297, %dma_wait3A_298] : memref<1000000x40xf32, #tpu.memory_space<hbm>> -> memref<1000000x40xf32, #tpu.memory_space<hbm>>
      tpu.wait_indirect_dma semaphore(%arg13 : memref<!tpu.dma_semaphore, #tpu.memory_space<semaphore_mem>>) src(%dma_wait3A_299 : memref<1000000x40xf32, #tpu.memory_space<hbm>>) dst(%dma_wait3A_293 : memref<128x40xf32, #tpu.memory_space<vmem>>)
      %dma_wait3A_300 = arith.constant 1 : i32
      %dma_wait3A_301 = arith.constant 1 : i32
      %dma_wait3A_302 = arith.constant 512 : i32
      %dma_wait3A_303 = arith.constant 0 : i32
      %dma_wait3A_304 = tpu.memref_slice %arg10[%dma_wait3A_301, %dma_wait3A_302, %dma_wait3A_303] : memref<2x640x40xf32, #tpu.memory_space<vmem>> -> memref<1x128x40xf32, #tpu.memory_space<vmem>>
      %dma_wait3A_305 = tpu.memref_squeeze %dma_wait3A_304 : memref<1x128x40xf32, #tpu.memory_space<vmem>> -> memref<128x40xf32, #tpu.memory_space<vmem>>
      %dma_wait3A_306 = arith.constant 512 : i32
      %dma_wait3A_307 = tpu.memref_slice %arg9[%dma_wait3A_300, %dma_wait3A_306] : memref<2x640xi32, #tpu.memory_space<vmem>> -> memref<1x128xi32, #tpu.memory_space<vmem>>
      %dma_wait3A_308 = tpu.memref_squeeze %dma_wait3A_307 : memref<1x128xi32, #tpu.memory_space<vmem>> -> memref<128xi32, #tpu.memory_space<vmem>>
      %dma_wait3A_309 = arith.constant 0 : i32
      %dma_wait3A_310 = arith.constant 0 : i32
      %dma_wait3A_311 = tpu.memref_slice %arg3[%dma_wait3A_309, %dma_wait3A_310] : memref<1000000x40xf32, #tpu.memory_space<hbm>> -> memref<1000000x40xf32, #tpu.memory_space<hbm>>
      tpu.wait_indirect_dma semaphore(%arg13 : memref<!tpu.dma_semaphore, #tpu.memory_space<semaphore_mem>>) src(%dma_wait3A_311 : memref<1000000x40xf32, #tpu.memory_space<hbm>>) dst(%dma_wait3A_305 : memref<128x40xf32, #tpu.memory_space<vmem>>)
      %ge3A_312 = arith.constant 2 : i32
      %ge3A_313 = arith.cmpi sge, %add3A_251, %ge3A_312 : i32
      %convert_element_type3A_314 = arith.extui %ge3A_313 : i1 to i32
      %cond3A_315 = arith.constant 0 : i32
      %cond3A_316 = arith.cmpi ne, %convert_element_type3A_314, %cond3A_315 : i32
      scf.if %cond3A_316 {
        %sub3A = arith.constant 2 : i32
        %sub3A_342 = arith.subi %add3A_251, %sub3A : i32
        %mul3A_343 = arith.constant 640 : i32
        %mul3A_344 = arith.muli %sub3A_342, %mul3A_343 : i32
        %add3A_345 = arith.addi %mul3A_4, %mul3A_344 : i32
        %dma_wait3A_346 = arith.constant 1 : i32
        %dma_wait3A_347 = arith.constant 0 : i32
        %dma_wait3A_348 = tpu.memref_slice %arg11[%dma_wait3A_346, %dma_wait3A_347] : memref<2x640xf32, #tpu.memory_space<vmem>> -> memref<1x640xf32, #tpu.memory_space<vmem>>
        %dma_wait3A_349 = tpu.memref_squeeze %dma_wait3A_348 : memref<1x640xf32, #tpu.memory_space<vmem>> -> memref<640xf32, #tpu.memory_space<vmem>>
        %dma_wait3A_350 = tpu.memref_slice %arg6[%add3A_345] : memref<819200xf32, #tpu.memory_space<hbm>> -> memref<640xf32, #tpu.memory_space<hbm>>
        %dma_wait3A_351 = tpu.memref_slice %arg6[%add3A_345] : memref<819200xf32, #tpu.memory_space<hbm>> -> memref<640xf32, #tpu.memory_space<hbm>>
        %dma_wait3A_352 = arith.constant 0 : i32
        %dma_wait3A_353 = tpu.memref_slice %arg11[%dma_wait3A_346, %dma_wait3A_352] : memref<2x640xf32, #tpu.memory_space<vmem>> -> memref<1x640xf32, #tpu.memory_space<vmem>>
        %dma_wait3A_354 = tpu.memref_squeeze %dma_wait3A_353 : memref<1x640xf32, #tpu.memory_space<vmem>> -> memref<640xf32, #tpu.memory_space<vmem>>
        tpu.wait_dma2 semaphore(%arg15 : memref<!tpu.dma_semaphore, #tpu.memory_space<semaphore_mem>>) src(%dma_wait3A_354 : memref<640xf32, #tpu.memory_space<vmem>>) dst(%dma_wait3A_351 : memref<640xf32, #tpu.memory_space<hbm>>)
      } else {
      }
      %scan3A_317 = arith.constant 0 : i32
      %scan3A_318 = arith.constant 0 : i32
      %scan3A_319 = arith.constant 40 : i32
      %scan3A_320 = arith.addi %scan3A_318, %scan3A_319 : i32
      %scan3A_321 = arith.constant 1 : i32
      scf.for %scan3A_342 = %scan3A_318 to %scan3A_320 step %scan3A_321  : i32 {
        %mul3A_343 = arith.constant 16 : i32
        %mul3A_344 = arith.muli %scan3A_342, %mul3A_343 : i32
        %add3A_345 = vector.broadcast %mul3A_344 : i32 to vector<16xi32>
        %add3A_346 = arith.addi %add3A_345, %iota3A : vector<16xi32>
        %mul3A_347 = arith.constant 640 : i32
        %mul3A_348 = arith.muli %add3A_251, %mul3A_347 : i32
        %add3A_349 = vector.broadcast %mul3A_348 : i32 to vector<16xi32>
        %add3A_350 = arith.addi %add3A_349, %add3A_346 : vector<16xi32>
        %div3A = arith.constant 50 : i32
        %div3A_351 = vector.broadcast %div3A : i32 to vector<16xi32>
        %div3A_352 = arith.divsi %add3A_350, %div3A_351 : vector<16xi32>
        %gather3A = tpu.vector_load_idx %arg8[%div3A_352] : memref<512xf32, #tpu.memory_space<vmem>>[vector<16xi32>], vector<16xf32>,
        %broadcast_in_dim3A = arith.constant 32 : i32
        %broadcast_in_dim3A_353 = vector.broadcast %broadcast_in_dim3A : i32 to vector<16xi32>
        %gather3A_354 = arith.constant 1 : i32
        %gather3A_355 = arith.constant 0 : i32
        %gather3A_356 = arith.constant 0 : i32
        %gather3A_357 = tpu.memref_slice %arg10[%gather3A_354, %gather3A_355, %gather3A_356] : memref<2x640x40xf32, #tpu.memory_space<vmem>> -> memref<1x640x40xf32, #tpu.memory_space<vmem>>
        %gather3A_358 = tpu.memref_squeeze %gather3A_357 : memref<1x640x40xf32, #tpu.memory_space<vmem>> -> memref<640x40xf32, #tpu.memory_space<vmem>>
        %gather3A_359 = tpu.vector_load_idx %gather3A_358[%add3A_346, %broadcast_in_dim3A_353] : memref<640x40xf32, #tpu.memory_space<vmem>>[vector<16xi32>, vector<16xi32>], vector<16xf32>,
        %add3A_360 = arith.addf %gather3A, %gather3A_359 : vector<16xf32>
        %broadcast_in_dim3A_361 = arith.constant 0 : i32
        %broadcast_in_dim3A_362 = vector.broadcast %broadcast_in_dim3A_361 : i32 to vector<16xi32>
        %gather3A_363 = arith.constant 1 : i32
        %gather3A_364 = arith.constant 0 : i32
        %gather3A_365 = arith.constant 0 : i32
        %gather3A_366 = tpu.memref_slice %arg10[%gather3A_363, %gather3A_364, %gather3A_365] : memref<2x640x40xf32, #tpu.memory_space<vmem>> -> memref<1x640x40xf32, #tpu.memory_space<vmem>>
        %gather3A_367 = tpu.memref_squeeze %gather3A_366 : memref<1x640x40xf32, #tpu.memory_space<vmem>> -> memref<640x40xf32, #tpu.memory_space<vmem>>
        %gather3A_368 = tpu.vector_load_idx %gather3A_367[%add3A_346, %broadcast_in_dim3A_362] : memref<640x40xf32, #tpu.memory_space<vmem>>[vector<16xi32>, vector<16xi32>], vector<16xf32>,
        %gather3A_369 = tpu.vector_load_idx %arg7[%div3A_352, %broadcast_in_dim3A_362] : memref<512x32xf32, #tpu.memory_space<vmem>>[vector<16xi32>, vector<16xi32>], vector<16xf32>,
        %mul3A_370 = arith.mulf %gather3A_368, %gather3A_369 : vector<16xf32>
        %add3A_371 = arith.addf %add3A_360, %mul3A_370 : vector<16xf32>
        %broadcast_in_dim3A_372 = arith.constant 1 : i32
        %broadcast_in_dim3A_373 = vector.broadcast %broadcast_in_dim3A_372 : i32 to vector<16xi32>
        %gather3A_374 = arith.constant 1 : i32
        %gather3A_375 = arith.constant 0 : i32
        %gather3A_376 = arith.constant 0 : i32
        %gather3A_377 = tpu.memref_slice %arg10[%gather3A_374, %gather3A_375, %gather3A_376] : memref<2x640x40xf32, #tpu.memory_space<vmem>> -> memref<1x640x40xf32, #tpu.memory_space<vmem>>
        %gather3A_378 = tpu.memref_squeeze %gather3A_377 : memref<1x640x40xf32, #tpu.memory_space<vmem>> -> memref<640x40xf32, #tpu.memory_space<vmem>>
        %gather3A_379 = tpu.vector_load_idx %gather3A_378[%add3A_346, %broadcast_in_dim3A_373] : memref<640x40xf32, #tpu.memory_space<vmem>>[vector<16xi32>, vector<16xi32>], vector<16xf32>,
        %gather3A_380 = tpu.vector_load_idx %arg7[%div3A_352, %broadcast_in_dim3A_373] : memref<512x32xf32, #tpu.memory_space<vmem>>[vector<16xi32>, vector<16xi32>], vector<16xf32>,
        %mul3A_381 = arith.mulf %gather3A_379, %gather3A_380 : vector<16xf32>
        %add3A_382 = arith.addf %add3A_371, %mul3A_381 : vector<16xf32>
        %broadcast_in_dim3A_383 = arith.constant 2 : i32
        %broadcast_in_dim3A_384 = vector.broadcast %broadcast_in_dim3A_383 : i32 to vector<16xi32>
        %gather3A_385 = arith.constant 1 : i32
        %gather3A_386 = arith.constant 0 : i32
        %gather3A_387 = arith.constant 0 : i32
        %gather3A_388 = tpu.memref_slice %arg10[%gather3A_385, %gather3A_386, %gather3A_387] : memref<2x640x40xf32, #tpu.memory_space<vmem>> -> memref<1x640x40xf32, #tpu.memory_space<vmem>>
        %gather3A_389 = tpu.memref_squeeze %gather3A_388 : memref<1x640x40xf32, #tpu.memory_space<vmem>> -> memref<640x40xf32, #tpu.memory_space<vmem>>
        %gather3A_390 = tpu.vector_load_idx %gather3A_389[%add3A_346, %broadcast_in_dim3A_384] : memref<640x40xf32, #tpu.memory_space<vmem>>[vector<16xi32>, vector<16xi32>], vector<16xf32>,
        %gather3A_391 = tpu.vector_load_idx %arg7[%div3A_352, %broadcast_in_dim3A_384] : memref<512x32xf32, #tpu.memory_space<vmem>>[vector<16xi32>, vector<16xi32>], vector<16xf32>,
        %mul3A_392 = arith.mulf %gather3A_390, %gather3A_391 : vector<16xf32>
        %add3A_393 = arith.addf %add3A_382, %mul3A_392 : vector<16xf32>
        %broadcast_in_dim3A_394 = arith.constant 3 : i32
        %broadcast_in_dim3A_395 = vector.broadcast %broadcast_in_dim3A_394 : i32 to vector<16xi32>
        %gather3A_396 = arith.constant 1 : i32
        %gather3A_397 = arith.constant 0 : i32
        %gather3A_398 = arith.constant 0 : i32
        %gather3A_399 = tpu.memref_slice %arg10[%gather3A_396, %gather3A_397, %gather3A_398] : memref<2x640x40xf32, #tpu.memory_space<vmem>> -> memref<1x640x40xf32, #tpu.memory_space<vmem>>
        %gather3A_400 = tpu.memref_squeeze %gather3A_399 : memref<1x640x40xf32, #tpu.memory_space<vmem>> -> memref<640x40xf32, #tpu.memory_space<vmem>>
        %gather3A_401 = tpu.vector_load_idx %gather3A_400[%add3A_346, %broadcast_in_dim3A_395] : memref<640x40xf32, #tpu.memory_space<vmem>>[vector<16xi32>, vector<16xi32>], vector<16xf32>,
        %gather3A_402 = tpu.vector_load_idx %arg7[%div3A_352, %broadcast_in_dim3A_395] : memref<512x32xf32, #tpu.memory_space<vmem>>[vector<16xi32>, vector<16xi32>], vector<16xf32>,
        %mul3A_403 = arith.mulf %gather3A_401, %gather3A_402 : vector<16xf32>
        %add3A_404 = arith.addf %add3A_393, %mul3A_403 : vector<16xf32>
        %broadcast_in_dim3A_405 = arith.constant 4 : i32
        %broadcast_in_dim3A_406 = vector.broadcast %broadcast_in_dim3A_405 : i32 to vector<16xi32>
        %gather3A_407 = arith.constant 1 : i32
        %gather3A_408 = arith.constant 0 : i32
        %gather3A_409 = arith.constant 0 : i32
        %gather3A_410 = tpu.memref_slice %arg10[%gather3A_407, %gather3A_408, %gather3A_409] : memref<2x640x40xf32, #tpu.memory_space<vmem>> -> memref<1x640x40xf32, #tpu.memory_space<vmem>>
        %gather3A_411 = tpu.memref_squeeze %gather3A_410 : memref<1x640x40xf32, #tpu.memory_space<vmem>> -> memref<640x40xf32, #tpu.memory_space<vmem>>
        %gather3A_412 = tpu.vector_load_idx %gather3A_411[%add3A_346, %broadcast_in_dim3A_406] : memref<640x40xf32, #tpu.memory_space<vmem>>[vector<16xi32>, vector<16xi32>], vector<16xf32>,
        %gather3A_413 = tpu.vector_load_idx %arg7[%div3A_352, %broadcast_in_dim3A_406] : memref<512x32xf32, #tpu.memory_space<vmem>>[vector<16xi32>, vector<16xi32>], vector<16xf32>,
        %mul3A_414 = arith.mulf %gather3A_412, %gather3A_413 : vector<16xf32>
        %add3A_415 = arith.addf %add3A_404, %mul3A_414 : vector<16xf32>
        %broadcast_in_dim3A_416 = arith.constant 5 : i32
        %broadcast_in_dim3A_417 = vector.broadcast %broadcast_in_dim3A_416 : i32 to vector<16xi32>
        %gather3A_418 = arith.constant 1 : i32
        %gather3A_419 = arith.constant 0 : i32
        %gather3A_420 = arith.constant 0 : i32
        %gather3A_421 = tpu.memref_slice %arg10[%gather3A_418, %gather3A_419, %gather3A_420] : memref<2x640x40xf32, #tpu.memory_space<vmem>> -> memref<1x640x40xf32, #tpu.memory_space<vmem>>
        %gather3A_422 = tpu.memref_squeeze %gather3A_421 : memref<1x640x40xf32, #tpu.memory_space<vmem>> -> memref<640x40xf32, #tpu.memory_space<vmem>>
        %gather3A_423 = tpu.vector_load_idx %gather3A_422[%add3A_346, %broadcast_in_dim3A_417] : memref<640x40xf32, #tpu.memory_space<vmem>>[vector<16xi32>, vector<16xi32>], vector<16xf32>,
        %gather3A_424 = tpu.vector_load_idx %arg7[%div3A_352, %broadcast_in_dim3A_417] : memref<512x32xf32, #tpu.memory_space<vmem>>[vector<16xi32>, vector<16xi32>], vector<16xf32>,
        %mul3A_425 = arith.mulf %gather3A_423, %gather3A_424 : vector<16xf32>
        %add3A_426 = arith.addf %add3A_415, %mul3A_425 : vector<16xf32>
        %broadcast_in_dim3A_427 = arith.constant 6 : i32
        %broadcast_in_dim3A_428 = vector.broadcast %broadcast_in_dim3A_427 : i32 to vector<16xi32>
        %gather3A_429 = arith.constant 1 : i32
        %gather3A_430 = arith.constant 0 : i32
        %gather3A_431 = arith.constant 0 : i32
        %gather3A_432 = tpu.memref_slice %arg10[%gather3A_429, %gather3A_430, %gather3A_431] : memref<2x640x40xf32, #tpu.memory_space<vmem>> -> memref<1x640x40xf32, #tpu.memory_space<vmem>>
        %gather3A_433 = tpu.memref_squeeze %gather3A_432 : memref<1x640x40xf32, #tpu.memory_space<vmem>> -> memref<640x40xf32, #tpu.memory_space<vmem>>
        %gather3A_434 = tpu.vector_load_idx %gather3A_433[%add3A_346, %broadcast_in_dim3A_428] : memref<640x40xf32, #tpu.memory_space<vmem>>[vector<16xi32>, vector<16xi32>], vector<16xf32>,
        %gather3A_435 = tpu.vector_load_idx %arg7[%div3A_352, %broadcast_in_dim3A_428] : memref<512x32xf32, #tpu.memory_space<vmem>>[vector<16xi32>, vector<16xi32>], vector<16xf32>,
        %mul3A_436 = arith.mulf %gather3A_434, %gather3A_435 : vector<16xf32>
        %add3A_437 = arith.addf %add3A_426, %mul3A_436 : vector<16xf32>
        %broadcast_in_dim3A_438 = arith.constant 7 : i32
        %broadcast_in_dim3A_439 = vector.broadcast %broadcast_in_dim3A_438 : i32 to vector<16xi32>
        %gather3A_440 = arith.constant 1 : i32
        %gather3A_441 = arith.constant 0 : i32
        %gather3A_442 = arith.constant 0 : i32
        %gather3A_443 = tpu.memref_slice %arg10[%gather3A_440, %gather3A_441, %gather3A_442] : memref<2x640x40xf32, #tpu.memory_space<vmem>> -> memref<1x640x40xf32, #tpu.memory_space<vmem>>
        %gather3A_444 = tpu.memref_squeeze %gather3A_443 : memref<1x640x40xf32, #tpu.memory_space<vmem>> -> memref<640x40xf32, #tpu.memory_space<vmem>>
        %gather3A_445 = tpu.vector_load_idx %gather3A_444[%add3A_346, %broadcast_in_dim3A_439] : memref<640x40xf32, #tpu.memory_space<vmem>>[vector<16xi32>, vector<16xi32>], vector<16xf32>,
        %gather3A_446 = tpu.vector_load_idx %arg7[%div3A_352, %broadcast_in_dim3A_439] : memref<512x32xf32, #tpu.memory_space<vmem>>[vector<16xi32>, vector<16xi32>], vector<16xf32>,
        %mul3A_447 = arith.mulf %gather3A_445, %gather3A_446 : vector<16xf32>
        %add3A_448 = arith.addf %add3A_437, %mul3A_447 : vector<16xf32>
        %broadcast_in_dim3A_449 = arith.constant 8 : i32
        %broadcast_in_dim3A_450 = vector.broadcast %broadcast_in_dim3A_449 : i32 to vector<16xi32>
        %gather3A_451 = arith.constant 1 : i32
        %gather3A_452 = arith.constant 0 : i32
        %gather3A_453 = arith.constant 0 : i32
        %gather3A_454 = tpu.memref_slice %arg10[%gather3A_451, %gather3A_452, %gather3A_453] : memref<2x640x40xf32, #tpu.memory_space<vmem>> -> memref<1x640x40xf32, #tpu.memory_space<vmem>>
        %gather3A_455 = tpu.memref_squeeze %gather3A_454 : memref<1x640x40xf32, #tpu.memory_space<vmem>> -> memref<640x40xf32, #tpu.memory_space<vmem>>
        %gather3A_456 = tpu.vector_load_idx %gather3A_455[%add3A_346, %broadcast_in_dim3A_450] : memref<640x40xf32, #tpu.memory_space<vmem>>[vector<16xi32>, vector<16xi32>], vector<16xf32>,
        %gather3A_457 = tpu.vector_load_idx %arg7[%div3A_352, %broadcast_in_dim3A_450] : memref<512x32xf32, #tpu.memory_space<vmem>>[vector<16xi32>, vector<16xi32>], vector<16xf32>,
        %mul3A_458 = arith.mulf %gather3A_456, %gather3A_457 : vector<16xf32>
        %add3A_459 = arith.addf %add3A_448, %mul3A_458 : vector<16xf32>
        %broadcast_in_dim3A_460 = arith.constant 9 : i32
        %broadcast_in_dim3A_461 = vector.broadcast %broadcast_in_dim3A_460 : i32 to vector<16xi32>
        %gather3A_462 = arith.constant 1 : i32
        %gather3A_463 = arith.constant 0 : i32
        %gather3A_464 = arith.constant 0 : i32
        %gather3A_465 = tpu.memref_slice %arg10[%gather3A_462, %gather3A_463, %gather3A_464] : memref<2x640x40xf32, #tpu.memory_space<vmem>> -> memref<1x640x40xf32, #tpu.memory_space<vmem>>
        %gather3A_466 = tpu.memref_squeeze %gather3A_465 : memref<1x640x40xf32, #tpu.memory_space<vmem>> -> memref<640x40xf32, #tpu.memory_space<vmem>>
        %gather3A_467 = tpu.vector_load_idx %gather3A_466[%add3A_346, %broadcast_in_dim3A_461] : memref<640x40xf32, #tpu.memory_space<vmem>>[vector<16xi32>, vector<16xi32>], vector<16xf32>,
        %gather3A_468 = tpu.vector_load_idx %arg7[%div3A_352, %broadcast_in_dim3A_461] : memref<512x32xf32, #tpu.memory_space<vmem>>[vector<16xi32>, vector<16xi32>], vector<16xf32>,
        %mul3A_469 = arith.mulf %gather3A_467, %gather3A_468 : vector<16xf32>
        %add3A_470 = arith.addf %add3A_459, %mul3A_469 : vector<16xf32>
        %broadcast_in_dim3A_471 = arith.constant 10 : i32
        %broadcast_in_dim3A_472 = vector.broadcast %broadcast_in_dim3A_471 : i32 to vector<16xi32>
        %gather3A_473 = arith.constant 1 : i32
        %gather3A_474 = arith.constant 0 : i32
        %gather3A_475 = arith.constant 0 : i32
        %gather3A_476 = tpu.memref_slice %arg10[%gather3A_473, %gather3A_474, %gather3A_475] : memref<2x640x40xf32, #tpu.memory_space<vmem>> -> memref<1x640x40xf32, #tpu.memory_space<vmem>>
        %gather3A_477 = tpu.memref_squeeze %gather3A_476 : memref<1x640x40xf32, #tpu.memory_space<vmem>> -> memref<640x40xf32, #tpu.memory_space<vmem>>
        %gather3A_478 = tpu.vector_load_idx %gather3A_477[%add3A_346, %broadcast_in_dim3A_472] : memref<640x40xf32, #tpu.memory_space<vmem>>[vector<16xi32>, vector<16xi32>], vector<16xf32>,
        %gather3A_479 = tpu.vector_load_idx %arg7[%div3A_352, %broadcast_in_dim3A_472] : memref<512x32xf32, #tpu.memory_space<vmem>>[vector<16xi32>, vector<16xi32>], vector<16xf32>,
        %mul3A_480 = arith.mulf %gather3A_478, %gather3A_479 : vector<16xf32>
        %add3A_481 = arith.addf %add3A_470, %mul3A_480 : vector<16xf32>
        %broadcast_in_dim3A_482 = arith.constant 11 : i32
        %broadcast_in_dim3A_483 = vector.broadcast %broadcast_in_dim3A_482 : i32 to vector<16xi32>
        %gather3A_484 = arith.constant 1 : i32
        %gather3A_485 = arith.constant 0 : i32
        %gather3A_486 = arith.constant 0 : i32
        %gather3A_487 = tpu.memref_slice %arg10[%gather3A_484, %gather3A_485, %gather3A_486] : memref<2x640x40xf32, #tpu.memory_space<vmem>> -> memref<1x640x40xf32, #tpu.memory_space<vmem>>
        %gather3A_488 = tpu.memref_squeeze %gather3A_487 : memref<1x640x40xf32, #tpu.memory_space<vmem>> -> memref<640x40xf32, #tpu.memory_space<vmem>>
        %gather3A_489 = tpu.vector_load_idx %gather3A_488[%add3A_346, %broadcast_in_dim3A_483] : memref<640x40xf32, #tpu.memory_space<vmem>>[vector<16xi32>, vector<16xi32>], vector<16xf32>,
        %gather3A_490 = tpu.vector_load_idx %arg7[%div3A_352, %broadcast_in_dim3A_483] : memref<512x32xf32, #tpu.memory_space<vmem>>[vector<16xi32>, vector<16xi32>], vector<16xf32>,
        %mul3A_491 = arith.mulf %gather3A_489, %gather3A_490 : vector<16xf32>
        %add3A_492 = arith.addf %add3A_481, %mul3A_491 : vector<16xf32>
        %broadcast_in_dim3A_493 = arith.constant 12 : i32
        %broadcast_in_dim3A_494 = vector.broadcast %broadcast_in_dim3A_493 : i32 to vector<16xi32>
        %gather3A_495 = arith.constant 1 : i32
        %gather3A_496 = arith.constant 0 : i32
        %gather3A_497 = arith.constant 0 : i32
        %gather3A_498 = tpu.memref_slice %arg10[%gather3A_495, %gather3A_496, %gather3A_497] : memref<2x640x40xf32, #tpu.memory_space<vmem>> -> memref<1x640x40xf32, #tpu.memory_space<vmem>>
        %gather3A_499 = tpu.memref_squeeze %gather3A_498 : memref<1x640x40xf32, #tpu.memory_space<vmem>> -> memref<640x40xf32, #tpu.memory_space<vmem>>
        %gather3A_500 = tpu.vector_load_idx %gather3A_499[%add3A_346, %broadcast_in_dim3A_494] : memref<640x40xf32, #tpu.memory_space<vmem>>[vector<16xi32>, vector<16xi32>], vector<16xf32>,
        %gather3A_501 = tpu.vector_load_idx %arg7[%div3A_352, %broadcast_in_dim3A_494] : memref<512x32xf32, #tpu.memory_space<vmem>>[vector<16xi32>, vector<16xi32>], vector<16xf32>,
        %mul3A_502 = arith.mulf %gather3A_500, %gather3A_501 : vector<16xf32>
        %add3A_503 = arith.addf %add3A_492, %mul3A_502 : vector<16xf32>
        %broadcast_in_dim3A_504 = arith.constant 13 : i32
        %broadcast_in_dim3A_505 = vector.broadcast %broadcast_in_dim3A_504 : i32 to vector<16xi32>
        %gather3A_506 = arith.constant 1 : i32
        %gather3A_507 = arith.constant 0 : i32
        %gather3A_508 = arith.constant 0 : i32
        %gather3A_509 = tpu.memref_slice %arg10[%gather3A_506, %gather3A_507, %gather3A_508] : memref<2x640x40xf32, #tpu.memory_space<vmem>> -> memref<1x640x40xf32, #tpu.memory_space<vmem>>
        %gather3A_510 = tpu.memref_squeeze %gather3A_509 : memref<1x640x40xf32, #tpu.memory_space<vmem>> -> memref<640x40xf32, #tpu.memory_space<vmem>>
        %gather3A_511 = tpu.vector_load_idx %gather3A_510[%add3A_346, %broadcast_in_dim3A_505] : memref<640x40xf32, #tpu.memory_space<vmem>>[vector<16xi32>, vector<16xi32>], vector<16xf32>,
        %gather3A_512 = tpu.vector_load_idx %arg7[%div3A_352, %broadcast_in_dim3A_505] : memref<512x32xf32, #tpu.memory_space<vmem>>[vector<16xi32>, vector<16xi32>], vector<16xf32>,
        %mul3A_513 = arith.mulf %gather3A_511, %gather3A_512 : vector<16xf32>
        %add3A_514 = arith.addf %add3A_503, %mul3A_513 : vector<16xf32>
        %broadcast_in_dim3A_515 = arith.constant 14 : i32
        %broadcast_in_dim3A_516 = vector.broadcast %broadcast_in_dim3A_515 : i32 to vector<16xi32>
        %gather3A_517 = arith.constant 1 : i32
        %gather3A_518 = arith.constant 0 : i32
        %gather3A_519 = arith.constant 0 : i32
        %gather3A_520 = tpu.memref_slice %arg10[%gather3A_517, %gather3A_518, %gather3A_519] : memref<2x640x40xf32, #tpu.memory_space<vmem>> -> memref<1x640x40xf32, #tpu.memory_space<vmem>>
        %gather3A_521 = tpu.memref_squeeze %gather3A_520 : memref<1x640x40xf32, #tpu.memory_space<vmem>> -> memref<640x40xf32, #tpu.memory_space<vmem>>
        %gather3A_522 = tpu.vector_load_idx %gather3A_521[%add3A_346, %broadcast_in_dim3A_516] : memref<640x40xf32, #tpu.memory_space<vmem>>[vector<16xi32>, vector<16xi32>], vector<16xf32>,
        %gather3A_523 = tpu.vector_load_idx %arg7[%div3A_352, %broadcast_in_dim3A_516] : memref<512x32xf32, #tpu.memory_space<vmem>>[vector<16xi32>, vector<16xi32>], vector<16xf32>,
        %mul3A_524 = arith.mulf %gather3A_522, %gather3A_523 : vector<16xf32>
        %add3A_525 = arith.addf %add3A_514, %mul3A_524 : vector<16xf32>
        %broadcast_in_dim3A_526 = arith.constant 15 : i32
        %broadcast_in_dim3A_527 = vector.broadcast %broadcast_in_dim3A_526 : i32 to vector<16xi32>
        %gather3A_528 = arith.constant 1 : i32
        %gather3A_529 = arith.constant 0 : i32
        %gather3A_530 = arith.constant 0 : i32
        %gather3A_531 = tpu.memref_slice %arg10[%gather3A_528, %gather3A_529, %gather3A_530] : memref<2x640x40xf32, #tpu.memory_space<vmem>> -> memref<1x640x40xf32, #tpu.memory_space<vmem>>
        %gather3A_532 = tpu.memref_squeeze %gather3A_531 : memref<1x640x40xf32, #tpu.memory_space<vmem>> -> memref<640x40xf32, #tpu.memory_space<vmem>>
        %gather3A_533 = tpu.vector_load_idx %gather3A_532[%add3A_346, %broadcast_in_dim3A_527] : memref<640x40xf32, #tpu.memory_space<vmem>>[vector<16xi32>, vector<16xi32>], vector<16xf32>,
        %gather3A_534 = tpu.vector_load_idx %arg7[%div3A_352, %broadcast_in_dim3A_527] : memref<512x32xf32, #tpu.memory_space<vmem>>[vector<16xi32>, vector<16xi32>], vector<16xf32>,
        %mul3A_535 = arith.mulf %gather3A_533, %gather3A_534 : vector<16xf32>
        %add3A_536 = arith.addf %add3A_525, %mul3A_535 : vector<16xf32>
        %broadcast_in_dim3A_537 = arith.constant 16 : i32
        %broadcast_in_dim3A_538 = vector.broadcast %broadcast_in_dim3A_537 : i32 to vector<16xi32>
        %gather3A_539 = arith.constant 1 : i32
        %gather3A_540 = arith.constant 0 : i32
        %gather3A_541 = arith.constant 0 : i32
        %gather3A_542 = tpu.memref_slice %arg10[%gather3A_539, %gather3A_540, %gather3A_541] : memref<2x640x40xf32, #tpu.memory_space<vmem>> -> memref<1x640x40xf32, #tpu.memory_space<vmem>>
        %gather3A_543 = tpu.memref_squeeze %gather3A_542 : memref<1x640x40xf32, #tpu.memory_space<vmem>> -> memref<640x40xf32, #tpu.memory_space<vmem>>
        %gather3A_544 = tpu.vector_load_idx %gather3A_543[%add3A_346, %broadcast_in_dim3A_538] : memref<640x40xf32, #tpu.memory_space<vmem>>[vector<16xi32>, vector<16xi32>], vector<16xf32>,
        %gather3A_545 = tpu.vector_load_idx %arg7[%div3A_352, %broadcast_in_dim3A_538] : memref<512x32xf32, #tpu.memory_space<vmem>>[vector<16xi32>, vector<16xi32>], vector<16xf32>,
        %mul3A_546 = arith.mulf %gather3A_544, %gather3A_545 : vector<16xf32>
        %add3A_547 = arith.addf %add3A_536, %mul3A_546 : vector<16xf32>
        %broadcast_in_dim3A_548 = arith.constant 17 : i32
        %broadcast_in_dim3A_549 = vector.broadcast %broadcast_in_dim3A_548 : i32 to vector<16xi32>
        %gather3A_550 = arith.constant 1 : i32
        %gather3A_551 = arith.constant 0 : i32
        %gather3A_552 = arith.constant 0 : i32
        %gather3A_553 = tpu.memref_slice %arg10[%gather3A_550, %gather3A_551, %gather3A_552] : memref<2x640x40xf32, #tpu.memory_space<vmem>> -> memref<1x640x40xf32, #tpu.memory_space<vmem>>
        %gather3A_554 = tpu.memref_squeeze %gather3A_553 : memref<1x640x40xf32, #tpu.memory_space<vmem>> -> memref<640x40xf32, #tpu.memory_space<vmem>>
        %gather3A_555 = tpu.vector_load_idx %gather3A_554[%add3A_346, %broadcast_in_dim3A_549] : memref<640x40xf32, #tpu.memory_space<vmem>>[vector<16xi32>, vector<16xi32>], vector<16xf32>,
        %gather3A_556 = tpu.vector_load_idx %arg7[%div3A_352, %broadcast_in_dim3A_549] : memref<512x32xf32, #tpu.memory_space<vmem>>[vector<16xi32>, vector<16xi32>], vector<16xf32>,
        %mul3A_557 = arith.mulf %gather3A_555, %gather3A_556 : vector<16xf32>
        %add3A_558 = arith.addf %add3A_547, %mul3A_557 : vector<16xf32>
        %broadcast_in_dim3A_559 = arith.constant 18 : i32
        %broadcast_in_dim3A_560 = vector.broadcast %broadcast_in_dim3A_559 : i32 to vector<16xi32>
        %gather3A_561 = arith.constant 1 : i32
        %gather3A_562 = arith.constant 0 : i32
        %gather3A_563 = arith.constant 0 : i32
        %gather3A_564 = tpu.memref_slice %arg10[%gather3A_561, %gather3A_562, %gather3A_563] : memref<2x640x40xf32, #tpu.memory_space<vmem>> -> memref<1x640x40xf32, #tpu.memory_space<vmem>>
        %gather3A_565 = tpu.memref_squeeze %gather3A_564 : memref<1x640x40xf32, #tpu.memory_space<vmem>> -> memref<640x40xf32, #tpu.memory_space<vmem>>
        %gather3A_566 = tpu.vector_load_idx %gather3A_565[%add3A_346, %broadcast_in_dim3A_560] : memref<640x40xf32, #tpu.memory_space<vmem>>[vector<16xi32>, vector<16xi32>], vector<16xf32>,
        %gather3A_567 = tpu.vector_load_idx %arg7[%div3A_352, %broadcast_in_dim3A_560] : memref<512x32xf32, #tpu.memory_space<vmem>>[vector<16xi32>, vector<16xi32>], vector<16xf32>,
        %mul3A_568 = arith.mulf %gather3A_566, %gather3A_567 : vector<16xf32>
        %add3A_569 = arith.addf %add3A_558, %mul3A_568 : vector<16xf32>
        %broadcast_in_dim3A_570 = arith.constant 19 : i32
        %broadcast_in_dim3A_571 = vector.broadcast %broadcast_in_dim3A_570 : i32 to vector<16xi32>
        %gather3A_572 = arith.constant 1 : i32
        %gather3A_573 = arith.constant 0 : i32
        %gather3A_574 = arith.constant 0 : i32
        %gather3A_575 = tpu.memref_slice %arg10[%gather3A_572, %gather3A_573, %gather3A_574] : memref<2x640x40xf32, #tpu.memory_space<vmem>> -> memref<1x640x40xf32, #tpu.memory_space<vmem>>
        %gather3A_576 = tpu.memref_squeeze %gather3A_575 : memref<1x640x40xf32, #tpu.memory_space<vmem>> -> memref<640x40xf32, #tpu.memory_space<vmem>>
        %gather3A_577 = tpu.vector_load_idx %gather3A_576[%add3A_346, %broadcast_in_dim3A_571] : memref<640x40xf32, #tpu.memory_space<vmem>>[vector<16xi32>, vector<16xi32>], vector<16xf32>,
        %gather3A_578 = tpu.vector_load_idx %arg7[%div3A_352, %broadcast_in_dim3A_571] : memref<512x32xf32, #tpu.memory_space<vmem>>[vector<16xi32>, vector<16xi32>], vector<16xf32>,
        %mul3A_579 = arith.mulf %gather3A_577, %gather3A_578 : vector<16xf32>
        %add3A_580 = arith.addf %add3A_569, %mul3A_579 : vector<16xf32>
        %broadcast_in_dim3A_581 = arith.constant 20 : i32
        %broadcast_in_dim3A_582 = vector.broadcast %broadcast_in_dim3A_581 : i32 to vector<16xi32>
        %gather3A_583 = arith.constant 1 : i32
        %gather3A_584 = arith.constant 0 : i32
        %gather3A_585 = arith.constant 0 : i32
        %gather3A_586 = tpu.memref_slice %arg10[%gather3A_583, %gather3A_584, %gather3A_585] : memref<2x640x40xf32, #tpu.memory_space<vmem>> -> memref<1x640x40xf32, #tpu.memory_space<vmem>>
        %gather3A_587 = tpu.memref_squeeze %gather3A_586 : memref<1x640x40xf32, #tpu.memory_space<vmem>> -> memref<640x40xf32, #tpu.memory_space<vmem>>
        %gather3A_588 = tpu.vector_load_idx %gather3A_587[%add3A_346, %broadcast_in_dim3A_582] : memref<640x40xf32, #tpu.memory_space<vmem>>[vector<16xi32>, vector<16xi32>], vector<16xf32>,
        %gather3A_589 = tpu.vector_load_idx %arg7[%div3A_352, %broadcast_in_dim3A_582] : memref<512x32xf32, #tpu.memory_space<vmem>>[vector<16xi32>, vector<16xi32>], vector<16xf32>,
        %mul3A_590 = arith.mulf %gather3A_588, %gather3A_589 : vector<16xf32>
        %add3A_591 = arith.addf %add3A_580, %mul3A_590 : vector<16xf32>
        %broadcast_in_dim3A_592 = arith.constant 21 : i32
        %broadcast_in_dim3A_593 = vector.broadcast %broadcast_in_dim3A_592 : i32 to vector<16xi32>
        %gather3A_594 = arith.constant 1 : i32
        %gather3A_595 = arith.constant 0 : i32
        %gather3A_596 = arith.constant 0 : i32
        %gather3A_597 = tpu.memref_slice %arg10[%gather3A_594, %gather3A_595, %gather3A_596] : memref<2x640x40xf32, #tpu.memory_space<vmem>> -> memref<1x640x40xf32, #tpu.memory_space<vmem>>
        %gather3A_598 = tpu.memref_squeeze %gather3A_597 : memref<1x640x40xf32, #tpu.memory_space<vmem>> -> memref<640x40xf32, #tpu.memory_space<vmem>>
        %gather3A_599 = tpu.vector_load_idx %gather3A_598[%add3A_346, %broadcast_in_dim3A_593] : memref<640x40xf32, #tpu.memory_space<vmem>>[vector<16xi32>, vector<16xi32>], vector<16xf32>,
        %gather3A_600 = tpu.vector_load_idx %arg7[%div3A_352, %broadcast_in_dim3A_593] : memref<512x32xf32, #tpu.memory_space<vmem>>[vector<16xi32>, vector<16xi32>], vector<16xf32>,
        %mul3A_601 = arith.mulf %gather3A_599, %gather3A_600 : vector<16xf32>
        %add3A_602 = arith.addf %add3A_591, %mul3A_601 : vector<16xf32>
        %broadcast_in_dim3A_603 = arith.constant 22 : i32
        %broadcast_in_dim3A_604 = vector.broadcast %broadcast_in_dim3A_603 : i32 to vector<16xi32>
        %gather3A_605 = arith.constant 1 : i32
        %gather3A_606 = arith.constant 0 : i32
        %gather3A_607 = arith.constant 0 : i32
        %gather3A_608 = tpu.memref_slice %arg10[%gather3A_605, %gather3A_606, %gather3A_607] : memref<2x640x40xf32, #tpu.memory_space<vmem>> -> memref<1x640x40xf32, #tpu.memory_space<vmem>>
        %gather3A_609 = tpu.memref_squeeze %gather3A_608 : memref<1x640x40xf32, #tpu.memory_space<vmem>> -> memref<640x40xf32, #tpu.memory_space<vmem>>
        %gather3A_610 = tpu.vector_load_idx %gather3A_609[%add3A_346, %broadcast_in_dim3A_604] : memref<640x40xf32, #tpu.memory_space<vmem>>[vector<16xi32>, vector<16xi32>], vector<16xf32>,
        %gather3A_611 = tpu.vector_load_idx %arg7[%div3A_352, %broadcast_in_dim3A_604] : memref<512x32xf32, #tpu.memory_space<vmem>>[vector<16xi32>, vector<16xi32>], vector<16xf32>,
        %mul3A_612 = arith.mulf %gather3A_610, %gather3A_611 : vector<16xf32>
        %add3A_613 = arith.addf %add3A_602, %mul3A_612 : vector<16xf32>
        %broadcast_in_dim3A_614 = arith.constant 23 : i32
        %broadcast_in_dim3A_615 = vector.broadcast %broadcast_in_dim3A_614 : i32 to vector<16xi32>
        %gather3A_616 = arith.constant 1 : i32
        %gather3A_617 = arith.constant 0 : i32
        %gather3A_618 = arith.constant 0 : i32
        %gather3A_619 = tpu.memref_slice %arg10[%gather3A_616, %gather3A_617, %gather3A_618] : memref<2x640x40xf32, #tpu.memory_space<vmem>> -> memref<1x640x40xf32, #tpu.memory_space<vmem>>
        %gather3A_620 = tpu.memref_squeeze %gather3A_619 : memref<1x640x40xf32, #tpu.memory_space<vmem>> -> memref<640x40xf32, #tpu.memory_space<vmem>>
        %gather3A_621 = tpu.vector_load_idx %gather3A_620[%add3A_346, %broadcast_in_dim3A_615] : memref<640x40xf32, #tpu.memory_space<vmem>>[vector<16xi32>, vector<16xi32>], vector<16xf32>,
        %gather3A_622 = tpu.vector_load_idx %arg7[%div3A_352, %broadcast_in_dim3A_615] : memref<512x32xf32, #tpu.memory_space<vmem>>[vector<16xi32>, vector<16xi32>], vector<16xf32>,
        %mul3A_623 = arith.mulf %gather3A_621, %gather3A_622 : vector<16xf32>
        %add3A_624 = arith.addf %add3A_613, %mul3A_623 : vector<16xf32>
        %broadcast_in_dim3A_625 = arith.constant 24 : i32
        %broadcast_in_dim3A_626 = vector.broadcast %broadcast_in_dim3A_625 : i32 to vector<16xi32>
        %gather3A_627 = arith.constant 1 : i32
        %gather3A_628 = arith.constant 0 : i32
        %gather3A_629 = arith.constant 0 : i32
        %gather3A_630 = tpu.memref_slice %arg10[%gather3A_627, %gather3A_628, %gather3A_629] : memref<2x640x40xf32, #tpu.memory_space<vmem>> -> memref<1x640x40xf32, #tpu.memory_space<vmem>>
        %gather3A_631 = tpu.memref_squeeze %gather3A_630 : memref<1x640x40xf32, #tpu.memory_space<vmem>> -> memref<640x40xf32, #tpu.memory_space<vmem>>
        %gather3A_632 = tpu.vector_load_idx %gather3A_631[%add3A_346, %broadcast_in_dim3A_626] : memref<640x40xf32, #tpu.memory_space<vmem>>[vector<16xi32>, vector<16xi32>], vector<16xf32>,
        %gather3A_633 = tpu.vector_load_idx %arg7[%div3A_352, %broadcast_in_dim3A_626] : memref<512x32xf32, #tpu.memory_space<vmem>>[vector<16xi32>, vector<16xi32>], vector<16xf32>,
        %mul3A_634 = arith.mulf %gather3A_632, %gather3A_633 : vector<16xf32>
        %add3A_635 = arith.addf %add3A_624, %mul3A_634 : vector<16xf32>
        %broadcast_in_dim3A_636 = arith.constant 25 : i32
        %broadcast_in_dim3A_637 = vector.broadcast %broadcast_in_dim3A_636 : i32 to vector<16xi32>
        %gather3A_638 = arith.constant 1 : i32
        %gather3A_639 = arith.constant 0 : i32
        %gather3A_640 = arith.constant 0 : i32
        %gather3A_641 = tpu.memref_slice %arg10[%gather3A_638, %gather3A_639, %gather3A_640] : memref<2x640x40xf32, #tpu.memory_space<vmem>> -> memref<1x640x40xf32, #tpu.memory_space<vmem>>
        %gather3A_642 = tpu.memref_squeeze %gather3A_641 : memref<1x640x40xf32, #tpu.memory_space<vmem>> -> memref<640x40xf32, #tpu.memory_space<vmem>>
        %gather3A_643 = tpu.vector_load_idx %gather3A_642[%add3A_346, %broadcast_in_dim3A_637] : memref<640x40xf32, #tpu.memory_space<vmem>>[vector<16xi32>, vector<16xi32>], vector<16xf32>,
        %gather3A_644 = tpu.vector_load_idx %arg7[%div3A_352, %broadcast_in_dim3A_637] : memref<512x32xf32, #tpu.memory_space<vmem>>[vector<16xi32>, vector<16xi32>], vector<16xf32>,
        %mul3A_645 = arith.mulf %gather3A_643, %gather3A_644 : vector<16xf32>
        %add3A_646 = arith.addf %add3A_635, %mul3A_645 : vector<16xf32>
        %broadcast_in_dim3A_647 = arith.constant 26 : i32
        %broadcast_in_dim3A_648 = vector.broadcast %broadcast_in_dim3A_647 : i32 to vector<16xi32>
        %gather3A_649 = arith.constant 1 : i32
        %gather3A_650 = arith.constant 0 : i32
        %gather3A_651 = arith.constant 0 : i32
        %gather3A_652 = tpu.memref_slice %arg10[%gather3A_649, %gather3A_650, %gather3A_651] : memref<2x640x40xf32, #tpu.memory_space<vmem>> -> memref<1x640x40xf32, #tpu.memory_space<vmem>>
        %gather3A_653 = tpu.memref_squeeze %gather3A_652 : memref<1x640x40xf32, #tpu.memory_space<vmem>> -> memref<640x40xf32, #tpu.memory_space<vmem>>
        %gather3A_654 = tpu.vector_load_idx %gather3A_653[%add3A_346, %broadcast_in_dim3A_648] : memref<640x40xf32, #tpu.memory_space<vmem>>[vector<16xi32>, vector<16xi32>], vector<16xf32>,
        %gather3A_655 = tpu.vector_load_idx %arg7[%div3A_352, %broadcast_in_dim3A_648] : memref<512x32xf32, #tpu.memory_space<vmem>>[vector<16xi32>, vector<16xi32>], vector<16xf32>,
        %mul3A_656 = arith.mulf %gather3A_654, %gather3A_655 : vector<16xf32>
        %add3A_657 = arith.addf %add3A_646, %mul3A_656 : vector<16xf32>
        %broadcast_in_dim3A_658 = arith.constant 27 : i32
        %broadcast_in_dim3A_659 = vector.broadcast %broadcast_in_dim3A_658 : i32 to vector<16xi32>
        %gather3A_660 = arith.constant 1 : i32
        %gather3A_661 = arith.constant 0 : i32
        %gather3A_662 = arith.constant 0 : i32
        %gather3A_663 = tpu.memref_slice %arg10[%gather3A_660, %gather3A_661, %gather3A_662] : memref<2x640x40xf32, #tpu.memory_space<vmem>> -> memref<1x640x40xf32, #tpu.memory_space<vmem>>
        %gather3A_664 = tpu.memref_squeeze %gather3A_663 : memref<1x640x40xf32, #tpu.memory_space<vmem>> -> memref<640x40xf32, #tpu.memory_space<vmem>>
        %gather3A_665 = tpu.vector_load_idx %gather3A_664[%add3A_346, %broadcast_in_dim3A_659] : memref<640x40xf32, #tpu.memory_space<vmem>>[vector<16xi32>, vector<16xi32>], vector<16xf32>,
        %gather3A_666 = tpu.vector_load_idx %arg7[%div3A_352, %broadcast_in_dim3A_659] : memref<512x32xf32, #tpu.memory_space<vmem>>[vector<16xi32>, vector<16xi32>], vector<16xf32>,
        %mul3A_667 = arith.mulf %gather3A_665, %gather3A_666 : vector<16xf32>
        %add3A_668 = arith.addf %add3A_657, %mul3A_667 : vector<16xf32>
        %broadcast_in_dim3A_669 = arith.constant 28 : i32
        %broadcast_in_dim3A_670 = vector.broadcast %broadcast_in_dim3A_669 : i32 to vector<16xi32>
        %gather3A_671 = arith.constant 1 : i32
        %gather3A_672 = arith.constant 0 : i32
        %gather3A_673 = arith.constant 0 : i32
        %gather3A_674 = tpu.memref_slice %arg10[%gather3A_671, %gather3A_672, %gather3A_673] : memref<2x640x40xf32, #tpu.memory_space<vmem>> -> memref<1x640x40xf32, #tpu.memory_space<vmem>>
        %gather3A_675 = tpu.memref_squeeze %gather3A_674 : memref<1x640x40xf32, #tpu.memory_space<vmem>> -> memref<640x40xf32, #tpu.memory_space<vmem>>
        %gather3A_676 = tpu.vector_load_idx %gather3A_675[%add3A_346, %broadcast_in_dim3A_670] : memref<640x40xf32, #tpu.memory_space<vmem>>[vector<16xi32>, vector<16xi32>], vector<16xf32>,
        %gather3A_677 = tpu.vector_load_idx %arg7[%div3A_352, %broadcast_in_dim3A_670] : memref<512x32xf32, #tpu.memory_space<vmem>>[vector<16xi32>, vector<16xi32>], vector<16xf32>,
        %mul3A_678 = arith.mulf %gather3A_676, %gather3A_677 : vector<16xf32>
        %add3A_679 = arith.addf %add3A_668, %mul3A_678 : vector<16xf32>
        %broadcast_in_dim3A_680 = arith.constant 29 : i32
        %broadcast_in_dim3A_681 = vector.broadcast %broadcast_in_dim3A_680 : i32 to vector<16xi32>
        %gather3A_682 = arith.constant 1 : i32
        %gather3A_683 = arith.constant 0 : i32
        %gather3A_684 = arith.constant 0 : i32
        %gather3A_685 = tpu.memref_slice %arg10[%gather3A_682, %gather3A_683, %gather3A_684] : memref<2x640x40xf32, #tpu.memory_space<vmem>> -> memref<1x640x40xf32, #tpu.memory_space<vmem>>
        %gather3A_686 = tpu.memref_squeeze %gather3A_685 : memref<1x640x40xf32, #tpu.memory_space<vmem>> -> memref<640x40xf32, #tpu.memory_space<vmem>>
        %gather3A_687 = tpu.vector_load_idx %gather3A_686[%add3A_346, %broadcast_in_dim3A_681] : memref<640x40xf32, #tpu.memory_space<vmem>>[vector<16xi32>, vector<16xi32>], vector<16xf32>,
        %gather3A_688 = tpu.vector_load_idx %arg7[%div3A_352, %broadcast_in_dim3A_681] : memref<512x32xf32, #tpu.memory_space<vmem>>[vector<16xi32>, vector<16xi32>], vector<16xf32>,
        %mul3A_689 = arith.mulf %gather3A_687, %gather3A_688 : vector<16xf32>
        %add3A_690 = arith.addf %add3A_679, %mul3A_689 : vector<16xf32>
        %broadcast_in_dim3A_691 = arith.constant 30 : i32
        %broadcast_in_dim3A_692 = vector.broadcast %broadcast_in_dim3A_691 : i32 to vector<16xi32>
        %gather3A_693 = arith.constant 1 : i32
        %gather3A_694 = arith.constant 0 : i32
        %gather3A_695 = arith.constant 0 : i32
        %gather3A_696 = tpu.memref_slice %arg10[%gather3A_693, %gather3A_694, %gather3A_695] : memref<2x640x40xf32, #tpu.memory_space<vmem>> -> memref<1x640x40xf32, #tpu.memory_space<vmem>>
        %gather3A_697 = tpu.memref_squeeze %gather3A_696 : memref<1x640x40xf32, #tpu.memory_space<vmem>> -> memref<640x40xf32, #tpu.memory_space<vmem>>
        %gather3A_698 = tpu.vector_load_idx %gather3A_697[%add3A_346, %broadcast_in_dim3A_692] : memref<640x40xf32, #tpu.memory_space<vmem>>[vector<16xi32>, vector<16xi32>], vector<16xf32>,
        %gather3A_699 = tpu.vector_load_idx %arg7[%div3A_352, %broadcast_in_dim3A_692] : memref<512x32xf32, #tpu.memory_space<vmem>>[vector<16xi32>, vector<16xi32>], vector<16xf32>,
        %mul3A_700 = arith.mulf %gather3A_698, %gather3A_699 : vector<16xf32>
        %add3A_701 = arith.addf %add3A_690, %mul3A_700 : vector<16xf32>
        %broadcast_in_dim3A_702 = arith.constant 31 : i32
        %broadcast_in_dim3A_703 = vector.broadcast %broadcast_in_dim3A_702 : i32 to vector<16xi32>
        %gather3A_704 = arith.constant 1 : i32
        %gather3A_705 = arith.constant 0 : i32
        %gather3A_706 = arith.constant 0 : i32
        %gather3A_707 = tpu.memref_slice %arg10[%gather3A_704, %gather3A_705, %gather3A_706] : memref<2x640x40xf32, #tpu.memory_space<vmem>> -> memref<1x640x40xf32, #tpu.memory_space<vmem>>
        %gather3A_708 = tpu.memref_squeeze %gather3A_707 : memref<1x640x40xf32, #tpu.memory_space<vmem>> -> memref<640x40xf32, #tpu.memory_space<vmem>>
        %gather3A_709 = tpu.vector_load_idx %gather3A_708[%add3A_346, %broadcast_in_dim3A_703] : memref<640x40xf32, #tpu.memory_space<vmem>>[vector<16xi32>, vector<16xi32>], vector<16xf32>,
        %gather3A_710 = tpu.vector_load_idx %arg7[%div3A_352, %broadcast_in_dim3A_703] : memref<512x32xf32, #tpu.memory_space<vmem>>[vector<16xi32>, vector<16xi32>], vector<16xf32>,
        %mul3A_711 = arith.mulf %gather3A_709, %gather3A_710 : vector<16xf32>
        %add3A_712 = arith.addf %add3A_701, %mul3A_711 : vector<16xf32>
        %mul3A_713 = arith.constant 16 : i32
        %mul3A_714 = arith.muli %scan3A_342, %mul3A_713 : i32
        %swap3A = arith.constant 1 : i32
        %swap3A_715 = arith.index_cast %swap3A : i32 to index
        %swap3A_716 = arith.index_cast %mul3A_714 : i32 to index
        %swap3A_717 = tpu.vector_load %arg11[%swap3A_715, %swap3A_716] {strides = array<i32>} : memref<2x640xf32, #tpu.memory_space<vmem>>, vector<16xf32>,
        tpu.vector_store %arg11[%swap3A_715, %swap3A_716], %add3A_712 {strides = array<i32>} : memref<2x640xf32, #tpu.memory_space<vmem>>, vector<16xf32>,
      }
      %scan3A_322 = arith.constant 40 : i32
      %mul3A_323 = arith.constant 640 : i32
      %mul3A_324 = arith.muli %add3A_251, %mul3A_323 : i32
      %add3A_325 = arith.addi %mul3A_4, %mul3A_324 : i32
      %dma_start3A_326 = arith.constant 1 : i32
      %dma_start3A_327 = arith.constant 0 : i32
      %dma_start3A_328 = tpu.memref_slice %arg11[%dma_start3A_326, %dma_start3A_327] : memref<2x640xf32, #tpu.memory_space<vmem>> -> memref<1x640xf32, #tpu.memory_space<vmem>>
      %dma_start3A_329 = tpu.memref_squeeze %dma_start3A_328 : memref<1x640xf32, #tpu.memory_space<vmem>> -> memref<640xf32, #tpu.memory_space<vmem>>
      %dma_start3A_330 = tpu.memref_slice %arg6[%add3A_325] : memref<819200xf32, #tpu.memory_space<hbm>> -> memref<640xf32, #tpu.memory_space<hbm>>
      %dma_start3A_331 = tpu.memref_slice %arg6[%add3A_325] : memref<819200xf32, #tpu.memory_space<hbm>> -> memref<640xf32, #tpu.memory_space<hbm>>
      %dma_start3A_332 = arith.constant 0 : i32
      %dma_start3A_333 = tpu.memref_slice %arg11[%dma_start3A_326, %dma_start3A_332] : memref<2x640xf32, #tpu.memory_space<vmem>> -> memref<1x640xf32, #tpu.memory_space<vmem>>
      %dma_start3A_334 = tpu.memref_squeeze %dma_start3A_333 : memref<1x640xf32, #tpu.memory_space<vmem>> -> memref<640xf32, #tpu.memory_space<vmem>>
      tpu.enqueue_dma source(%dma_start3A_334 : memref<640xf32, #tpu.memory_space<vmem>>) target(%dma_start3A_331 : memref<640xf32, #tpu.memory_space<hbm>>) target_semaphore(%arg15 : memref<!tpu.dma_semaphore, #tpu.memory_space<semaphore_mem>>)
      %add3A_335 = arith.constant 2 : i32
      %add3A_336 = arith.addi %add3A_251, %add3A_335 : i32
      %lt3A_337 = arith.constant 40 : i32
      %lt3A_338 = arith.cmpi slt, %add3A_336, %lt3A_337 : i32
      %convert_element_type3A_339 = arith.extui %lt3A_338 : i1 to i32
      %cond3A_340 = arith.constant 0 : i32
      %cond3A_341 = arith.cmpi ne, %convert_element_type3A_339, %cond3A_340 : i32
      scf.if %cond3A_341 {
        %add3A_342 = arith.constant 2 : i32
        %add3A_343 = arith.addi %add3A_251, %add3A_342 : i32
        %mul3A_344 = arith.constant 640 : i32
        %mul3A_345 = arith.muli %add3A_343, %mul3A_344 : i32
        %add3A_346 = arith.addi %mul3A_4, %mul3A_345 : i32
        %run_scoped3A_347 = arith.constant 1 : i32
        "tpu.region"() ({
          %run_scoped3A_408 = tpu.sem_alloc : memref<!tpu.dma_semaphore, #tpu.memory_space<semaphore_mem>>
          %dma_start3A_409 = arith.constant 0 : i32
          %dma_start3A_410 = tpu.memref_slice %arg9[%run_scoped3A_347, %dma_start3A_409] : memref<2x640xi32, #tpu.memory_space<vmem>> -> memref<1x640xi32, #tpu.memory_space<vmem>>
          %dma_start3A_411 = tpu.memref_squeeze %dma_start3A_410 : memref<1x640xi32, #tpu.memory_space<vmem>> -> memref<640xi32, #tpu.memory_space<vmem>>
          %dma_start3A_412 = tpu.memref_slice %arg2[%add3A_346] : memref<819200xi32, #tpu.memory_space<hbm>> -> memref<640xi32, #tpu.memory_space<hbm>>
          %dma_start3A_413 = arith.constant 0 : i32
          %dma_start3A_414 = tpu.memref_slice %arg9[%run_scoped3A_347, %dma_start3A_413] : memref<2x640xi32, #tpu.memory_space<vmem>> -> memref<1x640xi32, #tpu.memory_space<vmem>>
          %dma_start3A_415 = tpu.memref_squeeze %dma_start3A_414 : memref<1x640xi32, #tpu.memory_space<vmem>> -> memref<640xi32, #tpu.memory_space<vmem>>
          %dma_start3A_416 = tpu.memref_slice %arg2[%add3A_346] : memref<819200xi32, #tpu.memory_space<hbm>> -> memref<640xi32, #tpu.memory_space<hbm>>
          tpu.enqueue_dma source(%dma_start3A_416 : memref<640xi32, #tpu.memory_space<hbm>>) target(%dma_start3A_415 : memref<640xi32, #tpu.memory_space<vmem>>) target_semaphore(%run_scoped3A_408 : memref<!tpu.dma_semaphore, #tpu.memory_space<semaphore_mem>>)
          %dma_wait3A_417 = arith.constant 0 : i32
          %dma_wait3A_418 = tpu.memref_slice %arg9[%run_scoped3A_347, %dma_wait3A_417] : memref<2x640xi32, #tpu.memory_space<vmem>> -> memref<1x640xi32, #tpu.memory_space<vmem>>
          %dma_wait3A_419 = tpu.memref_squeeze %dma_wait3A_418 : memref<1x640xi32, #tpu.memory_space<vmem>> -> memref<640xi32, #tpu.memory_space<vmem>>
          %dma_wait3A_420 = tpu.memref_slice %arg2[%add3A_346] : memref<819200xi32, #tpu.memory_space<hbm>> -> memref<640xi32, #tpu.memory_space<hbm>>
          %dma_wait3A_421 = arith.constant 0 : i32
          %dma_wait3A_422 = tpu.memref_slice %arg9[%run_scoped3A_347, %dma_wait3A_421] : memref<2x640xi32, #tpu.memory_space<vmem>> -> memref<1x640xi32, #tpu.memory_space<vmem>>
          %dma_wait3A_423 = tpu.memref_squeeze %dma_wait3A_422 : memref<1x640xi32, #tpu.memory_space<vmem>> -> memref<640xi32, #tpu.memory_space<vmem>>
          %dma_wait3A_424 = tpu.memref_slice %arg2[%add3A_346] : memref<819200xi32, #tpu.memory_space<hbm>> -> memref<640xi32, #tpu.memory_space<hbm>>
          tpu.wait_dma2 semaphore(%run_scoped3A_408 : memref<!tpu.dma_semaphore, #tpu.memory_space<semaphore_mem>>) src(%dma_wait3A_424 : memref<640xi32, #tpu.memory_space<hbm>>) dst(%dma_wait3A_423 : memref<640xi32, #tpu.memory_space<vmem>>)
          tpu.yield
        }) : () -> ()
        %dma_start3A_348 = arith.constant 1 : i32
        %dma_start3A_349 = arith.constant 1 : i32
        %dma_start3A_350 = arith.constant 0 : i32
        %dma_start3A_351 = arith.constant 0 : i32
        %dma_start3A_352 = tpu.memref_slice %arg10[%dma_start3A_349, %dma_start3A_350, %dma_start3A_351] : memref<2x640x40xf32, #tpu.memory_space<vmem>> -> memref<1x128x40xf32, #tpu.memory_space<vmem>>
        %dma_start3A_353 = tpu.memref_squeeze %dma_start3A_352 : memref<1x128x40xf32, #tpu.memory_space<vmem>> -> memref<128x40xf32, #tpu.memory_space<vmem>>
        %dma_start3A_354 = arith.constant 0 : i32
        %dma_start3A_355 = tpu.memref_slice %arg9[%dma_start3A_348, %dma_start3A_354] : memref<2x640xi32, #tpu.memory_space<vmem>> -> memref<1x128xi32, #tpu.memory_space<vmem>>
        %dma_start3A_356 = tpu.memref_squeeze %dma_start3A_355 : memref<1x128xi32, #tpu.memory_space<vmem>> -> memref<128xi32, #tpu.memory_space<vmem>>
        %dma_start3A_357 = arith.constant 0 : i32
        %dma_start3A_358 = arith.constant 0 : i32
        %dma_start3A_359 = tpu.memref_slice %arg3[%dma_start3A_357, %dma_start3A_358] : memref<1000000x40xf32, #tpu.memory_space<hbm>> -> memref<1000000x40xf32, #tpu.memory_space<hbm>>
        tpu.enqueue_indirect_dma source(%dma_start3A_359 : memref<1000000x40xf32, #tpu.memory_space<hbm>>) target(%dma_start3A_353 : memref<128x40xf32, #tpu.memory_space<vmem>>) offsets(%dma_start3A_356 : memref<128xi32, #tpu.memory_space<vmem>>) semaphore(%arg13 : memref<!tpu.dma_semaphore, #tpu.memory_space<semaphore_mem>>)
        %dma_start3A_360 = arith.constant 1 : i32
        %dma_start3A_361 = arith.constant 1 : i32
        %dma_start3A_362 = arith.constant 128 : i32
        %dma_start3A_363 = arith.constant 0 : i32
        %dma_start3A_364 = tpu.memref_slice %arg10[%dma_start3A_361, %dma_start3A_362, %dma_start3A_363] : memref<2x640x40xf32, #tpu.memory_space<vmem>> -> memref<1x128x40xf32, #tpu.memory_space<vmem>>
        %dma_start3A_365 = tpu.memref_squeeze %dma_start3A_364 : memref<1x128x40xf32, #tpu.memory_space<vmem>> -> memref<128x40xf32, #tpu.memory_space<vmem>>
        %dma_start3A_366 = arith.constant 128 : i32
        %dma_start3A_367 = tpu.memref_slice %arg9[%dma_start3A_360, %dma_start3A_366] : memref<2x640xi32, #tpu.memory_space<vmem>> -> memref<1x128xi32, #tpu.memory_space<vmem>>
        %dma_start3A_368 = tpu.memref_squeeze %dma_start3A_367 : memref<1x128xi32, #tpu.memory_space<vmem>> -> memref<128xi32, #tpu.memory_space<vmem>>
        %dma_start3A_369 = arith.constant 0 : i32
        %dma_start3A_370 = arith.constant 0 : i32
        %dma_start3A_371 = tpu.memref_slice %arg3[%dma_start3A_369, %dma_start3A_370] : memref<1000000x40xf32, #tpu.memory_space<hbm>> -> memref<1000000x40xf32, #tpu.memory_space<hbm>>
        tpu.enqueue_indirect_dma source(%dma_start3A_371 : memref<1000000x40xf32, #tpu.memory_space<hbm>>) target(%dma_start3A_365 : memref<128x40xf32, #tpu.memory_space<vmem>>) offsets(%dma_start3A_368 : memref<128xi32, #tpu.memory_space<vmem>>) semaphore(%arg13 : memref<!tpu.dma_semaphore, #tpu.memory_space<semaphore_mem>>)
        %dma_start3A_372 = arith.constant 1 : i32
        %dma_start3A_373 = arith.constant 1 : i32
        %dma_start3A_374 = arith.constant 256 : i32
        %dma_start3A_375 = arith.constant 0 : i32
        %dma_start3A_376 = tpu.memref_slice %arg10[%dma_start3A_373, %dma_start3A_374, %dma_start3A_375] : memref<2x640x40xf32, #tpu.memory_space<vmem>> -> memref<1x128x40xf32, #tpu.memory_space<vmem>>
        %dma_start3A_377 = tpu.memref_squeeze %dma_start3A_376 : memref<1x128x40xf32, #tpu.memory_space<vmem>> -> memref<128x40xf32, #tpu.memory_space<vmem>>
        %dma_start3A_378 = arith.constant 256 : i32
        %dma_start3A_379 = tpu.memref_slice %arg9[%dma_start3A_372, %dma_start3A_378] : memref<2x640xi32, #tpu.memory_space<vmem>> -> memref<1x128xi32, #tpu.memory_space<vmem>>
        %dma_start3A_380 = tpu.memref_squeeze %dma_start3A_379 : memref<1x128xi32, #tpu.memory_space<vmem>> -> memref<128xi32, #tpu.memory_space<vmem>>
        %dma_start3A_381 = arith.constant 0 : i32
        %dma_start3A_382 = arith.constant 0 : i32
        %dma_start3A_383 = tpu.memref_slice %arg3[%dma_start3A_381, %dma_start3A_382] : memref<1000000x40xf32, #tpu.memory_space<hbm>> -> memref<1000000x40xf32, #tpu.memory_space<hbm>>
        tpu.enqueue_indirect_dma source(%dma_start3A_383 : memref<1000000x40xf32, #tpu.memory_space<hbm>>) target(%dma_start3A_377 : memref<128x40xf32, #tpu.memory_space<vmem>>) offsets(%dma_start3A_380 : memref<128xi32, #tpu.memory_space<vmem>>) semaphore(%arg13 : memref<!tpu.dma_semaphore, #tpu.memory_space<semaphore_mem>>)
        %dma_start3A_384 = arith.constant 1 : i32
        %dma_start3A_385 = arith.constant 1 : i32
        %dma_start3A_386 = arith.constant 384 : i32
        %dma_start3A_387 = arith.constant 0 : i32
        %dma_start3A_388 = tpu.memref_slice %arg10[%dma_start3A_385, %dma_start3A_386, %dma_start3A_387] : memref<2x640x40xf32, #tpu.memory_space<vmem>> -> memref<1x128x40xf32, #tpu.memory_space<vmem>>
        %dma_start3A_389 = tpu.memref_squeeze %dma_start3A_388 : memref<1x128x40xf32, #tpu.memory_space<vmem>> -> memref<128x40xf32, #tpu.memory_space<vmem>>
        %dma_start3A_390 = arith.constant 384 : i32
        %dma_start3A_391 = tpu.memref_slice %arg9[%dma_start3A_384, %dma_start3A_390] : memref<2x640xi32, #tpu.memory_space<vmem>> -> memref<1x128xi32, #tpu.memory_space<vmem>>
        %dma_start3A_392 = tpu.memref_squeeze %dma_start3A_391 : memref<1x128xi32, #tpu.memory_space<vmem>> -> memref<128xi32, #tpu.memory_space<vmem>>
        %dma_start3A_393 = arith.constant 0 : i32
        %dma_start3A_394 = arith.constant 0 : i32
        %dma_start3A_395 = tpu.memref_slice %arg3[%dma_start3A_393, %dma_start3A_394] : memref<1000000x40xf32, #tpu.memory_space<hbm>> -> memref<1000000x40xf32, #tpu.memory_space<hbm>>
        tpu.enqueue_indirect_dma source(%dma_start3A_395 : memref<1000000x40xf32, #tpu.memory_space<hbm>>) target(%dma_start3A_389 : memref<128x40xf32, #tpu.memory_space<vmem>>) offsets(%dma_start3A_392 : memref<128xi32, #tpu.memory_space<vmem>>) semaphore(%arg13 : memref<!tpu.dma_semaphore, #tpu.memory_space<semaphore_mem>>)
        %dma_start3A_396 = arith.constant 1 : i32
        %dma_start3A_397 = arith.constant 1 : i32
        %dma_start3A_398 = arith.constant 512 : i32
        %dma_start3A_399 = arith.constant 0 : i32
        %dma_start3A_400 = tpu.memref_slice %arg10[%dma_start3A_397, %dma_start3A_398, %dma_start3A_399] : memref<2x640x40xf32, #tpu.memory_space<vmem>> -> memref<1x128x40xf32, #tpu.memory_space<vmem>>
        %dma_start3A_401 = tpu.memref_squeeze %dma_start3A_400 : memref<1x128x40xf32, #tpu.memory_space<vmem>> -> memref<128x40xf32, #tpu.memory_space<vmem>>
        %dma_start3A_402 = arith.constant 512 : i32
        %dma_start3A_403 = tpu.memref_slice %arg9[%dma_start3A_396, %dma_start3A_402] : memref<2x640xi32, #tpu.memory_space<vmem>> -> memref<1x128xi32, #tpu.memory_space<vmem>>
        %dma_start3A_404 = tpu.memref_squeeze %dma_start3A_403 : memref<1x128xi32, #tpu.memory_space<vmem>> -> memref<128xi32, #tpu.memory_space<vmem>>
        %dma_start3A_405 = arith.constant 0 : i32
        %dma_start3A_406 = arith.constant 0 : i32
        %dma_start3A_407 = tpu.memref_slice %arg3[%dma_start3A_405, %dma_start3A_406] : memref<1000000x40xf32, #tpu.memory_space<hbm>> -> memref<1000000x40xf32, #tpu.memory_space<hbm>>
        tpu.enqueue_indirect_dma source(%dma_start3A_407 : memref<1000000x40xf32, #tpu.memory_space<hbm>>) target(%dma_start3A_401 : memref<128x40xf32, #tpu.memory_space<vmem>>) offsets(%dma_start3A_404 : memref<128xi32, #tpu.memory_space<vmem>>) semaphore(%arg13 : memref<!tpu.dma_semaphore, #tpu.memory_space<semaphore_mem>>)
      } else {
      }
    }
    %scan3A_137 = arith.constant 20 : i32
    %add3A_138 = arith.constant 24320 : i32
    %add3A_139 = arith.addi %mul3A_4, %add3A_138 : i32
    %dma_wait3A = arith.constant 0 : i32
    %dma_wait3A_140 = arith.constant 0 : i32
    %dma_wait3A_141 = tpu.memref_slice %arg11[%dma_wait3A, %dma_wait3A_140] : memref<2x640xf32, #tpu.memory_space<vmem>> -> memref<1x640xf32, #tpu.memory_space<vmem>>
    %dma_wait3A_142 = tpu.memref_squeeze %dma_wait3A_141 : memref<1x640xf32, #tpu.memory_space<vmem>> -> memref<640xf32, #tpu.memory_space<vmem>>
    %dma_wait3A_143 = tpu.memref_slice %arg6[%add3A_139] : memref<819200xf32, #tpu.memory_space<hbm>> -> memref<640xf32, #tpu.memory_space<hbm>>
    %dma_wait3A_144 = tpu.memref_slice %arg6[%add3A_139] : memref<819200xf32, #tpu.memory_space<hbm>> -> memref<640xf32, #tpu.memory_space<hbm>>
    %dma_wait3A_145 = arith.constant 0 : i32
    %dma_wait3A_146 = tpu.memref_slice %arg11[%dma_wait3A, %dma_wait3A_145] : memref<2x640xf32, #tpu.memory_space<vmem>> -> memref<1x640xf32, #tpu.memory_space<vmem>>
    %dma_wait3A_147 = tpu.memref_squeeze %dma_wait3A_146 : memref<1x640xf32, #tpu.memory_space<vmem>> -> memref<640xf32, #tpu.memory_space<vmem>>
    tpu.wait_dma2 semaphore(%arg14 : memref<!tpu.dma_semaphore, #tpu.memory_space<semaphore_mem>>) src(%dma_wait3A_147 : memref<640xf32, #tpu.memory_space<vmem>>) dst(%dma_wait3A_144 : memref<640xf32, #tpu.memory_space<hbm>>)
    %add3A_148 = arith.constant 24960 : i32
    %add3A_149 = arith.addi %mul3A_4, %add3A_148 : i32
    %dma_wait3A_150 = arith.constant 1 : i32
    %dma_wait3A_151 = arith.constant 0 : i32
    %dma_wait3A_152 = tpu.memref_slice %arg11[%dma_wait3A_150, %dma_wait3A_151] : memref<2x640xf32, #tpu.memory_space<vmem>> -> memref<1x640xf32, #tpu.memory_space<vmem>>
    %dma_wait3A_153 = tpu.memref_squeeze %dma_wait3A_152 : memref<1x640xf32, #tpu.memory_space<vmem>> -> memref<640xf32, #tpu.memory_space<vmem>>
    %dma_wait3A_154 = tpu.memref_slice %arg6[%add3A_149] : memref<819200xf32, #tpu.memory_space<hbm>> -> memref<640xf32, #tpu.memory_space<hbm>>
    %dma_wait3A_155 = tpu.memref_slice %arg6[%add3A_149] : memref<819200xf32, #tpu.memory_space<hbm>> -> memref<640xf32, #tpu.memory_space<hbm>>
    %dma_wait3A_156 = arith.constant 0 : i32
    %dma_wait3A_157 = tpu.memref_slice %arg11[%dma_wait3A_150, %dma_wait3A_156] : memref<2x640xf32, #tpu.memory_space<vmem>> -> memref<1x640xf32, #tpu.memory_space<vmem>>
    %dma_wait3A_158 = tpu.memref_squeeze %dma_wait3A_157 : memref<1x640xf32, #tpu.memory_space<vmem>> -> memref<640xf32, #tpu.memory_space<vmem>>
    tpu.wait_dma2 semaphore(%arg15 : memref<!tpu.dma_semaphore, #tpu.memory_space<semaphore_mem>>) src(%dma_wait3A_158 : memref<640xf32, #tpu.memory_space<vmem>>) dst(%dma_wait3A_155 : memref<640xf32, #tpu.memory_space<hbm>>)
    return
  }
}

#map = affine_map<(d0, d1) -> (0, 0)>
#map1 = affine_map<(d0, d1) -> (0)>
module attributes {stable_mosaic.version = 14 : i64} {
  func.func @fuser(%arg0: i32, %arg1: i32, %arg2: memref<1000000x32xf32, #tpu.memory_space<hbm>>, %arg3: memref<1000000xf32, #tpu.memory_space<hbm>>, %arg4: memref<1000000x40xf32, #tpu.memory_space<hbm>>, %arg5: memref<2x800x40xf32, #tpu.memory_space<vmem>>, %arg6: memref<2x800xf32, #tpu.memory_space<vmem>>, %arg7: memref<!tpu.dma_semaphore, #tpu.memory_space<semaphore_mem>>, %arg8: memref<!tpu.dma_semaphore, #tpu.memory_space<semaphore_mem>>, %arg9: memref<!tpu.dma_semaphore, #tpu.memory_space<semaphore_mem>>, %arg10: memref<!tpu.dma_semaphore, #tpu.memory_space<semaphore_mem>>) attributes {dimension_semantics = [#tpu.dimension_semantics<core_parallel>, #tpu.dimension_semantics<subcore_parallel>], iteration_bounds = array<i64: 2, 16>, scalar_prefetch = 0 : i64, scratch_operands = 6 : i64, tpu.core_type = #tpu.core_type<sc_vector_subcore>, window_params = [{transform_indices = #map}, {transform_indices = #map1}, {transform_indices = #map}]} {
    %mul3A = arith.constant 2 : i32
    %mul3A_0 = arith.muli %arg1, %mul3A : i32
    %add3A = arith.addi %mul3A_0, %arg0 : i32
    %broadcast_in_dim3A = arith.constant 32 : i32
    %broadcast_in_dim3A_1 = vector.broadcast %broadcast_in_dim3A : i32 to vector<16xi32>
    %iota3A = tpu.iota {dimensions = array<i32: 0>} : vector<16xi32>
    %mul3A_2 = arith.constant 0 : i32
    %mul3A_3 = arith.constant 32 : i32
    %mul3A_4 = arith.muli %mul3A_2, %mul3A_3 : i32
    %add3A_5 = arith.addi %add3A, %mul3A_4 : i32
    %lt3A = arith.constant 1250 : i32
    %lt3A_6 = arith.cmpi slt, %add3A_5, %lt3A : i32
    %convert_element_type3A = arith.extui %lt3A_6 : i1 to i32
    %cond3A = arith.constant 0 : i32
    %cond3A_7 = arith.cmpi ne, %convert_element_type3A, %cond3A : i32
    scf.if %cond3A_7 {
      %mul3A_36 = arith.constant 800 : i32
      %mul3A_37 = arith.muli %add3A_5, %mul3A_36 : i32
      %dma_start3A = arith.constant 0 : i32
      %dma_start3A_38 = arith.constant 0 : i32
      %dma_start3A_39 = arith.constant 0 : i32
      %dma_start3A_40 = tpu.memref_slice %arg5[%dma_start3A, %dma_start3A_38, %dma_start3A_39] : memref<2x800x40xf32, #tpu.memory_space<vmem>> -> memref<1x800x32xf32, #tpu.memory_space<vmem>>
      %dma_start3A_41 = tpu.memref_squeeze %dma_start3A_40 : memref<1x800x32xf32, #tpu.memory_space<vmem>> -> memref<800x32xf32, #tpu.memory_space<vmem>>
      %dma_start3A_42 = arith.constant 0 : i32
      %dma_start3A_43 = tpu.memref_slice %arg2[%mul3A_37, %dma_start3A_42] : memref<1000000x32xf32, #tpu.memory_space<hbm>> -> memref<800x32xf32, #tpu.memory_space<hbm>>
      %dma_start3A_44 = arith.constant 0 : i32
      %dma_start3A_45 = arith.constant 0 : i32
      %dma_start3A_46 = tpu.memref_slice %arg5[%dma_start3A, %dma_start3A_44, %dma_start3A_45] : memref<2x800x40xf32, #tpu.memory_space<vmem>> -> memref<1x800x32xf32, #tpu.memory_space<vmem>>
      %dma_start3A_47 = tpu.memref_squeeze %dma_start3A_46 : memref<1x800x32xf32, #tpu.memory_space<vmem>> -> memref<800x32xf32, #tpu.memory_space<vmem>>
      %dma_start3A_48 = arith.constant 0 : i32
      %dma_start3A_49 = tpu.memref_slice %arg2[%mul3A_37, %dma_start3A_48] : memref<1000000x32xf32, #tpu.memory_space<hbm>> -> memref<800x32xf32, #tpu.memory_space<hbm>>
      tpu.enqueue_dma source(%dma_start3A_49 : memref<800x32xf32, #tpu.memory_space<hbm>>) target(%dma_start3A_47 : memref<800x32xf32, #tpu.memory_space<vmem>>) target_semaphore(%arg7 : memref<!tpu.dma_semaphore, #tpu.memory_space<semaphore_mem>>)
      %dma_start3A_50 = arith.constant 0 : i32
      %dma_start3A_51 = arith.constant 0 : i32
      %dma_start3A_52 = tpu.memref_slice %arg6[%dma_start3A_50, %dma_start3A_51] : memref<2x800xf32, #tpu.memory_space<vmem>> -> memref<1x800xf32, #tpu.memory_space<vmem>>
      %dma_start3A_53 = tpu.memref_squeeze %dma_start3A_52 : memref<1x800xf32, #tpu.memory_space<vmem>> -> memref<800xf32, #tpu.memory_space<vmem>>
      %dma_start3A_54 = tpu.memref_slice %arg3[%mul3A_37] : memref<1000000xf32, #tpu.memory_space<hbm>> -> memref<800xf32, #tpu.memory_space<hbm>>
      %dma_start3A_55 = arith.constant 0 : i32
      %dma_start3A_56 = tpu.memref_slice %arg6[%dma_start3A_50, %dma_start3A_55] : memref<2x800xf32, #tpu.memory_space<vmem>> -> memref<1x800xf32, #tpu.memory_space<vmem>>
      %dma_start3A_57 = tpu.memref_squeeze %dma_start3A_56 : memref<1x800xf32, #tpu.memory_space<vmem>> -> memref<800xf32, #tpu.memory_space<vmem>>
      %dma_start3A_58 = tpu.memref_slice %arg3[%mul3A_37] : memref<1000000xf32, #tpu.memory_space<hbm>> -> memref<800xf32, #tpu.memory_space<hbm>>
      tpu.enqueue_dma source(%dma_start3A_58 : memref<800xf32, #tpu.memory_space<hbm>>) target(%dma_start3A_57 : memref<800xf32, #tpu.memory_space<vmem>>) target_semaphore(%arg7 : memref<!tpu.dma_semaphore, #tpu.memory_space<semaphore_mem>>)
    } else {
    }
    %mul3A_8 = arith.constant 1 : i32
    %mul3A_9 = arith.constant 32 : i32
    %mul3A_10 = arith.muli %mul3A_8, %mul3A_9 : i32
    %add3A_11 = arith.addi %add3A, %mul3A_10 : i32
    %lt3A_12 = arith.constant 1250 : i32
    %lt3A_13 = arith.cmpi slt, %add3A_11, %lt3A_12 : i32
    %convert_element_type3A_14 = arith.extui %lt3A_13 : i1 to i32
    %cond3A_15 = arith.constant 0 : i32
    %cond3A_16 = arith.cmpi ne, %convert_element_type3A_14, %cond3A_15 : i32
    scf.if %cond3A_16 {
      %mul3A_36 = arith.constant 800 : i32
      %mul3A_37 = arith.muli %add3A_11, %mul3A_36 : i32
      %dma_start3A = arith.constant 1 : i32
      %dma_start3A_38 = arith.constant 0 : i32
      %dma_start3A_39 = arith.constant 0 : i32
      %dma_start3A_40 = tpu.memref_slice %arg5[%dma_start3A, %dma_start3A_38, %dma_start3A_39] : memref<2x800x40xf32, #tpu.memory_space<vmem>> -> memref<1x800x32xf32, #tpu.memory_space<vmem>>
      %dma_start3A_41 = tpu.memref_squeeze %dma_start3A_40 : memref<1x800x32xf32, #tpu.memory_space<vmem>> -> memref<800x32xf32, #tpu.memory_space<vmem>>
      %dma_start3A_42 = arith.constant 0 : i32
      %dma_start3A_43 = tpu.memref_slice %arg2[%mul3A_37, %dma_start3A_42] : memref<1000000x32xf32, #tpu.memory_space<hbm>> -> memref<800x32xf32, #tpu.memory_space<hbm>>
      %dma_start3A_44 = arith.constant 0 : i32
      %dma_start3A_45 = arith.constant 0 : i32
      %dma_start3A_46 = tpu.memref_slice %arg5[%dma_start3A, %dma_start3A_44, %dma_start3A_45] : memref<2x800x40xf32, #tpu.memory_space<vmem>> -> memref<1x800x32xf32, #tpu.memory_space<vmem>>
      %dma_start3A_47 = tpu.memref_squeeze %dma_start3A_46 : memref<1x800x32xf32, #tpu.memory_space<vmem>> -> memref<800x32xf32, #tpu.memory_space<vmem>>
      %dma_start3A_48 = arith.constant 0 : i32
      %dma_start3A_49 = tpu.memref_slice %arg2[%mul3A_37, %dma_start3A_48] : memref<1000000x32xf32, #tpu.memory_space<hbm>> -> memref<800x32xf32, #tpu.memory_space<hbm>>
      tpu.enqueue_dma source(%dma_start3A_49 : memref<800x32xf32, #tpu.memory_space<hbm>>) target(%dma_start3A_47 : memref<800x32xf32, #tpu.memory_space<vmem>>) target_semaphore(%arg8 : memref<!tpu.dma_semaphore, #tpu.memory_space<semaphore_mem>>)
      %dma_start3A_50 = arith.constant 1 : i32
      %dma_start3A_51 = arith.constant 0 : i32
      %dma_start3A_52 = tpu.memref_slice %arg6[%dma_start3A_50, %dma_start3A_51] : memref<2x800xf32, #tpu.memory_space<vmem>> -> memref<1x800xf32, #tpu.memory_space<vmem>>
      %dma_start3A_53 = tpu.memref_squeeze %dma_start3A_52 : memref<1x800xf32, #tpu.memory_space<vmem>> -> memref<800xf32, #tpu.memory_space<vmem>>
      %dma_start3A_54 = tpu.memref_slice %arg3[%mul3A_37] : memref<1000000xf32, #tpu.memory_space<hbm>> -> memref<800xf32, #tpu.memory_space<hbm>>
      %dma_start3A_55 = arith.constant 0 : i32
      %dma_start3A_56 = tpu.memref_slice %arg6[%dma_start3A_50, %dma_start3A_55] : memref<2x800xf32, #tpu.memory_space<vmem>> -> memref<1x800xf32, #tpu.memory_space<vmem>>
      %dma_start3A_57 = tpu.memref_squeeze %dma_start3A_56 : memref<1x800xf32, #tpu.memory_space<vmem>> -> memref<800xf32, #tpu.memory_space<vmem>>
      %dma_start3A_58 = tpu.memref_slice %arg3[%mul3A_37] : memref<1000000xf32, #tpu.memory_space<hbm>> -> memref<800xf32, #tpu.memory_space<hbm>>
      tpu.enqueue_dma source(%dma_start3A_58 : memref<800xf32, #tpu.memory_space<hbm>>) target(%dma_start3A_57 : memref<800xf32, #tpu.memory_space<vmem>>) target_semaphore(%arg8 : memref<!tpu.dma_semaphore, #tpu.memory_space<semaphore_mem>>)
    } else {
    }
    %scan3A = arith.constant 0 : i32
    %scan3A_17 = arith.constant 0 : i32
    %scan3A_18 = arith.constant 20 : i32
    %scan3A_19 = arith.addi %scan3A_17, %scan3A_18 : i32
    %scan3A_20 = arith.constant 1 : i32
    scf.for %scan3A_36 = %scan3A_17 to %scan3A_19 step %scan3A_20  : i32 {
      %mul3A_37 = arith.constant 2 : i32
      %mul3A_38 = arith.muli %mul3A_37, %scan3A_36 : i32
      %mul3A_39 = arith.constant 32 : i32
      %mul3A_40 = arith.muli %mul3A_38, %mul3A_39 : i32
      %add3A_41 = arith.addi %add3A, %mul3A_40 : i32
      %sub3A = arith.constant 2 : i32
      %sub3A_42 = arith.subi %mul3A_38, %sub3A : i32
      %mul3A_43 = arith.constant 32 : i32
      %mul3A_44 = arith.muli %sub3A_42, %mul3A_43 : i32
      %add3A_45 = arith.addi %add3A, %mul3A_44 : i32
      %lt3A_46 = arith.constant 1250 : i32
      %lt3A_47 = arith.cmpi slt, %add3A_41, %lt3A_46 : i32
      %convert_element_type3A_48 = arith.extui %lt3A_47 : i1 to i32
      %cond3A_49 = arith.constant 0 : i32
      %cond3A_50 = arith.cmpi ne, %convert_element_type3A_48, %cond3A_49 : i32
      scf.if %cond3A_50 {
        %mul3A_112 = arith.constant 800 : i32
        %mul3A_113 = arith.muli %add3A_41, %mul3A_112 : i32
        %dma_wait3A = arith.constant 0 : i32
        %dma_wait3A_114 = arith.constant 0 : i32
        %dma_wait3A_115 = arith.constant 0 : i32
        %dma_wait3A_116 = tpu.memref_slice %arg5[%dma_wait3A, %dma_wait3A_114, %dma_wait3A_115] : memref<2x800x40xf32, #tpu.memory_space<vmem>> -> memref<1x800x32xf32, #tpu.memory_space<vmem>>
        %dma_wait3A_117 = tpu.memref_squeeze %dma_wait3A_116 : memref<1x800x32xf32, #tpu.memory_space<vmem>> -> memref<800x32xf32, #tpu.memory_space<vmem>>
        %dma_wait3A_118 = arith.constant 0 : i32
        %dma_wait3A_119 = tpu.memref_slice %arg2[%mul3A_113, %dma_wait3A_118] : memref<1000000x32xf32, #tpu.memory_space<hbm>> -> memref<800x32xf32, #tpu.memory_space<hbm>>
        %dma_wait3A_120 = arith.constant 0 : i32
        %dma_wait3A_121 = arith.constant 0 : i32
        %dma_wait3A_122 = tpu.memref_slice %arg5[%dma_wait3A, %dma_wait3A_120, %dma_wait3A_121] : memref<2x800x40xf32, #tpu.memory_space<vmem>> -> memref<1x800x32xf32, #tpu.memory_space<vmem>>
        %dma_wait3A_123 = tpu.memref_squeeze %dma_wait3A_122 : memref<1x800x32xf32, #tpu.memory_space<vmem>> -> memref<800x32xf32, #tpu.memory_space<vmem>>
        %dma_wait3A_124 = arith.constant 0 : i32
        %dma_wait3A_125 = tpu.memref_slice %arg2[%mul3A_113, %dma_wait3A_124] : memref<1000000x32xf32, #tpu.memory_space<hbm>> -> memref<800x32xf32, #tpu.memory_space<hbm>>
        tpu.wait_dma2 semaphore(%arg7 : memref<!tpu.dma_semaphore, #tpu.memory_space<semaphore_mem>>) src(%dma_wait3A_125 : memref<800x32xf32, #tpu.memory_space<hbm>>) dst(%dma_wait3A_123 : memref<800x32xf32, #tpu.memory_space<vmem>>)
        %dma_wait3A_126 = arith.constant 0 : i32
        %dma_wait3A_127 = arith.constant 0 : i32
        %dma_wait3A_128 = tpu.memref_slice %arg6[%dma_wait3A_126, %dma_wait3A_127] : memref<2x800xf32, #tpu.memory_space<vmem>> -> memref<1x800xf32, #tpu.memory_space<vmem>>
        %dma_wait3A_129 = tpu.memref_squeeze %dma_wait3A_128 : memref<1x800xf32, #tpu.memory_space<vmem>> -> memref<800xf32, #tpu.memory_space<vmem>>
        %dma_wait3A_130 = tpu.memref_slice %arg3[%mul3A_113] : memref<1000000xf32, #tpu.memory_space<hbm>> -> memref<800xf32, #tpu.memory_space<hbm>>
        %dma_wait3A_131 = arith.constant 0 : i32
        %dma_wait3A_132 = tpu.memref_slice %arg6[%dma_wait3A_126, %dma_wait3A_131] : memref<2x800xf32, #tpu.memory_space<vmem>> -> memref<1x800xf32, #tpu.memory_space<vmem>>
        %dma_wait3A_133 = tpu.memref_squeeze %dma_wait3A_132 : memref<1x800xf32, #tpu.memory_space<vmem>> -> memref<800xf32, #tpu.memory_space<vmem>>
        %dma_wait3A_134 = tpu.memref_slice %arg3[%mul3A_113] : memref<1000000xf32, #tpu.memory_space<hbm>> -> memref<800xf32, #tpu.memory_space<hbm>>
        tpu.wait_dma2 semaphore(%arg7 : memref<!tpu.dma_semaphore, #tpu.memory_space<semaphore_mem>>) src(%dma_wait3A_134 : memref<800xf32, #tpu.memory_space<hbm>>) dst(%dma_wait3A_133 : memref<800xf32, #tpu.memory_space<vmem>>)
      } else {
      }
      %ge3A = arith.constant 1 : i32
      %ge3A_51 = arith.cmpi sge, %scan3A_36, %ge3A : i32
      %lt3A_52 = arith.constant 1250 : i32
      %lt3A_53 = arith.cmpi slt, %add3A_45, %lt3A_52 : i32
      %and3A = arith.andi %ge3A_51, %lt3A_53 : i1
      %convert_element_type3A_54 = arith.extui %and3A : i1 to i32
      %cond3A_55 = arith.constant 0 : i32
      %cond3A_56 = arith.cmpi ne, %convert_element_type3A_54, %cond3A_55 : i32
      scf.if %cond3A_56 {
        %mul3A_112 = arith.constant 800 : i32
        %mul3A_113 = arith.muli %add3A_45, %mul3A_112 : i32
        %dma_wait3A = arith.constant 0 : i32
        %dma_wait3A_114 = arith.constant 0 : i32
        %dma_wait3A_115 = arith.constant 0 : i32
        %dma_wait3A_116 = tpu.memref_slice %arg5[%dma_wait3A, %dma_wait3A_114, %dma_wait3A_115] : memref<2x800x40xf32, #tpu.memory_space<vmem>> -> memref<1x800x40xf32, #tpu.memory_space<vmem>>
        %dma_wait3A_117 = tpu.memref_squeeze %dma_wait3A_116 : memref<1x800x40xf32, #tpu.memory_space<vmem>> -> memref<800x40xf32, #tpu.memory_space<vmem>>
        %dma_wait3A_118 = arith.constant 0 : i32
        %dma_wait3A_119 = tpu.memref_slice %arg4[%mul3A_113, %dma_wait3A_118] : memref<1000000x40xf32, #tpu.memory_space<hbm>> -> memref<800x40xf32, #tpu.memory_space<hbm>>
        %dma_wait3A_120 = arith.constant 0 : i32
        %dma_wait3A_121 = tpu.memref_slice %arg4[%mul3A_113, %dma_wait3A_120] : memref<1000000x40xf32, #tpu.memory_space<hbm>> -> memref<800x40xf32, #tpu.memory_space<hbm>>
        %dma_wait3A_122 = arith.constant 0 : i32
        %dma_wait3A_123 = arith.constant 0 : i32
        %dma_wait3A_124 = tpu.memref_slice %arg5[%dma_wait3A, %dma_wait3A_122, %dma_wait3A_123] : memref<2x800x40xf32, #tpu.memory_space<vmem>> -> memref<1x800x40xf32, #tpu.memory_space<vmem>>
        %dma_wait3A_125 = tpu.memref_squeeze %dma_wait3A_124 : memref<1x800x40xf32, #tpu.memory_space<vmem>> -> memref<800x40xf32, #tpu.memory_space<vmem>>
        tpu.wait_dma2 semaphore(%arg9 : memref<!tpu.dma_semaphore, #tpu.memory_space<semaphore_mem>>) src(%dma_wait3A_125 : memref<800x40xf32, #tpu.memory_space<vmem>>) dst(%dma_wait3A_121 : memref<800x40xf32, #tpu.memory_space<hbm>>)
      } else {
      }
      %lt3A_57 = arith.constant 1250 : i32
      %lt3A_58 = arith.cmpi slt, %add3A_41, %lt3A_57 : i32
      %convert_element_type3A_59 = arith.extui %lt3A_58 : i1 to i32
      %cond3A_60 = arith.constant 0 : i32
      %cond3A_61 = arith.cmpi ne, %convert_element_type3A_59, %cond3A_60 : i32
      scf.if %cond3A_61 {
        %scan3A_112 = arith.constant 0 : i32
        %scan3A_113 = arith.constant 0 : i32
        %scan3A_114 = arith.constant 50 : i32
        %scan3A_115 = arith.addi %scan3A_113, %scan3A_114 : i32
        %scan3A_116 = arith.constant 1 : i32
        scf.for %scan3A_132 = %scan3A_113 to %scan3A_115 step %scan3A_116  : i32 {
          %mul3A_133 = arith.constant 16 : i32
          %mul3A_134 = arith.muli %scan3A_132, %mul3A_133 : i32
          %add3A_135 = vector.broadcast %mul3A_134 : i32 to vector<16xi32>
          %add3A_136 = arith.addi %add3A_135, %iota3A : vector<16xi32>
          %gather3A = arith.constant 0 : i32
          %gather3A_137 = arith.constant 0 : i32
          %gather3A_138 = tpu.memref_slice %arg6[%gather3A, %gather3A_137] : memref<2x800xf32, #tpu.memory_space<vmem>> -> memref<1x800xf32, #tpu.memory_space<vmem>>
          %gather3A_139 = tpu.memref_squeeze %gather3A_138 : memref<1x800xf32, #tpu.memory_space<vmem>> -> memref<800xf32, #tpu.memory_space<vmem>>
          %gather3A_140 = tpu.vector_load_idx %gather3A_139[%add3A_136] : memref<800xf32, #tpu.memory_space<vmem>>[vector<16xi32>], vector<16xf32>,
          %scatter3A = arith.constant 0 : i32
          %scatter3A_141 = arith.constant 0 : i32
          %scatter3A_142 = arith.constant 0 : i32
          %scatter3A_143 = tpu.memref_slice %arg5[%scatter3A, %scatter3A_141, %scatter3A_142] : memref<2x800x40xf32, #tpu.memory_space<vmem>> -> memref<1x800x40xf32, #tpu.memory_space<vmem>>
          %scatter3A_144 = tpu.memref_squeeze %scatter3A_143 : memref<1x800x40xf32, #tpu.memory_space<vmem>> -> memref<800x40xf32, #tpu.memory_space<vmem>>
          tpu.vector_store_idx %scatter3A_144[%add3A_136, %broadcast_in_dim3A_1], %gather3A_140 : memref<800x40xf32, #tpu.memory_space<vmem>>[vector<16xi32>, vector<16xi32>], vector<16xf32>,
        }
        %scan3A_117 = arith.constant 50 : i32
        %mul3A_118 = arith.constant 800 : i32
        %mul3A_119 = arith.muli %add3A_41, %mul3A_118 : i32
        %dma_start3A = arith.constant 0 : i32
        %dma_start3A_120 = arith.constant 0 : i32
        %dma_start3A_121 = arith.constant 0 : i32
        %dma_start3A_122 = tpu.memref_slice %arg5[%dma_start3A, %dma_start3A_120, %dma_start3A_121] : memref<2x800x40xf32, #tpu.memory_space<vmem>> -> memref<1x800x40xf32, #tpu.memory_space<vmem>>
        %dma_start3A_123 = tpu.memref_squeeze %dma_start3A_122 : memref<1x800x40xf32, #tpu.memory_space<vmem>> -> memref<800x40xf32, #tpu.memory_space<vmem>>
        %dma_start3A_124 = arith.constant 0 : i32
        %dma_start3A_125 = tpu.memref_slice %arg4[%mul3A_119, %dma_start3A_124] : memref<1000000x40xf32, #tpu.memory_space<hbm>> -> memref<800x40xf32, #tpu.memory_space<hbm>>
        %dma_start3A_126 = arith.constant 0 : i32
        %dma_start3A_127 = tpu.memref_slice %arg4[%mul3A_119, %dma_start3A_126] : memref<1000000x40xf32, #tpu.memory_space<hbm>> -> memref<800x40xf32, #tpu.memory_space<hbm>>
        %dma_start3A_128 = arith.constant 0 : i32
        %dma_start3A_129 = arith.constant 0 : i32
        %dma_start3A_130 = tpu.memref_slice %arg5[%dma_start3A, %dma_start3A_128, %dma_start3A_129] : memref<2x800x40xf32, #tpu.memory_space<vmem>> -> memref<1x800x40xf32, #tpu.memory_space<vmem>>
        %dma_start3A_131 = tpu.memref_squeeze %dma_start3A_130 : memref<1x800x40xf32, #tpu.memory_space<vmem>> -> memref<800x40xf32, #tpu.memory_space<vmem>>
        tpu.enqueue_dma source(%dma_start3A_131 : memref<800x40xf32, #tpu.memory_space<vmem>>) target(%dma_start3A_127 : memref<800x40xf32, #tpu.memory_space<hbm>>) target_semaphore(%arg9 : memref<!tpu.dma_semaphore, #tpu.memory_space<semaphore_mem>>)
      } else {
      }
      %add3A_62 = arith.constant 2 : i32
      %add3A_63 = arith.addi %mul3A_38, %add3A_62 : i32
      %mul3A_64 = arith.constant 32 : i32
      %mul3A_65 = arith.muli %add3A_63, %mul3A_64 : i32
      %add3A_66 = arith.addi %add3A, %mul3A_65 : i32
      %lt3A_67 = arith.constant 1250 : i32
      %lt3A_68 = arith.cmpi slt, %add3A_66, %lt3A_67 : i32
      %convert_element_type3A_69 = arith.extui %lt3A_68 : i1 to i32
      %cond3A_70 = arith.constant 0 : i32
      %cond3A_71 = arith.cmpi ne, %convert_element_type3A_69, %cond3A_70 : i32
      scf.if %cond3A_71 {
        %mul3A_112 = arith.constant 800 : i32
        %mul3A_113 = arith.muli %add3A_66, %mul3A_112 : i32
        %dma_start3A = arith.constant 0 : i32
        %dma_start3A_114 = arith.constant 0 : i32
        %dma_start3A_115 = arith.constant 0 : i32
        %dma_start3A_116 = tpu.memref_slice %arg5[%dma_start3A, %dma_start3A_114, %dma_start3A_115] : memref<2x800x40xf32, #tpu.memory_space<vmem>> -> memref<1x800x32xf32, #tpu.memory_space<vmem>>
        %dma_start3A_117 = tpu.memref_squeeze %dma_start3A_116 : memref<1x800x32xf32, #tpu.memory_space<vmem>> -> memref<800x32xf32, #tpu.memory_space<vmem>>
        %dma_start3A_118 = arith.constant 0 : i32
        %dma_start3A_119 = tpu.memref_slice %arg2[%mul3A_113, %dma_start3A_118] : memref<1000000x32xf32, #tpu.memory_space<hbm>> -> memref<800x32xf32, #tpu.memory_space<hbm>>
        %dma_start3A_120 = arith.constant 0 : i32
        %dma_start3A_121 = arith.constant 0 : i32
        %dma_start3A_122 = tpu.memref_slice %arg5[%dma_start3A, %dma_start3A_120, %dma_start3A_121] : memref<2x800x40xf32, #tpu.memory_space<vmem>> -> memref<1x800x32xf32, #tpu.memory_space<vmem>>
        %dma_start3A_123 = tpu.memref_squeeze %dma_start3A_122 : memref<1x800x32xf32, #tpu.memory_space<vmem>> -> memref<800x32xf32, #tpu.memory_space<vmem>>
        %dma_start3A_124 = arith.constant 0 : i32
        %dma_start3A_125 = tpu.memref_slice %arg2[%mul3A_113, %dma_start3A_124] : memref<1000000x32xf32, #tpu.memory_space<hbm>> -> memref<800x32xf32, #tpu.memory_space<hbm>>
        tpu.enqueue_dma source(%dma_start3A_125 : memref<800x32xf32, #tpu.memory_space<hbm>>) target(%dma_start3A_123 : memref<800x32xf32, #tpu.memory_space<vmem>>) target_semaphore(%arg7 : memref<!tpu.dma_semaphore, #tpu.memory_space<semaphore_mem>>)
        %dma_start3A_126 = arith.constant 0 : i32
        %dma_start3A_127 = arith.constant 0 : i32
        %dma_start3A_128 = tpu.memref_slice %arg6[%dma_start3A_126, %dma_start3A_127] : memref<2x800xf32, #tpu.memory_space<vmem>> -> memref<1x800xf32, #tpu.memory_space<vmem>>
        %dma_start3A_129 = tpu.memref_squeeze %dma_start3A_128 : memref<1x800xf32, #tpu.memory_space<vmem>> -> memref<800xf32, #tpu.memory_space<vmem>>
        %dma_start3A_130 = tpu.memref_slice %arg3[%mul3A_113] : memref<1000000xf32, #tpu.memory_space<hbm>> -> memref<800xf32, #tpu.memory_space<hbm>>
        %dma_start3A_131 = arith.constant 0 : i32
        %dma_start3A_132 = tpu.memref_slice %arg6[%dma_start3A_126, %dma_start3A_131] : memref<2x800xf32, #tpu.memory_space<vmem>> -> memref<1x800xf32, #tpu.memory_space<vmem>>
        %dma_start3A_133 = tpu.memref_squeeze %dma_start3A_132 : memref<1x800xf32, #tpu.memory_space<vmem>> -> memref<800xf32, #tpu.memory_space<vmem>>
        %dma_start3A_134 = tpu.memref_slice %arg3[%mul3A_113] : memref<1000000xf32, #tpu.memory_space<hbm>> -> memref<800xf32, #tpu.memory_space<hbm>>
        tpu.enqueue_dma source(%dma_start3A_134 : memref<800xf32, #tpu.memory_space<hbm>>) target(%dma_start3A_133 : memref<800xf32, #tpu.memory_space<vmem>>) target_semaphore(%arg7 : memref<!tpu.dma_semaphore, #tpu.memory_space<semaphore_mem>>)
      } else {
      }
      %mul3A_72 = arith.constant 2 : i32
      %mul3A_73 = arith.muli %mul3A_72, %scan3A_36 : i32
      %add3A_74 = arith.constant 1 : i32
      %add3A_75 = arith.addi %mul3A_73, %add3A_74 : i32
      %mul3A_76 = arith.constant 32 : i32
      %mul3A_77 = arith.muli %add3A_75, %mul3A_76 : i32
      %add3A_78 = arith.addi %add3A, %mul3A_77 : i32
      %sub3A_79 = arith.constant 2 : i32
      %sub3A_80 = arith.subi %add3A_75, %sub3A_79 : i32
      %mul3A_81 = arith.constant 32 : i32
      %mul3A_82 = arith.muli %sub3A_80, %mul3A_81 : i32
      %add3A_83 = arith.addi %add3A, %mul3A_82 : i32
      %lt3A_84 = arith.constant 1250 : i32
      %lt3A_85 = arith.cmpi slt, %add3A_78, %lt3A_84 : i32
      %convert_element_type3A_86 = arith.extui %lt3A_85 : i1 to i32
      %cond3A_87 = arith.constant 0 : i32
      %cond3A_88 = arith.cmpi ne, %convert_element_type3A_86, %cond3A_87 : i32
      scf.if %cond3A_88 {
        %mul3A_112 = arith.constant 800 : i32
        %mul3A_113 = arith.muli %add3A_78, %mul3A_112 : i32
        %dma_wait3A = arith.constant 1 : i32
        %dma_wait3A_114 = arith.constant 0 : i32
        %dma_wait3A_115 = arith.constant 0 : i32
        %dma_wait3A_116 = tpu.memref_slice %arg5[%dma_wait3A, %dma_wait3A_114, %dma_wait3A_115] : memref<2x800x40xf32, #tpu.memory_space<vmem>> -> memref<1x800x32xf32, #tpu.memory_space<vmem>>
        %dma_wait3A_117 = tpu.memref_squeeze %dma_wait3A_116 : memref<1x800x32xf32, #tpu.memory_space<vmem>> -> memref<800x32xf32, #tpu.memory_space<vmem>>
        %dma_wait3A_118 = arith.constant 0 : i32
        %dma_wait3A_119 = tpu.memref_slice %arg2[%mul3A_113, %dma_wait3A_118] : memref<1000000x32xf32, #tpu.memory_space<hbm>> -> memref<800x32xf32, #tpu.memory_space<hbm>>
        %dma_wait3A_120 = arith.constant 0 : i32
        %dma_wait3A_121 = arith.constant 0 : i32
        %dma_wait3A_122 = tpu.memref_slice %arg5[%dma_wait3A, %dma_wait3A_120, %dma_wait3A_121] : memref<2x800x40xf32, #tpu.memory_space<vmem>> -> memref<1x800x32xf32, #tpu.memory_space<vmem>>
        %dma_wait3A_123 = tpu.memref_squeeze %dma_wait3A_122 : memref<1x800x32xf32, #tpu.memory_space<vmem>> -> memref<800x32xf32, #tpu.memory_space<vmem>>
        %dma_wait3A_124 = arith.constant 0 : i32
        %dma_wait3A_125 = tpu.memref_slice %arg2[%mul3A_113, %dma_wait3A_124] : memref<1000000x32xf32, #tpu.memory_space<hbm>> -> memref<800x32xf32, #tpu.memory_space<hbm>>
        tpu.wait_dma2 semaphore(%arg8 : memref<!tpu.dma_semaphore, #tpu.memory_space<semaphore_mem>>) src(%dma_wait3A_125 : memref<800x32xf32, #tpu.memory_space<hbm>>) dst(%dma_wait3A_123 : memref<800x32xf32, #tpu.memory_space<vmem>>)
        %dma_wait3A_126 = arith.constant 1 : i32
        %dma_wait3A_127 = arith.constant 0 : i32
        %dma_wait3A_128 = tpu.memref_slice %arg6[%dma_wait3A_126, %dma_wait3A_127] : memref<2x800xf32, #tpu.memory_space<vmem>> -> memref<1x800xf32, #tpu.memory_space<vmem>>
        %dma_wait3A_129 = tpu.memref_squeeze %dma_wait3A_128 : memref<1x800xf32, #tpu.memory_space<vmem>> -> memref<800xf32, #tpu.memory_space<vmem>>
        %dma_wait3A_130 = tpu.memref_slice %arg3[%mul3A_113] : memref<1000000xf32, #tpu.memory_space<hbm>> -> memref<800xf32, #tpu.memory_space<hbm>>
        %dma_wait3A_131 = arith.constant 0 : i32
        %dma_wait3A_132 = tpu.memref_slice %arg6[%dma_wait3A_126, %dma_wait3A_131] : memref<2x800xf32, #tpu.memory_space<vmem>> -> memref<1x800xf32, #tpu.memory_space<vmem>>
        %dma_wait3A_133 = tpu.memref_squeeze %dma_wait3A_132 : memref<1x800xf32, #tpu.memory_space<vmem>> -> memref<800xf32, #tpu.memory_space<vmem>>
        %dma_wait3A_134 = tpu.memref_slice %arg3[%mul3A_113] : memref<1000000xf32, #tpu.memory_space<hbm>> -> memref<800xf32, #tpu.memory_space<hbm>>
        tpu.wait_dma2 semaphore(%arg8 : memref<!tpu.dma_semaphore, #tpu.memory_space<semaphore_mem>>) src(%dma_wait3A_134 : memref<800xf32, #tpu.memory_space<hbm>>) dst(%dma_wait3A_133 : memref<800xf32, #tpu.memory_space<vmem>>)
      } else {
      }
      %ge3A_89 = arith.constant 1 : i32
      %ge3A_90 = arith.cmpi sge, %scan3A_36, %ge3A_89 : i32
      %lt3A_91 = arith.constant 1250 : i32
      %lt3A_92 = arith.cmpi slt, %add3A_83, %lt3A_91 : i32
      %and3A_93 = arith.andi %ge3A_90, %lt3A_92 : i1
      %convert_element_type3A_94 = arith.extui %and3A_93 : i1 to i32
      %cond3A_95 = arith.constant 0 : i32
      %cond3A_96 = arith.cmpi ne, %convert_element_type3A_94, %cond3A_95 : i32
      scf.if %cond3A_96 {
        %mul3A_112 = arith.constant 800 : i32
        %mul3A_113 = arith.muli %add3A_83, %mul3A_112 : i32
        %dma_wait3A = arith.constant 1 : i32
        %dma_wait3A_114 = arith.constant 0 : i32
        %dma_wait3A_115 = arith.constant 0 : i32
        %dma_wait3A_116 = tpu.memref_slice %arg5[%dma_wait3A, %dma_wait3A_114, %dma_wait3A_115] : memref<2x800x40xf32, #tpu.memory_space<vmem>> -> memref<1x800x40xf32, #tpu.memory_space<vmem>>
        %dma_wait3A_117 = tpu.memref_squeeze %dma_wait3A_116 : memref<1x800x40xf32, #tpu.memory_space<vmem>> -> memref<800x40xf32, #tpu.memory_space<vmem>>
        %dma_wait3A_118 = arith.constant 0 : i32
        %dma_wait3A_119 = tpu.memref_slice %arg4[%mul3A_113, %dma_wait3A_118] : memref<1000000x40xf32, #tpu.memory_space<hbm>> -> memref<800x40xf32, #tpu.memory_space<hbm>>
        %dma_wait3A_120 = arith.constant 0 : i32
        %dma_wait3A_121 = tpu.memref_slice %arg4[%mul3A_113, %dma_wait3A_120] : memref<1000000x40xf32, #tpu.memory_space<hbm>> -> memref<800x40xf32, #tpu.memory_space<hbm>>
        %dma_wait3A_122 = arith.constant 0 : i32
        %dma_wait3A_123 = arith.constant 0 : i32
        %dma_wait3A_124 = tpu.memref_slice %arg5[%dma_wait3A, %dma_wait3A_122, %dma_wait3A_123] : memref<2x800x40xf32, #tpu.memory_space<vmem>> -> memref<1x800x40xf32, #tpu.memory_space<vmem>>
        %dma_wait3A_125 = tpu.memref_squeeze %dma_wait3A_124 : memref<1x800x40xf32, #tpu.memory_space<vmem>> -> memref<800x40xf32, #tpu.memory_space<vmem>>
        tpu.wait_dma2 semaphore(%arg10 : memref<!tpu.dma_semaphore, #tpu.memory_space<semaphore_mem>>) src(%dma_wait3A_125 : memref<800x40xf32, #tpu.memory_space<vmem>>) dst(%dma_wait3A_121 : memref<800x40xf32, #tpu.memory_space<hbm>>)
      } else {
      }
      %lt3A_97 = arith.constant 1250 : i32
      %lt3A_98 = arith.cmpi slt, %add3A_78, %lt3A_97 : i32
      %convert_element_type3A_99 = arith.extui %lt3A_98 : i1 to i32
      %cond3A_100 = arith.constant 0 : i32
      %cond3A_101 = arith.cmpi ne, %convert_element_type3A_99, %cond3A_100 : i32
      scf.if %cond3A_101 {
        %scan3A_112 = arith.constant 0 : i32
        %scan3A_113 = arith.constant 0 : i32
        %scan3A_114 = arith.constant 50 : i32
        %scan3A_115 = arith.addi %scan3A_113, %scan3A_114 : i32
        %scan3A_116 = arith.constant 1 : i32
        scf.for %scan3A_132 = %scan3A_113 to %scan3A_115 step %scan3A_116  : i32 {
          %mul3A_133 = arith.constant 16 : i32
          %mul3A_134 = arith.muli %scan3A_132, %mul3A_133 : i32
          %add3A_135 = vector.broadcast %mul3A_134 : i32 to vector<16xi32>
          %add3A_136 = arith.addi %add3A_135, %iota3A : vector<16xi32>
          %gather3A = arith.constant 1 : i32
          %gather3A_137 = arith.constant 0 : i32
          %gather3A_138 = tpu.memref_slice %arg6[%gather3A, %gather3A_137] : memref<2x800xf32, #tpu.memory_space<vmem>> -> memref<1x800xf32, #tpu.memory_space<vmem>>
          %gather3A_139 = tpu.memref_squeeze %gather3A_138 : memref<1x800xf32, #tpu.memory_space<vmem>> -> memref<800xf32, #tpu.memory_space<vmem>>
          %gather3A_140 = tpu.vector_load_idx %gather3A_139[%add3A_136] : memref<800xf32, #tpu.memory_space<vmem>>[vector<16xi32>], vector<16xf32>,
          %scatter3A = arith.constant 1 : i32
          %scatter3A_141 = arith.constant 0 : i32
          %scatter3A_142 = arith.constant 0 : i32
          %scatter3A_143 = tpu.memref_slice %arg5[%scatter3A, %scatter3A_141, %scatter3A_142] : memref<2x800x40xf32, #tpu.memory_space<vmem>> -> memref<1x800x40xf32, #tpu.memory_space<vmem>>
          %scatter3A_144 = tpu.memref_squeeze %scatter3A_143 : memref<1x800x40xf32, #tpu.memory_space<vmem>> -> memref<800x40xf32, #tpu.memory_space<vmem>>
          tpu.vector_store_idx %scatter3A_144[%add3A_136, %broadcast_in_dim3A_1], %gather3A_140 : memref<800x40xf32, #tpu.memory_space<vmem>>[vector<16xi32>, vector<16xi32>], vector<16xf32>,
        }
        %scan3A_117 = arith.constant 50 : i32
        %mul3A_118 = arith.constant 800 : i32
        %mul3A_119 = arith.muli %add3A_78, %mul3A_118 : i32
        %dma_start3A = arith.constant 1 : i32
        %dma_start3A_120 = arith.constant 0 : i32
        %dma_start3A_121 = arith.constant 0 : i32
        %dma_start3A_122 = tpu.memref_slice %arg5[%dma_start3A, %dma_start3A_120, %dma_start3A_121] : memref<2x800x40xf32, #tpu.memory_space<vmem>> -> memref<1x800x40xf32, #tpu.memory_space<vmem>>
        %dma_start3A_123 = tpu.memref_squeeze %dma_start3A_122 : memref<1x800x40xf32, #tpu.memory_space<vmem>> -> memref<800x40xf32, #tpu.memory_space<vmem>>
        %dma_start3A_124 = arith.constant 0 : i32
        %dma_start3A_125 = tpu.memref_slice %arg4[%mul3A_119, %dma_start3A_124] : memref<1000000x40xf32, #tpu.memory_space<hbm>> -> memref<800x40xf32, #tpu.memory_space<hbm>>
        %dma_start3A_126 = arith.constant 0 : i32
        %dma_start3A_127 = tpu.memref_slice %arg4[%mul3A_119, %dma_start3A_126] : memref<1000000x40xf32, #tpu.memory_space<hbm>> -> memref<800x40xf32, #tpu.memory_space<hbm>>
        %dma_start3A_128 = arith.constant 0 : i32
        %dma_start3A_129 = arith.constant 0 : i32
        %dma_start3A_130 = tpu.memref_slice %arg5[%dma_start3A, %dma_start3A_128, %dma_start3A_129] : memref<2x800x40xf32, #tpu.memory_space<vmem>> -> memref<1x800x40xf32, #tpu.memory_space<vmem>>
        %dma_start3A_131 = tpu.memref_squeeze %dma_start3A_130 : memref<1x800x40xf32, #tpu.memory_space<vmem>> -> memref<800x40xf32, #tpu.memory_space<vmem>>
        tpu.enqueue_dma source(%dma_start3A_131 : memref<800x40xf32, #tpu.memory_space<vmem>>) target(%dma_start3A_127 : memref<800x40xf32, #tpu.memory_space<hbm>>) target_semaphore(%arg10 : memref<!tpu.dma_semaphore, #tpu.memory_space<semaphore_mem>>)
      } else {
      }
      %add3A_102 = arith.constant 2 : i32
      %add3A_103 = arith.addi %add3A_75, %add3A_102 : i32
      %mul3A_104 = arith.constant 32 : i32
      %mul3A_105 = arith.muli %add3A_103, %mul3A_104 : i32
      %add3A_106 = arith.addi %add3A, %mul3A_105 : i32
      %lt3A_107 = arith.constant 1250 : i32
      %lt3A_108 = arith.cmpi slt, %add3A_106, %lt3A_107 : i32
      %convert_element_type3A_109 = arith.extui %lt3A_108 : i1 to i32
      %cond3A_110 = arith.constant 0 : i32
      %cond3A_111 = arith.cmpi ne, %convert_element_type3A_109, %cond3A_110 : i32
      scf.if %cond3A_111 {
        %mul3A_112 = arith.constant 800 : i32
        %mul3A_113 = arith.muli %add3A_106, %mul3A_112 : i32
        %dma_start3A = arith.constant 1 : i32
        %dma_start3A_114 = arith.constant 0 : i32
        %dma_start3A_115 = arith.constant 0 : i32
        %dma_start3A_116 = tpu.memref_slice %arg5[%dma_start3A, %dma_start3A_114, %dma_start3A_115] : memref<2x800x40xf32, #tpu.memory_space<vmem>> -> memref<1x800x32xf32, #tpu.memory_space<vmem>>
        %dma_start3A_117 = tpu.memref_squeeze %dma_start3A_116 : memref<1x800x32xf32, #tpu.memory_space<vmem>> -> memref<800x32xf32, #tpu.memory_space<vmem>>
        %dma_start3A_118 = arith.constant 0 : i32
        %dma_start3A_119 = tpu.memref_slice %arg2[%mul3A_113, %dma_start3A_118] : memref<1000000x32xf32, #tpu.memory_space<hbm>> -> memref<800x32xf32, #tpu.memory_space<hbm>>
        %dma_start3A_120 = arith.constant 0 : i32
        %dma_start3A_121 = arith.constant 0 : i32
        %dma_start3A_122 = tpu.memref_slice %arg5[%dma_start3A, %dma_start3A_120, %dma_start3A_121] : memref<2x800x40xf32, #tpu.memory_space<vmem>> -> memref<1x800x32xf32, #tpu.memory_space<vmem>>
        %dma_start3A_123 = tpu.memref_squeeze %dma_start3A_122 : memref<1x800x32xf32, #tpu.memory_space<vmem>> -> memref<800x32xf32, #tpu.memory_space<vmem>>
        %dma_start3A_124 = arith.constant 0 : i32
        %dma_start3A_125 = tpu.memref_slice %arg2[%mul3A_113, %dma_start3A_124] : memref<1000000x32xf32, #tpu.memory_space<hbm>> -> memref<800x32xf32, #tpu.memory_space<hbm>>
        tpu.enqueue_dma source(%dma_start3A_125 : memref<800x32xf32, #tpu.memory_space<hbm>>) target(%dma_start3A_123 : memref<800x32xf32, #tpu.memory_space<vmem>>) target_semaphore(%arg8 : memref<!tpu.dma_semaphore, #tpu.memory_space<semaphore_mem>>)
        %dma_start3A_126 = arith.constant 1 : i32
        %dma_start3A_127 = arith.constant 0 : i32
        %dma_start3A_128 = tpu.memref_slice %arg6[%dma_start3A_126, %dma_start3A_127] : memref<2x800xf32, #tpu.memory_space<vmem>> -> memref<1x800xf32, #tpu.memory_space<vmem>>
        %dma_start3A_129 = tpu.memref_squeeze %dma_start3A_128 : memref<1x800xf32, #tpu.memory_space<vmem>> -> memref<800xf32, #tpu.memory_space<vmem>>
        %dma_start3A_130 = tpu.memref_slice %arg3[%mul3A_113] : memref<1000000xf32, #tpu.memory_space<hbm>> -> memref<800xf32, #tpu.memory_space<hbm>>
        %dma_start3A_131 = arith.constant 0 : i32
        %dma_start3A_132 = tpu.memref_slice %arg6[%dma_start3A_126, %dma_start3A_131] : memref<2x800xf32, #tpu.memory_space<vmem>> -> memref<1x800xf32, #tpu.memory_space<vmem>>
        %dma_start3A_133 = tpu.memref_squeeze %dma_start3A_132 : memref<1x800xf32, #tpu.memory_space<vmem>> -> memref<800xf32, #tpu.memory_space<vmem>>
        %dma_start3A_134 = tpu.memref_slice %arg3[%mul3A_113] : memref<1000000xf32, #tpu.memory_space<hbm>> -> memref<800xf32, #tpu.memory_space<hbm>>
        tpu.enqueue_dma source(%dma_start3A_134 : memref<800xf32, #tpu.memory_space<hbm>>) target(%dma_start3A_133 : memref<800xf32, #tpu.memory_space<vmem>>) target_semaphore(%arg8 : memref<!tpu.dma_semaphore, #tpu.memory_space<semaphore_mem>>)
      } else {
      }
    }
    %scan3A_21 = arith.constant 20 : i32
    %add3A_22 = arith.constant 1216 : i32
    %add3A_23 = arith.addi %add3A, %add3A_22 : i32
    %lt3A_24 = arith.constant 1250 : i32
    %lt3A_25 = arith.cmpi slt, %add3A_23, %lt3A_24 : i32
    %convert_element_type3A_26 = arith.extui %lt3A_25 : i1 to i32
    %cond3A_27 = arith.constant 0 : i32
    %cond3A_28 = arith.cmpi ne, %convert_element_type3A_26, %cond3A_27 : i32
    scf.if %cond3A_28 {
      %mul3A_36 = arith.constant 800 : i32
      %mul3A_37 = arith.muli %add3A_23, %mul3A_36 : i32
      %dma_wait3A = arith.constant 0 : i32
      %dma_wait3A_38 = arith.constant 0 : i32
      %dma_wait3A_39 = arith.constant 0 : i32
      %dma_wait3A_40 = tpu.memref_slice %arg5[%dma_wait3A, %dma_wait3A_38, %dma_wait3A_39] : memref<2x800x40xf32, #tpu.memory_space<vmem>> -> memref<1x800x40xf32, #tpu.memory_space<vmem>>
      %dma_wait3A_41 = tpu.memref_squeeze %dma_wait3A_40 : memref<1x800x40xf32, #tpu.memory_space<vmem>> -> memref<800x40xf32, #tpu.memory_space<vmem>>
      %dma_wait3A_42 = arith.constant 0 : i32
      %dma_wait3A_43 = tpu.memref_slice %arg4[%mul3A_37, %dma_wait3A_42] : memref<1000000x40xf32, #tpu.memory_space<hbm>> -> memref<800x40xf32, #tpu.memory_space<hbm>>
      %dma_wait3A_44 = arith.constant 0 : i32
      %dma_wait3A_45 = tpu.memref_slice %arg4[%mul3A_37, %dma_wait3A_44] : memref<1000000x40xf32, #tpu.memory_space<hbm>> -> memref<800x40xf32, #tpu.memory_space<hbm>>
      %dma_wait3A_46 = arith.constant 0 : i32
      %dma_wait3A_47 = arith.constant 0 : i32
      %dma_wait3A_48 = tpu.memref_slice %arg5[%dma_wait3A, %dma_wait3A_46, %dma_wait3A_47] : memref<2x800x40xf32, #tpu.memory_space<vmem>> -> memref<1x800x40xf32, #tpu.memory_space<vmem>>
      %dma_wait3A_49 = tpu.memref_squeeze %dma_wait3A_48 : memref<1x800x40xf32, #tpu.memory_space<vmem>> -> memref<800x40xf32, #tpu.memory_space<vmem>>
      tpu.wait_dma2 semaphore(%arg9 : memref<!tpu.dma_semaphore, #tpu.memory_space<semaphore_mem>>) src(%dma_wait3A_49 : memref<800x40xf32, #tpu.memory_space<vmem>>) dst(%dma_wait3A_45 : memref<800x40xf32, #tpu.memory_space<hbm>>)
    } else {
    }
    %add3A_29 = arith.constant 1248 : i32
    %add3A_30 = arith.addi %add3A, %add3A_29 : i32
    %lt3A_31 = arith.constant 1250 : i32
    %lt3A_32 = arith.cmpi slt, %add3A_30, %lt3A_31 : i32
    %convert_element_type3A_33 = arith.extui %lt3A_32 : i1 to i32
    %cond3A_34 = arith.constant 0 : i32
    %cond3A_35 = arith.cmpi ne, %convert_element_type3A_33, %cond3A_34 : i32
    scf.if %cond3A_35 {
      %mul3A_36 = arith.constant 800 : i32
      %mul3A_37 = arith.muli %add3A_30, %mul3A_36 : i32
      %dma_wait3A = arith.constant 1 : i32
      %dma_wait3A_38 = arith.constant 0 : i32
      %dma_wait3A_39 = arith.constant 0 : i32
      %dma_wait3A_40 = tpu.memref_slice %arg5[%dma_wait3A, %dma_wait3A_38, %dma_wait3A_39] : memref<2x800x40xf32, #tpu.memory_space<vmem>> -> memref<1x800x40xf32, #tpu.memory_space<vmem>>
      %dma_wait3A_41 = tpu.memref_squeeze %dma_wait3A_40 : memref<1x800x40xf32, #tpu.memory_space<vmem>> -> memref<800x40xf32, #tpu.memory_space<vmem>>
      %dma_wait3A_42 = arith.constant 0 : i32
      %dma_wait3A_43 = tpu.memref_slice %arg4[%mul3A_37, %dma_wait3A_42] : memref<1000000x40xf32, #tpu.memory_space<hbm>> -> memref<800x40xf32, #tpu.memory_space<hbm>>
      %dma_wait3A_44 = arith.constant 0 : i32
      %dma_wait3A_45 = tpu.memref_slice %arg4[%mul3A_37, %dma_wait3A_44] : memref<1000000x40xf32, #tpu.memory_space<hbm>> -> memref<800x40xf32, #tpu.memory_space<hbm>>
      %dma_wait3A_46 = arith.constant 0 : i32
      %dma_wait3A_47 = arith.constant 0 : i32
      %dma_wait3A_48 = tpu.memref_slice %arg5[%dma_wait3A, %dma_wait3A_46, %dma_wait3A_47] : memref<2x800x40xf32, #tpu.memory_space<vmem>> -> memref<1x800x40xf32, #tpu.memory_space<vmem>>
      %dma_wait3A_49 = tpu.memref_squeeze %dma_wait3A_48 : memref<1x800x40xf32, #tpu.memory_space<vmem>> -> memref<800x40xf32, #tpu.memory_space<vmem>>
      tpu.wait_dma2 semaphore(%arg10 : memref<!tpu.dma_semaphore, #tpu.memory_space<semaphore_mem>>) src(%dma_wait3A_49 : memref<800x40xf32, #tpu.memory_space<vmem>>) dst(%dma_wait3A_45 : memref<800x40xf32, #tpu.memory_space<hbm>>)
    } else {
    }
    return
  }
}

</mosaic_0001>

<sc_bundles>
// kernel: gather_offload_async_start.1
scs
__scs_entry_jumppad:
0x0: {  	(pc) =	sbr.rel $0x88, $3  }
0x1: {  	(tag) =	ssettag $0x0;
	lr =	simm.s32 $0x1  }
0x2: {  	[smem:$0x3F9A] =	sst lr;
	_ =	strace $0xD0000000  }
0x3: {  	_ = 	snop  }
0x4: {  	_ = 	snop  }
0x5: {  	_ = 	snop  }
0x6: {  	_ = 	snop  }
0x7: {  	_ = 	snop  }
__scs_overlays_trampoline_lowered:
0x8: {  	[smem:$0x3FA9] =	sst s0  }
0x9: {  	[smem:$0x3FAA] =	sst s1  }
0xa: {  	[smem:$0x3FAB] =	sst s2  }
0xb: {  	[smem:$0x3FAC] =	sst s3  }
0xc: {  	[smem:$0x3FAD] =	sst s4  }
0xd: {  	[smem:$0x3FAE] =	sst s5  }
0xe: {  	[smem:$0x3FAF] =	sst s6  }
0xf: {  	[smem:$0x3FB0] =	sst s7  }
0x10: {  	[smem:$0x3FB1] =	sst s8  }
0x11: {  	[smem:$0x3FB2] =	sst s9;
	s0 =	simm.s32 @!p0 $0x0  }
0x12: {  	s1 =	sld [smem:$0x3F98];
	s0 =	simm.s32 @p0 $0x1  }
0x13: {  	[smem:$0x3FB3] =	sst s0;
	s0 =	simm.s32 @!p1 $0x0  }
0x14: {  	s2 =	sld [smem:$0x3F97];
	s0 =	simm.s32 @p1 $0x1  }
0x15: {  	[smem:$0x3FB4] =	sst s0;
	s0 =	simm.s32 @!p2 $0x0  }
0x16: {  	s3 =	sld [smem:$0x3FDB];
	s0 =	simm.s32 @p2 $0x1  }
0x17: {  	s4 =	simm.s32 $0x1BF5;
	[smem:$0x3FB6] =	sst s0  }
0x18: {  	s0 =	sld [smem:$0x3F99];
	_ =	swait.ge [sflag:s4], $0x0  }
0x19: {  	s7 =	sld [smem:$0x3F9A]  }
0x1a: {  	s8 =	sadd.s32 $0xFFFFE003, lr  }
0x1b: {  	s9 =	sadd.s32 $0xFFFFFEF7, lr;
	s5 =	simm.s32 $0xFFFFFFFF;
	p2 =	slt.u32 s8, $0xFFFFF086  }
0x1c: {  	p1 =	slt.u32 s9, $0xF7A;
	s5 =	simm.s32 @!p2 $0x0  }
0x1d: {  	s5 =	simm.s32 @p1 $0x1;
	p0 =	seq.s32 s7, s2  }
0x1e: {  	s7 =	smul.u32 @!p0 $0xF7A, s2;
	p2 =	seq.s32 @!p0 s5, $0x0  }
0x1f: {  	s9 =	smul.u32 $0xF7A, s1;
	s8 =	simm.s32 @!p0 $0x1BF5;
	p2 =	por !p2, p0  }
0x20: {  	[sflag:s8] =	ssyncset.s32 @!p0 $0xFFFFF086;
	s6 =	sadd.s32 @!p0 s3, s7;
	s7 =	simm.s32 @!p0 $0x108  }
0x21: {  	s3 =	sadd.s32 s3, s9;
	s6 =	sadd.s32 @!p0 $0x88, s6;
	s7 =	simm.s32 @p2 $0x1082  }
0x22: {  	[simem:s7], [sflag:s8] =	dma.local @!p0 [hbm:s6], $0xF7A  }
0x23: {  	s9 =	sor.u32 $0xD0000000, s2;
	s6 =	simm.s32 $0x108;
	_ =	swait.ge @!p0 [sflag:s8], $0x0  }
0x24: {  	s3 =	sadd.s32 $0x88, s3;
	s6 =	simm.s32 @!p1 $0x1082;
	[sflag:s4] =	ssyncset.s32 $0xFFFFF086  }
0x25: {  	[simem:s6], [sflag:s4] =	dma.local [hbm:s3], $0xF7A  }
0x26: {  	[smem:$0x3F9A] =	sst s1;
	(tag) =	ssettag s2;
	_ =	strace s9  }
0x27: {  	s1 =	sld [smem:$0x3FAA]  }
0x28: {  	s2 =	sld [smem:$0x3FAB]  }
0x29: {  	s4 =	sld [smem:$0x3FAD]  }
0x2a: {  	p0 =	seq.s32 s5, $0x0;
	s5 =	sld [smem:$0x3FAE]  }
0x2b: {  	s6 =	sld [smem:$0x3FAF]  }
0x2c: {  	s7 =	sld [smem:$0x3FB0]  }
0x2d: {  	s3 =	simm.s32 $0x108;
	s8 =	sld [smem:$0x3FB1]  }
0x2e: {  	s3 =	simm.s32 @!p0 $0x1082;
	s9 =	sld [smem:$0x3FB2]  }
0x2f: {  	lr =	sadd.s32 s0, s3;
	s0 =	sld [smem:$0x3FA9]  }
0x30: {  	s3 =	sld [smem:$0x3FAC]  }
0x31: {  	[smem:$0x3FB5] =	sst s10  }
0x32: {  	s10 =	sld [smem:$0x3FB3];
	_ =	sdelay $0x3  }
0x33: {  	p0 =	seq.s32 s10, $0x1;
	s10 =	sld [smem:$0x3FB5];
	_ =	sdelay $0x3  }
0x34: {  	[smem:$0x3FB5] =	sst s10  }
0x35: {  	s10 =	sld [smem:$0x3FB4];
	_ =	sdelay $0x3  }
0x36: {  	p1 =	seq.s32 s10, $0x1;
	s10 =	sld [smem:$0x3FB5];
	_ =	sdelay $0x3  }
0x37: {  	[smem:$0x3FB5] =	sst s10  }
0x38: {  	s10 =	sld [smem:$0x3FB6]  }
0x39: {  	_ = 	snop;
	(pc) =	sbr.ind lr, $3  }
0x3a: {  	_ = 	snop  }
0x3b: {  	_ = 	snop  }
0x3c: {  	p2 =	seq.s32 s10, $0x1;
	s10 =	sld [smem:$0x3FB5]  }
0x3d: {  	_ =	shalt  }
0x3e: {  	_ =	shalt  }
0x3f: {  	_ =	shalt  }
0x40: {  	_ =	shalt  }
0x41: {  	_ =	shalt  }
0x42: {  	_ =	shalt  }
0x43: {  	_ =	shalt  }
0x44: {  	_ =	shalt  }
0x45: {  	_ =	shalt  }
0x46: {  	_ =	shalt  }
0x47: {  	_ =	shalt  }
0x48: {  	_ =	shalt  }
0x49: {  	_ =	shalt  }
0x4a: {  	_ =	shalt  }
0x4b: {  	_ =	shalt  }
0x4c: {  	_ =	shalt  }
0x4d: {  	_ =	shalt  }
0x4e: {  	_ =	shalt  }
0x4f: {  	_ =	shalt  }
0x50: {  	_ =	shalt  }
0x51: {  	_ =	shalt  }
0x52: {  	_ =	shalt  }
0x53: {  	_ =	shalt  }
0x54: {  	_ =	shalt  }
0x55: {  	_ =	shalt  }
0x56: {  	_ =	shalt  }
0x57: {  	_ =	shalt  }
0x58: {  	_ =	shalt  }
0x59: {  	_ =	shalt  }
0x5a: {  	_ =	shalt  }
0x5b: {  	_ =	shalt  }
0x5c: {  	_ =	shalt  }
0x5d: {  	_ =	shalt  }
0x5e: {  	_ =	shalt  }
0x5f: {  	_ =	shalt  }
0x60: {  	_ =	shalt  }
0x61: {  	_ =	shalt  }
0x62: {  	_ =	shalt  }
0x63: {  	_ =	shalt  }
0x64: {  	_ =	shalt  }
0x65: {  	_ =	shalt  }
0x66: {  	_ =	shalt  }
0x67: {  	_ =	shalt  }
0x68: {  	_ =	shalt  }
0x69: {  	_ =	shalt  }
0x6a: {  	_ =	shalt  }
0x6b: {  	_ =	shalt  }
0x6c: {  	_ =	shalt  }
0x6d: {  	_ =	shalt  }
0x6e: {  	_ =	shalt  }
0x6f: {  	_ =	shalt  }
0x70: {  	_ =	shalt  }
0x71: {  	_ =	shalt  }
0x72: {  	_ =	shalt  }
0x73: {  	_ =	shalt  }
0x74: {  	_ =	shalt  }
0x75: {  	_ =	shalt  }
0x76: {  	_ =	shalt  }
0x77: {  	_ =	shalt  }
0x78: {  	_ =	shalt  }
0x79: {  	_ =	shalt  }
0x7a: {  	_ =	shalt  }
0x7b: {  	_ =	shalt  }
0x7c: {  	_ =	shalt  }
0x7d: {  	_ =	shalt  }
0x7e: {  	_ =	shalt  }
0x7f: {  	_ =	shalt  }
0x80: {  	_ =	shalt  }
0x81: {  	_ =	shalt  }
0x82: {  	_ =	shalt  }
0x83: {  	_ =	shalt  }
0x84: {  	_ =	shalt  }
0x85: {  	_ =	shalt  }
0x86: {  	_ =	shalt  }
0x87: {  	_ =	shalt  }
.Lfunc_end0:
.L_simem_size_0:
called_computation.1_lowered:
.L_overlay_start_0:
0x88: {  	s2 =	sld [smem:$0x3FD9]  }
0x89: {  	s3 =	sld [smem:$0x3FFE];
	_ =	sdelay $0x1  }
0x8a: {  	s1 =	srdreg.scid  }
0x8b: {  	s0 =	sand.u32 $0x1, s1  }
0x8c: {  	s17 =	sshll.u32 s0, $0xA;
	s2 =	sadd.s32 s3, s2  }
0x8d: {  	s2 =	sadd.s32 s2, s17  }
0x8e: {  	[smem:$0x3FC1] =	sst s2  }
0x8f: {  	_ = 	snop  }
0x90: {  	s2 =	sld [smem:$0x3FC5];
	(tm) =	ssettm $0x1  }
0x91: {  	s18 =	sld [smem:$0x3FFB];
	_ =	sdelay $0x3  }
0x92: {  	_ =	strace s18  }
0x93: {  	s3 =	sld [smem:$0x3FFC];
	_ =	sdelay $0x3  }
0x94: {  	_ =	strace s3  }
0x95: {  	s3 =	sld [smem:$0x3FFD];
	_ =	sdelay $0x3  }
0x96: {  	_ =	strace s3  }
0x97: {  	_ =	strace $0x8FFFFFFF  }
0x98: {  	s19 =	sld [smem:$0x3FDB];
	_ =	sdelay $0x1  }
0x99: {  	s4 =	simm.s32 $_scs_section_size  }
0x9a: {  	s5 =	simm.s32 $_size__tile_overlayer_lowered;
	s6 =	simm.s32 $_tile_overlayer_lowered  }
0x9b: {  	s22 =	simm.s32 $0x1BFF;
	s21 =	sshll.u32 s6, $0x1;
	s3 =	sadd.s32 s4, s19  }
0x9c: {  	s7 =	simm.s32 $0x0;
	s20 =	sshll.u32 s5, $0x1;
	s5 =	sadd.s32 s21, s3  }
0x9d: {  	[timem:s7], [sflag:s22] =	dma.local [hbm:s5], s20  }
0x9e: {  	_ =	swait.ge [sflag:s22], s20  }
0x9f: {  	s4 =	ssub.s32 $0x0, s20;
	[sflag:s22] =	ssyncset.done $0x0  }
0xa0: {  	[sflag:s22] =	ssyncadd.s32 s4;
	_ =	sdelay $0x1  }
0xa1: {  	s23 =	simm.s32 $0x1B8B  }
0xa2: {  	_ =	swait.ge [sflag:s23], $0x1  }
0xa3: {  	[sflag:s23] =	ssyncset.done $0x0  }
0xa4: {  	s25 =	simm.s32 $0x1B8E;
	s24 =	sld [smem:$0x3FFE];
	[sflag:s23] =	ssyncadd.s32 $0xFFFFFFFF  }
0xa5: {  	s26 =	simm.s32 $execute0_lowered;
	[smem:$0x3FD2] =	sst s25  }
0xa6: {  	s5 =	sshll.u32 s26, $0x1;
	_ =	strace $0x80000046;
	[dreg:$0x1] =	wrdreg $0xFFFFFFFF  }
0xa7: {  	s28 =	simm.s32 $_size_execute0_lowered;
	s3 =	sadd.s32 s3, s5;
	[dreg:$0x0] =	wrdreg $0x0  }
0xa8: {  	s5 =	sshll.u32 s28, $0x1;
	[dreg:$0x2] =	wrdreg s3  }
0xa9: {  	[dreg:$0x3] =	wrdreg s5  }
0xaa: {  	[dreg:$0x4] =	wrdreg $0xC0  }
0xab: {  	_ =	task [dreg:s7], $0x5FFFF  }
0xac: {  	[dreg:$0x1] =	wrdreg $0xFFFFFFFF  }
0xad: {  	[dreg:$0x0] =	wrdreg $0x60  }
0xae: {  	[dreg:$0x2] =	wrdreg s2  }
0xaf: {  	[dreg:$0x3] =	wrdreg s24  }
0xb0: {  	[dreg:$0x4] =	wrdreg $0xA  }
0xb1: {  	_ =	task.clear_ibuf [dreg:s7], $0x5FFFF;
	_ =	strace $0x90000046  }
0xb2: {  	s29 =	simm.s32 $0xA;
	_ =	strace $0x80000048  }
0xb3: {  	_ =	swait.ge [sflag:s29], $0x1  }
0xb4: {  	[sflag:s29] =	ssyncadd.s32 $0xFFFFFFFF  }
0xb5: {  	_ =	strace $0x90000048  }
0xb6: {  	_ =	sfence  }
0xb7: {  	s30 =	sld [smem:$0x0];
	_ =	sdelay $0x2  }
0xb8: {  	s31 =	sshll.u32 s1, $0xD;
	s1 =	sshrl.u32 s1, $0x2  }
0xb9: {  	s3 =	sand.u32 $0x4000, s31;
	s1 =	sadd.s32 s1, s30  }
0xba: {  	s0 =	sor.u32 s3, s0;
	s1 =	sshll.u32 s1, $0x11  }
0xbb: {  	s0 =	sor.u32 s1, s0  }
0xbc: {  	s0 =	sadd.s32 $0x8F2B, s0  }
0xbd: {  	[sflag:s0] =	ssyncadd.remote.s32 $0x1  }
0xbe: {  	_ =	sfence.sel $0xFFFF  }
0xbf: {  	[dreg:$0x0] =	wrdreg $0xFFFFFFFF;
	(pc) =	sbr.abs _section_cstart, $3  }
0xc0: {  	[dreg:$0x1] =	wrdreg $0xFFFFFFFF  }
0xc1: {  	_ =	task.clear_ibuf [dreg:s7], $0x2FFFF;
	_ =	strace $0x9FFFFFFF  }
0xc2: {  	(tm) =	ssettm $0x7FFFFFFF  }
0xc3: {  	_ =	shalt  }
tec
execute0_lowered:
.L_overlay_start_1:
0x0: {  	(tag) =	ssettag $0x1  }
0x1: {  	s1 =	srdreg.scid;
	s2 =	rddreg [dreg:$0x0]  }
0x2: {  	s0 =	stileid.u32;
	s5 =	rddreg [dreg:$0x1];
	s6 =	simm.s32 $0x1  }
0x3: {  	s9 =	simm.s32 $0x1;
	s10 =	simm.s32 $0x3;
	s1 =	sshll.u32 s1, $0x8  }
0x4: {  	s13 =	simm.s32 $0x0;
	s3 =	sshll.u32 s0, $0x9;
	s4 =	sand.u32 $0x100, s1  }
0x5: {  	s12 =	simm.s32 $0x0;
	s1 =	rddreg [dreg:$0x2];
	s3 =	sor.u32 s3, s4  }
0x6: {  	_ =	strace $0x80000047;
	s4 =	sadd.s32 $0x1600, s5;
	s8 =	ssub.s32 $0x4000, s3  }
.Ltmp0:
0x7: {  	s5 =	sadd.s32 $0x1E00, s5;
	s7 =	sand.u32 $0x1F00, s8;
	(pc) =	sbr.rel .LBB2_1-.Ltmp0, $4  }
0x8: {  	[sflag:s6] =	ssyncpa.u1 $0x0;
	s11 =	smov.u32 s3;
	p0 =	sne.s32 s7, $0x0  }
0x9: {  	s8 =	sshrl.u32 s8, $0xD;
	s7 =	simm.s32 $0x2;
	s9 =	simm.s32 @!p0 $0x0  }
0xa: {  	[sflag:s7] =	ssyncpa.u1 $0x0;
	p0 =	por $0x0, $0x0;
	s8 =	sadd.s32 s9, s8  }
0xb: {  	vm0 =	vmmov $0xffff;
	[sflag:s10] =	ssyncpa.u1 $0x0;
	s10 =	simm.s32 $0x0;
	s9 =	sadd.s32 $0x1, s8  }
.LBB2_4:
0xc: {  	v2 =	vnsel vm1, $0x0, v2  }
0xd: {  	vm1 =	vgt.s32 v0, $0x0;
	v2 =	vmin.u32 v2, $0xF423F  }
0xe: {  	v0 =	vnsel vm1, $0x0, v0  }
0xf: {  	v0 =	vmin.u32 v0, $0xF423F  }
0x10: {  	[tilespmem:s15], [sflag:$0x1] =	stream.indirect_vreg.gather [hbm4b:s2+s10], $0x1, v1, vm0, $0x4038;
	[tilespmem:$0x400] =	vst v63  }
0x11: {  	(ifvalue) =	ssetifvalue $0x7FFFFFFF  }
0x12: {  	[tilespmem:s16], [sflag:$0x1] =	stream.indirect_vreg.gather [hbm4b:s2+s10], $0x1, v2, vm0, $0x4038;
	[tilespmem:$0x400] =	vst v63  }
0x13: {  	s29 =	sadd.s32 $0x10, s16;
	(ifvalue) =	ssetifvalue $0x7FFFFFFF  }
0x14: {  	[tilespmem:s29], [sflag:$0x1] =	stream.indirect_vreg.gather [hbm4b:s2+s10], $0x1, v0, vm0, $0x4038;
	[tilespmem:$0x400] =	vst v63  }
0x15: {  	_ =	swait.ge [sflag:s6], $0x100  }
0x16: {  	s30 =	sshrl.u32 s13, $0x3;
	[sflag:s6] =	ssyncset.done $0x0  }
0x17: {  	s31 =	sand.u32 $0x7, s13;
	s15 =	sadd.s32 s5, s30;
	[sflag:s6] =	ssyncadd.s32 $0xFFFFFF00  }
0x18: {  	[hbm4b:s15+s31] =	stream.linear.scatter [tilespmem:s14], [sflag:$0x3], $0x100, $0x38;
	[tilespmem:$0x400] =	vst v63  }
.LBB2_5:
0x19: {  	s15 =	sadd.s32 $0x2000, s11  }
0x1a: {  	p2 =	sgt.s32 s15, $0x3FFF  }
0x1b: {  	s15 =	smov.u32 @p2 s3;
	p2 =	sne.s32 s12, s9  }
.Ltmp1:
0x1c: {  	p1 =	slt.u32 s12, $0x2;
	(pc) =	sbr.rel @!p2 .LBB2_6-.Ltmp1, $4  }
0x1d: {  	s14 =	simm.s32 @!p1 $0x3  }
0x1e: {  	s16 =	sadd.s32 $0x1, s12;
	_ =	swait.ge @!p1 [sflag:s14], $0x100  }
0x1f: {  	s13 =	smov.u32 s11;
	p0 =	por !p0, !p0;
	[sflag:s14] =	ssyncset.done @!p1 $0x0  }
0x20: {  	s12 =	smov.u32 s16;
	s11 =	smov.u32 s15;
	[sflag:s14] =	ssyncadd.s32 @!p1 $0xFFFFFF00  }
.LBB2_1:
0x21: {  	p1 =	sge.u32 s12, s8  }
0x22: {  	s14 =	sxor.u32 @!p1 $0xFFFFFFFF, s12  }
0x23: {  	s31 =	sadd.s32 $0xFFFFFFFF, s12;
	s15 =	sshrl.u32 @!p1 s11, $0x3;
	s14 =	sshll.u32 @!p1 s14, $0x8  }
0x24: {  	s16 =	sand.u32 @!p1 $0x7, s11;
	s15 =	sadd.s32 @!p1 s4, s15;
	s14 =	sand.u32 @!p1 $0x100, s14  }
0x25: {  	[tilespmem:s14], [sflag:$0x2] =	stream.linear.gather @!p1 [hbm4b:s15+s16], $0x100, $0x38;
	[tilespmem:$0x400] =	vst v63  }
0x26: {  	p1 =	sge.u32 s31, s8  }
.Ltmp2:
0x27: {  	_ = 	snop;
	(pc) =	sbr.rel @p1 .LBB2_5-.Ltmp2, $1  }
0x28: {  	_ =	sdelay $0x3  }
0x29: {  	s14 =	simm.s32 $0x1  }
0x2a: {  	_ =	swait.ge [sflag:s7], $0x100;
	s14 =	simm.s32 @!p0 $0x0  }
0x2b: {  	[sflag:s7] =	ssyncset.done $0x0;
	s14 =	sshll.u32 s14, $0x8  }
0x2c: {  	[sflag:s7] =	ssyncadd.s32 $0xFFFFFF00;
	(ifvalue) =	ssetifvalue $0x7FFFFFFF;
	v0 =	vld.msk [tilespmem:s14+$0x0 ss:$0x1], $0xffff;
	_ =	sdelay $0x4  }
0x2d: {  	s15 =	sadd.s32 $0x10, s14;
	vm1 =	vgt.s32 v0, $0x0  }
0x2e: {  	v2 =	vld.msk [tilespmem:s15+$0x0 ss:$0x1], $0xffff;
	v1 =	vnsel vm1, $0x0, v0  }
0x2f: {  	v1 =	vmin.u32 v1, $0xF423F;
	_ =	sdelay $0x1  }
0x30: {  	s16 =	sshll.u32 s12, $0x8;
	s18 =	simm.s32 $0x20  }
0x31: {  	s16 =	sand.u32 $0x100, s16;
	s17 =	sadd.s32 $0x10, s15;
	s15 =	sor.u32 $0x200, s14  }
0x32: {  	s14 =	sor.u32 $0x200, s16;
	s16 =	sadd.s32 $0x10, s15;
	v0 =	vld.msk [tilespmem:s17+$0x0 ss:$0x1], $0xffff;
	vm1 =	vgt.s32 v2, $0x0;
	(ifvalue) =	ssetifvalue $0x7FFFFFFF  }
.LBB2_3:
0x33: {  	[tilespmem:s15], [sflag:$0x1] =	stream.indirect_vreg.gather [hbm4b:s2+s10], $0x1, v1, vm0, $0x4038;
	[tilespmem:$0x400] =	vst v63  }
0x34: {  	s18 =	sadd.s32 $0x10, s18  }
0x35: {  	v2 =	vnsel vm1, $0x0, v2;
	p1 =	slt.u32 s18, $0xF0  }
.Ltmp3:
0x36: {  	s15 =	smov.u32 s16;
	v1 =	vmin.u32 v2, $0xF423F;
	(pc) =	sbr.rel @p1 .LBB2_3-.Ltmp3, $3  }
0x37: {  	_ =	sdelay $0x1  }
0x38: {  	s17 =	sadd.s32 $0x10, s17  }
0x39: {  	vm1 =	vgt.s32 v0, $0x0;
	s16 =	sadd.s32 $0x10, s16;
	v2 =	vmov v0;
	(ifvalue) =	ssetifvalue $0x7FFFFFFF;
	v0 =	vld.msk [tilespmem:s17+$0x0 ss:$0x1], $0xffff  }
.Ltmp4:
0x3a: {  	_ = 	snop;
	(pc) =	sbr.rel .LBB2_4-.Ltmp4, $1  }
0x3b: {  	_ =	sdelay $0x3  }
.LBB2_6:
0x3c: {  	_ =	sfence.sel $0x180000  }
0x3d: {  	s2 =	simm.s32 $0x2;
	[bflag:$0x0] =	sbarrier.arrive $0xFFFF  }
0x3e: {  	s30 =	simm.s32 $0x3;
	[sflag:s2] =	ssyncpa.u1 $0x1  }
0x3f: {  	s31 =	simm.s32 $0x1;
	[sflag:s30] =	ssyncpa.u1 $0x1  }
0x40: {  	[sflag:s31] =	ssyncpa.u1 $0x1  }
0x41: {  	p0 =	sne.s32 s0, $0x0;
	_ =	strace $0x90000047  }
0x42: {  	s0 =	sadd.s32 @!p0 $0x100000, s1;
	[bflag:$0x2] =	sbarrier.arrive $0xFFFF  }
0x43: {  	[sflag:s0] =	ssyncadd.tile.s32 @!p0 $0x1;
	_ =	shalt  }
.Lfunc_end2:
_tile_overlayer_lowered:
.L_overlay_start_2:
0x44: {  	(tag) =	ssettag $0x2  }
0x45: {  	s0 =	rddreg [dreg:$0x0];
	s2 =	stileid.u32  }
0x46: {  	s1 =	rddreg [dreg:$0x1];
	p0 =	sne.s32 s2, $0x0  }
0x47: {  	s3 =	rddreg [dreg:$0x2];
	[bflag:$0x3] =	sbarrier.arrive $0xFFFF;
	s2 =	simm.s32 @!p0 $0x1C01  }
0x48: {  	[timem:s3], [sflag:s2] =	dma.local @!p0 [hbm:s0], s1  }
0x49: {  	s0 =	simm.s32 @!p0 $0x1  }
0x4a: {  	_ =	swait.ge @!p0 [sflag:s0], s1  }
0x4b: {  	s1 =	ssub.s32 @!p0 $0x0, s1;
	[sflag:s0] =	ssyncset.done @!p0 $0x0  }
0x4c: {  	[sflag:s0] =	ssyncadd.s32 @!p0 s1  }
0x4d: {  	[bflag:$0x3] =	sbarrier.arrive $0xFFFF  }
0x4e: {  	_ =	shalt  }

// kernel: gather_offload_async_start
scs
__scs_entry_jumppad:
0x0: {  	(pc) =	sbr.rel $0x88, $3  }
0x1: {  	(tag) =	ssettag $0x0;
	lr =	simm.s32 $0x1  }
0x2: {  	[smem:$0x3F9A] =	sst lr;
	_ =	strace $0xD0000000  }
0x3: {  	_ = 	snop  }
0x4: {  	_ = 	snop  }
0x5: {  	_ = 	snop  }
0x6: {  	_ = 	snop  }
0x7: {  	_ = 	snop  }
__scs_overlays_trampoline_lowered:
0x8: {  	[smem:$0x3FA9] =	sst s0  }
0x9: {  	[smem:$0x3FAA] =	sst s1  }
0xa: {  	[smem:$0x3FAB] =	sst s2  }
0xb: {  	[smem:$0x3FAC] =	sst s3  }
0xc: {  	[smem:$0x3FAD] =	sst s4  }
0xd: {  	[smem:$0x3FAE] =	sst s5  }
0xe: {  	[smem:$0x3FAF] =	sst s6  }
0xf: {  	[smem:$0x3FB0] =	sst s7  }
0x10: {  	[smem:$0x3FB1] =	sst s8  }
0x11: {  	[smem:$0x3FB2] =	sst s9;
	s0 =	simm.s32 @!p0 $0x0  }
0x12: {  	s1 =	sld [smem:$0x3F98];
	s0 =	simm.s32 @p0 $0x1  }
0x13: {  	[smem:$0x3FB3] =	sst s0;
	s0 =	simm.s32 @!p1 $0x0  }
0x14: {  	s2 =	sld [smem:$0x3F97];
	s0 =	simm.s32 @p1 $0x1  }
0x15: {  	[smem:$0x3FB4] =	sst s0;
	s0 =	simm.s32 @!p2 $0x0  }
0x16: {  	s3 =	sld [smem:$0x3FDB];
	s0 =	simm.s32 @p2 $0x1  }
0x17: {  	s4 =	simm.s32 $0x1BF5;
	[smem:$0x3FB6] =	sst s0  }
0x18: {  	s0 =	sld [smem:$0x3F99];
	_ =	swait.ge [sflag:s4], $0x0  }
0x19: {  	s7 =	sld [smem:$0x3F9A]  }
0x1a: {  	s8 =	sadd.s32 $0xFFFFE003, lr  }
0x1b: {  	s9 =	sadd.s32 $0xFFFFFEF7, lr;
	s5 =	simm.s32 $0xFFFFFFFF;
	p2 =	slt.u32 s8, $0xFFFFF086  }
0x1c: {  	p1 =	slt.u32 s9, $0xF7A;
	s5 =	simm.s32 @!p2 $0x0  }
0x1d: {  	s5 =	simm.s32 @p1 $0x1;
	p0 =	seq.s32 s7, s2  }
0x1e: {  	s7 =	smul.u32 @!p0 $0xF7A, s2;
	p2 =	seq.s32 @!p0 s5, $0x0  }
0x1f: {  	s9 =	smul.u32 $0xF7A, s1;
	s8 =	simm.s32 @!p0 $0x1BF5;
	p2 =	por !p2, p0  }
0x20: {  	[sflag:s8] =	ssyncset.s32 @!p0 $0xFFFFF086;
	s6 =	sadd.s32 @!p0 s3, s7;
	s7 =	simm.s32 @!p0 $0x108  }
0x21: {  	s3 =	sadd.s32 s3, s9;
	s6 =	sadd.s32 @!p0 $0x88, s6;
	s7 =	simm.s32 @p2 $0x1082  }
0x22: {  	[simem:s7], [sflag:s8] =	dma.local @!p0 [hbm:s6], $0xF7A  }
0x23: {  	s9 =	sor.u32 $0xD0000000, s2;
	s6 =	simm.s32 $0x108;
	_ =	swait.ge @!p0 [sflag:s8], $0x0  }
0x24: {  	s3 =	sadd.s32 $0x88, s3;
	s6 =	simm.s32 @!p1 $0x1082;
	[sflag:s4] =	ssyncset.s32 $0xFFFFF086  }
0x25: {  	[simem:s6], [sflag:s4] =	dma.local [hbm:s3], $0xF7A  }
0x26: {  	[smem:$0x3F9A] =	sst s1;
	(tag) =	ssettag s2;
	_ =	strace s9  }
0x27: {  	s1 =	sld [smem:$0x3FAA]  }
0x28: {  	s2 =	sld [smem:$0x3FAB]  }
0x29: {  	s4 =	sld [smem:$0x3FAD]  }
0x2a: {  	p0 =	seq.s32 s5, $0x0;
	s5 =	sld [smem:$0x3FAE]  }
0x2b: {  	s6 =	sld [smem:$0x3FAF]  }
0x2c: {  	s7 =	sld [smem:$0x3FB0]  }
0x2d: {  	s3 =	simm.s32 $0x108;
	s8 =	sld [smem:$0x3FB1]  }
0x2e: {  	s3 =	simm.s32 @!p0 $0x1082;
	s9 =	sld [smem:$0x3FB2]  }
0x2f: {  	lr =	sadd.s32 s0, s3;
	s0 =	sld [smem:$0x3FA9]  }
0x30: {  	s3 =	sld [smem:$0x3FAC]  }
0x31: {  	[smem:$0x3FB5] =	sst s10  }
0x32: {  	s10 =	sld [smem:$0x3FB3];
	_ =	sdelay $0x3  }
0x33: {  	p0 =	seq.s32 s10, $0x1;
	s10 =	sld [smem:$0x3FB5];
	_ =	sdelay $0x3  }
0x34: {  	[smem:$0x3FB5] =	sst s10  }
0x35: {  	s10 =	sld [smem:$0x3FB4];
	_ =	sdelay $0x3  }
0x36: {  	p1 =	seq.s32 s10, $0x1;
	s10 =	sld [smem:$0x3FB5];
	_ =	sdelay $0x3  }
0x37: {  	[smem:$0x3FB5] =	sst s10  }
0x38: {  	s10 =	sld [smem:$0x3FB6]  }
0x39: {  	_ = 	snop;
	(pc) =	sbr.ind lr, $3  }
0x3a: {  	_ = 	snop  }
0x3b: {  	_ = 	snop  }
0x3c: {  	p2 =	seq.s32 s10, $0x1;
	s10 =	sld [smem:$0x3FB5]  }
0x3d: {  	_ =	shalt  }
0x3e: {  	_ =	shalt  }
0x3f: {  	_ =	shalt  }
0x40: {  	_ =	shalt  }
0x41: {  	_ =	shalt  }
0x42: {  	_ =	shalt  }
0x43: {  	_ =	shalt  }
0x44: {  	_ =	shalt  }
0x45: {  	_ =	shalt  }
0x46: {  	_ =	shalt  }
0x47: {  	_ =	shalt  }
0x48: {  	_ =	shalt  }
0x49: {  	_ =	shalt  }
0x4a: {  	_ =	shalt  }
0x4b: {  	_ =	shalt  }
0x4c: {  	_ =	shalt  }
0x4d: {  	_ =	shalt  }
0x4e: {  	_ =	shalt  }
0x4f: {  	_ =	shalt  }
0x50: {  	_ =	shalt  }
0x51: {  	_ =	shalt  }
0x52: {  	_ =	shalt  }
0x53: {  	_ =	shalt  }
0x54: {  	_ =	shalt  }
0x55: {  	_ =	shalt  }
0x56: {  	_ =	shalt  }
0x57: {  	_ =	shalt  }
0x58: {  	_ =	shalt  }
0x59: {  	_ =	shalt  }
0x5a: {  	_ =	shalt  }
0x5b: {  	_ =	shalt  }
0x5c: {  	_ =	shalt  }
0x5d: {  	_ =	shalt  }
0x5e: {  	_ =	shalt  }
0x5f: {  	_ =	shalt  }
0x60: {  	_ =	shalt  }
0x61: {  	_ =	shalt  }
0x62: {  	_ =	shalt  }
0x63: {  	_ =	shalt  }
0x64: {  	_ =	shalt  }
0x65: {  	_ =	shalt  }
0x66: {  	_ =	shalt  }
0x67: {  	_ =	shalt  }
0x68: {  	_ =	shalt  }
0x69: {  	_ =	shalt  }
0x6a: {  	_ =	shalt  }
0x6b: {  	_ =	shalt  }
0x6c: {  	_ =	shalt  }
0x6d: {  	_ =	shalt  }
0x6e: {  	_ =	shalt  }
0x6f: {  	_ =	shalt  }
0x70: {  	_ =	shalt  }
0x71: {  	_ =	shalt  }
0x72: {  	_ =	shalt  }
0x73: {  	_ =	shalt  }
0x74: {  	_ =	shalt  }
0x75: {  	_ =	shalt  }
0x76: {  	_ =	shalt  }
0x77: {  	_ =	shalt  }
0x78: {  	_ =	shalt  }
0x79: {  	_ =	shalt  }
0x7a: {  	_ =	shalt  }
0x7b: {  	_ =	shalt  }
0x7c: {  	_ =	shalt  }
0x7d: {  	_ =	shalt  }
0x7e: {  	_ =	shalt  }
0x7f: {  	_ =	shalt  }
0x80: {  	_ =	shalt  }
0x81: {  	_ =	shalt  }
0x82: {  	_ =	shalt  }
0x83: {  	_ =	shalt  }
0x84: {  	_ =	shalt  }
0x85: {  	_ =	shalt  }
0x86: {  	_ =	shalt  }
0x87: {  	_ =	shalt  }
.Lfunc_end0:
.L_simem_size_0:
called_computation_lowered:
.L_overlay_start_0:
0x88: {  	s2 =	sld [smem:$0x3FD9]  }
0x89: {  	s3 =	sld [smem:$0x3FFE];
	_ =	sdelay $0x1  }
0x8a: {  	s1 =	srdreg.scid  }
0x8b: {  	s0 =	sand.u32 $0x1, s1  }
0x8c: {  	s17 =	sshll.u32 s0, $0xA;
	s2 =	sadd.s32 s3, s2  }
0x8d: {  	s2 =	sadd.s32 s2, s17  }
0x8e: {  	[smem:$0x3FC1] =	sst s2  }
0x8f: {  	_ = 	snop  }
0x90: {  	s18 =	sld [smem:$0x3FC7];
	(tm) =	ssettm $0x1  }
0x91: {  	s19 =	sld [smem:$0x3FFB];
	_ =	sdelay $0x3  }
0x92: {  	_ =	strace s19  }
0x93: {  	s2 =	sld [smem:$0x3FFC];
	_ =	sdelay $0x3  }
0x94: {  	_ =	strace s2  }
0x95: {  	s2 =	sld [smem:$0x3FFD];
	_ =	sdelay $0x3  }
0x96: {  	_ =	strace s2  }
0x97: {  	_ =	strace $0x8FFFFFFF  }
0x98: {  	s20 =	sld [smem:$0x3FDB];
	_ =	sdelay $0x1  }
0x99: {  	s4 =	simm.s32 $_scs_section_size  }
0x9a: {  	s5 =	simm.s32 $_size__tile_overlayer_lowered;
	s6 =	simm.s32 $_tile_overlayer_lowered  }
0x9b: {  	s7 =	simm.s32 $0x1BFF;
	s21 =	sshll.u32 s6, $0x1;
	s4 =	sadd.s32 s4, s20  }
0x9c: {  	s22 =	simm.s32 $0x0;
	s5 =	sshll.u32 s5, $0x1;
	s6 =	sadd.s32 s21, s4  }
0x9d: {  	[timem:s22], [sflag:s7] =	dma.local [hbm:s6], s5  }
0x9e: {  	_ =	swait.ge [sflag:s7], s5  }
0x9f: {  	s5 =	ssub.s32 $0x0, s5;
	[sflag:s7] =	ssyncset.done $0x0  }
0xa0: {  	[sflag:s7] =	ssyncadd.s32 s5;
	_ =	sdelay $0x1  }
0xa1: {  	s23 =	simm.s32 $0x1B8B  }
0xa2: {  	_ =	swait.ge [sflag:s23], $0x1  }
0xa3: {  	[sflag:s23] =	ssyncset.done $0x0  }
0xa4: {  	[sflag:s23] =	ssyncadd.s32 $0xFFFFFFFF  }
0xa5: {  	s5 =	sld [smem:$0x0]  }
0xa6: {  	s6 =	sand.u32 $0xFFFFFFFE, s1  }
0xa7: {  	p0 =	sne.s32 s1, s6  }
0xa8: {  	s6 =	sshll.u32 @p0 s6, $0xE  }
0xa9: {  	s6 =	sadd.s32 @p0 $0x11B8D, s6;
	s7 =	sshll.u32 @p0 s5, $0x11  }
0xaa: {  	s6 =	sor.u32 @p0 s7, s6  }
0xab: {  	[sflag:s6] =	ssyncadd.remote.s32 @p0 $0x1;
	_ =	sdelay $0x1  }
0xac: {  	s6 =	simm.s32 @p0 $0x1B8D  }
0xad: {  	_ =	swait.eq @p0 [sflag:s6], $0x1  }
0xae: {  	[sflag:s6] =	ssyncadd.s32 @p0 $0xFFFFFFFF  }
0xaf: {  	s7 =	sshll.u32 @!p0 s1, $0xE  }
0xb0: {  	s7 =	sor.u32 @!p0 $0x4000, s7;
	s6 =	simm.s32 @!p0 $0x1B8D  }
0xb1: {  	s5 =	sshll.u32 @!p0 s5, $0x11;
	s7 =	sadd.s32 @!p0 $0x11B8D, s7;
	_ =	swait.eq @!p0 [sflag:s6], $0x1  }
0xb2: {  	s5 =	sor.u32 @!p0 s5, s7;
	[sflag:s6] =	ssyncadd.s32 @!p0 $0xFFFFFFFF  }
0xb3: {  	s25 =	simm.s32 $0x1B8E;
	s24 =	sld [smem:$0x3FFE];
	[sflag:s5] =	ssyncadd.remote.s32 @!p0 $0x1  }
0xb4: {  	s26 =	simm.s32 $execute0_lowered;
	[smem:$0x3FD2] =	sst s25  }
0xb5: {  	s6 =	sshll.u32 s26, $0x1;
	_ =	strace $0x80000049;
	[dreg:$0x1] =	wrdreg $0xFFFFFFFF  }
0xb6: {  	s28 =	simm.s32 $_size_execute0_lowered;
	s4 =	sadd.s32 s4, s6;
	[dreg:$0x0] =	wrdreg $0x0  }
0xb7: {  	s6 =	sshll.u32 s28, $0x1;
	[dreg:$0x2] =	wrdreg s4  }
0xb8: {  	[dreg:$0x3] =	wrdreg s6  }
0xb9: {  	[dreg:$0x4] =	wrdreg $0xC0  }
0xba: {  	_ =	task [dreg:s22], $0x5FFFF  }
0xbb: {  	[dreg:$0x1] =	wrdreg $0xFFFFFFFF  }
0xbc: {  	[dreg:$0x0] =	wrdreg $0x60  }
0xbd: {  	[dreg:$0x2] =	wrdreg s18  }
0xbe: {  	[dreg:$0x3] =	wrdreg s24  }
0xbf: {  	[dreg:$0x4] =	wrdreg $0x9  }
0xc0: {  	_ =	task.clear_ibuf [dreg:s22], $0x5FFFF;
	_ =	strace $0x90000049  }
0xc1: {  	s29 =	simm.s32 $0x9;
	_ =	strace $0x8000004B  }
0xc2: {  	_ =	swait.ge [sflag:s29], $0x1  }
0xc3: {  	[sflag:s29] =	ssyncadd.s32 $0xFFFFFFFF  }
0xc4: {  	_ =	strace $0x9000004B  }
0xc5: {  	_ =	sfence  }
0xc6: {  	s30 =	sld [smem:$0x0];
	_ =	sdelay $0x2  }
0xc7: {  	s31 =	sshll.u32 s1, $0xD;
	s1 =	sshrl.u32 s1, $0x2  }
0xc8: {  	s4 =	sand.u32 $0x4000, s31;
	s1 =	sadd.s32 s1, s30  }
0xc9: {  	s0 =	sor.u32 s4, s0;
	s1 =	sshll.u32 s1, $0x11  }
0xca: {  	s0 =	sor.u32 s1, s0  }
0xcb: {  	s0 =	sadd.s32 $0x8F2B, s0  }
0xcc: {  	[sflag:s0] =	ssyncadd.remote.s32 $0x1  }
0xcd: {  	_ =	sfence.sel $0xFFFF  }
0xce: {  	[dreg:$0x0] =	wrdreg $0xFFFFFFFF;
	(pc) =	sbr.abs _section_cstart, $3  }
0xcf: {  	[dreg:$0x1] =	wrdreg $0xFFFFFFFF  }
0xd0: {  	_ =	task.clear_ibuf [dreg:s22], $0x2FFFF;
	_ =	strace $0x9FFFFFFF  }
0xd1: {  	(tm) =	ssettm $0x7FFFFFFF  }
tec
execute0_lowered:
.L_overlay_start_1:
0x0: {  	(tag) =	ssettag $0x1  }
0x1: {  	s1 =	srdreg.scid  }
0x2: {  	s2 =	rddreg [dreg:$0x0];
	s0 =	stileid.u32  }
0x3: {  	s11 =	rddreg [dreg:$0x1];
	s5 =	simm.s32 $0x2;
	s1 =	sshll.u32 s1, $0x9  }
0x4: {  	s9 =	simm.s32 $0x3;
	s3 =	sshll.u32 s0, $0xA;
	s4 =	sand.u32 $0x200, s1  }
0x5: {  	s13 =	simm.s32 $0x0;
	s15 =	simm.s32 $0x0;
	s3 =	sor.u32 s3, s4  }
0x6: {  	s14 =	simm.s32 $0x0;
	s1 =	rddreg [dreg:$0x2];
	s4 =	sshrl.u32 s3, $0x3  }
0x7: {  	_ =	strace $0x8000004A;
	s6 =	ssub.s32 $0x4000, s3;
	s8 =	sadd.s32 s4, s11  }
0x8: {  	s4 =	simm.s32 $0x1;
	s7 =	sand.u32 $0x3E00, s6;
	s10 =	sshrl.u32 s6, $0xE  }
.Ltmp0:
0x9: {  	s6 =	sadd.s32 $0x2600, s11;
	[sflag:s4] =	ssyncpa.u1 $0x0;
	(pc) =	sbr.rel .LBB2_1-.Ltmp0, $4  }
0xa: {  	p0 =	sne.s32 s7, $0x0;
	s7 =	simm.s32 $0x1;
	s8 =	sadd.s32 $0x1600, s8  }
0xb: {  	[sflag:s5] =	ssyncpa.u1 $0x0;
	s7 =	simm.s32 @!p0 $0x0;
	p0 =	por $0x0, $0x0  }
0xc: {  	[sflag:s9] =	ssyncpa.u1 $0x0;
	s7 =	sadd.s32 s7, s10;
	s9 =	sadd.s32 $0x6600, s11  }
0xd: {  	vm0 =	vmmov $0xffff;
	s10 =	sadd.s32 $0xA600, s11;
	s11 =	sadd.s32 $0xE600, s11;
	s12 =	sadd.s32 $0x1, s7  }
.LBB2_4:
0xe: {  	_ =	sdelay $0x3  }
0xf: {  	[tilespmem:s21], [sflag:$0x1] =	stream.indirect_vreg.gather [hbm4b:s2+s13], $0x1, v0, vm0, $0x4038;
	[tilespmem:$0x8400] =	vst v63  }
0x10: {  	s18 =	sshll.u32 s15, $0x3  }
0x11: {  	s24 =	sand.u32 $0x78, s15;
	s18 =	sand.u32 $0x7FFFFC00, s18  }
0x12: {  	_ =	swait.ge [sflag:s4], $0x4000;
	s15 =	sor.u32 s24, s18  }
0x13: {  	[sflag:s4] =	ssyncset.done $0x0;
	s15 =	sshrl.u32 s15, $0x3  }
0x14: {  	[sflag:s4] =	ssyncadd.s32 $0xFFFFC000;
	s25 =	sadd.s32 s6, s15  }
0x15: {  	[hbm:s25] =	stream.linear.scatter [tilespmem:s17], [sflag:$0x3], $0x1000, $0x38;
	[tilespmem:$0x8400] =	vst v63  }
0x16: {  	s26 =	sadd.s32 $0x1400, s16;
	s28 =	sadd.s32 s15, s9  }
0x17: {  	[hbm:s28] =	stream.linear.scatter [tilespmem:s26], [sflag:$0x3], $0x1000, $0x38;
	[tilespmem:$0x8400] =	vst v63  }
0x18: {  	s29 =	sadd.s32 $0x2400, s16;
	s30 =	sadd.s32 s15, s10  }
0x19: {  	[hbm:s30] =	stream.linear.scatter [tilespmem:s29], [sflag:$0x3], $0x1000, $0x38;
	[tilespmem:$0x8400] =	vst v63  }
0x1a: {  	s31 =	sadd.s32 $0x3400, s16;
	s15 =	sadd.s32 s15, s11  }
0x1b: {  	[hbm:s15] =	stream.linear.scatter [tilespmem:s31], [sflag:$0x3], $0x1000, $0x38;
	[tilespmem:$0x8400] =	vst v63  }
.LBB2_5:
0x1c: {  	p2 =	sne.s32 s14, s12  }
.Ltmp1:
0x1d: {  	p1 =	slt.u32 s14, $0x2;
	(pc) =	sbr.rel @!p2 .LBB2_6-.Ltmp1, $4  }
0x1e: {  	s15 =	simm.s32 @!p1 $0x3  }
0x1f: {  	_ =	swait.ge @!p1 [sflag:s15], $0x4000  }
0x20: {  	s16 =	sadd.s32 $0x1, s14;
	p0 =	por !p0, !p0;
	[sflag:s15] =	ssyncset.done @!p1 $0x0  }
0x21: {  	s14 =	smov.u32 s16;
	[sflag:s15] =	ssyncadd.s32 @!p1 $0xFFFFC000;
	s15 =	smov.u32 s3  }
.LBB2_1:
0x22: {  	p1 =	sge.u32 s14, s7  }
0x23: {  	s16 =	sxor.u32 @!p1 $0xFFFFFFFF, s14  }
0x24: {  	s16 =	sshll.u32 @!p1 s16, $0x9  }
0x25: {  	s31 =	sadd.s32 $0xFFFFFFFF, s14;
	s17 =	simm.s32 @!p1 $0x0;
	s16 =	sand.u32 @!p1 $0x200, s16  }
0x26: {  	[tilespmem:s16], [sflag:$0x2] =	stream.linear.gather @!p1 [hbm4b:s8+s17], $0x200, $0x38;
	[tilespmem:$0x8400] =	vst v63  }
0x27: {  	p1 =	sge.u32 s31, s7  }
.Ltmp2:
0x28: {  	_ = 	snop;
	(pc) =	sbr.rel @p1 .LBB2_5-.Ltmp2, $1  }
0x29: {  	_ =	sdelay $0x3  }
0x2a: {  	s16 =	simm.s32 $0x1;
	_ =	swait.ge [sflag:s5], $0x200  }
0x2b: {  	s16 =	simm.s32 @!p0 $0x0;
	[sflag:s5] =	ssyncset.done $0x0  }
0x2c: {  	s19 =	sshll.u32 s16, $0x9;
	[sflag:s5] =	ssyncadd.s32 $0xFFFFFE00  }
0x2d: {  	v0 =	vld.msk [tilespmem:s19+$0x0 ss:$0x1], $0xffff;
	_ =	sdelay $0x4  }
0x2e: {  	vm1 =	vgt.s32 v0, $0x0  }
0x2f: {  	v0 =	vnsel vm1, $0x0, v0  }
0x30: {  	v0 =	vmin.u32 v0, $0xF423F  }
0x31: {  	v1 =	vshll.u32 v0, $0x3  }
0x32: {  	v0 =	vand.u32 $0x7F, v0;
	v1 =	vand.u32 $0x7FFC00, v1  }
0x33: {  	s22 =	sshll.u32 s14, $0xE;
	v0 =	vor.u32 v0, v1  }
0x34: {  	s18 =	simm.s32 $0x0;
	s16 =	sand.u32 $0x4000, s22  }
0x35: {  	s20 =	sand.u32 $0xC00, s18;
	s17 =	sor.u32 $0x400, s16  }
0x36: {  	s21 =	sand.u32 $0x70, s18;
	(ifvalue) =	ssetifvalue $0x7FFFFFFF;
	s20 =	sadd.s32 s20, s17;
	v1 =	vor.u32 $0x80, v0  }
0x37: {  	(ifvalue) =	ssetifvalue $0x7FFFFFFF;
	s20 =	sadd.s32 s21, s20  }
0x38: {  	[tilespmem:s20], [sflag:$0x1] =	stream.indirect_vreg.gather [hbm4b:s2+s13], $0x1, v0, vm0, $0x4038;
	[tilespmem:$0x8400] =	vst v63  }
0x39: {  	v2 =	vor.u32 $0x100, v0;
	(ifvalue) =	ssetifvalue $0x7FFFFFFF  }
0x3a: {  	s21 =	sadd.s32 $0x80, s20;
	(ifvalue) =	ssetifvalue $0x7FFFFFFF  }
0x3b: {  	[tilespmem:s21], [sflag:$0x1] =	stream.indirect_vreg.gather [hbm4b:s2+s13], $0x1, v1, vm0, $0x4038;
	[tilespmem:$0x8400] =	vst v63  }
0x3c: {  	v1 =	vor.u32 $0x180, v0;
	(ifvalue) =	ssetifvalue $0x7FFFFFFF  }
0x3d: {  	s23 =	sadd.s32 $0x100, s20;
	(ifvalue) =	ssetifvalue $0x7FFFFFFF  }
0x3e: {  	[tilespmem:s23], [sflag:$0x1] =	stream.indirect_vreg.gather [hbm4b:s2+s13], $0x1, v2, vm0, $0x4038;
	[tilespmem:$0x8400] =	vst v63  }
0x3f: {  	v2 =	vor.u32 $0x200, v0;
	(ifvalue) =	ssetifvalue $0x7FFFFFFF  }
0x40: {  	s24 =	sadd.s32 $0x180, s20;
	(ifvalue) =	ssetifvalue $0x7FFFFFFF  }
0x41: {  	[tilespmem:s24], [sflag:$0x1] =	stream.indirect_vreg.gather [hbm4b:s2+s13], $0x1, v1, vm0, $0x4038;
	[tilespmem:$0x8400] =	vst v63  }
0x42: {  	(ifvalue) =	ssetifvalue $0x7FFFFFFF;
	v1 =	vor.u32 $0x280, v0  }
0x43: {  	s25 =	sadd.s32 $0x200, s20;
	(ifvalue) =	ssetifvalue $0x7FFFFFFF  }
0x44: {  	[tilespmem:s25], [sflag:$0x1] =	stream.indirect_vreg.gather [hbm4b:s2+s13], $0x1, v2, vm0, $0x4038;
	[tilespmem:$0x8400] =	vst v63  }
0x45: {  	(ifvalue) =	ssetifvalue $0x7FFFFFFF;
	v2 =	vor.u32 $0x300, v0  }
0x46: {  	s26 =	sadd.s32 $0x280, s20;
	(ifvalue) =	ssetifvalue $0x7FFFFFFF  }
0x47: {  	[tilespmem:s26], [sflag:$0x1] =	stream.indirect_vreg.gather [hbm4b:s2+s13], $0x1, v1, vm0, $0x4038;
	[tilespmem:$0x8400] =	vst v63  }
0x48: {  	(ifvalue) =	ssetifvalue $0x7FFFFFFF;
	v1 =	vor.u32 $0x380, v0  }
0x49: {  	s18 =	sor.u32 s18, s18;
	s28 =	sadd.s32 $0x300, s20;
	(ifvalue) =	ssetifvalue $0x7FFFFFFF  }
0x4a: {  	[tilespmem:s28], [sflag:$0x1] =	stream.indirect_vreg.gather [hbm4b:s2+s13], $0x1, v2, vm0, $0x4038;
	[tilespmem:$0x8400] =	vst v63  }
0x4b: {  	s18 =	sor.u32 $0x380, s18;
	(ifvalue) =	ssetifvalue $0x7FFFFFFF;
	v2 =	vadd.s32 $0x7A1400, v0  }
0x4c: {  	s18 =	sadd.s32 s18, s17;
	(ifvalue) =	ssetifvalue $0x7FFFFFFF  }
0x4d: {  	[tilespmem:s18], [sflag:$0x1] =	stream.indirect_vreg.gather [hbm4b:s2+s13], $0x1, v1, vm0, $0x4038;
	[tilespmem:$0x8400] =	vst v63  }
0x4e: {  	(ifvalue) =	ssetifvalue $0x7FFFFFFF;
	v1 =	vadd.s32 $0x7A1480, v0  }
0x4f: {  	s29 =	sadd.s32 $0x1000, s20;
	(ifvalue) =	ssetifvalue $0x7FFFFFFF  }
0x50: {  	[tilespmem:s29], [sflag:$0x1] =	stream.indirect_vreg.gather [hbm4b:s2+s13], $0x1, v2, vm0, $0x4038;
	[tilespmem:$0x8400] =	vst v63  }
0x51: {  	(ifvalue) =	ssetifvalue $0x7FFFFFFF;
	v2 =	vadd.s32 $0x7A1500, v0  }
0x52: {  	s30 =	sadd.s32 $0x1080, s20;
	(ifvalue) =	ssetifvalue $0x7FFFFFFF  }
0x53: {  	[tilespmem:s30], [sflag:$0x1] =	stream.indirect_vreg.gather [hbm4b:s2+s13], $0x1, v1, vm0, $0x4038;
	[tilespmem:$0x8400] =	vst v63  }
0x54: {  	(ifvalue) =	ssetifvalue $0x7FFFFFFF;
	v1 =	vadd.s32 $0x7A1580, v0  }
0x55: {  	s31 =	sadd.s32 $0x1100, s20;
	(ifvalue) =	ssetifvalue $0x7FFFFFFF  }
0x56: {  	[tilespmem:s31], [sflag:$0x1] =	stream.indirect_vreg.gather [hbm4b:s2+s13], $0x1, v2, vm0, $0x4038;
	[tilespmem:$0x8400] =	vst v63  }
0x57: {  	(ifvalue) =	ssetifvalue $0x7FFFFFFF;
	v2 =	vadd.s32 $0x7A1600, v0  }
0x58: {  	s21 =	sadd.s32 $0x1180, s20;
	(ifvalue) =	ssetifvalue $0x7FFFFFFF  }
0x59: {  	[tilespmem:s21], [sflag:$0x1] =	stream.indirect_vreg.gather [hbm4b:s2+s13], $0x1, v1, vm0, $0x4038;
	[tilespmem:$0x8400] =	vst v63  }
0x5a: {  	(ifvalue) =	ssetifvalue $0x7FFFFFFF;
	v1 =	vadd.s32 $0x7A1680, v0  }
0x5b: {  	s22 =	sadd.s32 $0x1200, s20;
	(ifvalue) =	ssetifvalue $0x7FFFFFFF  }
0x5c: {  	[tilespmem:s22], [sflag:$0x1] =	stream.indirect_vreg.gather [hbm4b:s2+s13], $0x1, v2, vm0, $0x4038;
	[tilespmem:$0x8400] =	vst v63  }
0x5d: {  	(ifvalue) =	ssetifvalue $0x7FFFFFFF;
	v2 =	vadd.s32 $0x7A1700, v0  }
0x5e: {  	s23 =	sadd.s32 $0x1280, s20;
	(ifvalue) =	ssetifvalue $0x7FFFFFFF  }
0x5f: {  	[tilespmem:s23], [sflag:$0x1] =	stream.indirect_vreg.gather [hbm4b:s2+s13], $0x1, v1, vm0, $0x4038;
	[tilespmem:$0x8400] =	vst v63  }
0x60: {  	(ifvalue) =	ssetifvalue $0x7FFFFFFF;
	v1 =	vadd.s32 $0x7A1780, v0  }
0x61: {  	s24 =	sadd.s32 $0x1300, s20;
	(ifvalue) =	ssetifvalue $0x7FFFFFFF  }
0x62: {  	[tilespmem:s24], [sflag:$0x1] =	stream.indirect_vreg.gather [hbm4b:s2+s13], $0x1, v2, vm0, $0x4038;
	[tilespmem:$0x8400] =	vst v63  }
0x63: {  	(ifvalue) =	ssetifvalue $0x7FFFFFFF;
	v2 =	vadd.s32 $0xF42800, v0  }
0x64: {  	s25 =	sadd.s32 $0x1380, s20;
	(ifvalue) =	ssetifvalue $0x7FFFFFFF  }
0x65: {  	[tilespmem:s25], [sflag:$0x1] =	stream.indirect_vreg.gather [hbm4b:s2+s13], $0x1, v1, vm0, $0x4038;
	[tilespmem:$0x8400] =	vst v63  }
0x66: {  	(ifvalue) =	ssetifvalue $0x7FFFFFFF;
	v1 =	vadd.s32 $0xF42880, v0  }
0x67: {  	s26 =	sadd.s32 $0x2000, s20;
	(ifvalue) =	ssetifvalue $0x7FFFFFFF  }
0x68: {  	[tilespmem:s26], [sflag:$0x1] =	stream.indirect_vreg.gather [hbm4b:s2+s13], $0x1, v2, vm0, $0x4038;
	[tilespmem:$0x8400] =	vst v63  }
0x69: {  	(ifvalue) =	ssetifvalue $0x7FFFFFFF;
	v2 =	vadd.s32 $0xF42900, v0  }
0x6a: {  	s28 =	sadd.s32 $0x2080, s20;
	(ifvalue) =	ssetifvalue $0x7FFFFFFF  }
0x6b: {  	[tilespmem:s28], [sflag:$0x1] =	stream.indirect_vreg.gather [hbm4b:s2+s13], $0x1, v1, vm0, $0x4038;
	[tilespmem:$0x8400] =	vst v63  }
0x6c: {  	(ifvalue) =	ssetifvalue $0x7FFFFFFF;
	v1 =	vadd.s32 $0xF42980, v0  }
0x6d: {  	s29 =	sadd.s32 $0x2100, s20;
	(ifvalue) =	ssetifvalue $0x7FFFFFFF  }
0x6e: {  	[tilespmem:s29], [sflag:$0x1] =	stream.indirect_vreg.gather [hbm4b:s2+s13], $0x1, v2, vm0, $0x4038;
	[tilespmem:$0x8400] =	vst v63  }
0x6f: {  	(ifvalue) =	ssetifvalue $0x7FFFFFFF;
	v2 =	vadd.s32 $0xF42A00, v0  }
0x70: {  	s30 =	sadd.s32 $0x2180, s20;
	(ifvalue) =	ssetifvalue $0x7FFFFFFF  }
0x71: {  	[tilespmem:s30], [sflag:$0x1] =	stream.indirect_vreg.gather [hbm4b:s2+s13], $0x1, v1, vm0, $0x4038;
	[tilespmem:$0x8400] =	vst v63  }
0x72: {  	(ifvalue) =	ssetifvalue $0x7FFFFFFF;
	v1 =	vadd.s32 $0xF42A80, v0  }
0x73: {  	s31 =	sadd.s32 $0x2200, s20;
	(ifvalue) =	ssetifvalue $0x7FFFFFFF  }
0x74: {  	[tilespmem:s31], [sflag:$0x1] =	stream.indirect_vreg.gather [hbm4b:s2+s13], $0x1, v2, vm0, $0x4038;
	[tilespmem:$0x8400] =	vst v63  }
0x75: {  	(ifvalue) =	ssetifvalue $0x7FFFFFFF;
	v2 =	vadd.s32 $0xF42B00, v0  }
0x76: {  	s21 =	sadd.s32 $0x2280, s20;
	(ifvalue) =	ssetifvalue $0x7FFFFFFF  }
0x77: {  	[tilespmem:s21], [sflag:$0x1] =	stream.indirect_vreg.gather [hbm4b:s2+s13], $0x1, v1, vm0, $0x4038;
	[tilespmem:$0x8400] =	vst v63  }
0x78: {  	(ifvalue) =	ssetifvalue $0x7FFFFFFF;
	v1 =	vadd.s32 $0xF42B80, v0  }
0x79: {  	s22 =	sadd.s32 $0x2300, s20;
	(ifvalue) =	ssetifvalue $0x7FFFFFFF  }
0x7a: {  	[tilespmem:s22], [sflag:$0x1] =	stream.indirect_vreg.gather [hbm4b:s2+s13], $0x1, v2, vm0, $0x4038;
	[tilespmem:$0x8400] =	vst v63  }
0x7b: {  	(ifvalue) =	ssetifvalue $0x7FFFFFFF;
	v2 =	vadd.s32 $0x16E3C00, v0  }
0x7c: {  	s23 =	sadd.s32 $0x2380, s20;
	(ifvalue) =	ssetifvalue $0x7FFFFFFF  }
0x7d: {  	[tilespmem:s23], [sflag:$0x1] =	stream.indirect_vreg.gather [hbm4b:s2+s13], $0x1, v1, vm0, $0x4038;
	[tilespmem:$0x8400] =	vst v63  }
0x7e: {  	(ifvalue) =	ssetifvalue $0x7FFFFFFF;
	v1 =	vadd.s32 $0x16E3C80, v0  }
0x7f: {  	s24 =	sadd.s32 $0x3000, s20;
	(ifvalue) =	ssetifvalue $0x7FFFFFFF  }
0x80: {  	[tilespmem:s24], [sflag:$0x1] =	stream.indirect_vreg.gather [hbm4b:s2+s13], $0x1, v2, vm0, $0x4038;
	[tilespmem:$0x8400] =	vst v63  }
0x81: {  	(ifvalue) =	ssetifvalue $0x7FFFFFFF;
	v2 =	vadd.s32 $0x16E3D00, v0  }
0x82: {  	s25 =	sadd.s32 $0x3080, s20;
	(ifvalue) =	ssetifvalue $0x7FFFFFFF  }
0x83: {  	[tilespmem:s25], [sflag:$0x1] =	stream.indirect_vreg.gather [hbm4b:s2+s13], $0x1, v1, vm0, $0x4038;
	[tilespmem:$0x8400] =	vst v63  }
0x84: {  	(ifvalue) =	ssetifvalue $0x7FFFFFFF;
	v1 =	vadd.s32 $0x16E3D80, v0  }
0x85: {  	s26 =	sadd.s32 $0x3100, s20;
	(ifvalue) =	ssetifvalue $0x7FFFFFFF  }
0x86: {  	[tilespmem:s26], [sflag:$0x1] =	stream.indirect_vreg.gather [hbm4b:s2+s13], $0x1, v2, vm0, $0x4038;
	[tilespmem:$0x8400] =	vst v63  }
0x87: {  	(ifvalue) =	ssetifvalue $0x7FFFFFFF;
	v2 =	vadd.s32 $0x16E3E00, v0  }
0x88: {  	s28 =	sadd.s32 $0x3180, s20;
	(ifvalue) =	ssetifvalue $0x7FFFFFFF  }
0x89: {  	[tilespmem:s28], [sflag:$0x1] =	stream.indirect_vreg.gather [hbm4b:s2+s13], $0x1, v1, vm0, $0x4038;
	[tilespmem:$0x8400] =	vst v63  }
0x8a: {  	(ifvalue) =	ssetifvalue $0x7FFFFFFF;
	v1 =	vadd.s32 $0x16E3E80, v0  }
0x8b: {  	s29 =	sadd.s32 $0x3200, s20;
	(ifvalue) =	ssetifvalue $0x7FFFFFFF  }
0x8c: {  	[tilespmem:s29], [sflag:$0x1] =	stream.indirect_vreg.gather [hbm4b:s2+s13], $0x1, v2, vm0, $0x4038;
	[tilespmem:$0x8400] =	vst v63  }
0x8d: {  	(ifvalue) =	ssetifvalue $0x7FFFFFFF;
	v2 =	vadd.s32 $0x16E3F00, v0  }
0x8e: {  	s30 =	sadd.s32 $0x3280, s20;
	(ifvalue) =	ssetifvalue $0x7FFFFFFF  }
0x8f: {  	[tilespmem:s30], [sflag:$0x1] =	stream.indirect_vreg.gather [hbm4b:s2+s13], $0x1, v1, vm0, $0x4038;
	[tilespmem:$0x8400] =	vst v63  }
0x90: {  	v0 =	vadd.s32 $0x16E3F80, v0;
	(ifvalue) =	ssetifvalue $0x7FFFFFFF  }
0x91: {  	s31 =	sadd.s32 $0x3300, s20;
	(ifvalue) =	ssetifvalue $0x7FFFFFFF  }
0x92: {  	[tilespmem:s31], [sflag:$0x1] =	stream.indirect_vreg.gather [hbm4b:s2+s13], $0x1, v2, vm0, $0x4038;
	[tilespmem:$0x8400] =	vst v63  }
0x93: {  	s19 =	sadd.s32 $0x10, s19;
	s18 =	simm.s32 $0x10;
	(ifvalue) =	ssetifvalue $0x7FFFFFFF  }
0x94: {  	s21 =	sadd.s32 $0x3380, s20;
	s20 =	simm.s32 $0x80;
	(ifvalue) =	ssetifvalue $0x7FFFFFFF  }
.LBB2_3:
0x95: {  	[tilespmem:s21], [sflag:$0x1] =	stream.indirect_vreg.gather [hbm4b:s2+s13], $0x1, v0, vm0, $0x4038;
	[tilespmem:$0x8400] =	vst v63  }
0x96: {  	p1 =	sne.s32 s18, $0x1F0;
	s22 =	smov.u32 s18;
	s18 =	sadd.s32 $0x10, s18;
	v0 =	vld.msk [tilespmem:s19+$0x0 ss:$0x1], $0xffff  }
0x97: {  	(ifvalue) =	ssetifvalue $0x7FFFFFFF;
	_ =	sdelay $0x4  }
0x98: {  	vm1 =	vgt.s32 v0, $0x0  }
0x99: {  	v0 =	vnsel vm1, $0x0, v0  }
0x9a: {  	v0 =	vmin.u32 v0, $0xF423F  }
0x9b: {  	v1 =	vshll.u32 v0, $0x3  }
0x9c: {  	v0 =	vand.u32 $0x7F, v0;
	v1 =	vand.u32 $0x7FFC00, v1  }
0x9d: {  	v0 =	vor.u32 v0, v1;
	_ =	sdelay $0x1  }
0x9e: {  	s21 =	sand.u32 $0xC00, s20  }
0x9f: {  	s23 =	sand.u32 $0x70, s22;
	s21 =	sadd.s32 s21, s17;
	v1 =	vor.u32 $0x80, v0  }
0xa0: {  	s21 =	sadd.s32 s23, s21;
	(ifvalue) =	ssetifvalue $0x7FFFFFFF  }
0xa1: {  	[tilespmem:s21], [sflag:$0x1] =	stream.indirect_vreg.gather [hbm4b:s2+s13], $0x1, v0, vm0, $0x4038;
	[tilespmem:$0x8400] =	vst v63  }
0xa2: {  	v2 =	vor.u32 $0x100, v0;
	(ifvalue) =	ssetifvalue $0x7FFFFFFF  }
0xa3: {  	s23 =	sadd.s32 $0x80, s21;
	(ifvalue) =	ssetifvalue $0x7FFFFFFF  }
0xa4: {  	[tilespmem:s23], [sflag:$0x1] =	stream.indirect_vreg.gather [hbm4b:s2+s13], $0x1, v1, vm0, $0x4038;
	[tilespmem:$0x8400] =	vst v63  }
0xa5: {  	v1 =	vor.u32 $0x180, v0;
	(ifvalue) =	ssetifvalue $0x7FFFFFFF  }
0xa6: {  	s23 =	sadd.s32 $0x100, s21;
	(ifvalue) =	ssetifvalue $0x7FFFFFFF  }
0xa7: {  	[tilespmem:s23], [sflag:$0x1] =	stream.indirect_vreg.gather [hbm4b:s2+s13], $0x1, v2, vm0, $0x4038;
	[tilespmem:$0x8400] =	vst v63  }
0xa8: {  	v2 =	vor.u32 $0x200, v0;
	(ifvalue) =	ssetifvalue $0x7FFFFFFF  }
0xa9: {  	s23 =	sadd.s32 $0x180, s21;
	(ifvalue) =	ssetifvalue $0x7FFFFFFF  }
0xaa: {  	[tilespmem:s23], [sflag:$0x1] =	stream.indirect_vreg.gather [hbm4b:s2+s13], $0x1, v1, vm0, $0x4038;
	[tilespmem:$0x8400] =	vst v63  }
0xab: {  	v1 =	vor.u32 $0x280, v0;
	(ifvalue) =	ssetifvalue $0x7FFFFFFF  }
0xac: {  	s23 =	sadd.s32 $0x200, s21;
	(ifvalue) =	ssetifvalue $0x7FFFFFFF  }
0xad: {  	[tilespmem:s23], [sflag:$0x1] =	stream.indirect_vreg.gather [hbm4b:s2+s13], $0x1, v2, vm0, $0x4038;
	[tilespmem:$0x8400] =	vst v63  }
0xae: {  	v2 =	vor.u32 $0x300, v0;
	(ifvalue) =	ssetifvalue $0x7FFFFFFF  }
0xaf: {  	s23 =	sadd.s32 $0x280, s21;
	(ifvalue) =	ssetifvalue $0x7FFFFFFF  }
0xb0: {  	[tilespmem:s23], [sflag:$0x1] =	stream.indirect_vreg.gather [hbm4b:s2+s13], $0x1, v1, vm0, $0x4038;
	[tilespmem:$0x8400] =	vst v63  }
0xb1: {  	v1 =	vor.u32 $0x380, v0;
	(ifvalue) =	ssetifvalue $0x7FFFFFFF  }
0xb2: {  	s22 =	sor.u32 s20, s22;
	s23 =	sadd.s32 $0x300, s21;
	(ifvalue) =	ssetifvalue $0x7FFFFFFF  }
0xb3: {  	[tilespmem:s23], [sflag:$0x1] =	stream.indirect_vreg.gather [hbm4b:s2+s13], $0x1, v2, vm0, $0x4038;
	[tilespmem:$0x8400] =	vst v63  }
0xb4: {  	s22 =	sor.u32 $0x380, s22;
	v2 =	vadd.s32 $0x7A1400, v0;
	(ifvalue) =	ssetifvalue $0x7FFFFFFF  }
0xb5: {  	s22 =	sadd.s32 s22, s17;
	(ifvalue) =	ssetifvalue $0x7FFFFFFF  }
0xb6: {  	[tilespmem:s22], [sflag:$0x1] =	stream.indirect_vreg.gather [hbm4b:s2+s13], $0x1, v1, vm0, $0x4038;
	[tilespmem:$0x8400] =	vst v63  }
0xb7: {  	v1 =	vadd.s32 $0x7A1480, v0;
	(ifvalue) =	ssetifvalue $0x7FFFFFFF  }
0xb8: {  	s22 =	sadd.s32 $0x1000, s21;
	(ifvalue) =	ssetifvalue $0x7FFFFFFF  }
0xb9: {  	[tilespmem:s22], [sflag:$0x1] =	stream.indirect_vreg.gather [hbm4b:s2+s13], $0x1, v2, vm0, $0x4038;
	[tilespmem:$0x8400] =	vst v63  }
0xba: {  	v2 =	vadd.s32 $0x7A1500, v0;
	(ifvalue) =	ssetifvalue $0x7FFFFFFF  }
0xbb: {  	s22 =	sadd.s32 $0x1080, s21;
	(ifvalue) =	ssetifvalue $0x7FFFFFFF  }
0xbc: {  	[tilespmem:s22], [sflag:$0x1] =	stream.indirect_vreg.gather [hbm4b:s2+s13], $0x1, v1, vm0, $0x4038;
	[tilespmem:$0x8400] =	vst v63  }
0xbd: {  	v1 =	vadd.s32 $0x7A1580, v0;
	(ifvalue) =	ssetifvalue $0x7FFFFFFF  }
0xbe: {  	s22 =	sadd.s32 $0x1100, s21;
	(ifvalue) =	ssetifvalue $0x7FFFFFFF  }
0xbf: {  	[tilespmem:s22], [sflag:$0x1] =	stream.indirect_vreg.gather [hbm4b:s2+s13], $0x1, v2, vm0, $0x4038;
	[tilespmem:$0x8400] =	vst v63  }
0xc0: {  	v2 =	vadd.s32 $0x7A1600, v0;
	(ifvalue) =	ssetifvalue $0x7FFFFFFF  }
0xc1: {  	s22 =	sadd.s32 $0x1180, s21;
	(ifvalue) =	ssetifvalue $0x7FFFFFFF  }
0xc2: {  	[tilespmem:s22], [sflag:$0x1] =	stream.indirect_vreg.gather [hbm4b:s2+s13], $0x1, v1, vm0, $0x4038;
	[tilespmem:$0x8400] =	vst v63  }
0xc3: {  	v1 =	vadd.s32 $0x7A1680, v0;
	(ifvalue) =	ssetifvalue $0x7FFFFFFF  }
0xc4: {  	s22 =	sadd.s32 $0x1200, s21;
	(ifvalue) =	ssetifvalue $0x7FFFFFFF  }
0xc5: {  	[tilespmem:s22], [sflag:$0x1] =	stream.indirect_vreg.gather [hbm4b:s2+s13], $0x1, v2, vm0, $0x4038;
	[tilespmem:$0x8400] =	vst v63  }
0xc6: {  	v2 =	vadd.s32 $0x7A1700, v0;
	(ifvalue) =	ssetifvalue $0x7FFFFFFF  }
0xc7: {  	s22 =	sadd.s32 $0x1280, s21;
	(ifvalue) =	ssetifvalue $0x7FFFFFFF  }
0xc8: {  	[tilespmem:s22], [sflag:$0x1] =	stream.indirect_vreg.gather [hbm4b:s2+s13], $0x1, v1, vm0, $0x4038;
	[tilespmem:$0x8400] =	vst v63  }
0xc9: {  	v1 =	vadd.s32 $0x7A1780, v0;
	(ifvalue) =	ssetifvalue $0x7FFFFFFF  }
0xca: {  	s22 =	sadd.s32 $0x1300, s21;
	(ifvalue) =	ssetifvalue $0x7FFFFFFF  }
0xcb: {  	[tilespmem:s22], [sflag:$0x1] =	stream.indirect_vreg.gather [hbm4b:s2+s13], $0x1, v2, vm0, $0x4038;
	[tilespmem:$0x8400] =	vst v63  }
0xcc: {  	v2 =	vadd.s32 $0xF42800, v0;
	(ifvalue) =	ssetifvalue $0x7FFFFFFF  }
0xcd: {  	s22 =	sadd.s32 $0x1380, s21;
	(ifvalue) =	ssetifvalue $0x7FFFFFFF  }
0xce: {  	[tilespmem:s22], [sflag:$0x1] =	stream.indirect_vreg.gather [hbm4b:s2+s13], $0x1, v1, vm0, $0x4038;
	[tilespmem:$0x8400] =	vst v63  }
0xcf: {  	v1 =	vadd.s32 $0xF42880, v0;
	(ifvalue) =	ssetifvalue $0x7FFFFFFF  }
0xd0: {  	s22 =	sadd.s32 $0x2000, s21;
	(ifvalue) =	ssetifvalue $0x7FFFFFFF  }
0xd1: {  	[tilespmem:s22], [sflag:$0x1] =	stream.indirect_vreg.gather [hbm4b:s2+s13], $0x1, v2, vm0, $0x4038;
	[tilespmem:$0x8400] =	vst v63  }
0xd2: {  	v2 =	vadd.s32 $0xF42900, v0;
	(ifvalue) =	ssetifvalue $0x7FFFFFFF  }
0xd3: {  	s22 =	sadd.s32 $0x2080, s21;
	(ifvalue) =	ssetifvalue $0x7FFFFFFF  }
0xd4: {  	[tilespmem:s22], [sflag:$0x1] =	stream.indirect_vreg.gather [hbm4b:s2+s13], $0x1, v1, vm0, $0x4038;
	[tilespmem:$0x8400] =	vst v63  }
0xd5: {  	v1 =	vadd.s32 $0xF42980, v0;
	(ifvalue) =	ssetifvalue $0x7FFFFFFF  }
0xd6: {  	s22 =	sadd.s32 $0x2100, s21;
	(ifvalue) =	ssetifvalue $0x7FFFFFFF  }
0xd7: {  	[tilespmem:s22], [sflag:$0x1] =	stream.indirect_vreg.gather [hbm4b:s2+s13], $0x1, v2, vm0, $0x4038;
	[tilespmem:$0x8400] =	vst v63  }
0xd8: {  	v2 =	vadd.s32 $0xF42A00, v0;
	(ifvalue) =	ssetifvalue $0x7FFFFFFF  }
0xd9: {  	s22 =	sadd.s32 $0x2180, s21;
	(ifvalue) =	ssetifvalue $0x7FFFFFFF  }
0xda: {  	[tilespmem:s22], [sflag:$0x1] =	stream.indirect_vreg.gather [hbm4b:s2+s13], $0x1, v1, vm0, $0x4038;
	[tilespmem:$0x8400] =	vst v63  }
0xdb: {  	v1 =	vadd.s32 $0xF42A80, v0;
	(ifvalue) =	ssetifvalue $0x7FFFFFFF  }
0xdc: {  	s22 =	sadd.s32 $0x2200, s21;
	(ifvalue) =	ssetifvalue $0x7FFFFFFF  }
0xdd: {  	[tilespmem:s22], [sflag:$0x1] =	stream.indirect_vreg.gather [hbm4b:s2+s13], $0x1, v2, vm0, $0x4038;
	[tilespmem:$0x8400] =	vst v63  }
0xde: {  	v2 =	vadd.s32 $0xF42B00, v0;
	(ifvalue) =	ssetifvalue $0x7FFFFFFF  }
0xdf: {  	s22 =	sadd.s32 $0x2280, s21;
	(ifvalue) =	ssetifvalue $0x7FFFFFFF  }
0xe0: {  	[tilespmem:s22], [sflag:$0x1] =	stream.indirect_vreg.gather [hbm4b:s2+s13], $0x1, v1, vm0, $0x4038;
	[tilespmem:$0x8400] =	vst v63  }
0xe1: {  	v1 =	vadd.s32 $0xF42B80, v0;
	(ifvalue) =	ssetifvalue $0x7FFFFFFF  }
0xe2: {  	s22 =	sadd.s32 $0x2300, s21;
	(ifvalue) =	ssetifvalue $0x7FFFFFFF  }
0xe3: {  	[tilespmem:s22], [sflag:$0x1] =	stream.indirect_vreg.gather [hbm4b:s2+s13], $0x1, v2, vm0, $0x4038;
	[tilespmem:$0x8400] =	vst v63  }
0xe4: {  	v2 =	vadd.s32 $0x16E3C00, v0;
	(ifvalue) =	ssetifvalue $0x7FFFFFFF  }
0xe5: {  	s22 =	sadd.s32 $0x2380, s21;
	(ifvalue) =	ssetifvalue $0x7FFFFFFF  }
0xe6: {  	[tilespmem:s22], [sflag:$0x1] =	stream.indirect_vreg.gather [hbm4b:s2+s13], $0x1, v1, vm0, $0x4038;
	[tilespmem:$0x8400] =	vst v63  }
0xe7: {  	v1 =	vadd.s32 $0x16E3C80, v0;
	(ifvalue) =	ssetifvalue $0x7FFFFFFF  }
0xe8: {  	s22 =	sadd.s32 $0x3000, s21;
	(ifvalue) =	ssetifvalue $0x7FFFFFFF  }
0xe9: {  	[tilespmem:s22], [sflag:$0x1] =	stream.indirect_vreg.gather [hbm4b:s2+s13], $0x1, v2, vm0, $0x4038;
	[tilespmem:$0x8400] =	vst v63  }
0xea: {  	v2 =	vadd.s32 $0x16E3D00, v0;
	(ifvalue) =	ssetifvalue $0x7FFFFFFF  }
0xeb: {  	s22 =	sadd.s32 $0x3080, s21;
	(ifvalue) =	ssetifvalue $0x7FFFFFFF  }
0xec: {  	[tilespmem:s22], [sflag:$0x1] =	stream.indirect_vreg.gather [hbm4b:s2+s13], $0x1, v1, vm0, $0x4038;
	[tilespmem:$0x8400] =	vst v63  }
0xed: {  	v1 =	vadd.s32 $0x16E3D80, v0;
	(ifvalue) =	ssetifvalue $0x7FFFFFFF  }
0xee: {  	s22 =	sadd.s32 $0x3100, s21;
	(ifvalue) =	ssetifvalue $0x7FFFFFFF  }
0xef: {  	[tilespmem:s22], [sflag:$0x1] =	stream.indirect_vreg.gather [hbm4b:s2+s13], $0x1, v2, vm0, $0x4038;
	[tilespmem:$0x8400] =	vst v63  }
0xf0: {  	v2 =	vadd.s32 $0x16E3E00, v0;
	(ifvalue) =	ssetifvalue $0x7FFFFFFF  }
0xf1: {  	s22 =	sadd.s32 $0x3180, s21;
	(ifvalue) =	ssetifvalue $0x7FFFFFFF  }
0xf2: {  	[tilespmem:s22], [sflag:$0x1] =	stream.indirect_vreg.gather [hbm4b:s2+s13], $0x1, v1, vm0, $0x4038;
	[tilespmem:$0x8400] =	vst v63  }
0xf3: {  	v1 =	vadd.s32 $0x16E3E80, v0;
	(ifvalue) =	ssetifvalue $0x7FFFFFFF  }
0xf4: {  	s22 =	sadd.s32 $0x3200, s21;
	(ifvalue) =	ssetifvalue $0x7FFFFFFF  }
0xf5: {  	[tilespmem:s22], [sflag:$0x1] =	stream.indirect_vreg.gather [hbm4b:s2+s13], $0x1, v2, vm0, $0x4038;
	[tilespmem:$0x8400] =	vst v63  }
0xf6: {  	v2 =	vadd.s32 $0x16E3F00, v0;
	(ifvalue) =	ssetifvalue $0x7FFFFFFF  }
0xf7: {  	s22 =	sadd.s32 $0x3280, s21;
	(ifvalue) =	ssetifvalue $0x7FFFFFFF  }
0xf8: {  	[tilespmem:s22], [sflag:$0x1] =	stream.indirect_vreg.gather [hbm4b:s2+s13], $0x1, v1, vm0, $0x4038;
	[tilespmem:$0x8400] =	vst v63  }
.Ltmp3:
0xf9: {  	v0 =	vadd.s32 $0x16E3F80, v0;
	(ifvalue) =	ssetifvalue $0x7FFFFFFF;
	(pc) =	sbr.rel @p1 .LBB2_3-.Ltmp3, $4  }
0xfa: {  	s22 =	sadd.s32 $0x3300, s21;
	(ifvalue) =	ssetifvalue $0x7FFFFFFF  }
0xfb: {  	[tilespmem:s22], [sflag:$0x1] =	stream.indirect_vreg.gather [hbm4b:s2+s13], $0x1, v2, vm0, $0x4038;
	[tilespmem:$0x8400] =	vst v63  }
0xfc: {  	s19 =	sadd.s32 $0x10, s19;
	(ifvalue) =	ssetifvalue $0x7FFFFFFF  }
0xfd: {  	s20 =	sadd.s32 $0x80, s20;
	s21 =	sadd.s32 $0x3380, s21;
	(ifvalue) =	ssetifvalue $0x7FFFFFFF  }
.Ltmp4:
0xfe: {  	_ = 	snop;
	(pc) =	sbr.rel .LBB2_4-.Ltmp4, $1  }
0xff: {  	_ =	sdelay $0x3  }
.LBB2_6:
0x100: {  	_ =	sfence.sel $0x180000  }
0x101: {  	s2 =	simm.s32 $0x2;
	[bflag:$0x0] =	sbarrier.arrive $0xFFFF  }
0x102: {  	s30 =	simm.s32 $0x3;
	[sflag:s2] =	ssyncpa.u1 $0x1  }
0x103: {  	s31 =	simm.s32 $0x1;
	[sflag:s30] =	ssyncpa.u1 $0x1  }
0x104: {  	[sflag:s31] =	ssyncpa.u1 $0x1  }
0x105: {  	p0 =	sne.s32 s0, $0x0;
	_ =	strace $0x9000004A  }
0x106: {  	s0 =	sadd.s32 @!p0 $0x100000, s1;
	[bflag:$0x2] =	sbarrier.arrive $0xFFFF  }
0x107: {  	[sflag:s0] =	ssyncadd.tile.s32 @!p0 $0x1;
	_ =	shalt  }
.Lfunc_end2:
_tile_overlayer_lowered:
.L_overlay_start_2:
0x108: {  	(tag) =	ssettag $0x2  }
0x109: {  	s0 =	rddreg [dreg:$0x0];
	s2 =	stileid.u32  }
0x10a: {  	s1 =	rddreg [dreg:$0x1];
	p0 =	sne.s32 s2, $0x0  }
0x10b: {  	s3 =	rddreg [dreg:$0x2];
	[bflag:$0x3] =	sbarrier.arrive $0xFFFF;
	s2 =	simm.s32 @!p0 $0x1C01  }
0x10c: {  	[timem:s3], [sflag:s2] =	dma.local @!p0 [hbm:s0], s1  }
0x10d: {  	s0 =	simm.s32 @!p0 $0x1  }
0x10e: {  	_ =	swait.ge @!p0 [sflag:s0], s1  }
0x10f: {  	s1 =	ssub.s32 @!p0 $0x0, s1;
	[sflag:s0] =	ssyncset.done @!p0 $0x0  }
0x110: {  	[sflag:s0] =	ssyncadd.s32 @!p0 s1  }
0x111: {  	[bflag:$0x3] =	sbarrier.arrive $0xFFFF  }
0x112: {  	_ =	shalt  }

// kernel: kernel.4.cloned.1.call-start
scs
__scs_entry_jumppad:
0x0: {  	(pc) =	sbr.rel $0x88, $3  }
0x1: {  	(tag) =	ssettag $0x0;
	lr =	simm.s32 $0x1  }
0x2: {  	[smem:$0x3F9A] =	sst lr;
	_ =	strace $0xD0000000  }
0x3: {  	_ = 	snop  }
0x4: {  	_ = 	snop  }
0x5: {  	_ = 	snop  }
0x6: {  	_ = 	snop  }
0x7: {  	_ = 	snop  }
__scs_overlays_trampoline_lowered:
0x8: {  	[smem:$0x3FA9] =	sst s0  }
0x9: {  	[smem:$0x3FAA] =	sst s1  }
0xa: {  	[smem:$0x3FAB] =	sst s2  }
0xb: {  	[smem:$0x3FAC] =	sst s3  }
0xc: {  	[smem:$0x3FAD] =	sst s4  }
0xd: {  	[smem:$0x3FAE] =	sst s5  }
0xe: {  	[smem:$0x3FAF] =	sst s6  }
0xf: {  	[smem:$0x3FB0] =	sst s7  }
0x10: {  	[smem:$0x3FB1] =	sst s8  }
0x11: {  	[smem:$0x3FB2] =	sst s9;
	s0 =	simm.s32 @!p0 $0x0  }
0x12: {  	s1 =	sld [smem:$0x3F98];
	s0 =	simm.s32 @p0 $0x1  }
0x13: {  	[smem:$0x3FB3] =	sst s0;
	s0 =	simm.s32 @!p1 $0x0  }
0x14: {  	s2 =	sld [smem:$0x3F97];
	s0 =	simm.s32 @p1 $0x1  }
0x15: {  	[smem:$0x3FB4] =	sst s0;
	s0 =	simm.s32 @!p2 $0x0  }
0x16: {  	s3 =	sld [smem:$0x3FDB];
	s0 =	simm.s32 @p2 $0x1  }
0x17: {  	s4 =	simm.s32 $0x1BF5;
	[smem:$0x3FB6] =	sst s0  }
0x18: {  	s0 =	sld [smem:$0x3F99];
	_ =	swait.ge [sflag:s4], $0x0  }
0x19: {  	s7 =	sld [smem:$0x3F9A]  }
0x1a: {  	s8 =	sadd.s32 $0xFFFFE003, lr  }
0x1b: {  	s9 =	sadd.s32 $0xFFFFFEF7, lr;
	s5 =	simm.s32 $0xFFFFFFFF;
	p2 =	slt.u32 s8, $0xFFFFF086  }
0x1c: {  	p1 =	slt.u32 s9, $0xF7A;
	s5 =	simm.s32 @!p2 $0x0  }
0x1d: {  	s5 =	simm.s32 @p1 $0x1;
	p0 =	seq.s32 s7, s2  }
0x1e: {  	s7 =	smul.u32 @!p0 $0xF7A, s2;
	p2 =	seq.s32 @!p0 s5, $0x0  }
0x1f: {  	s9 =	smul.u32 $0xF7A, s1;
	s8 =	simm.s32 @!p0 $0x1BF5;
	p2 =	por !p2, p0  }
0x20: {  	[sflag:s8] =	ssyncset.s32 @!p0 $0xFFFFF086;
	s6 =	sadd.s32 @!p0 s3, s7;
	s7 =	simm.s32 @!p0 $0x108  }
0x21: {  	s3 =	sadd.s32 s3, s9;
	s6 =	sadd.s32 @!p0 $0x88, s6;
	s7 =	simm.s32 @p2 $0x1082  }
0x22: {  	[simem:s7], [sflag:s8] =	dma.local @!p0 [hbm:s6], $0xF7A  }
0x23: {  	s9 =	sor.u32 $0xD0000000, s2;
	s6 =	simm.s32 $0x108;
	_ =	swait.ge @!p0 [sflag:s8], $0x0  }
0x24: {  	s3 =	sadd.s32 $0x88, s3;
	s6 =	simm.s32 @!p1 $0x1082;
	[sflag:s4] =	ssyncset.s32 $0xFFFFF086  }
0x25: {  	[simem:s6], [sflag:s4] =	dma.local [hbm:s3], $0xF7A  }
0x26: {  	[smem:$0x3F9A] =	sst s1;
	(tag) =	ssettag s2;
	_ =	strace s9  }
0x27: {  	s1 =	sld [smem:$0x3FAA]  }
0x28: {  	s2 =	sld [smem:$0x3FAB]  }
0x29: {  	s4 =	sld [smem:$0x3FAD]  }
0x2a: {  	p0 =	seq.s32 s5, $0x0;
	s5 =	sld [smem:$0x3FAE]  }
0x2b: {  	s6 =	sld [smem:$0x3FAF]  }
0x2c: {  	s7 =	sld [smem:$0x3FB0]  }
0x2d: {  	s3 =	simm.s32 $0x108;
	s8 =	sld [smem:$0x3FB1]  }
0x2e: {  	s3 =	simm.s32 @!p0 $0x1082;
	s9 =	sld [smem:$0x3FB2]  }
0x2f: {  	lr =	sadd.s32 s0, s3;
	s0 =	sld [smem:$0x3FA9]  }
0x30: {  	s3 =	sld [smem:$0x3FAC]  }
0x31: {  	[smem:$0x3FB5] =	sst s10  }
0x32: {  	s10 =	sld [smem:$0x3FB3];
	_ =	sdelay $0x3  }
0x33: {  	p0 =	seq.s32 s10, $0x1;
	s10 =	sld [smem:$0x3FB5];
	_ =	sdelay $0x3  }
0x34: {  	[smem:$0x3FB5] =	sst s10  }
0x35: {  	s10 =	sld [smem:$0x3FB4];
	_ =	sdelay $0x3  }
0x36: {  	p1 =	seq.s32 s10, $0x1;
	s10 =	sld [smem:$0x3FB5];
	_ =	sdelay $0x3  }
0x37: {  	[smem:$0x3FB5] =	sst s10  }
0x38: {  	s10 =	sld [smem:$0x3FB6]  }
0x39: {  	_ = 	snop;
	(pc) =	sbr.ind lr, $3  }
0x3a: {  	_ = 	snop  }
0x3b: {  	_ = 	snop  }
0x3c: {  	p2 =	seq.s32 s10, $0x1;
	s10 =	sld [smem:$0x3FB5]  }
0x3d: {  	_ =	shalt  }
0x3e: {  	_ =	shalt  }
0x3f: {  	_ =	shalt  }
0x40: {  	_ =	shalt  }
0x41: {  	_ =	shalt  }
0x42: {  	_ =	shalt  }
0x43: {  	_ =	shalt  }
0x44: {  	_ =	shalt  }
0x45: {  	_ =	shalt  }
0x46: {  	_ =	shalt  }
0x47: {  	_ =	shalt  }
0x48: {  	_ =	shalt  }
0x49: {  	_ =	shalt  }
0x4a: {  	_ =	shalt  }
0x4b: {  	_ =	shalt  }
0x4c: {  	_ =	shalt  }
0x4d: {  	_ =	shalt  }
0x4e: {  	_ =	shalt  }
0x4f: {  	_ =	shalt  }
0x50: {  	_ =	shalt  }
0x51: {  	_ =	shalt  }
0x52: {  	_ =	shalt  }
0x53: {  	_ =	shalt  }
0x54: {  	_ =	shalt  }
0x55: {  	_ =	shalt  }
0x56: {  	_ =	shalt  }
0x57: {  	_ =	shalt  }
0x58: {  	_ =	shalt  }
0x59: {  	_ =	shalt  }
0x5a: {  	_ =	shalt  }
0x5b: {  	_ =	shalt  }
0x5c: {  	_ =	shalt  }
0x5d: {  	_ =	shalt  }
0x5e: {  	_ =	shalt  }
0x5f: {  	_ =	shalt  }
0x60: {  	_ =	shalt  }
0x61: {  	_ =	shalt  }
0x62: {  	_ =	shalt  }
0x63: {  	_ =	shalt  }
0x64: {  	_ =	shalt  }
0x65: {  	_ =	shalt  }
0x66: {  	_ =	shalt  }
0x67: {  	_ =	shalt  }
0x68: {  	_ =	shalt  }
0x69: {  	_ =	shalt  }
0x6a: {  	_ =	shalt  }
0x6b: {  	_ =	shalt  }
0x6c: {  	_ =	shalt  }
0x6d: {  	_ =	shalt  }
0x6e: {  	_ =	shalt  }
0x6f: {  	_ =	shalt  }
0x70: {  	_ =	shalt  }
0x71: {  	_ =	shalt  }
0x72: {  	_ =	shalt  }
0x73: {  	_ =	shalt  }
0x74: {  	_ =	shalt  }
0x75: {  	_ =	shalt  }
0x76: {  	_ =	shalt  }
0x77: {  	_ =	shalt  }
0x78: {  	_ =	shalt  }
0x79: {  	_ =	shalt  }
0x7a: {  	_ =	shalt  }
0x7b: {  	_ =	shalt  }
0x7c: {  	_ =	shalt  }
0x7d: {  	_ =	shalt  }
0x7e: {  	_ =	shalt  }
0x7f: {  	_ =	shalt  }
0x80: {  	_ =	shalt  }
0x81: {  	_ =	shalt  }
0x82: {  	_ =	shalt  }
0x83: {  	_ =	shalt  }
0x84: {  	_ =	shalt  }
0x85: {  	_ =	shalt  }
0x86: {  	_ =	shalt  }
0x87: {  	_ =	shalt  }
.Lfunc_end0:
.L_simem_size_0:
called_computation.2_lowered:
.L_overlay_start_0:
0x88: {  	s2 =	sld [smem:$0x3FD9]  }
0x89: {  	s3 =	sld [smem:$0x3FFE];
	_ =	sdelay $0x1  }
0x8a: {  	s1 =	srdreg.scid  }
0x8b: {  	s0 =	sand.u32 $0x1, s1  }
0x8c: {  	s17 =	sshll.u32 s0, $0xA;
	s2 =	sadd.s32 s3, s2  }
0x8d: {  	s2 =	sadd.s32 s2, s17  }
0x8e: {  	[smem:$0x3FC1] =	sst s2  }
0x8f: {  	_ = 	snop  }
0x90: {  	s18 =	sld [smem:$0x3FC4];
	(tm) =	ssettm $0x1  }
0x91: {  	s19 =	sld [smem:$0x3FFB];
	_ =	sdelay $0x3  }
0x92: {  	_ =	strace s19  }
0x93: {  	s2 =	sld [smem:$0x3FFC];
	_ =	sdelay $0x3  }
0x94: {  	_ =	strace s2  }
0x95: {  	s2 =	sld [smem:$0x3FFD];
	_ =	sdelay $0x3  }
0x96: {  	_ =	strace s2  }
0x97: {  	_ =	strace $0x8FFFFFFF  }
0x98: {  	s20 =	sld [smem:$0x3FDB];
	_ =	sdelay $0x1  }
0x99: {  	s4 =	simm.s32 $_scs_section_size  }
0x9a: {  	s5 =	simm.s32 $_size__tile_overlayer_lowered;
	s6 =	simm.s32 $_tile_overlayer_lowered  }
0x9b: {  	s7 =	simm.s32 $0x1BFF;
	s21 =	sshll.u32 s6, $0x1;
	s4 =	sadd.s32 s4, s20  }
0x9c: {  	s22 =	simm.s32 $0x0;
	s5 =	sshll.u32 s5, $0x1;
	s6 =	sadd.s32 s21, s4  }
0x9d: {  	[timem:s22], [sflag:s7] =	dma.local [hbm:s6], s5  }
0x9e: {  	_ =	swait.ge [sflag:s7], s5  }
0x9f: {  	s5 =	ssub.s32 $0x0, s5;
	[sflag:s7] =	ssyncset.done $0x0  }
0xa0: {  	[sflag:s7] =	ssyncadd.s32 s5;
	_ =	sdelay $0x1  }
0xa1: {  	s23 =	simm.s32 $0x1B8B  }
0xa2: {  	_ =	swait.ge [sflag:s23], $0x1  }
0xa3: {  	[sflag:s23] =	ssyncset.done $0x0  }
0xa4: {  	[sflag:s23] =	ssyncadd.s32 $0xFFFFFFFF  }
0xa5: {  	s5 =	sld [smem:$0x0]  }
0xa6: {  	s6 =	sand.u32 $0xFFFFFFFE, s1  }
0xa7: {  	p0 =	sne.s32 s1, s6  }
0xa8: {  	s6 =	sshll.u32 @p0 s6, $0xE  }
0xa9: {  	s6 =	sadd.s32 @p0 $0x11B8D, s6;
	s7 =	sshll.u32 @p0 s5, $0x11  }
0xaa: {  	s6 =	sor.u32 @p0 s7, s6  }
0xab: {  	[sflag:s6] =	ssyncadd.remote.s32 @p0 $0x1;
	_ =	sdelay $0x1  }
0xac: {  	s6 =	simm.s32 @p0 $0x1B8D  }
0xad: {  	_ =	swait.eq @p0 [sflag:s6], $0x1  }
0xae: {  	[sflag:s6] =	ssyncadd.s32 @p0 $0xFFFFFFFF  }
0xaf: {  	s7 =	sshll.u32 @!p0 s1, $0xE  }
0xb0: {  	s7 =	sor.u32 @!p0 $0x4000, s7;
	s6 =	simm.s32 @!p0 $0x1B8D  }
0xb1: {  	s5 =	sshll.u32 @!p0 s5, $0x11;
	s7 =	sadd.s32 @!p0 $0x11B8D, s7;
	_ =	swait.eq @!p0 [sflag:s6], $0x1  }
0xb2: {  	s5 =	sor.u32 @!p0 s5, s7;
	[sflag:s6] =	ssyncadd.s32 @!p0 $0xFFFFFFFF  }
0xb3: {  	s25 =	simm.s32 $0x1B8E;
	s24 =	sld [smem:$0x3FFE];
	[sflag:s5] =	ssyncadd.remote.s32 @!p0 $0x1  }
0xb4: {  	s26 =	simm.s32 $execute0_lowered;
	[smem:$0x3FD2] =	sst s25  }
0xb5: {  	s6 =	sshll.u32 s26, $0x1;
	_ =	strace $0x8000004C;
	[dreg:$0x1] =	wrdreg $0xFFFFFFFF  }
0xb6: {  	s28 =	simm.s32 $_size_execute0_lowered;
	s4 =	sadd.s32 s4, s6;
	[dreg:$0x0] =	wrdreg $0x0  }
0xb7: {  	s6 =	sshll.u32 s28, $0x1;
	[dreg:$0x2] =	wrdreg s4  }
0xb8: {  	[dreg:$0x3] =	wrdreg s6  }
0xb9: {  	[dreg:$0x4] =	wrdreg $0xC0  }
0xba: {  	_ =	task [dreg:s22], $0x5FFFF  }
0xbb: {  	[dreg:$0x1] =	wrdreg $0xFFFFFFFF  }
0xbc: {  	[dreg:$0x0] =	wrdreg $0x60  }
0xbd: {  	[dreg:$0x2] =	wrdreg s24  }
0xbe: {  	[dreg:$0x3] =	wrdreg s18  }
0xbf: {  	[dreg:$0x4] =	wrdreg $0xB  }
0xc0: {  	_ =	task.clear_ibuf [dreg:s22], $0x5FFFF;
	_ =	strace $0x9000004C  }
0xc1: {  	s29 =	simm.s32 $0xB;
	_ =	strace $0x8000004E  }
0xc2: {  	_ =	swait.ge [sflag:s29], $0x1  }
0xc3: {  	[sflag:s29] =	ssyncadd.s32 $0xFFFFFFFF  }
0xc4: {  	_ =	strace $0x9000004E  }
0xc5: {  	_ =	sfence  }
0xc6: {  	s30 =	sld [smem:$0x0];
	_ =	sdelay $0x2  }
0xc7: {  	s31 =	sshll.u32 s1, $0xD;
	s1 =	sshrl.u32 s1, $0x2  }
0xc8: {  	s4 =	sand.u32 $0x4000, s31;
	s1 =	sadd.s32 s1, s30  }
0xc9: {  	s0 =	sor.u32 s4, s0;
	s1 =	sshll.u32 s1, $0x11  }
0xca: {  	s0 =	sor.u32 s1, s0  }
0xcb: {  	s0 =	sadd.s32 $0x8F2B, s0  }
0xcc: {  	[sflag:s0] =	ssyncadd.remote.s32 $0x1  }
0xcd: {  	_ =	sfence.sel $0xFFFF  }
0xce: {  	[dreg:$0x0] =	wrdreg $0xFFFFFFFF;
	(pc) =	sbr.abs _section_cstart, $3  }
0xcf: {  	[dreg:$0x1] =	wrdreg $0xFFFFFFFF  }
0xd0: {  	_ =	task.clear_ibuf [dreg:s22], $0x2FFFF;
	_ =	strace $0x9FFFFFFF  }
0xd1: {  	(tm) =	ssettm $0x7FFFFFFF  }
tec
execute0_lowered:
.L_overlay_start_1:
0x0: {  	(tag) =	ssettag $0x1  }
0x1: {  	s5 =	rddreg [dreg:$0x0]  }
0x2: {  	s0 =	srdreg.scid;
	s17 =	stileid.u32  }
0x3: {  	s1 =	rddreg [dreg:$0x1];
	s2 =	simm.s32 $0x0;
	s13 =	simm.s32 $0xFA00  }
0x4: {  	s14 =	simm.s32 $0xFD20;
	s15 =	simm.s32 $0x1;
	s16 =	simm.s32 $0x7D00  }
0x5: {  	s6 =	sand.u32 $0x1, s0;
	s3 =	sshll.u32 s17, $0x1;
	s0 =	rddreg [dreg:$0x2]  }
0x6: {  	s18 =	simm.s32 $0x0;
	[smem:$0x7FF] =	sst s2;
	s3 =	sor.u32 s6, s3  }
0x7: {  	s4 =	sadd.s32 $0xF54A00, s5;
	s5 =	sadd.s32 $0x12600, s5;
	s7 =	smul.u32 $0xC80, s3  }
0x8: {  	p0 =	sne.s32 s17, $0x0;
	s17 =	simm.s32 $0x3;
	s8 =	smul.u32 $0x64, s3  }
.Ltmp0:
0x9: {  	s6 =	ssub.s32 $0x2, s6;
	s9 =	sor.u32 $0x20, s3;
	(pc) =	sbr.rel .LBB2_1-.Ltmp0, $4  }
0xa: {  	_ =	strace $0x8000004D;
	s11 =	sshrl.u32 s6, $0x1;
	s10 =	smul.u32 $0xC80, s9  }
0xb: {  	s9 =	smul.u32 $0x64, s9;
	s12 =	ssub.s32 s6, s11;
	s11 =	sor.u32 $0x60, s3  }
0xc: {  	v0 =	vlaneseq.u32;
	s6 =	sadd.s32 s4, s7;
	s7 =	sadd.s32 s1, s8;
	s12 =	smax.u32 s12, $0x1  }
0xd: {  	v1 =	vor.u32 $0xFFFFFFF8, v0;
	s8 =	sadd.s32 s4, s10;
	s9 =	sadd.s32 s1, s9;
	s10 =	sor.u32 $0x40, s3  }
.LBB2_21:
0xe: {  	s18 =	sadd.s32 $0x1, s18  }
0xf: {  	_ =	swait.ge [sflag:s17], $0x7D00;
	p1 =	sne.s32 s18, s12  }
.Ltmp1:
0x10: {  	[sflag:s17] =	ssyncset.done $0x0;
	(pc) =	sbr.rel @!p1 .LBB2_22-.Ltmp1, $4  }
0x11: {  	s19 =	simm.s32 @!p0 $0x4;
	[sflag:s17] =	ssyncadd.s32 $0xFFFF8300  }
0x12: {  	_ =	swait.ge @!p0 [sflag:s19], $0x7D00  }
0x13: {  	[sflag:s19] =	ssyncset.done @!p0 $0x0  }
0x14: {  	[sflag:s19] =	ssyncadd.s32 @!p0 $0xFFFF8300  }
.LBB2_1:
0x15: {  	s19 =	simm.s32 $0x4  }
0x16: {  	s22 =	sadd.s32 $0x0, s6;
	s20 =	simm.s32 $0x28;
	s21 =	simm.s32 $0x0  }
.LBB2_2:
0x17: {  	[tilespmem:s21], [sflag:$0x1] =	stream.linear.gather [hbm4b:s22+s2], $0x20, $0x38;
	[tilespmem:$0x10040] =	vst v63  }
0x18: {  	s22 =	smov.u32 s19;
	s21 =	smov.u32 s20;
	p1 =	sne.s32 s19, $0xC7C  }
.Ltmp2:
0x19: {  	s19 =	sadd.s32 $0x4, s19;
	(pc) =	sbr.rel @p1 .LBB2_2-.Ltmp2, $2  }
0x1a: {  	_ =	sdelay $0x2  }
0x1b: {  	s20 =	sadd.s32 $0x28, s20;
	s22 =	sadd.s32 s22, s6  }
0x1c: {  	[tilespmem:s21], [sflag:$0x1] =	stream.linear.gather [hbm4b:s22+s2], $0x20, $0x38;
	[tilespmem:$0x10040] =	vst v63  }
0x1d: {  	s19 =	simm.s32 $0x0;
	s20 =	simm.s32 $0x4  }
0x1e: {  	[tilespmem:s13], [sflag:$0x1] =	stream.linear.gather [hbm4b:s7+s19], $0x320, $0x38;
	[tilespmem:$0x10040] =	vst v63  }
0x1f: {  	s22 =	sadd.s32 $0x0, s8;
	s21 =	simm.s32 $0x7D28;
	s19 =	simm.s32 $0x7D00  }
.LBB2_4:
0x20: {  	[tilespmem:s19], [sflag:$0x2] =	stream.linear.gather [hbm4b:s22+s2], $0x20, $0x38;
	[tilespmem:$0x10040] =	vst v63  }
0x21: {  	s22 =	smov.u32 s20;
	s19 =	smov.u32 s21;
	p1 =	sne.s32 s20, $0xC7C  }
.Ltmp3:
0x22: {  	s20 =	sadd.s32 $0x4, s20;
	(pc) =	sbr.rel @p1 .LBB2_4-.Ltmp3, $2  }
0x23: {  	_ =	sdelay $0x2  }
0x24: {  	s21 =	sadd.s32 $0x28, s21;
	s22 =	sadd.s32 s22, s8  }
.Ltmp4:
0x25: {  	(pc) =	sbr.rel .LBB2_6-.Ltmp4, $4  }
0x26: {  	_ = 	snop  }
0x27: {  	[tilespmem:s19], [sflag:$0x2] =	stream.linear.gather [hbm4b:s22+s2], $0x20, $0x38;
	[tilespmem:$0x10040] =	vst v63  }
0x28: {  	s19 =	simm.s32 $0x0;
	s20 =	simm.s32 $0x0  }
0x29: {  	[tilespmem:s14], [sflag:$0x2] =	stream.linear.gather [hbm4b:s9+s19], $0x320, $0x38;
	[tilespmem:$0x10040] =	vst v63  }
.LBB2_20:
0x2a: {  	s20 =	sadd.s32 $0x1, s20  }
0x2b: {  	p1 =	sne.s32 s20, $0x14  }
.Ltmp5:
0x2c: {  	_ = 	snop;
	(pc) =	sbr.rel @!p1 .LBB2_21-.Ltmp5, $1  }
0x2d: {  	_ =	sdelay $0x3  }
.LBB2_6:
0x2e: {  	_ =	swait.ge [sflag:s15], $0x6400  }
0x2f: {  	[sflag:s15] =	ssyncset.done $0x0  }
0x30: {  	[sflag:s15] =	ssyncadd.s32 $0xFFFF9C00  }
0x31: {  	v2 =	vor.u32 s19, v0;
	_ =	swait.ge [sflag:s15], $0x320  }
0x32: {  	p1 =	seq.s32 s20, $0x0;
	v3 =	vand.u32 v1, v2;
	[sflag:s15] =	ssyncset.done $0x0  }
0x33: {  	s22 =	simm.s32 @!p1 $0x3;
	[sflag:s15] =	ssyncadd.s32 $0xFFFFFCE0  }
0x34: {  	_ =	swait.ge @!p1 [sflag:s22], $0x7D00  }
0x35: {  	v4 =	vmul.u32 $0x28, v2;
	[sflag:s22] =	ssyncset.done @!p1 $0x0  }
0x36: {  	s21 =	sshll.u32 s20, $0x6;
	s23 =	simm.s32 $0x10;
	[sflag:s22] =	ssyncadd.s32 @!p1 $0xFFFF8300  }
0x37: {  	v4 =	vadd.s32 $0x20, v4;
	s22 =	sor.u32 s3, s21;
	v2 =	vld.idx.msk [tilespmem:v3+s13+$0x0], $0xffff;
	v3 =	vor.u32 s23, v0;
	s23 =	simm.s32 $0x20  }
.LBB2_7:
0x38: {  	p2 =	sne.s32 s23, $0x310;
	v5 =	vand.u32 v1, v3;
	_ =	sdelay $0x1  }
.Ltmp6:
0x39: {  	(pc) =	sbr.rel @p2 .LBB2_7-.Ltmp6, $4  }
0x3a: {  	_ = 	snop  }
0x3b: {  	v6 =	vmul.u32 $0x28, v3;
	[tilespmem:v4+s2+$0x0] =	vst.idx.msk $0xffff, v2  }
0x3c: {  	v2 =	vld.idx.msk [tilespmem:v5+s13+$0x0], $0xffff  }
0x3d: {  	v3 =	vor.u32 s23, v0;
	s23 =	sadd.s32 $0x10, s23;
	v4 =	vadd.s32 $0x20, v6  }
0x3e: {  	v5 =	vand.u32 v1, v3;
	_ =	sdelay $0x2  }
0x3f: {  	v3 =	vmul.u32 $0x28, v3  }
0x40: {  	[tilespmem:v4+s2+$0x0] =	vst.idx.msk $0xffff, v2  }
0x41: {  	v3 =	vadd.s32 $0x20, v3;
	v2 =	vld.idx.msk [tilespmem:v5+s13+$0x0], $0xffff;
	_ =	sdelay $0x2  }
0x42: {  	s23 =	smul.u32 $0xFA0, s22;
	_ =	sdelay $0x1  }
0x43: {  	s23 =	sadd.s32 s5, s23;
	[tilespmem:v3+s2+$0x0] =	vst.idx.msk $0xffff, v2  }
0x44: {  	[hbm4b:s23+s2] =	stream.linear.scatter [tilespmem:s2], [sflag:$0x3], $0x7D00, $0x38;
	[tilespmem:$0x10040] =	vst v63  }
0x45: {  	s23 =	sadd.s32 s10, s21  }
0x46: {  	p2 =	sgt.u32 s23, $0x4E1  }
.Ltmp7:
0x47: {  	_ = 	snop;
	(pc) =	sbr.rel @p2 .LBB2_12-.Ltmp7, $1  }
0x48: {  	_ =	sdelay $0x3  }
0x49: {  	s24 =	smul.u32 $0xC80, s23;
	_ =	sdelay $0x1  }
0x4a: {  	s25 =	simm.s32 $0x0;
	s24 =	sadd.s32 s4, s24  }
0x4b: {  	s26 =	simm.s32 $0x4;
	s28 =	simm.s32 $0x28;
	s29 =	sadd.s32 $0x0, s24  }
.LBB2_10:
0x4c: {  	[tilespmem:s25], [sflag:$0x1] =	stream.linear.gather [hbm4b:s29+s2], $0x20, $0x38;
	[tilespmem:$0x10040] =	vst v63  }
0x4d: {  	s29 =	smov.u32 s26;
	s25 =	smov.u32 s28;
	p2 =	sne.s32 s26, $0xC7C  }
.Ltmp8:
0x4e: {  	s26 =	sadd.s32 $0x4, s26;
	(pc) =	sbr.rel @p2 .LBB2_10-.Ltmp8, $2  }
0x4f: {  	_ =	sdelay $0x2  }
0x50: {  	s28 =	sadd.s32 $0x28, s28;
	s29 =	sadd.s32 s29, s24  }
0x51: {  	s23 =	smul.u32 $0x64, s23  }
0x52: {  	[tilespmem:s25], [sflag:$0x1] =	stream.linear.gather [hbm4b:s29+s2], $0x20, $0x38;
	[tilespmem:$0x10040] =	vst v63  }
0x53: {  	s23 =	sadd.s32 s1, s23  }
0x54: {  	[tilespmem:s13], [sflag:$0x1] =	stream.linear.gather [hbm4b:s23+s2], $0x320, $0x38;
	[tilespmem:$0x10040] =	vst v63  }
.LBB2_12:
0x55: {  	s22 =	sor.u32 $0x20, s22  }
0x56: {  	p2 =	sgt.u32 s22, $0x4E1  }
0x57: {  	s23 =	simm.s32 @!p2 $0x2  }
0x58: {  	_ =	swait.ge @!p2 [sflag:s23], $0x6400  }
0x59: {  	[sflag:s23] =	ssyncset.done @!p2 $0x0  }
0x5a: {  	[sflag:s23] =	ssyncadd.s32 @!p2 $0xFFFF9C00  }
0x5b: {  	_ =	swait.ge @!p2 [sflag:s23], $0x320  }
.Ltmp9:
0x5c: {  	[sflag:s23] =	ssyncset.done @!p2 $0x0;
	(pc) =	sbr.rel @p2 .LBB2_16-.Ltmp9, $4  }
0x5d: {  	[sflag:s23] =	ssyncadd.s32 @!p2 $0xFFFFFCE0;
	s23 =	simm.s32 @!p1 $0x4  }
0x5e: {  	_ =	swait.ge @!p1 [sflag:s23], $0x7D00  }
0x5f: {  	[sflag:s23] =	ssyncset.done @!p1 $0x0  }
0x60: {  	[sflag:s23] =	ssyncadd.s32 @!p1 $0xFFFF8300;
	s23 =	simm.s32 $0x0  }
0x61: {  	v2 =	vor.u32 s23, v0  }
0x62: {  	v3 =	vand.u32 v1, v2;
	_ =	sdelay $0x2  }
0x63: {  	v4 =	vmul.u32 $0x28, v2  }
0x64: {  	s31 =	sadd.s32 $0x10, s23  }
0x65: {  	s23 =	sadd.s32 $0x10, s31;
	v4 =	vadd.s32 $0x20, v4;
	v2 =	vld.idx.msk [tilespmem:v3+s14+$0x0], $0xffff;
	v3 =	vor.u32 s31, v0  }
.LBB2_14:
0x66: {  	p1 =	sne.s32 s23, $0x310;
	v5 =	vand.u32 v1, v3;
	_ =	sdelay $0x1  }
.Ltmp10:
0x67: {  	(pc) =	sbr.rel @p1 .LBB2_14-.Ltmp10, $4  }
0x68: {  	_ = 	snop  }
0x69: {  	v6 =	vmul.u32 $0x28, v3;
	[tilespmem:v4+s16+$0x0] =	vst.idx.msk $0xffff, v2  }
0x6a: {  	v2 =	vld.idx.msk [tilespmem:v5+s14+$0x0], $0xffff  }
0x6b: {  	v3 =	vor.u32 s23, v0;
	s23 =	sadd.s32 $0x10, s23;
	v4 =	vadd.s32 $0x20, v6  }
0x6c: {  	v5 =	vand.u32 v1, v3;
	_ =	sdelay $0x2  }
0x6d: {  	v3 =	vmul.u32 $0x28, v3  }
0x6e: {  	[tilespmem:v4+s16+$0x0] =	vst.idx.msk $0xffff, v2  }
0x6f: {  	v3 =	vadd.s32 $0x20, v3;
	v2 =	vld.idx.msk [tilespmem:v5+s14+$0x0], $0xffff;
	_ =	sdelay $0x2  }
0x70: {  	s22 =	smul.u32 $0xFA0, s22;
	_ =	sdelay $0x1  }
0x71: {  	s22 =	sadd.s32 s5, s22;
	[tilespmem:v3+s16+$0x0] =	vst.idx.msk $0xffff, v2  }
0x72: {  	[hbm4b:s22+s2] =	stream.linear.scatter [tilespmem:s16], [sflag:$0x4], $0x7D00, $0x38;
	[tilespmem:$0x10040] =	vst v63  }
.LBB2_16:
0x73: {  	s21 =	sadd.s32 s11, s21  }
0x74: {  	p1 =	sgt.u32 s21, $0x4E1  }
.Ltmp11:
0x75: {  	_ = 	snop;
	(pc) =	sbr.rel @p1 .LBB2_20-.Ltmp11, $1  }
0x76: {  	_ =	sdelay $0x3  }
0x77: {  	s22 =	smul.u32 $0xC80, s21;
	_ =	sdelay $0x1  }
0x78: {  	s23 =	simm.s32 $0x7D00;
	s22 =	sadd.s32 s4, s22  }
0x79: {  	s24 =	simm.s32 $0x4;
	s25 =	simm.s32 $0x7D28;
	s26 =	sadd.s32 $0x0, s22  }
.LBB2_18:
0x7a: {  	[tilespmem:s23], [sflag:$0x2] =	stream.linear.gather [hbm4b:s26+s2], $0x20, $0x38;
	[tilespmem:$0x10040] =	vst v63  }
0x7b: {  	s26 =	smov.u32 s24;
	s23 =	smov.u32 s25;
	p1 =	sne.s32 s24, $0xC7C  }
.Ltmp12:
0x7c: {  	s24 =	sadd.s32 $0x4, s24;
	(pc) =	sbr.rel @p1 .LBB2_18-.Ltmp12, $2  }
0x7d: {  	_ =	sdelay $0x2  }
0x7e: {  	s25 =	sadd.s32 $0x28, s25;
	s26 =	sadd.s32 s26, s22  }
.Ltmp13:
0x7f: {  	(pc) =	sbr.rel .LBB2_20-.Ltmp13, $4  }
0x80: {  	s21 =	smul.u32 $0x64, s21  }
0x81: {  	[tilespmem:s23], [sflag:$0x2] =	stream.linear.gather [hbm4b:s26+s2], $0x20, $0x38;
	[tilespmem:$0x10040] =	vst v63  }
0x82: {  	s21 =	sadd.s32 s1, s21  }
0x83: {  	[tilespmem:s14], [sflag:$0x2] =	stream.linear.gather [hbm4b:s21+s2], $0x320, $0x38;
	[tilespmem:$0x10040] =	vst v63  }
.LBB2_22:
0x84: {  	_ =	sfence.sel $0x180000  }
0x85: {  	[bflag:$0x0] =	sbarrier.arrive $0xFFFF  }
0x86: {  	_ =	strace $0x9000004D  }
0x87: {  	s0 =	sadd.s32 @!p0 $0x100000, s0;
	[bflag:$0x2] =	sbarrier.arrive $0xFFFF  }
0x88: {  	[sflag:s0] =	ssyncadd.tile.s32 @!p0 $0x1;
	_ =	shalt  }
.Lfunc_end2:
_tile_overlayer_lowered:
.L_overlay_start_2:
0x89: {  	(tag) =	ssettag $0x2  }
0x8a: {  	s0 =	rddreg [dreg:$0x0];
	s2 =	stileid.u32  }
0x8b: {  	s1 =	rddreg [dreg:$0x1];
	p0 =	sne.s32 s2, $0x0  }
0x8c: {  	s3 =	rddreg [dreg:$0x2];
	[bflag:$0x3] =	sbarrier.arrive $0xFFFF;
	s2 =	simm.s32 @!p0 $0x1C05  }
0x8d: {  	[timem:s3], [sflag:s2] =	dma.local @!p0 [hbm:s0], s1  }
0x8e: {  	s0 =	simm.s32 @!p0 $0x5  }
0x8f: {  	_ =	swait.ge @!p0 [sflag:s0], s1  }
0x90: {  	s1 =	ssub.s32 @!p0 $0x0, s1;
	[sflag:s0] =	ssyncset.done @!p0 $0x0  }
0x91: {  	[sflag:s0] =	ssyncadd.s32 @!p0 s1  }
0x92: {  	[bflag:$0x3] =	sbarrier.arrive $0xFFFF  }
0x93: {  	_ =	shalt  }

// kernel: kernel.7.cloned.1.call-start
scs
__scs_entry_jumppad:
0x0: {  	(pc) =	sbr.rel $0x88, $3  }
0x1: {  	(tag) =	ssettag $0x0;
	lr =	simm.s32 $0x1  }
0x2: {  	[smem:$0x3F9A] =	sst lr;
	_ =	strace $0xD0000000  }
0x3: {  	_ = 	snop  }
0x4: {  	_ = 	snop  }
0x5: {  	_ = 	snop  }
0x6: {  	_ = 	snop  }
0x7: {  	_ = 	snop  }
__scs_overlays_trampoline_lowered:
0x8: {  	[smem:$0x3FA9] =	sst s0  }
0x9: {  	[smem:$0x3FAA] =	sst s1  }
0xa: {  	[smem:$0x3FAB] =	sst s2  }
0xb: {  	[smem:$0x3FAC] =	sst s3  }
0xc: {  	[smem:$0x3FAD] =	sst s4  }
0xd: {  	[smem:$0x3FAE] =	sst s5  }
0xe: {  	[smem:$0x3FAF] =	sst s6  }
0xf: {  	[smem:$0x3FB0] =	sst s7  }
0x10: {  	[smem:$0x3FB1] =	sst s8  }
0x11: {  	[smem:$0x3FB2] =	sst s9;
	s0 =	simm.s32 @!p0 $0x0  }
0x12: {  	s1 =	sld [smem:$0x3F98];
	s0 =	simm.s32 @p0 $0x1  }
0x13: {  	[smem:$0x3FB3] =	sst s0;
	s0 =	simm.s32 @!p1 $0x0  }
0x14: {  	s2 =	sld [smem:$0x3F97];
	s0 =	simm.s32 @p1 $0x1  }
0x15: {  	[smem:$0x3FB4] =	sst s0;
	s0 =	simm.s32 @!p2 $0x0  }
0x16: {  	s3 =	sld [smem:$0x3FDB];
	s0 =	simm.s32 @p2 $0x1  }
0x17: {  	s4 =	simm.s32 $0x1BF5;
	[smem:$0x3FB6] =	sst s0  }
0x18: {  	s0 =	sld [smem:$0x3F99];
	_ =	swait.ge [sflag:s4], $0x0  }
0x19: {  	s7 =	sld [smem:$0x3F9A]  }
0x1a: {  	s8 =	sadd.s32 $0xFFFFE003, lr  }
0x1b: {  	s9 =	sadd.s32 $0xFFFFFEF7, lr;
	s5 =	simm.s32 $0xFFFFFFFF;
	p2 =	slt.u32 s8, $0xFFFFF086  }
0x1c: {  	p1 =	slt.u32 s9, $0xF7A;
	s5 =	simm.s32 @!p2 $0x0  }
0x1d: {  	s5 =	simm.s32 @p1 $0x1;
	p0 =	seq.s32 s7, s2  }
0x1e: {  	s7 =	smul.u32 @!p0 $0xF7A, s2;
	p2 =	seq.s32 @!p0 s5, $0x0  }
0x1f: {  	s9 =	smul.u32 $0xF7A, s1;
	s8 =	simm.s32 @!p0 $0x1BF5;
	p2 =	por !p2, p0  }
0x20: {  	[sflag:s8] =	ssyncset.s32 @!p0 $0xFFFFF086;
	s6 =	sadd.s32 @!p0 s3, s7;
	s7 =	simm.s32 @!p0 $0x108  }
0x21: {  	s3 =	sadd.s32 s3, s9;
	s6 =	sadd.s32 @!p0 $0x88, s6;
	s7 =	simm.s32 @p2 $0x1082  }
0x22: {  	[simem:s7], [sflag:s8] =	dma.local @!p0 [hbm:s6], $0xF7A  }
0x23: {  	s9 =	sor.u32 $0xD0000000, s2;
	s6 =	simm.s32 $0x108;
	_ =	swait.ge @!p0 [sflag:s8], $0x0  }
0x24: {  	s3 =	sadd.s32 $0x88, s3;
	s6 =	simm.s32 @!p1 $0x1082;
	[sflag:s4] =	ssyncset.s32 $0xFFFFF086  }
0x25: {  	[simem:s6], [sflag:s4] =	dma.local [hbm:s3], $0xF7A  }
0x26: {  	[smem:$0x3F9A] =	sst s1;
	(tag) =	ssettag s2;
	_ =	strace s9  }
0x27: {  	s1 =	sld [smem:$0x3FAA]  }
0x28: {  	s2 =	sld [smem:$0x3FAB]  }
0x29: {  	s4 =	sld [smem:$0x3FAD]  }
0x2a: {  	p0 =	seq.s32 s5, $0x0;
	s5 =	sld [smem:$0x3FAE]  }
0x2b: {  	s6 =	sld [smem:$0x3FAF]  }
0x2c: {  	s7 =	sld [smem:$0x3FB0]  }
0x2d: {  	s3 =	simm.s32 $0x108;
	s8 =	sld [smem:$0x3FB1]  }
0x2e: {  	s3 =	simm.s32 @!p0 $0x1082;
	s9 =	sld [smem:$0x3FB2]  }
0x2f: {  	lr =	sadd.s32 s0, s3;
	s0 =	sld [smem:$0x3FA9]  }
0x30: {  	s3 =	sld [smem:$0x3FAC]  }
0x31: {  	[smem:$0x3FB5] =	sst s10  }
0x32: {  	s10 =	sld [smem:$0x3FB3];
	_ =	sdelay $0x3  }
0x33: {  	p0 =	seq.s32 s10, $0x1;
	s10 =	sld [smem:$0x3FB5];
	_ =	sdelay $0x3  }
0x34: {  	[smem:$0x3FB5] =	sst s10  }
0x35: {  	s10 =	sld [smem:$0x3FB4];
	_ =	sdelay $0x3  }
0x36: {  	p1 =	seq.s32 s10, $0x1;
	s10 =	sld [smem:$0x3FB5];
	_ =	sdelay $0x3  }
0x37: {  	[smem:$0x3FB5] =	sst s10  }
0x38: {  	s10 =	sld [smem:$0x3FB6]  }
0x39: {  	_ = 	snop;
	(pc) =	sbr.ind lr, $3  }
0x3a: {  	_ = 	snop  }
0x3b: {  	_ = 	snop  }
0x3c: {  	p2 =	seq.s32 s10, $0x1;
	s10 =	sld [smem:$0x3FB5]  }
0x3d: {  	_ =	shalt  }
0x3e: {  	_ =	shalt  }
0x3f: {  	_ =	shalt  }
0x40: {  	_ =	shalt  }
0x41: {  	_ =	shalt  }
0x42: {  	_ =	shalt  }
0x43: {  	_ =	shalt  }
0x44: {  	_ =	shalt  }
0x45: {  	_ =	shalt  }
0x46: {  	_ =	shalt  }
0x47: {  	_ =	shalt  }
0x48: {  	_ =	shalt  }
0x49: {  	_ =	shalt  }
0x4a: {  	_ =	shalt  }
0x4b: {  	_ =	shalt  }
0x4c: {  	_ =	shalt  }
0x4d: {  	_ =	shalt  }
0x4e: {  	_ =	shalt  }
0x4f: {  	_ =	shalt  }
0x50: {  	_ =	shalt  }
0x51: {  	_ =	shalt  }
0x52: {  	_ =	shalt  }
0x53: {  	_ =	shalt  }
0x54: {  	_ =	shalt  }
0x55: {  	_ =	shalt  }
0x56: {  	_ =	shalt  }
0x57: {  	_ =	shalt  }
0x58: {  	_ =	shalt  }
0x59: {  	_ =	shalt  }
0x5a: {  	_ =	shalt  }
0x5b: {  	_ =	shalt  }
0x5c: {  	_ =	shalt  }
0x5d: {  	_ =	shalt  }
0x5e: {  	_ =	shalt  }
0x5f: {  	_ =	shalt  }
0x60: {  	_ =	shalt  }
0x61: {  	_ =	shalt  }
0x62: {  	_ =	shalt  }
0x63: {  	_ =	shalt  }
0x64: {  	_ =	shalt  }
0x65: {  	_ =	shalt  }
0x66: {  	_ =	shalt  }
0x67: {  	_ =	shalt  }
0x68: {  	_ =	shalt  }
0x69: {  	_ =	shalt  }
0x6a: {  	_ =	shalt  }
0x6b: {  	_ =	shalt  }
0x6c: {  	_ =	shalt  }
0x6d: {  	_ =	shalt  }
0x6e: {  	_ =	shalt  }
0x6f: {  	_ =	shalt  }
0x70: {  	_ =	shalt  }
0x71: {  	_ =	shalt  }
0x72: {  	_ =	shalt  }
0x73: {  	_ =	shalt  }
0x74: {  	_ =	shalt  }
0x75: {  	_ =	shalt  }
0x76: {  	_ =	shalt  }
0x77: {  	_ =	shalt  }
0x78: {  	_ =	shalt  }
0x79: {  	_ =	shalt  }
0x7a: {  	_ =	shalt  }
0x7b: {  	_ =	shalt  }
0x7c: {  	_ =	shalt  }
0x7d: {  	_ =	shalt  }
0x7e: {  	_ =	shalt  }
0x7f: {  	_ =	shalt  }
0x80: {  	_ =	shalt  }
0x81: {  	_ =	shalt  }
0x82: {  	_ =	shalt  }
0x83: {  	_ =	shalt  }
0x84: {  	_ =	shalt  }
0x85: {  	_ =	shalt  }
0x86: {  	_ =	shalt  }
0x87: {  	_ =	shalt  }
.Lfunc_end0:
.L_simem_size_0:
called_computation.3_lowered:
.L_overlay_start_0:
0x88: {  	s2 =	sld [smem:$0x3FD9]  }
0x89: {  	s3 =	sld [smem:$0x3FFE];
	_ =	sdelay $0x1  }
0x8a: {  	s1 =	srdreg.scid  }
0x8b: {  	s0 =	sand.u32 $0x1, s1  }
0x8c: {  	s17 =	sshll.u32 s0, $0xA;
	s2 =	sadd.s32 s3, s2  }
0x8d: {  	s2 =	sadd.s32 s2, s17  }
0x8e: {  	[smem:$0x3FC1] =	sst s2  }
0x8f: {  	_ = 	snop  }
0x90: {  	s2 =	sld [smem:$0x3FD0];
	(tm) =	ssettm $0x1  }
0x91: {  	s18 =	sld [smem:$0x3FFB];
	_ =	sdelay $0x3  }
0x92: {  	_ =	strace s18  }
0x93: {  	s3 =	sld [smem:$0x3FFC];
	_ =	sdelay $0x3  }
0x94: {  	_ =	strace s3  }
0x95: {  	s3 =	sld [smem:$0x3FFD];
	_ =	sdelay $0x3  }
0x96: {  	_ =	strace s3  }
0x97: {  	_ =	strace $0x8FFFFFFF  }
0x98: {  	s19 =	sld [smem:$0x3FDB];
	_ =	sdelay $0x1  }
0x99: {  	s4 =	simm.s32 $_scs_section_size  }
0x9a: {  	s5 =	simm.s32 $_size__tile_overlayer_lowered;
	s6 =	simm.s32 $_tile_overlayer_lowered  }
0x9b: {  	s22 =	simm.s32 $0x1BFF;
	s21 =	sshll.u32 s6, $0x1;
	s3 =	sadd.s32 s4, s19  }
0x9c: {  	s7 =	simm.s32 $0x0;
	s20 =	sshll.u32 s5, $0x1;
	s5 =	sadd.s32 s21, s3  }
0x9d: {  	[timem:s7], [sflag:s22] =	dma.local [hbm:s5], s20  }
0x9e: {  	_ =	swait.ge [sflag:s22], s20  }
0x9f: {  	s4 =	ssub.s32 $0x0, s20;
	[sflag:s22] =	ssyncset.done $0x0  }
0xa0: {  	[sflag:s22] =	ssyncadd.s32 s4;
	_ =	sdelay $0x1  }
0xa1: {  	s23 =	simm.s32 $0x1B8B  }
0xa2: {  	_ =	swait.ge [sflag:s23], $0x1  }
0xa3: {  	[sflag:s23] =	ssyncset.done $0x0  }
0xa4: {  	s25 =	simm.s32 $0x1B8E;
	s24 =	sld [smem:$0x3FFE];
	[sflag:s23] =	ssyncadd.s32 $0xFFFFFFFF  }
0xa5: {  	s26 =	simm.s32 $execute0_lowered;
	[smem:$0x3FD2] =	sst s25  }
0xa6: {  	s5 =	sshll.u32 s26, $0x1;
	_ =	strace $0x8000004F;
	[dreg:$0x1] =	wrdreg $0xFFFFFFFF  }
0xa7: {  	s28 =	simm.s32 $_size_execute0_lowered;
	s3 =	sadd.s32 s3, s5;
	[dreg:$0x0] =	wrdreg $0x0  }
0xa8: {  	s5 =	sshll.u32 s28, $0x1;
	[dreg:$0x2] =	wrdreg s3  }
0xa9: {  	[dreg:$0x3] =	wrdreg s5  }
0xaa: {  	[dreg:$0x4] =	wrdreg $0xC0  }
0xab: {  	_ =	task [dreg:s7], $0x5FFFF  }
0xac: {  	[dreg:$0x1] =	wrdreg $0xFFFFFFFF  }
0xad: {  	[dreg:$0x0] =	wrdreg $0x60  }
0xae: {  	[dreg:$0x2] =	wrdreg s2  }
0xaf: {  	[dreg:$0x3] =	wrdreg s24  }
0xb0: {  	[dreg:$0x4] =	wrdreg $0x9  }
0xb1: {  	_ =	task.clear_ibuf [dreg:s7], $0x5FFFF;
	_ =	strace $0x9000004F  }
0xb2: {  	s29 =	simm.s32 $0x9;
	_ =	strace $0x80000051  }
0xb3: {  	_ =	swait.ge [sflag:s29], $0x1  }
0xb4: {  	[sflag:s29] =	ssyncadd.s32 $0xFFFFFFFF  }
0xb5: {  	_ =	strace $0x90000051  }
0xb6: {  	_ =	sfence  }
0xb7: {  	s30 =	sld [smem:$0x0];
	_ =	sdelay $0x2  }
0xb8: {  	s31 =	sshll.u32 s1, $0xD;
	s1 =	sshrl.u32 s1, $0x2  }
0xb9: {  	s3 =	sand.u32 $0x4000, s31;
	s1 =	sadd.s32 s1, s30  }
0xba: {  	s0 =	sor.u32 s3, s0;
	s1 =	sshll.u32 s1, $0x11  }
0xbb: {  	s0 =	sor.u32 s1, s0  }
0xbc: {  	s0 =	sadd.s32 $0x8F2B, s0  }
0xbd: {  	[sflag:s0] =	ssyncadd.remote.s32 $0x1  }
0xbe: {  	_ =	sfence.sel $0xFFFF  }
0xbf: {  	[dreg:$0x0] =	wrdreg $0xFFFFFFFF;
	(pc) =	sbr.abs _section_cstart, $3  }
0xc0: {  	[dreg:$0x1] =	wrdreg $0xFFFFFFFF  }
0xc1: {  	_ =	task.clear_ibuf [dreg:s7], $0x2FFFF;
	_ =	strace $0x9FFFFFFF  }
0xc2: {  	(tm) =	ssettm $0x7FFFFFFF  }
0xc3: {  	_ =	shalt  }
tec
execute0_lowered:
.L_overlay_start_1:
0x0: {  	(tag) =	ssettag $0x1  }
0x1: {  	s1 =	rddreg [dreg:$0x0]  }
0x2: {  	s0 =	rddreg [dreg:$0x1]  }
0x3: {  	s3 =	simm.s32 $0x0;
	s2 =	srdreg.scid;
	s4 =	stileid.u32  }
0x4: {  	s14 =	simm.s32 $0x5;
	s15 =	simm.s32 $0x4000;
	s17 =	simm.s32 $0x80  }
0x5: {  	s18 =	simm.s32 $0x4700;
	s28 =	simm.s32 $0x4480;
	s29 =	simm.s32 $0xAB00  }
0x6: {  	s30 =	simm.s32 $0x4500;
	s31 =	simm.s32 $0xBF00;
	s19 =	simm.s32 $0x4600  }
0x7: {  	s20 =	simm.s32 $0xE700;
	s21 =	simm.s32 $0x4680;
	s22 =	simm.s32 $0xFB00  }
0x8: {  	[smem:$0x7FF] =	sst s3;
	s2 =	sand.u32 $0x1, s2;
	s4 =	sshll.u32 s4, $0x1  }
0x9: {  	s23 =	simm.s32 $0x1;
	_ =	strace $0x80000050;
	s6 =	sor.u32 s2, s4  }
0xa: {  	s4 =	sadd.s32 $0x12600, s0;
	s2 =	ssub.s32 $0x2, s2;
	s7 =	sshll.u32 s6, $0xB  }
0xb: {  	s5 =	smul.u32 $0x6400, s6;
	s6 =	sshll.u32 s6, $0x6;
	s9 =	sshrl.u32 s2, $0x1  }
0xc: {  	s7 =	sadd.s32 s7, s0;
	s8 =	sadd.s32 s6, s0;
	s6 =	sadd.s32 $0x4D7C00, s0  }
0xd: {  	s24 =	ssub.s32 s2, s9;
	s9 =	simm.s32 $0x0;
	s10 =	sshrl.u32 s5, $0x3  }
0xe: {  	s7 =	sadd.s32 $0x1600, s7;
	s26 =	sadd.s32 $0x4D7400, s8;
	s11 =	sadd.s32 $0x500, s5  }
.Ltmp0:
0xf: {  	s12 =	sadd.s32 $0x780, s5;
	[dreg:$0x4] =	wrdreg s7;
	(pc) =	sbr.rel .LBB2_1-.Ltmp0, $4  }
0x10: {  	s0 =	smax.u32 s24, $0x1;
	s24 =	simm.s32 $0x10F00;
	[dreg:$0x5] =	wrdreg s26  }
0x11: {  	s25 =	sadd.s32 s1, s10;
	[dreg:$0x7] =	wrdreg s0;
	s0 =	simm.s32 $0x4580  }
0x12: {  	s26 =	simm.s32 $0x11180;
	[dreg:$0x3] =	wrdreg s25;
	s2 =	sadd.s32 $0x50, s25  }
0x13: {  	v0 =	vlaneseq.u32;
	s25 =	simm.s32 $0x2;
	[dreg:$0x6] =	wrdreg s2;
	s2 =	simm.s32 $0xD300  }
.LBB2_8:
0x14: {  	s7 =	simm.s32 $0x3  }
0x15: {  	_ =	swait.ge [sflag:s7], $0x280  }
0x16: {  	[sflag:s7] =	ssyncset.done $0x0  }
0x17: {  	s8 =	simm.s32 $0x4;
	[sflag:s7] =	ssyncadd.s32 $0xFFFFFD80  }
0x18: {  	_ =	swait.ge [sflag:s8], $0x280  }
0x19: {  	s9 =	sadd.s32 $0x1, s9;
	s16 =	rddreg [dreg:$0x7]  }
0x1a: {  	p0 =	sne.s32 s9, s16  }
.Ltmp1:
0x1b: {  	_ = 	snop;
	(pc) =	sbr.rel @!p0 .LBB2_9-.Ltmp1, $3  }
0x1c: {  	_ =	sdelay $0x1  }
0x1d: {  	[sflag:s8] =	ssyncset.done $0x0  }
0x1e: {  	[sflag:s8] =	ssyncadd.s32 $0xFFFFFD80  }
.LBB2_1:
0x1f: {  	s7 =	rddreg [dreg:$0x4]  }
0x20: {  	[tilespmem:s3], [sflag:$0x5] =	stream.linear.gather [hbm4b:s7+s3], $0x4000, $0x38;
	[tilespmem:$0x11400] =	vst v63  }
0x21: {  	_ =	swait.ge [sflag:s14], $0x4000  }
0x22: {  	[sflag:s14] =	ssyncset.done $0x0  }
0x23: {  	s8 =	rddreg [dreg:$0x5];
	[sflag:s14] =	ssyncadd.s32 $0xFFFFC000  }
0x24: {  	[tilespmem:s15], [sflag:$0x5] =	stream.linear.gather [hbm4b:s8+s3], $0x200, $0x38;
	[tilespmem:$0x11400] =	vst v63  }
0x25: {  	_ =	swait.ge [sflag:s14], $0x200  }
0x26: {  	[sflag:s14] =	ssyncset.done $0x0  }
0x27: {  	s8 =	simm.s32 $0x4200;
	s10 =	rddreg [dreg:$0x3];
	[sflag:s14] =	ssyncadd.s32 $0xFFFFFE00  }
0x28: {  	[tilespmem:s8], [sflag:$0x5] =	stream.linear.gather [hbm4b:s10+s3], $0x280, $0x38;
	[tilespmem:$0x11400] =	vst v63  }
0x29: {  	_ =	swait.ge [sflag:s14], $0x280  }
0x2a: {  	[sflag:s14] =	ssyncset.done $0x0  }
0x2b: {  	[sflag:s14] =	ssyncadd.s32 $0xFFFFFD80  }
0x2c: {  	[tilespmem:s18], [sflag:$0x1] =	stream.indirect.gather [hbm4b:s4+s17], $0x28, s8, s17, $0xb8;
	[tilespmem:$0x11400] =	vst v63  }
0x2d: {  	s13 =	simm.s32 $0x4280;
	s16 =	simm.s32 $0x5B00  }
0x2e: {  	[tilespmem:s16], [sflag:$0x1] =	stream.indirect.gather [hbm4b:s4+s17], $0x28, s13, s17, $0xb8;
	[tilespmem:$0x11400] =	vst v63  }
0x2f: {  	s10 =	simm.s32 $0x6F00;
	s8 =	simm.s32 $0x4300  }
0x30: {  	[tilespmem:s10], [sflag:$0x1] =	stream.indirect.gather [hbm4b:s4+s17], $0x28, s8, s17, $0xb8;
	[tilespmem:$0x11400] =	vst v63  }
0x31: {  	s13 =	simm.s32 $0x4380;
	s16 =	simm.s32 $0x8300  }
0x32: {  	[tilespmem:s16], [sflag:$0x1] =	stream.indirect.gather [hbm4b:s4+s17], $0x28, s13, s17, $0xb8;
	[tilespmem:$0x11400] =	vst v63  }
0x33: {  	s10 =	simm.s32 $0x4400;
	s13 =	simm.s32 $0x9700  }
0x34: {  	[tilespmem:s13], [sflag:$0x1] =	stream.indirect.gather [hbm4b:s4+s17], $0x28, s10, s17, $0xb8;
	[tilespmem:$0x11400] =	vst v63  }
0x35: {  	s16 =	rddreg [dreg:$0x6]  }
0x36: {  	[tilespmem:s28], [sflag:$0x5] =	stream.linear.gather [hbm4b:s16+s3], $0x280, $0x38;
	[tilespmem:$0x11400] =	vst v63  }
0x37: {  	_ =	swait.ge [sflag:s14], $0x280  }
0x38: {  	[sflag:s14] =	ssyncset.done $0x0  }
0x39: {  	[sflag:s14] =	ssyncadd.s32 $0xFFFFFD80  }
0x3a: {  	[tilespmem:s29], [sflag:$0x2] =	stream.indirect.gather [hbm4b:s4+s17], $0x28, s28, s17, $0xb8;
	[tilespmem:$0x11400] =	vst v63  }
0x3b: {  	_ = 	snop  }
0x3c: {  	[tilespmem:s31], [sflag:$0x2] =	stream.indirect.gather [hbm4b:s4+s17], $0x28, s30, s17, $0xb8;
	[tilespmem:$0x11400] =	vst v63  }
0x3d: {  	_ = 	snop  }
0x3e: {  	[tilespmem:s2], [sflag:$0x2] =	stream.indirect.gather [hbm4b:s4+s17], $0x28, s0, s17, $0xb8;
	[tilespmem:$0x11400] =	vst v63  }
0x3f: {  	_ = 	snop  }
0x40: {  	[tilespmem:s20], [sflag:$0x2] =	stream.indirect.gather [hbm4b:s4+s17], $0x28, s19, s17, $0xb8;
	[tilespmem:$0x11400] =	vst v63  }
0x41: {  	s10 =	simm.s32 $0x0  }
0x42: {  	[tilespmem:s22], [sflag:$0x2] =	stream.indirect.gather [hbm4b:s4+s17], $0x28, s21, s17, $0xb8;
	[tilespmem:$0x11400] =	vst v63  }
.LBB2_2:
0x43: {  	_ =	swait.ge [sflag:s23], $0x1400  }
0x44: {  	[sflag:s23] =	ssyncset.done $0x0  }
0x45: {  	[sflag:s23] =	ssyncadd.s32 $0xFFFFEC00  }
0x46: {  	_ =	swait.ge [sflag:s23], $0x1400  }
0x47: {  	[sflag:s23] =	ssyncset.done $0x0  }
0x48: {  	[sflag:s23] =	ssyncadd.s32 $0xFFFFEC00  }
0x49: {  	_ =	swait.ge [sflag:s23], $0x1400  }
0x4a: {  	[sflag:s23] =	ssyncset.done $0x0  }
0x4b: {  	s13 =	smul.u32 $0x500, s10;
	[sflag:s23] =	ssyncadd.s32 $0xFFFFEC00  }
0x4c: {  	s7 =	simm.s32 $0x0;
	_ =	swait.ge [sflag:s23], $0x1400  }
0x4d: {  	v3 =	vor.u32 s7, v0;
	v1 =	vmov s13;
	[sflag:s23] =	ssyncset.done $0x0  }
0x4e: {  	v2 =	vmul.u32 $0x28, v3;
	v3 =	vadd.s32 v1, v3;
	[sflag:s23] =	ssyncadd.s32 $0xFFFFEC00  }
0x4f: {  	v3 =	vmulhi.u32 $0x51EB851F, v3;
	_ =	swait.ge [sflag:s23], $0x1400  }
0x50: {  	p0 =	seq.s32 s10, $0x0;
	v4 =	vadd.s32 $0x20, v2;
	[sflag:s23] =	ssyncset.done $0x0  }
0x51: {  	s7 =	simm.s32 @!p0 $0x3;
	v5 =	vshrl.u32 v3, $0x4;
	[sflag:s23] =	ssyncadd.s32 $0xFFFFEC00  }
0x52: {  	_ =	swait.ge @!p0 [sflag:s7], $0x280  }
0x53: {  	v3 =	vshll.u32 v5, $0x5;
	[sflag:s7] =	ssyncset.done @!p0 $0x0  }
0x54: {  	v6 =	vor.u32 $0x1, v2;
	[sflag:s7] =	ssyncadd.s32 @!p0 $0xFFFFFD80  }
0x55: {  	v7 =	vor.u32 $0x1, v3;
	v4 =	vld.idx.msk [tilespmem:v4+s18+$0x0], $0xffff  }
0x56: {  	v8 =	vor.u32 $0x2, v2;
	v5 =	vld.idx.msk [tilespmem:v5+s15+$0x0], $0xffff  }
0x57: {  	v10 =	vor.u32 $0x2, v3;
	v9 =	vld.idx.msk [tilespmem:v2+s18+$0x0], $0xffff  }
0x58: {  	v12 =	vor.u32 $0x3, v2;
	v11 =	vld.idx.msk [tilespmem:v3+s3+$0x0], $0xffff  }
0x59: {  	v13 =	vor.u32 $0x3, v3;
	v6 =	vld.idx.msk [tilespmem:v6+s18+$0x0], $0xffff  }
0x5a: {  	v14 =	vor.u32 $0x4, v2;
	v7 =	vld.idx.msk [tilespmem:v7+s3+$0x0], $0xffff  }
0x5b: {  	v15 =	vor.u32 $0x4, v3;
	v8 =	vld.idx.msk [tilespmem:v8+s18+$0x0], $0xffff  }
0x5c: {  	v16 =	vor.u32 $0x5, v2;
	v10 =	vld.idx.msk [tilespmem:v10+s3+$0x0], $0xffff  }
0x5d: {  	v17 =	vor.u32 $0x5, v3;
	v12 =	vld.idx.msk [tilespmem:v12+s18+$0x0], $0xffff;
	v4 =	vadd.f32 v4, v5;
	v5 =	vmul.f32 v11, v9  }
0x5e: {  	v25 =	vor.u32 $0x6, v3;
	v22 =	vld.idx.msk [tilespmem:v13+s3+$0x0], $0xffff  }
0x5f: {  	v23 =	vor.u32 $0x6, v2;
	v24 =	vld.idx.msk [tilespmem:v14+s18+$0x0], $0xffff;
	v4 =	vadd.f32 v5, v4;
	v5 =	vmul.f32 v7, v6  }
0x60: {  	v6 =	vld.idx.msk [tilespmem:v15+s3+$0x0], $0xffff;
	v7 =	vor.u32 $0x7, v2  }
0x61: {  	v27 =	vor.u32 $0x7, v3;
	v26 =	vld.idx.msk [tilespmem:v16+s18+$0x0], $0xffff;
	v4 =	vadd.f32 v5, v4;
	v5 =	vmul.f32 v10, v8  }
0x62: {  	v28 =	vadd.s32 $0x8, v2;
	v8 =	vld.idx.msk [tilespmem:v17+s3+$0x0], $0xffff  }
0x63: {  	v29 =	vor.u32 $0x8, v3;
	v30 =	vld.idx.msk [tilespmem:v25+s3+$0x0], $0xffff;
	v4 =	vadd.f32 v5, v4;
	v5 =	vmul.f32 v22, v12  }
0x64: {  	v32 =	vor.u32 $0x9, v3;
	v11 =	vld.idx.msk [tilespmem:v23+s18+$0x0], $0xffff  }
0x65: {  	v31 =	vadd.s32 $0x9, v2;
	v7 =	vld.idx.msk [tilespmem:v7+s18+$0x0], $0xffff;
	v4 =	vadd.f32 v5, v4;
	v5 =	vmul.f32 v6, v24  }
0x66: {  	v33 =	vadd.s32 $0xA, v2;
	v6 =	vld.idx.msk [tilespmem:v27+s3+$0x0], $0xffff  }
0x67: {  	v34 =	vor.u32 $0xA, v3;
	v10 =	vld.idx.msk [tilespmem:v28+s18+$0x0], $0xffff;
	v4 =	vadd.f32 v5, v4;
	v5 =	vmul.f32 v8, v26  }
0x68: {  	v35 =	vadd.s32 $0xB, v2;
	v8 =	vld.idx.msk [tilespmem:v29+s3+$0x0], $0xffff  }
0x69: {  	v36 =	vor.u32 $0xB, v3;
	v37 =	vld.idx.msk [tilespmem:v32+s3+$0x0], $0xffff;
	v4 =	vadd.f32 v5, v4;
	v5 =	vmul.f32 v30, v11  }
0x6a: {  	v39 =	vor.u32 $0xC, v3;
	v12 =	vld.idx.msk [tilespmem:v31+s18+$0x0], $0xffff  }
0x6b: {  	v38 =	vadd.s32 $0xC, v2;
	v13 =	vld.idx.msk [tilespmem:v33+s18+$0x0], $0xffff;
	v4 =	vadd.f32 v5, v4;
	v5 =	vmul.f32 v6, v7  }
0x6c: {  	v6 =	vld.idx.msk [tilespmem:v34+s3+$0x0], $0xffff;
	v7 =	vadd.s32 $0xD, v2  }
0x6d: {  	v40 =	vor.u32 $0xD, v3;
	v15 =	vld.idx.msk [tilespmem:v35+s18+$0x0], $0xffff;
	v4 =	vadd.f32 v5, v4;
	v5 =	vmul.f32 v8, v10  }
0x6e: {  	v41 =	vadd.s32 $0xE, v2;
	v8 =	vld.idx.msk [tilespmem:v36+s3+$0x0], $0xffff  }
0x6f: {  	v42 =	vor.u32 $0xE, v3;
	v43 =	vld.idx.msk [tilespmem:v39+s3+$0x0], $0xffff;
	v4 =	vadd.f32 v5, v4;
	v5 =	vmul.f32 v37, v12  }
0x70: {  	v45 =	vor.u32 $0xF, v3;
	v11 =	vld.idx.msk [tilespmem:v38+s18+$0x0], $0xffff  }
0x71: {  	v44 =	vadd.s32 $0xF, v2;
	v7 =	vld.idx.msk [tilespmem:v7+s18+$0x0], $0xffff;
	v4 =	vadd.f32 v5, v4;
	v5 =	vmul.f32 v6, v13  }
0x72: {  	v46 =	vadd.s32 $0x10, v2;
	v6 =	vld.idx.msk [tilespmem:v40+s3+$0x0], $0xffff  }
0x73: {  	v47 =	vor.u32 $0x10, v3;
	v10 =	vld.idx.msk [tilespmem:v41+s18+$0x0], $0xffff;
	v4 =	vadd.f32 v5, v4;
	v5 =	vmul.f32 v8, v15  }
0x74: {  	v48 =	vadd.s32 $0x11, v2;
	v8 =	vld.idx.msk [tilespmem:v42+s3+$0x0], $0xffff  }
0x75: {  	v49 =	vor.u32 $0x11, v3;
	v50 =	vld.idx.msk [tilespmem:v45+s3+$0x0], $0xffff;
	v4 =	vadd.f32 v5, v4;
	v5 =	vmul.f32 v43, v11  }
0x76: {  	v52 =	vor.u32 $0x12, v3;
	v12 =	vld.idx.msk [tilespmem:v44+s18+$0x0], $0xffff  }
0x77: {  	v51 =	vadd.s32 $0x12, v2;
	v13 =	vld.idx.msk [tilespmem:v46+s18+$0x0], $0xffff;
	v4 =	vadd.f32 v5, v4;
	v5 =	vmul.f32 v6, v7  }
0x78: {  	v6 =	vld.idx.msk [tilespmem:v47+s3+$0x0], $0xffff;
	v7 =	vadd.s32 $0x13, v2  }
0x79: {  	v53 =	vor.u32 $0x13, v3;
	v15 =	vld.idx.msk [tilespmem:v48+s18+$0x0], $0xffff;
	v4 =	vadd.f32 v5, v4;
	v5 =	vmul.f32 v8, v10  }
0x7a: {  	v54 =	vadd.s32 $0x14, v2;
	v8 =	vld.idx.msk [tilespmem:v49+s3+$0x0], $0xffff  }
0x7b: {  	v55 =	vor.u32 $0x14, v3;
	v56 =	vld.idx.msk [tilespmem:v52+s3+$0x0], $0xffff;
	v4 =	vadd.f32 v5, v4;
	v5 =	vmul.f32 v50, v12  }
0x7c: {  	v58 =	vor.u32 $0x15, v3;
	v11 =	vld.idx.msk [tilespmem:v51+s18+$0x0], $0xffff  }
0x7d: {  	v57 =	vadd.s32 $0x15, v2;
	v7 =	vld.idx.msk [tilespmem:v7+s18+$0x0], $0xffff;
	v4 =	vadd.f32 v5, v4;
	v5 =	vmul.f32 v6, v13  }
0x7e: {  	v59 =	vadd.s32 $0x16, v2;
	v6 =	vld.idx.msk [tilespmem:v53+s3+$0x0], $0xffff  }
0x7f: {  	v60 =	vor.u32 $0x16, v3;
	v10 =	vld.idx.msk [tilespmem:v54+s18+$0x0], $0xffff;
	v4 =	vadd.f32 v5, v4;
	v5 =	vmul.f32 v8, v15  }
0x80: {  	v61 =	vadd.s32 $0x17, v2;
	v8 =	vld.idx.msk [tilespmem:v55+s3+$0x0], $0xffff  }
0x81: {  	v62 =	vor.u32 $0x17, v3;
	v63 =	vld.idx.msk [tilespmem:v58+s3+$0x0], $0xffff;
	v4 =	vadd.f32 v5, v4;
	v5 =	vmul.f32 v56, v11  }
0x82: {  	v21 =	vor.u32 $0x18, v3;
	v12 =	vld.idx.msk [tilespmem:v57+s18+$0x0], $0xffff  }
0x83: {  	v20 =	vadd.s32 $0x18, v2;
	v13 =	vld.idx.msk [tilespmem:v59+s18+$0x0], $0xffff;
	v4 =	vadd.f32 v5, v4;
	v5 =	vmul.f32 v6, v7  }
0x84: {  	v6 =	vld.idx.msk [tilespmem:v60+s3+$0x0], $0xffff;
	v7 =	vadd.s32 $0x19, v2  }
0x85: {  	v22 =	vor.u32 $0x19, v3;
	v15 =	vld.idx.msk [tilespmem:v61+s18+$0x0], $0xffff;
	v4 =	vadd.f32 v5, v4;
	v5 =	vmul.f32 v8, v10  }
0x86: {  	v23 =	vadd.s32 $0x1A, v2;
	v8 =	vld.idx.msk [tilespmem:v62+s3+$0x0], $0xffff  }
0x87: {  	v25 =	vld.idx.msk [tilespmem:v21+s3+$0x0], $0xffff;
	v24 =	vor.u32 $0x1A, v3;
	v4 =	vadd.f32 v5, v4;
	v5 =	vmul.f32 v63, v12  }
0x88: {  	v27 =	vor.u32 $0x1B, v3;
	v11 =	vld.idx.msk [tilespmem:v20+s18+$0x0], $0xffff  }
0x89: {  	v26 =	vadd.s32 $0x1B, v2;
	v7 =	vld.idx.msk [tilespmem:v7+s18+$0x0], $0xffff;
	v4 =	vadd.f32 v5, v4;
	v5 =	vmul.f32 v6, v13  }
0x8a: {  	v28 =	vadd.s32 $0x1C, v2;
	v6 =	vld.idx.msk [tilespmem:v22+s3+$0x0], $0xffff  }
0x8b: {  	v29 =	vor.u32 $0x1C, v3;
	v10 =	vld.idx.msk [tilespmem:v23+s18+$0x0], $0xffff;
	v4 =	vadd.f32 v5, v4;
	v5 =	vmul.f32 v8, v15  }
0x8c: {  	v30 =	vadd.s32 $0x1D, v2;
	v8 =	vld.idx.msk [tilespmem:v24+s3+$0x0], $0xffff  }
0x8d: {  	v31 =	vor.u32 $0x1D, v3;
	v32 =	vld.idx.msk [tilespmem:v27+s3+$0x0], $0xffff;
	v4 =	vadd.f32 v5, v4;
	v5 =	vmul.f32 v25, v11  }
0x8e: {  	v33 =	vadd.s32 $0x1E, v2;
	v12 =	vld.idx.msk [tilespmem:v26+s18+$0x0], $0xffff  }
0x8f: {  	v34 =	vor.u32 $0x1E, v3;
	v13 =	vld.idx.msk [tilespmem:v28+s18+$0x0], $0xffff;
	v4 =	vadd.f32 v5, v4;
	v5 =	vmul.f32 v6, v7  }
0x90: {  	v2 =	vadd.s32 $0x1F, v2;
	v6 =	vld.idx.msk [tilespmem:v29+s3+$0x0], $0xffff  }
0x91: {  	v3 =	vor.u32 $0x1F, v3;
	v7 =	vld.idx.msk [tilespmem:v30+s18+$0x0], $0xffff;
	v4 =	vadd.f32 v5, v4;
	v5 =	vmul.f32 v8, v10  }
0x92: {  	v8 =	vld.idx.msk [tilespmem:v31+s3+$0x0], $0xffff  }
0x93: {  	v35 =	vld.idx.msk [tilespmem:v33+s18+$0x0], $0xffff;
	v4 =	vadd.f32 v5, v4;
	v5 =	vmul.f32 v32, v12  }
0x94: {  	v36 =	vld.idx.msk [tilespmem:v34+s3+$0x0], $0xffff  }
0x95: {  	v37 =	vld.idx.msk [tilespmem:v2+s18+$0x0], $0xffff;
	v2 =	vadd.f32 v5, v4;
	v4 =	vmul.f32 v6, v13  }
0x96: {  	s16 =	simm.s32 $0x10;
	v3 =	vld.idx.msk [tilespmem:v3+s3+$0x0], $0xffff  }
0x97: {  	v5 =	vor.u32 s16, v0;
	v6 =	vmul.f32 v8, v7;
	v4 =	vadd.f32 v4, v2  }
0x98: {  	v2 =	vmul.u32 $0x28, v5  }
0x99: {  	v5 =	vadd.s32 v1, v5;
	v4 =	vadd.f32 v6, v4;
	v6 =	vmul.f32 v36, v35  }
0x9a: {  	v5 =	vmulhi.u32 $0x51EB851F, v5  }
0x9b: {  	v3 =	vmul.f32 v3, v37;
	v7 =	vadd.s32 $0x20, v2;
	v4 =	vadd.f32 v6, v4  }
0x9c: {  	v5 =	vshrl.u32 v5, $0x4  }
0x9d: {  	v4 =	vadd.f32 v3, v4  }
0x9e: {  	s7 =	simm.s32 $0x10F00;
	v3 =	vshll.u32 v5, $0x5  }
0x9f: {  	v6 =	vor.u32 $0x1, v2;
	[tilespmem:s7+$0x0] =	vst v4  }
0xa0: {  	v4 =	vld.idx.msk [tilespmem:v7+s18+$0x0], $0xffff;
	v7 =	vor.u32 $0x1, v3  }
0xa1: {  	v8 =	vor.u32 $0x2, v2;
	v5 =	vld.idx.msk [tilespmem:v5+s15+$0x0], $0xffff  }
0xa2: {  	v39 =	vor.u32 $0x2, v3;
	v38 =	vld.idx.msk [tilespmem:v2+s18+$0x0], $0xffff  }
0xa3: {  	v41 =	vor.u32 $0x3, v2;
	v40 =	vld.idx.msk [tilespmem:v3+s3+$0x0], $0xffff  }
0xa4: {  	v42 =	vor.u32 $0x3, v3;
	v6 =	vld.idx.msk [tilespmem:v6+s18+$0x0], $0xffff  }
0xa5: {  	v43 =	vor.u32 $0x4, v2;
	v7 =	vld.idx.msk [tilespmem:v7+s3+$0x0], $0xffff  }
0xa6: {  	v44 =	vor.u32 $0x4, v3;
	v8 =	vld.idx.msk [tilespmem:v8+s18+$0x0], $0xffff  }
0xa7: {  	v45 =	vor.u32 $0x5, v2;
	v10 =	vld.idx.msk [tilespmem:v39+s3+$0x0], $0xffff  }
0xa8: {  	v46 =	vor.u32 $0x5, v3;
	v12 =	vld.idx.msk [tilespmem:v41+s18+$0x0], $0xffff;
	v4 =	vadd.f32 v4, v5;
	v5 =	vmul.f32 v40, v38  }
0xa9: {  	v48 =	vor.u32 $0x6, v2;
	v47 =	vld.idx.msk [tilespmem:v42+s3+$0x0], $0xffff  }
0xaa: {  	v50 =	vor.u32 $0x6, v3;
	v49 =	vld.idx.msk [tilespmem:v43+s18+$0x0], $0xffff;
	v4 =	vadd.f32 v5, v4;
	v5 =	vmul.f32 v7, v6  }
0xab: {  	v6 =	vld.idx.msk [tilespmem:v44+s3+$0x0], $0xffff;
	v7 =	vor.u32 $0x7, v2  }
0xac: {  	v52 =	vor.u32 $0x7, v3;
	v51 =	vld.idx.msk [tilespmem:v45+s18+$0x0], $0xffff;
	v4 =	vadd.f32 v5, v4;
	v5 =	vmul.f32 v10, v8  }
0xad: {  	v53 =	vadd.s32 $0x8, v2;
	v8 =	vld.idx.msk [tilespmem:v46+s3+$0x0], $0xffff  }
0xae: {  	v54 =	vor.u32 $0x8, v3;
	v11 =	vld.idx.msk [tilespmem:v48+s18+$0x0], $0xffff;
	v4 =	vadd.f32 v5, v4;
	v5 =	vmul.f32 v47, v12  }
0xaf: {  	v57 =	vor.u32 $0x9, v3;
	v55 =	vld.idx.msk [tilespmem:v50+s3+$0x0], $0xffff  }
0xb0: {  	v56 =	vadd.s32 $0x9, v2;
	v7 =	vld.idx.msk [tilespmem:v7+s18+$0x0], $0xffff;
	v4 =	vadd.f32 v5, v4;
	v5 =	vmul.f32 v6, v49  }
0xb1: {  	v58 =	vadd.s32 $0xA, v2;
	v6 =	vld.idx.msk [tilespmem:v52+s3+$0x0], $0xffff  }
0xb2: {  	v59 =	vor.u32 $0xA, v3;
	v10 =	vld.idx.msk [tilespmem:v53+s18+$0x0], $0xffff;
	v4 =	vadd.f32 v5, v4;
	v5 =	vmul.f32 v8, v51  }
0xb3: {  	v60 =	vadd.s32 $0xB, v2;
	v8 =	vld.idx.msk [tilespmem:v54+s3+$0x0], $0xffff  }
0xb4: {  	v61 =	vor.u32 $0xB, v3;
	v62 =	vld.idx.msk [tilespmem:v57+s3+$0x0], $0xffff;
	v4 =	vadd.f32 v5, v4;
	v5 =	vmul.f32 v55, v11  }
0xb5: {  	v20 =	vor.u32 $0xC, v3;
	v12 =	vld.idx.msk [tilespmem:v56+s18+$0x0], $0xffff  }
0xb6: {  	v63 =	vadd.s32 $0xC, v2;
	v13 =	vld.idx.msk [tilespmem:v58+s18+$0x0], $0xffff;
	v4 =	vadd.f32 v5, v4;
	v5 =	vmul.f32 v6, v7  }
0xb7: {  	v6 =	vld.idx.msk [tilespmem:v59+s3+$0x0], $0xffff;
	v7 =	vadd.s32 $0xD, v2  }
0xb8: {  	v21 =	vor.u32 $0xD, v3;
	v15 =	vld.idx.msk [tilespmem:v60+s18+$0x0], $0xffff;
	v4 =	vadd.f32 v5, v4;
	v5 =	vmul.f32 v8, v10  }
0xb9: {  	v22 =	vadd.s32 $0xE, v2;
	v8 =	vld.idx.msk [tilespmem:v61+s3+$0x0], $0xffff  }
0xba: {  	v23 =	vor.u32 $0xE, v3;
	v24 =	vld.idx.msk [tilespmem:v20+s3+$0x0], $0xffff;
	v4 =	vadd.f32 v5, v4;
	v5 =	vmul.f32 v62, v12  }
0xbb: {  	v26 =	vor.u32 $0xF, v3;
	v11 =	vld.idx.msk [tilespmem:v63+s18+$0x0], $0xffff  }
0xbc: {  	v25 =	vadd.s32 $0xF, v2;
	v7 =	vld.idx.msk [tilespmem:v7+s18+$0x0], $0xffff;
	v4 =	vadd.f32 v5, v4;
	v5 =	vmul.f32 v6, v13  }
0xbd: {  	v27 =	vadd.s32 $0x10, v2;
	v6 =	vld.idx.msk [tilespmem:v21+s3+$0x0], $0xffff  }
0xbe: {  	v28 =	vor.u32 $0x10, v3;
	v10 =	vld.idx.msk [tilespmem:v22+s18+$0x0], $0xffff;
	v4 =	vadd.f32 v5, v4;
	v5 =	vmul.f32 v8, v15  }
0xbf: {  	v29 =	vadd.s32 $0x11, v2;
	v8 =	vld.idx.msk [tilespmem:v23+s3+$0x0], $0xffff  }
0xc0: {  	v30 =	vor.u32 $0x11, v3;
	v31 =	vld.idx.msk [tilespmem:v26+s3+$0x0], $0xffff;
	v4 =	vadd.f32 v5, v4;
	v5 =	vmul.f32 v24, v11  }
0xc1: {  	v33 =	vor.u32 $0x12, v3;
	v12 =	vld.idx.msk [tilespmem:v25+s18+$0x0], $0xffff  }
0xc2: {  	v32 =	vadd.s32 $0x12, v2;
	v13 =	vld.idx.msk [tilespmem:v27+s18+$0x0], $0xffff;
	v4 =	vadd.f32 v5, v4;
	v5 =	vmul.f32 v6, v7  }
0xc3: {  	v6 =	vld.idx.msk [tilespmem:v28+s3+$0x0], $0xffff;
	v7 =	vadd.s32 $0x13, v2  }
0xc4: {  	v34 =	vor.u32 $0x13, v3;
	v15 =	vld.idx.msk [tilespmem:v29+s18+$0x0], $0xffff;
	v4 =	vadd.f32 v5, v4;
	v5 =	vmul.f32 v8, v10  }
0xc5: {  	v35 =	vadd.s32 $0x14, v2;
	v8 =	vld.idx.msk [tilespmem:v30+s3+$0x0], $0xffff  }
0xc6: {  	v36 =	vor.u32 $0x14, v3;
	v37 =	vld.idx.msk [tilespmem:v33+s3+$0x0], $0xffff;
	v4 =	vadd.f32 v5, v4;
	v5 =	vmul.f32 v31, v12  }
0xc7: {  	v39 =	vor.u32 $0x15, v3;
	v11 =	vld.idx.msk [tilespmem:v32+s18+$0x0], $0xffff  }
0xc8: {  	v38 =	vadd.s32 $0x15, v2;
	v7 =	vld.idx.msk [tilespmem:v7+s18+$0x0], $0xffff;
	v4 =	vadd.f32 v5, v4;
	v5 =	vmul.f32 v6, v13  }
0xc9: {  	v40 =	vadd.s32 $0x16, v2;
	v6 =	vld.idx.msk [tilespmem:v34+s3+$0x0], $0xffff  }
0xca: {  	v41 =	vor.u32 $0x16, v3;
	v10 =	vld.idx.msk [tilespmem:v35+s18+$0x0], $0xffff;
	v4 =	vadd.f32 v5, v4;
	v5 =	vmul.f32 v8, v15  }
0xcb: {  	v42 =	vadd.s32 $0x17, v2;
	v8 =	vld.idx.msk [tilespmem:v36+s3+$0x0], $0xffff  }
0xcc: {  	v43 =	vor.u32 $0x17, v3;
	v44 =	vld.idx.msk [tilespmem:v39+s3+$0x0], $0xffff;
	v4 =	vadd.f32 v5, v4;
	v5 =	vmul.f32 v37, v11  }
0xcd: {  	v46 =	vor.u32 $0x18, v3;
	v12 =	vld.idx.msk [tilespmem:v38+s18+$0x0], $0xffff  }
0xce: {  	v45 =	vadd.s32 $0x18, v2;
	v13 =	vld.idx.msk [tilespmem:v40+s18+$0x0], $0xffff;
	v4 =	vadd.f32 v5, v4;
	v5 =	vmul.f32 v6, v7  }
0xcf: {  	v6 =	vld.idx.msk [tilespmem:v41+s3+$0x0], $0xffff;
	v7 =	vadd.s32 $0x19, v2  }
0xd0: {  	v47 =	vor.u32 $0x19, v3;
	v15 =	vld.idx.msk [tilespmem:v42+s18+$0x0], $0xffff;
	v4 =	vadd.f32 v5, v4;
	v5 =	vmul.f32 v8, v10  }
0xd1: {  	v48 =	vadd.s32 $0x1A, v2;
	v8 =	vld.idx.msk [tilespmem:v43+s3+$0x0], $0xffff  }
0xd2: {  	v49 =	vor.u32 $0x1A, v3;
	v50 =	vld.idx.msk [tilespmem:v46+s3+$0x0], $0xffff;
	v4 =	vadd.f32 v5, v4;
	v5 =	vmul.f32 v44, v12  }
0xd3: {  	v52 =	vor.u32 $0x1B, v3;
	v11 =	vld.idx.msk [tilespmem:v45+s18+$0x0], $0xffff  }
0xd4: {  	v51 =	vadd.s32 $0x1B, v2;
	v7 =	vld.idx.msk [tilespmem:v7+s18+$0x0], $0xffff;
	v4 =	vadd.f32 v5, v4;
	v5 =	vmul.f32 v6, v13  }
0xd5: {  	v53 =	vadd.s32 $0x1C, v2;
	v6 =	vld.idx.msk [tilespmem:v47+s3+$0x0], $0xffff  }
0xd6: {  	v54 =	vor.u32 $0x1C, v3;
	v10 =	vld.idx.msk [tilespmem:v48+s18+$0x0], $0xffff;
	v4 =	vadd.f32 v5, v4;
	v5 =	vmul.f32 v8, v15  }
0xd7: {  	v8 =	vld.idx.msk [tilespmem:v49+s3+$0x0], $0xffff  }
0xd8: {  	v57 =	vld.idx.msk [tilespmem:v52+s3+$0x0], $0xffff;
	v4 =	vadd.f32 v5, v4;
	v5 =	vmul.f32 v50, v11  }
0xd9: {  	v55 =	vadd.s32 $0x1D, v2;
	v12 =	vld.idx.msk [tilespmem:v51+s18+$0x0], $0xffff  }
0xda: {  	v56 =	vor.u32 $0x1D, v3;
	v13 =	vld.idx.msk [tilespmem:v53+s18+$0x0], $0xffff;
	v4 =	vadd.f32 v5, v4;
	v5 =	vmul.f32 v6, v7  }
0xdb: {  	v58 =	vadd.s32 $0x1E, v2;
	v6 =	vld.idx.msk [tilespmem:v54+s3+$0x0], $0xffff  }
0xdc: {  	v59 =	vor.u32 $0x1E, v3;
	v4 =	vadd.f32 v5, v4;
	v5 =	vmul.f32 v8, v10  }
0xdd: {  	v2 =	vadd.s32 $0x1F, v2  }
0xde: {  	v61 =	vor.u32 $0x1F, v3;
	v7 =	vld.idx.msk [tilespmem:v55+s18+$0x0], $0xffff;
	v4 =	vadd.f32 v5, v4;
	v5 =	vmul.f32 v57, v12  }
0xdf: {  	v8 =	vld.idx.msk [tilespmem:v56+s3+$0x0], $0xffff  }
0xe0: {  	v60 =	vld.idx.msk [tilespmem:v58+s18+$0x0], $0xffff;
	v3 =	vadd.f32 v5, v4;
	v4 =	vmul.f32 v6, v13  }
0xe1: {  	v62 =	vld.idx.msk [tilespmem:v59+s3+$0x0], $0xffff  }
0xe2: {  	v63 =	vadd.f32 v4, v3;
	v3 =	vld.idx.msk [tilespmem:v2+s18+$0x0], $0xffff  }
0xe3: {  	s8 =	simm.s32 $0x20;
	v4 =	vld.idx.msk [tilespmem:v61+s3+$0x0], $0xffff  }
0xe4: {  	v5 =	vor.u32 s8, v0;
	v7 =	vmul.f32 v8, v7  }
0xe5: {  	v6 =	vadd.s32 v1, v5  }
0xe6: {  	s16 =	simm.s32 $0x30;
	v2 =	vmul.u32 $0x28, v5;
	v5 =	vadd.f32 v7, v63;
	v7 =	vmul.f32 v62, v60  }
.LBB2_3:
0xe7: {  	p1 =	sne.s32 s16, $0x270;
	v6 =	vmulhi.u32 $0x51EB851F, v6  }
0xe8: {  	v8 =	vadd.s32 $0x20, v2;
	v3 =	vmul.f32 v4, v3;
	v5 =	vadd.f32 v7, v5  }
0xe9: {  	v4 =	vshrl.u32 v6, $0x4  }
0xea: {  	v5 =	vadd.f32 v3, v5  }
0xeb: {  	s7 =	sadd.s32 $0x10, s7;
	v3 =	vshll.u32 v4, $0x5  }
0xec: {  	v6 =	vor.u32 $0x1, v2;
	[tilespmem:s7+$0x0] =	vst v5  }
0xed: {  	v7 =	vor.u32 $0x1, v3;
	v5 =	vld.idx.msk [tilespmem:v8+s18+$0x0], $0xffff  }
0xee: {  	v8 =	vor.u32 $0x2, v2;
	v4 =	vld.idx.msk [tilespmem:v4+s15+$0x0], $0xffff  }
0xef: {  	v10 =	vor.u32 $0x2, v3;
	v9 =	vld.idx.msk [tilespmem:v2+s18+$0x0], $0xffff  }
0xf0: {  	v12 =	vor.u32 $0x3, v2;
	v11 =	vld.idx.msk [tilespmem:v3+s3+$0x0], $0xffff  }
0xf1: {  	v13 =	vor.u32 $0x3, v3;
	v6 =	vld.idx.msk [tilespmem:v6+s18+$0x0], $0xffff  }
0xf2: {  	v14 =	vor.u32 $0x4, v2;
	v7 =	vld.idx.msk [tilespmem:v7+s3+$0x0], $0xffff  }
0xf3: {  	v15 =	vor.u32 $0x4, v3;
	v8 =	vld.idx.msk [tilespmem:v8+s18+$0x0], $0xffff  }
0xf4: {  	v16 =	vor.u32 $0x5, v2;
	v10 =	vld.idx.msk [tilespmem:v10+s3+$0x0], $0xffff  }
0xf5: {  	v17 =	vor.u32 $0x5, v3;
	v12 =	vld.idx.msk [tilespmem:v12+s18+$0x0], $0xffff  }
0xf6: {  	v4 =	vadd.f32 v5, v4;
	v5 =	vmul.f32 v11, v9;
	v11 =	vor.u32 $0x6, v2;
	v9 =	vld.idx.msk [tilespmem:v13+s3+$0x0], $0xffff  }
0xf7: {  	v13 =	vld.idx.msk [tilespmem:v14+s18+$0x0], $0xffff;
	v14 =	vor.u32 $0x6, v3  }
0xf8: {  	v4 =	vadd.f32 v5, v4;
	v5 =	vmul.f32 v7, v6;
	v7 =	vor.u32 $0x7, v2;
	v6 =	vld.idx.msk [tilespmem:v15+s3+$0x0], $0xffff  }
0xf9: {  	v15 =	vld.idx.msk [tilespmem:v16+s18+$0x0], $0xffff;
	v16 =	vor.u32 $0x7, v3  }
0xfa: {  	v4 =	vadd.f32 v5, v4;
	v5 =	vmul.f32 v10, v8;
	v10 =	vadd.s32 $0x8, v2;
	v8 =	vld.idx.msk [tilespmem:v17+s3+$0x0], $0xffff  }
0xfb: {  	v17 =	vor.u32 $0x8, v3;
	v11 =	vld.idx.msk [tilespmem:v11+s18+$0x0], $0xffff  }
0xfc: {  	v4 =	vadd.f32 v5, v4;
	v5 =	vmul.f32 v9, v12;
	v12 =	vadd.s32 $0x9, v2;
	v9 =	vld.idx.msk [tilespmem:v14+s3+$0x0], $0xffff  }
0xfd: {  	v14 =	vor.u32 $0x9, v3;
	v7 =	vld.idx.msk [tilespmem:v7+s18+$0x0], $0xffff  }
0xfe: {  	v4 =	vadd.f32 v5, v4;
	v5 =	vmul.f32 v6, v13;
	v13 =	vadd.s32 $0xA, v2;
	v6 =	vld.idx.msk [tilespmem:v16+s3+$0x0], $0xffff  }
0xff: {  	v16 =	vor.u32 $0xA, v3;
	v10 =	vld.idx.msk [tilespmem:v10+s18+$0x0], $0xffff  }
0x100: {  	v4 =	vadd.f32 v5, v4;
	v5 =	vmul.f32 v8, v15;
	v15 =	vadd.s32 $0xB, v2;
	v8 =	vld.idx.msk [tilespmem:v17+s3+$0x0], $0xffff  }
0x101: {  	v17 =	vor.u32 $0xB, v3;
	v12 =	vld.idx.msk [tilespmem:v12+s18+$0x0], $0xffff  }
0x102: {  	v4 =	vadd.f32 v5, v4;
	v5 =	vmul.f32 v9, v11;
	v11 =	vadd.s32 $0xC, v2;
	v9 =	vld.idx.msk [tilespmem:v14+s3+$0x0], $0xffff  }
0x103: {  	v14 =	vor.u32 $0xC, v3;
	v13 =	vld.idx.msk [tilespmem:v13+s18+$0x0], $0xffff  }
0x104: {  	v4 =	vadd.f32 v5, v4;
	v5 =	vmul.f32 v6, v7;
	v7 =	vadd.s32 $0xD, v2;
	v6 =	vld.idx.msk [tilespmem:v16+s3+$0x0], $0xffff  }
0x105: {  	v16 =	vor.u32 $0xD, v3;
	v15 =	vld.idx.msk [tilespmem:v15+s18+$0x0], $0xffff  }
0x106: {  	v4 =	vadd.f32 v5, v4;
	v5 =	vmul.f32 v8, v10;
	v10 =	vadd.s32 $0xE, v2;
	v8 =	vld.idx.msk [tilespmem:v17+s3+$0x0], $0xffff  }
0x107: {  	v17 =	vor.u32 $0xE, v3;
	v11 =	vld.idx.msk [tilespmem:v11+s18+$0x0], $0xffff  }
0x108: {  	v4 =	vadd.f32 v5, v4;
	v5 =	vmul.f32 v9, v12;
	v12 =	vadd.s32 $0xF, v2;
	v9 =	vld.idx.msk [tilespmem:v14+s3+$0x0], $0xffff  }
0x109: {  	v14 =	vor.u32 $0xF, v3;
	v7 =	vld.idx.msk [tilespmem:v7+s18+$0x0], $0xffff  }
0x10a: {  	v4 =	vadd.f32 v5, v4;
	v5 =	vmul.f32 v6, v13;
	v13 =	vadd.s32 $0x10, v2;
	v6 =	vld.idx.msk [tilespmem:v16+s3+$0x0], $0xffff  }
0x10b: {  	v16 =	vor.u32 $0x10, v3;
	v10 =	vld.idx.msk [tilespmem:v10+s18+$0x0], $0xffff  }
0x10c: {  	v4 =	vadd.f32 v5, v4;
	v5 =	vmul.f32 v8, v15;
	v15 =	vadd.s32 $0x11, v2;
	v8 =	vld.idx.msk [tilespmem:v17+s3+$0x0], $0xffff  }
0x10d: {  	v17 =	vor.u32 $0x11, v3;
	v12 =	vld.idx.msk [tilespmem:v12+s18+$0x0], $0xffff  }
0x10e: {  	v4 =	vadd.f32 v5, v4;
	v5 =	vmul.f32 v9, v11;
	v11 =	vadd.s32 $0x12, v2;
	v9 =	vld.idx.msk [tilespmem:v14+s3+$0x0], $0xffff  }
0x10f: {  	v14 =	vor.u32 $0x12, v3;
	v13 =	vld.idx.msk [tilespmem:v13+s18+$0x0], $0xffff  }
0x110: {  	v4 =	vadd.f32 v5, v4;
	v5 =	vmul.f32 v6, v7;
	v7 =	vadd.s32 $0x13, v2;
	v6 =	vld.idx.msk [tilespmem:v16+s3+$0x0], $0xffff  }
0x111: {  	v16 =	vor.u32 $0x13, v3;
	v15 =	vld.idx.msk [tilespmem:v15+s18+$0x0], $0xffff  }
0x112: {  	v4 =	vadd.f32 v5, v4;
	v5 =	vmul.f32 v8, v10;
	v10 =	vadd.s32 $0x14, v2;
	v8 =	vld.idx.msk [tilespmem:v17+s3+$0x0], $0xffff  }
0x113: {  	v17 =	vor.u32 $0x14, v3;
	v11 =	vld.idx.msk [tilespmem:v11+s18+$0x0], $0xffff  }
0x114: {  	v4 =	vadd.f32 v5, v4;
	v5 =	vmul.f32 v9, v12;
	v12 =	vadd.s32 $0x15, v2;
	v9 =	vld.idx.msk [tilespmem:v14+s3+$0x0], $0xffff  }
0x115: {  	v14 =	vor.u32 $0x15, v3;
	v7 =	vld.idx.msk [tilespmem:v7+s18+$0x0], $0xffff  }
0x116: {  	v4 =	vadd.f32 v5, v4;
	v5 =	vmul.f32 v6, v13;
	v13 =	vadd.s32 $0x16, v2;
	v6 =	vld.idx.msk [tilespmem:v16+s3+$0x0], $0xffff  }
0x117: {  	v16 =	vor.u32 $0x16, v3;
	v10 =	vld.idx.msk [tilespmem:v10+s18+$0x0], $0xffff  }
0x118: {  	v4 =	vadd.f32 v5, v4;
	v5 =	vmul.f32 v8, v15;
	v15 =	vadd.s32 $0x17, v2;
	v8 =	vld.idx.msk [tilespmem:v17+s3+$0x0], $0xffff  }
0x119: {  	v17 =	vor.u32 $0x17, v3;
	v12 =	vld.idx.msk [tilespmem:v12+s18+$0x0], $0xffff  }
0x11a: {  	v4 =	vadd.f32 v5, v4;
	v5 =	vmul.f32 v9, v11;
	v11 =	vadd.s32 $0x18, v2;
	v9 =	vld.idx.msk [tilespmem:v14+s3+$0x0], $0xffff  }
0x11b: {  	v14 =	vor.u32 $0x18, v3;
	v13 =	vld.idx.msk [tilespmem:v13+s18+$0x0], $0xffff  }
0x11c: {  	v4 =	vadd.f32 v5, v4;
	v5 =	vmul.f32 v6, v7;
	v7 =	vadd.s32 $0x19, v2;
	v6 =	vld.idx.msk [tilespmem:v16+s3+$0x0], $0xffff  }
0x11d: {  	v16 =	vor.u32 $0x19, v3;
	v15 =	vld.idx.msk [tilespmem:v15+s18+$0x0], $0xffff  }
0x11e: {  	v4 =	vadd.f32 v5, v4;
	v5 =	vmul.f32 v8, v10;
	v10 =	vadd.s32 $0x1A, v2;
	v8 =	vld.idx.msk [tilespmem:v17+s3+$0x0], $0xffff  }
0x11f: {  	v17 =	vor.u32 $0x1A, v3;
	v11 =	vld.idx.msk [tilespmem:v11+s18+$0x0], $0xffff  }
0x120: {  	v4 =	vadd.f32 v5, v4;
	v5 =	vmul.f32 v9, v12;
	v12 =	vadd.s32 $0x1B, v2;
	v9 =	vld.idx.msk [tilespmem:v14+s3+$0x0], $0xffff  }
0x121: {  	v14 =	vor.u32 $0x1B, v3;
	v7 =	vld.idx.msk [tilespmem:v7+s18+$0x0], $0xffff  }
0x122: {  	v4 =	vadd.f32 v5, v4;
	v5 =	vmul.f32 v6, v13;
	v13 =	vadd.s32 $0x1C, v2;
	v6 =	vld.idx.msk [tilespmem:v16+s3+$0x0], $0xffff  }
0x123: {  	v16 =	vor.u32 $0x1C, v3;
	v10 =	vld.idx.msk [tilespmem:v10+s18+$0x0], $0xffff  }
0x124: {  	v4 =	vadd.f32 v5, v4;
	v5 =	vmul.f32 v8, v15;
	v15 =	vadd.s32 $0x1D, v2;
	v8 =	vld.idx.msk [tilespmem:v17+s3+$0x0], $0xffff  }
0x125: {  	v17 =	vor.u32 $0x1D, v3;
	v12 =	vld.idx.msk [tilespmem:v12+s18+$0x0], $0xffff  }
0x126: {  	v4 =	vadd.f32 v5, v4;
	v5 =	vmul.f32 v9, v11;
	v11 =	vadd.s32 $0x1E, v2;
	v9 =	vld.idx.msk [tilespmem:v14+s3+$0x0], $0xffff  }
0x127: {  	v14 =	vor.u32 $0x1E, v3;
	v13 =	vld.idx.msk [tilespmem:v13+s18+$0x0], $0xffff  }
0x128: {  	v2 =	vadd.s32 $0x1F, v2;
	v4 =	vadd.f32 v5, v4;
	v5 =	vmul.f32 v6, v7;
	v6 =	vld.idx.msk [tilespmem:v16+s3+$0x0], $0xffff  }
0x129: {  	v7 =	vld.idx.msk [tilespmem:v15+s18+$0x0], $0xffff;
	v15 =	vor.u32 $0x1F, v3  }
0x12a: {  	v3 =	vadd.f32 v5, v4;
	v4 =	vmul.f32 v8, v10;
	v5 =	vld.idx.msk [tilespmem:v17+s3+$0x0], $0xffff  }
0x12b: {  	v8 =	vld.idx.msk [tilespmem:v11+s18+$0x0], $0xffff  }
0x12c: {  	v4 =	vadd.f32 v4, v3;
	v9 =	vmul.f32 v9, v12;
	v10 =	vld.idx.msk [tilespmem:v14+s3+$0x0], $0xffff  }
0x12d: {  	v3 =	vld.idx.msk [tilespmem:v2+s18+$0x0], $0xffff  }
.Ltmp2:
0x12e: {  	v2 =	vadd.f32 v9, v4;
	v6 =	vmul.f32 v6, v13;
	v4 =	vld.idx.msk [tilespmem:v15+s3+$0x0], $0xffff;
	(pc) =	sbr.rel @p1 .LBB2_3-.Ltmp2, $4  }
0x12f: {  	_ = 	snop  }
0x130: {  	v9 =	vor.u32 s16, v0;
	v11 =	vadd.f32 v6, v2;
	v5 =	vmul.f32 v5, v7  }
0x131: {  	v2 =	vmul.u32 $0x28, v9  }
0x132: {  	s16 =	sadd.s32 $0x10, s16;
	v6 =	vadd.s32 v1, v9;
	v5 =	vadd.f32 v5, v11;
	v7 =	vmul.f32 v10, v8  }
0x133: {  	v1 =	vmulhi.u32 $0x51EB851F, v6  }
0x134: {  	v6 =	vadd.s32 $0x20, v2;
	v3 =	vmul.f32 v4, v3;
	v5 =	vadd.f32 v7, v5;
	_ =	sdelay $0x1  }
0x135: {  	v4 =	vshrl.u32 v1, $0x4;
	v3 =	vadd.f32 v3, v5  }
0x136: {  	s7 =	sadd.s32 $0x10, s7;
	v1 =	vshll.u32 v4, $0x5  }
0x137: {  	v5 =	vor.u32 $0x1, v2;
	[tilespmem:s7+$0x0] =	vst v3  }
0x138: {  	v3 =	vld.idx.msk [tilespmem:v6+s18+$0x0], $0xffff;
	v6 =	vor.u32 $0x1, v1  }
0x139: {  	v7 =	vor.u32 $0x2, v2;
	v8 =	vld.idx.msk [tilespmem:v2+s18+$0x0], $0xffff  }
0x13a: {  	v9 =	vor.u32 $0x2, v1;
	v4 =	vld.idx.msk [tilespmem:v4+s15+$0x0], $0xffff  }
0x13b: {  	v11 =	vor.u32 $0x3, v2;
	v10 =	vld.idx.msk [tilespmem:v1+s3+$0x0], $0xffff  }
0x13c: {  	v12 =	vor.u32 $0x3, v1;
	v5 =	vld.idx.msk [tilespmem:v5+s18+$0x0], $0xffff  }
0x13d: {  	v13 =	vor.u32 $0x4, v2;
	v6 =	vld.idx.msk [tilespmem:v6+s3+$0x0], $0xffff  }
0x13e: {  	v14 =	vor.u32 $0x4, v1;
	v7 =	vld.idx.msk [tilespmem:v7+s18+$0x0], $0xffff  }
0x13f: {  	v15 =	vor.u32 $0x5, v2;
	v9 =	vld.idx.msk [tilespmem:v9+s3+$0x0], $0xffff  }
0x140: {  	v16 =	vor.u32 $0x5, v1;
	v11 =	vld.idx.msk [tilespmem:v11+s18+$0x0], $0xffff;
	v3 =	vadd.f32 v3, v4;
	v4 =	vmul.f32 v10, v8  }
0x141: {  	v53 =	vor.u32 $0x6, v2;
	v8 =	vld.idx.msk [tilespmem:v12+s3+$0x0], $0xffff  }
0x142: {  	v55 =	vor.u32 $0x6, v1;
	v54 =	vld.idx.msk [tilespmem:v13+s18+$0x0], $0xffff;
	v3 =	vadd.f32 v4, v3;
	v4 =	vmul.f32 v6, v5  }
0x143: {  	v5 =	vld.idx.msk [tilespmem:v14+s3+$0x0], $0xffff;
	v6 =	vor.u32 $0x7, v2  }
0x144: {  	v57 =	vor.u32 $0x7, v1;
	v56 =	vld.idx.msk [tilespmem:v15+s18+$0x0], $0xffff;
	v3 =	vadd.f32 v4, v3;
	v4 =	vmul.f32 v9, v7  }
0x145: {  	v58 =	vadd.s32 $0x8, v2;
	v7 =	vld.idx.msk [tilespmem:v16+s3+$0x0], $0xffff  }
0x146: {  	v59 =	vor.u32 $0x8, v1;
	v10 =	vld.idx.msk [tilespmem:v53+s18+$0x0], $0xffff;
	v3 =	vadd.f32 v4, v3;
	v4 =	vmul.f32 v8, v11  }
0x147: {  	v60 =	vadd.s32 $0x9, v2;
	v8 =	vld.idx.msk [tilespmem:v55+s3+$0x0], $0xffff  }
0x148: {  	v61 =	vor.u32 $0x9, v1;
	v6 =	vld.idx.msk [tilespmem:v6+s18+$0x0], $0xffff;
	v3 =	vadd.f32 v4, v3;
	v4 =	vmul.f32 v5, v54  }
0x149: {  	v62 =	vadd.s32 $0xA, v2;
	v5 =	vld.idx.msk [tilespmem:v57+s3+$0x0], $0xffff  }
0x14a: {  	v63 =	vor.u32 $0xA, v1;
	v9 =	vld.idx.msk [tilespmem:v58+s18+$0x0], $0xffff;
	v3 =	vadd.f32 v4, v3;
	v4 =	vmul.f32 v7, v56  }
0x14b: {  	v20 =	vadd.s32 $0xB, v2;
	v7 =	vld.idx.msk [tilespmem:v59+s3+$0x0], $0xffff  }
0x14c: {  	v21 =	vor.u32 $0xB, v1;
	v11 =	vld.idx.msk [tilespmem:v60+s18+$0x0], $0xffff;
	v3 =	vadd.f32 v4, v3;
	v4 =	vmul.f32 v8, v10  }
0x14d: {  	v22 =	vadd.s32 $0xC, v2;
	v8 =	vld.idx.msk [tilespmem:v61+s3+$0x0], $0xffff  }
0x14e: {  	v23 =	vor.u32 $0xC, v1;
	v12 =	vld.idx.msk [tilespmem:v62+s18+$0x0], $0xffff;
	v3 =	vadd.f32 v4, v3;
	v4 =	vmul.f32 v5, v6  }
0x14f: {  	v5 =	vld.idx.msk [tilespmem:v63+s3+$0x0], $0xffff;
	v6 =	vadd.s32 $0xD, v2  }
0x150: {  	v24 =	vor.u32 $0xD, v1;
	v14 =	vld.idx.msk [tilespmem:v20+s18+$0x0], $0xffff;
	v3 =	vadd.f32 v4, v3;
	v4 =	vmul.f32 v7, v9  }
0x151: {  	v25 =	vadd.s32 $0xE, v2;
	v7 =	vld.idx.msk [tilespmem:v21+s3+$0x0], $0xffff  }
0x152: {  	v26 =	vor.u32 $0xE, v1;
	v10 =	vld.idx.msk [tilespmem:v22+s18+$0x0], $0xffff;
	v3 =	vadd.f32 v4, v3;
	v4 =	vmul.f32 v8, v11  }
0x153: {  	v27 =	vadd.s32 $0xF, v2;
	v8 =	vld.idx.msk [tilespmem:v23+s3+$0x0], $0xffff  }
0x154: {  	v28 =	vor.u32 $0xF, v1;
	v6 =	vld.idx.msk [tilespmem:v6+s18+$0x0], $0xffff;
	v3 =	vadd.f32 v4, v3;
	v4 =	vmul.f32 v5, v12  }
0x155: {  	v29 =	vadd.s32 $0x10, v2;
	v5 =	vld.idx.msk [tilespmem:v24+s3+$0x0], $0xffff  }
0x156: {  	v30 =	vor.u32 $0x10, v1;
	v9 =	vld.idx.msk [tilespmem:v25+s18+$0x0], $0xffff;
	v3 =	vadd.f32 v4, v3;
	v4 =	vmul.f32 v7, v14  }
0x157: {  	v31 =	vadd.s32 $0x11, v2;
	v7 =	vld.idx.msk [tilespmem:v26+s3+$0x0], $0xffff  }
0x158: {  	v32 =	vor.u32 $0x11, v1;
	v11 =	vld.idx.msk [tilespmem:v27+s18+$0x0], $0xffff;
	v3 =	vadd.f32 v4, v3;
	v4 =	vmul.f32 v8, v10  }
0x159: {  	v33 =	vadd.s32 $0x12, v2;
	v8 =	vld.idx.msk [tilespmem:v28+s3+$0x0], $0xffff  }
0x15a: {  	v34 =	vor.u32 $0x12, v1;
	v12 =	vld.idx.msk [tilespmem:v29+s18+$0x0], $0xffff;
	v3 =	vadd.f32 v4, v3;
	v4 =	vmul.f32 v5, v6  }
0x15b: {  	v5 =	vld.idx.msk [tilespmem:v30+s3+$0x0], $0xffff;
	v6 =	vadd.s32 $0x13, v2  }
0x15c: {  	v35 =	vor.u32 $0x13, v1;
	v14 =	vld.idx.msk [tilespmem:v31+s18+$0x0], $0xffff;
	v3 =	vadd.f32 v4, v3;
	v4 =	vmul.f32 v7, v9  }
0x15d: {  	v36 =	vadd.s32 $0x14, v2;
	v7 =	vld.idx.msk [tilespmem:v32+s3+$0x0], $0xffff  }
0x15e: {  	v37 =	vor.u32 $0x14, v1;
	v10 =	vld.idx.msk [tilespmem:v33+s18+$0x0], $0xffff;
	v3 =	vadd.f32 v4, v3;
	v4 =	vmul.f32 v8, v11  }
0x15f: {  	v38 =	vadd.s32 $0x15, v2;
	v8 =	vld.idx.msk [tilespmem:v34+s3+$0x0], $0xffff  }
0x160: {  	v39 =	vor.u32 $0x15, v1;
	v6 =	vld.idx.msk [tilespmem:v6+s18+$0x0], $0xffff;
	v3 =	vadd.f32 v4, v3;
	v4 =	vmul.f32 v5, v12  }
0x161: {  	v40 =	vadd.s32 $0x16, v2;
	v5 =	vld.idx.msk [tilespmem:v35+s3+$0x0], $0xffff  }
0x162: {  	v41 =	vor.u32 $0x16, v1;
	v9 =	vld.idx.msk [tilespmem:v36+s18+$0x0], $0xffff;
	v3 =	vadd.f32 v4, v3;
	v4 =	vmul.f32 v7, v14  }
0x163: {  	v42 =	vadd.s32 $0x17, v2;
	v7 =	vld.idx.msk [tilespmem:v37+s3+$0x0], $0xffff  }
0x164: {  	v43 =	vor.u32 $0x17, v1;
	v11 =	vld.idx.msk [tilespmem:v38+s18+$0x0], $0xffff;
	v3 =	vadd.f32 v4, v3;
	v4 =	vmul.f32 v8, v10  }
0x165: {  	v44 =	vadd.s32 $0x18, v2;
	v8 =	vld.idx.msk [tilespmem:v39+s3+$0x0], $0xffff  }
0x166: {  	v45 =	vor.u32 $0x18, v1;
	v12 =	vld.idx.msk [tilespmem:v40+s18+$0x0], $0xffff;
	v3 =	vadd.f32 v4, v3;
	v4 =	vmul.f32 v5, v6  }
0x167: {  	v5 =	vld.idx.msk [tilespmem:v41+s3+$0x0], $0xffff;
	v6 =	vadd.s32 $0x19, v2  }
0x168: {  	v46 =	vor.u32 $0x19, v1;
	v14 =	vld.idx.msk [tilespmem:v42+s18+$0x0], $0xffff;
	v3 =	vadd.f32 v4, v3;
	v4 =	vmul.f32 v7, v9  }
0x169: {  	v47 =	vadd.s32 $0x1A, v2;
	v7 =	vld.idx.msk [tilespmem:v43+s3+$0x0], $0xffff  }
0x16a: {  	v48 =	vor.u32 $0x1A, v1;
	v10 =	vld.idx.msk [tilespmem:v44+s18+$0x0], $0xffff;
	v3 =	vadd.f32 v4, v3;
	v4 =	vmul.f32 v8, v11  }
0x16b: {  	v49 =	vadd.s32 $0x1B, v2;
	v8 =	vld.idx.msk [tilespmem:v45+s3+$0x0], $0xffff  }
0x16c: {  	v50 =	vor.u32 $0x1B, v1;
	v6 =	vld.idx.msk [tilespmem:v6+s18+$0x0], $0xffff;
	v3 =	vadd.f32 v4, v3;
	v4 =	vmul.f32 v5, v12  }
0x16d: {  	v51 =	vadd.s32 $0x1C, v2;
	v5 =	vld.idx.msk [tilespmem:v46+s3+$0x0], $0xffff  }
0x16e: {  	v52 =	vor.u32 $0x1C, v1;
	v9 =	vld.idx.msk [tilespmem:v47+s18+$0x0], $0xffff;
	v3 =	vadd.f32 v4, v3;
	v4 =	vmul.f32 v7, v14  }
0x16f: {  	v53 =	vadd.s32 $0x1D, v2;
	v7 =	vld.idx.msk [tilespmem:v48+s3+$0x0], $0xffff  }
0x170: {  	v54 =	vor.u32 $0x1D, v1;
	v11 =	vld.idx.msk [tilespmem:v49+s18+$0x0], $0xffff;
	v3 =	vadd.f32 v4, v3;
	v4 =	vmul.f32 v8, v10  }
0x171: {  	v55 =	vadd.s32 $0x1E, v2;
	v8 =	vld.idx.msk [tilespmem:v50+s3+$0x0], $0xffff  }
0x172: {  	v56 =	vor.u32 $0x1E, v1;
	v12 =	vld.idx.msk [tilespmem:v51+s18+$0x0], $0xffff;
	v3 =	vadd.f32 v4, v3;
	v4 =	vmul.f32 v5, v6  }
0x173: {  	v1 =	vor.u32 $0x1F, v1;
	v5 =	vld.idx.msk [tilespmem:v52+s3+$0x0], $0xffff  }
0x174: {  	v2 =	vadd.s32 $0x1F, v2;
	v6 =	vld.idx.msk [tilespmem:v53+s18+$0x0], $0xffff;
	v3 =	vadd.f32 v4, v3;
	v4 =	vmul.f32 v7, v9  }
0x175: {  	v7 =	vld.idx.msk [tilespmem:v54+s3+$0x0], $0xffff  }
0x176: {  	v57 =	vld.idx.msk [tilespmem:v55+s18+$0x0], $0xffff;
	v3 =	vadd.f32 v4, v3;
	v4 =	vmul.f32 v8, v11  }
0x177: {  	v8 =	vld.idx.msk [tilespmem:v56+s3+$0x0], $0xffff  }
0x178: {  	v1 =	vld.idx.msk [tilespmem:v1+s3+$0x0], $0xffff;
	v3 =	vadd.f32 v4, v3;
	v4 =	vmul.f32 v5, v12  }
0x179: {  	v2 =	vld.idx.msk [tilespmem:v2+s18+$0x0], $0xffff  }
0x17a: {  	v3 =	vadd.f32 v4, v3;
	v4 =	vmul.f32 v7, v6;
	_ =	sdelay $0x1  }
0x17b: {  	v3 =	vadd.f32 v4, v3;
	v4 =	vmul.f32 v8, v57;
	_ =	sdelay $0x1  }
0x17c: {  	v1 =	vmul.f32 v1, v2;
	v3 =	vadd.f32 v4, v3;
	_ =	sdelay $0x1  }
0x17d: {  	s8 =	sadd.s32 s5, s13;
	v1 =	vadd.f32 v1, v3  }
0x17e: {  	p1 =	seq.s32 s10, $0x13;
	s8 =	sshrl.u32 s8, $0x3;
	s7 =	sadd.s32 $0x10, s7  }
0x17f: {  	s8 =	sadd.s32 s6, s8;
	[tilespmem:s7+$0x0] =	vst v1;
	s7 =	sadd.s32 @!p1 s13, s11  }
0x180: {  	[hbm4b:s8+s3] =	stream.linear.scatter [tilespmem:s24], [sflag:$0x3], $0x280, $0x38;
	[tilespmem:$0x11400] =	vst v63  }
0x181: {  	s7 =	sshrl.u32 @!p1 s7, $0x3  }
0x182: {  	s16 =	simm.s32 @!p1 $0x4200;
	s8 =	simm.s32 @!p1 $0x0;
	s7 =	sadd.s32 @!p1 s1, s7  }
0x183: {  	[tilespmem:s16], [sflag:$0x5] =	stream.linear.gather @!p1 [hbm4b:s7+s8], $0x280, $0x38;
	[tilespmem:$0x11400] =	vst v63  }
0x184: {  	s7 =	simm.s32 @!p1 $0x5  }
0x185: {  	_ =	swait.ge @!p1 [sflag:s7], $0x280  }
0x186: {  	[sflag:s7] =	ssyncset.done @!p1 $0x0  }
0x187: {  	s8 =	simm.s32 @!p1 $0x4700;
	[sflag:s7] =	ssyncadd.s32 @!p1 $0xFFFFFD80;
	s7 =	simm.s32 @!p1 $0x80  }
0x188: {  	[tilespmem:s8], [sflag:$0x1] =	stream.indirect.gather @!p1 [hbm4b:s4+s7], $0x28, s16, s7, $0xb8;
	[tilespmem:$0x11400] =	vst v63  }
0x189: {  	s8 =	simm.s32 @!p1 $0x4280;
	s16 =	simm.s32 @!p1 $0x5B00  }
0x18a: {  	[tilespmem:s16], [sflag:$0x1] =	stream.indirect.gather @!p1 [hbm4b:s4+s7], $0x28, s8, s7, $0xb8;
	[tilespmem:$0x11400] =	vst v63  }
0x18b: {  	s8 =	simm.s32 @!p1 $0x4300;
	s16 =	simm.s32 @!p1 $0x6F00  }
0x18c: {  	[tilespmem:s16], [sflag:$0x1] =	stream.indirect.gather @!p1 [hbm4b:s4+s7], $0x28, s8, s7, $0xb8;
	[tilespmem:$0x11400] =	vst v63  }
0x18d: {  	s8 =	simm.s32 @!p1 $0x4380;
	s16 =	simm.s32 @!p1 $0x8300  }
0x18e: {  	[tilespmem:s16], [sflag:$0x1] =	stream.indirect.gather @!p1 [hbm4b:s4+s7], $0x28, s8, s7, $0xb8;
	[tilespmem:$0x11400] =	vst v63  }
0x18f: {  	s8 =	simm.s32 @!p1 $0x4400;
	s16 =	simm.s32 @!p1 $0x9700  }
0x190: {  	[tilespmem:s16], [sflag:$0x1] =	stream.indirect.gather @!p1 [hbm4b:s4+s7], $0x28, s8, s7, $0xb8;
	[tilespmem:$0x11400] =	vst v63  }
0x191: {  	_ =	swait.ge [sflag:s25], $0x1400  }
0x192: {  	[sflag:s25] =	ssyncset.done $0x0  }
0x193: {  	[sflag:s25] =	ssyncadd.s32 $0xFFFFEC00  }
0x194: {  	_ =	swait.ge [sflag:s25], $0x1400  }
0x195: {  	[sflag:s25] =	ssyncset.done $0x0  }
0x196: {  	[sflag:s25] =	ssyncadd.s32 $0xFFFFEC00  }
0x197: {  	_ =	swait.ge [sflag:s25], $0x1400  }
0x198: {  	[sflag:s25] =	ssyncset.done $0x0  }
0x199: {  	[sflag:s25] =	ssyncadd.s32 $0xFFFFEC00  }
0x19a: {  	s7 =	sadd.s32 $0x280, s13;
	s16 =	simm.s32 $0x0;
	_ =	swait.ge [sflag:s25], $0x1400  }
0x19b: {  	v1 =	vmov s7;
	v3 =	vor.u32 s16, v0;
	[sflag:s25] =	ssyncset.done $0x0  }
0x19c: {  	v2 =	vmul.u32 $0x28, v3;
	v3 =	vadd.s32 v1, v3;
	[sflag:s25] =	ssyncadd.s32 $0xFFFFEC00  }
0x19d: {  	v3 =	vmulhi.u32 $0x51EB851F, v3;
	_ =	swait.ge [sflag:s25], $0x1400  }
0x19e: {  	v4 =	vadd.s32 $0x20, v2;
	[sflag:s25] =	ssyncset.done $0x0  }
0x19f: {  	s8 =	simm.s32 @!p0 $0x4;
	v5 =	vshrl.u32 v3, $0x4;
	[sflag:s25] =	ssyncadd.s32 $0xFFFFEC00  }
0x1a0: {  	_ =	swait.ge @!p0 [sflag:s8], $0x280  }
0x1a1: {  	v3 =	vshll.u32 v5, $0x5;
	[sflag:s8] =	ssyncset.done @!p0 $0x0  }
0x1a2: {  	v6 =	vor.u32 $0x1, v2;
	[sflag:s8] =	ssyncadd.s32 @!p0 $0xFFFFFD80  }
0x1a3: {  	v7 =	vor.u32 $0x1, v3;
	v4 =	vld.idx.msk [tilespmem:v4+s29+$0x0], $0xffff  }
0x1a4: {  	v8 =	vor.u32 $0x2, v2;
	v5 =	vld.idx.msk [tilespmem:v5+s15+$0x0], $0xffff  }
0x1a5: {  	v59 =	vor.u32 $0x2, v3;
	v58 =	vld.idx.msk [tilespmem:v2+s29+$0x0], $0xffff  }
0x1a6: {  	v61 =	vor.u32 $0x3, v2;
	v60 =	vld.idx.msk [tilespmem:v3+s3+$0x0], $0xffff  }
0x1a7: {  	v62 =	vor.u32 $0x3, v3;
	v6 =	vld.idx.msk [tilespmem:v6+s29+$0x0], $0xffff  }
0x1a8: {  	v63 =	vor.u32 $0x4, v2;
	v7 =	vld.idx.msk [tilespmem:v7+s3+$0x0], $0xffff  }
0x1a9: {  	v20 =	vor.u32 $0x4, v3;
	v8 =	vld.idx.msk [tilespmem:v8+s29+$0x0], $0xffff  }
0x1aa: {  	v21 =	vor.u32 $0x5, v2;
	v10 =	vld.idx.msk [tilespmem:v59+s3+$0x0], $0xffff  }
0x1ab: {  	v17 =	vor.u32 $0x5, v3;
	v12 =	vld.idx.msk [tilespmem:v61+s29+$0x0], $0xffff;
	v4 =	vadd.f32 v4, v5;
	v5 =	vmul.f32 v60, v58  }
0x1ac: {  	v23 =	vor.u32 $0x6, v2;
	v22 =	vld.idx.msk [tilespmem:v62+s3+$0x0], $0xffff  }
0x1ad: {  	v25 =	vor.u32 $0x6, v3;
	v24 =	vld.idx.msk [tilespmem:v63+s29+$0x0], $0xffff;
	v4 =	vadd.f32 v5, v4;
	v5 =	vmul.f32 v7, v6  }
0x1ae: {  	v6 =	vld.idx.msk [tilespmem:v20+s3+$0x0], $0xffff;
	v7 =	vor.u32 $0x7, v2  }
0x1af: {  	v27 =	vor.u32 $0x7, v3;
	v26 =	vld.idx.msk [tilespmem:v21+s29+$0x0], $0xffff;
	v4 =	vadd.f32 v5, v4;
	v5 =	vmul.f32 v10, v8  }
0x1b0: {  	v28 =	vadd.s32 $0x8, v2;
	v8 =	vld.idx.msk [tilespmem:v17+s3+$0x0], $0xffff  }
0x1b1: {  	v29 =	vor.u32 $0x8, v3;
	v11 =	vld.idx.msk [tilespmem:v23+s29+$0x0], $0xffff;
	v4 =	vadd.f32 v5, v4;
	v5 =	vmul.f32 v22, v12  }
0x1b2: {  	v32 =	vor.u32 $0x9, v3;
	v30 =	vld.idx.msk [tilespmem:v25+s3+$0x0], $0xffff  }
0x1b3: {  	v31 =	vadd.s32 $0x9, v2;
	v7 =	vld.idx.msk [tilespmem:v7+s29+$0x0], $0xffff;
	v4 =	vadd.f32 v5, v4;
	v5 =	vmul.f32 v6, v24  }
0x1b4: {  	v33 =	vadd.s32 $0xA, v2;
	v6 =	vld.idx.msk [tilespmem:v27+s3+$0x0], $0xffff  }
0x1b5: {  	v34 =	vor.u32 $0xA, v3;
	v10 =	vld.idx.msk [tilespmem:v28+s29+$0x0], $0xffff;
	v4 =	vadd.f32 v5, v4;
	v5 =	vmul.f32 v8, v26  }
0x1b6: {  	v35 =	vadd.s32 $0xB, v2;
	v8 =	vld.idx.msk [tilespmem:v29+s3+$0x0], $0xffff  }
0x1b7: {  	v36 =	vor.u32 $0xB, v3;
	v37 =	vld.idx.msk [tilespmem:v32+s3+$0x0], $0xffff;
	v4 =	vadd.f32 v5, v4;
	v5 =	vmul.f32 v30, v11  }
0x1b8: {  	v39 =	vor.u32 $0xC, v3;
	v12 =	vld.idx.msk [tilespmem:v31+s29+$0x0], $0xffff  }
0x1b9: {  	v38 =	vadd.s32 $0xC, v2;
	v13 =	vld.idx.msk [tilespmem:v33+s29+$0x0], $0xffff;
	v4 =	vadd.f32 v5, v4;
	v5 =	vmul.f32 v6, v7  }
0x1ba: {  	v6 =	vld.idx.msk [tilespmem:v34+s3+$0x0], $0xffff;
	v7 =	vadd.s32 $0xD, v2  }
0x1bb: {  	v40 =	vor.u32 $0xD, v3;
	v15 =	vld.idx.msk [tilespmem:v35+s29+$0x0], $0xffff;
	v4 =	vadd.f32 v5, v4;
	v5 =	vmul.f32 v8, v10  }
0x1bc: {  	v41 =	vadd.s32 $0xE, v2;
	v8 =	vld.idx.msk [tilespmem:v36+s3+$0x0], $0xffff  }
0x1bd: {  	v42 =	vor.u32 $0xE, v3;
	v43 =	vld.idx.msk [tilespmem:v39+s3+$0x0], $0xffff;
	v4 =	vadd.f32 v5, v4;
	v5 =	vmul.f32 v37, v12  }
0x1be: {  	v45 =	vor.u32 $0xF, v3;
	v11 =	vld.idx.msk [tilespmem:v38+s29+$0x0], $0xffff  }
0x1bf: {  	v44 =	vadd.s32 $0xF, v2;
	v7 =	vld.idx.msk [tilespmem:v7+s29+$0x0], $0xffff;
	v4 =	vadd.f32 v5, v4;
	v5 =	vmul.f32 v6, v13  }
0x1c0: {  	v46 =	vadd.s32 $0x10, v2;
	v6 =	vld.idx.msk [tilespmem:v40+s3+$0x0], $0xffff  }
0x1c1: {  	v47 =	vor.u32 $0x10, v3;
	v10 =	vld.idx.msk [tilespmem:v41+s29+$0x0], $0xffff;
	v4 =	vadd.f32 v5, v4;
	v5 =	vmul.f32 v8, v15  }
0x1c2: {  	v48 =	vadd.s32 $0x11, v2;
	v8 =	vld.idx.msk [tilespmem:v42+s3+$0x0], $0xffff  }
0x1c3: {  	v49 =	vor.u32 $0x11, v3;
	v50 =	vld.idx.msk [tilespmem:v45+s3+$0x0], $0xffff;
	v4 =	vadd.f32 v5, v4;
	v5 =	vmul.f32 v43, v11  }
0x1c4: {  	v52 =	vor.u32 $0x12, v3;
	v12 =	vld.idx.msk [tilespmem:v44+s29+$0x0], $0xffff  }
0x1c5: {  	v51 =	vadd.s32 $0x12, v2;
	v13 =	vld.idx.msk [tilespmem:v46+s29+$0x0], $0xffff;
	v4 =	vadd.f32 v5, v4;
	v5 =	vmul.f32 v6, v7  }
0x1c6: {  	v6 =	vld.idx.msk [tilespmem:v47+s3+$0x0], $0xffff;
	v7 =	vadd.s32 $0x13, v2  }
0x1c7: {  	v53 =	vor.u32 $0x13, v3;
	v15 =	vld.idx.msk [tilespmem:v48+s29+$0x0], $0xffff;
	v4 =	vadd.f32 v5, v4;
	v5 =	vmul.f32 v8, v10  }
0x1c8: {  	v54 =	vadd.s32 $0x14, v2;
	v8 =	vld.idx.msk [tilespmem:v49+s3+$0x0], $0xffff  }
0x1c9: {  	v55 =	vor.u32 $0x14, v3;
	v56 =	vld.idx.msk [tilespmem:v52+s3+$0x0], $0xffff;
	v4 =	vadd.f32 v5, v4;
	v5 =	vmul.f32 v50, v12  }
0x1ca: {  	v58 =	vor.u32 $0x15, v3;
	v11 =	vld.idx.msk [tilespmem:v51+s29+$0x0], $0xffff  }
0x1cb: {  	v57 =	vadd.s32 $0x15, v2;
	v7 =	vld.idx.msk [tilespmem:v7+s29+$0x0], $0xffff;
	v4 =	vadd.f32 v5, v4;
	v5 =	vmul.f32 v6, v13  }
0x1cc: {  	v59 =	vadd.s32 $0x16, v2;
	v6 =	vld.idx.msk [tilespmem:v53+s3+$0x0], $0xffff  }
0x1cd: {  	v60 =	vor.u32 $0x16, v3;
	v10 =	vld.idx.msk [tilespmem:v54+s29+$0x0], $0xffff;
	v4 =	vadd.f32 v5, v4;
	v5 =	vmul.f32 v8, v15  }
0x1ce: {  	v61 =	vadd.s32 $0x17, v2;
	v8 =	vld.idx.msk [tilespmem:v55+s3+$0x0], $0xffff  }
0x1cf: {  	v62 =	vor.u32 $0x17, v3;
	v63 =	vld.idx.msk [tilespmem:v58+s3+$0x0], $0xffff;
	v4 =	vadd.f32 v5, v4;
	v5 =	vmul.f32 v56, v11  }
0x1d0: {  	v21 =	vor.u32 $0x18, v3;
	v12 =	vld.idx.msk [tilespmem:v57+s29+$0x0], $0xffff  }
0x1d1: {  	v20 =	vadd.s32 $0x18, v2;
	v13 =	vld.idx.msk [tilespmem:v59+s29+$0x0], $0xffff;
	v4 =	vadd.f32 v5, v4;
	v5 =	vmul.f32 v6, v7  }
0x1d2: {  	v6 =	vld.idx.msk [tilespmem:v60+s3+$0x0], $0xffff;
	v7 =	vadd.s32 $0x19, v2  }
0x1d3: {  	v22 =	vor.u32 $0x19, v3;
	v15 =	vld.idx.msk [tilespmem:v61+s29+$0x0], $0xffff;
	v4 =	vadd.f32 v5, v4;
	v5 =	vmul.f32 v8, v10  }
0x1d4: {  	v23 =	vadd.s32 $0x1A, v2;
	v8 =	vld.idx.msk [tilespmem:v62+s3+$0x0], $0xffff  }
0x1d5: {  	v25 =	vld.idx.msk [tilespmem:v21+s3+$0x0], $0xffff;
	v24 =	vor.u32 $0x1A, v3;
	v4 =	vadd.f32 v5, v4;
	v5 =	vmul.f32 v63, v12  }
0x1d6: {  	v27 =	vor.u32 $0x1B, v3;
	v11 =	vld.idx.msk [tilespmem:v20+s29+$0x0], $0xffff  }
0x1d7: {  	v26 =	vadd.s32 $0x1B, v2;
	v7 =	vld.idx.msk [tilespmem:v7+s29+$0x0], $0xffff;
	v4 =	vadd.f32 v5, v4;
	v5 =	vmul.f32 v6, v13  }
0x1d8: {  	v28 =	vadd.s32 $0x1C, v2;
	v6 =	vld.idx.msk [tilespmem:v22+s3+$0x0], $0xffff  }
0x1d9: {  	v29 =	vor.u32 $0x1C, v3;
	v10 =	vld.idx.msk [tilespmem:v23+s29+$0x0], $0xffff;
	v4 =	vadd.f32 v5, v4;
	v5 =	vmul.f32 v8, v15  }
0x1da: {  	v30 =	vadd.s32 $0x1D, v2;
	v8 =	vld.idx.msk [tilespmem:v24+s3+$0x0], $0xffff  }
0x1db: {  	v31 =	vor.u32 $0x1D, v3;
	v32 =	vld.idx.msk [tilespmem:v27+s3+$0x0], $0xffff;
	v4 =	vadd.f32 v5, v4;
	v5 =	vmul.f32 v25, v11  }
0x1dc: {  	v33 =	vadd.s32 $0x1E, v2;
	v12 =	vld.idx.msk [tilespmem:v26+s29+$0x0], $0xffff  }
0x1dd: {  	v34 =	vor.u32 $0x1E, v3;
	v13 =	vld.idx.msk [tilespmem:v28+s29+$0x0], $0xffff;
	v4 =	vadd.f32 v5, v4;
	v5 =	vmul.f32 v6, v7  }
0x1de: {  	v2 =	vadd.s32 $0x1F, v2;
	v6 =	vld.idx.msk [tilespmem:v29+s3+$0x0], $0xffff  }
0x1df: {  	v3 =	vor.u32 $0x1F, v3;
	v7 =	vld.idx.msk [tilespmem:v30+s29+$0x0], $0xffff;
	v4 =	vadd.f32 v5, v4;
	v5 =	vmul.f32 v8, v10  }
0x1e0: {  	v8 =	vld.idx.msk [tilespmem:v31+s3+$0x0], $0xffff  }
0x1e1: {  	v35 =	vld.idx.msk [tilespmem:v33+s29+$0x0], $0xffff;
	v4 =	vadd.f32 v5, v4;
	v5 =	vmul.f32 v32, v12  }
0x1e2: {  	v36 =	vld.idx.msk [tilespmem:v34+s3+$0x0], $0xffff  }
0x1e3: {  	v37 =	vld.idx.msk [tilespmem:v2+s29+$0x0], $0xffff;
	v2 =	vadd.f32 v5, v4;
	v4 =	vmul.f32 v6, v13  }
0x1e4: {  	s16 =	simm.s32 $0x10;
	v3 =	vld.idx.msk [tilespmem:v3+s3+$0x0], $0xffff  }
0x1e5: {  	v5 =	vor.u32 s16, v0;
	v6 =	vmul.f32 v8, v7;
	v4 =	vadd.f32 v4, v2  }
0x1e6: {  	v2 =	vmul.u32 $0x28, v5  }
0x1e7: {  	v5 =	vadd.s32 v1, v5;
	v4 =	vadd.f32 v6, v4;
	v6 =	vmul.f32 v36, v35  }
0x1e8: {  	v5 =	vmulhi.u32 $0x51EB851F, v5  }
0x1e9: {  	v3 =	vmul.f32 v3, v37;
	v7 =	vadd.s32 $0x20, v2;
	v4 =	vadd.f32 v6, v4  }
0x1ea: {  	v5 =	vshrl.u32 v5, $0x4  }
0x1eb: {  	v4 =	vadd.f32 v3, v4  }
0x1ec: {  	s16 =	simm.s32 $0x11180;
	v3 =	vshll.u32 v5, $0x5  }
0x1ed: {  	v6 =	vor.u32 $0x1, v2;
	[tilespmem:s16+$0x0] =	vst v4  }
0x1ee: {  	v4 =	vld.idx.msk [tilespmem:v7+s29+$0x0], $0xffff;
	v7 =	vor.u32 $0x1, v3  }
0x1ef: {  	v8 =	vor.u32 $0x2, v2;
	v5 =	vld.idx.msk [tilespmem:v5+s15+$0x0], $0xffff  }
0x1f0: {  	v39 =	vor.u32 $0x2, v3;
	v38 =	vld.idx.msk [tilespmem:v2+s29+$0x0], $0xffff  }
0x1f1: {  	v41 =	vor.u32 $0x3, v2;
	v40 =	vld.idx.msk [tilespmem:v3+s3+$0x0], $0xffff  }
0x1f2: {  	v42 =	vor.u32 $0x3, v3;
	v6 =	vld.idx.msk [tilespmem:v6+s29+$0x0], $0xffff  }
0x1f3: {  	v43 =	vor.u32 $0x4, v2;
	v7 =	vld.idx.msk [tilespmem:v7+s3+$0x0], $0xffff  }
0x1f4: {  	v44 =	vor.u32 $0x4, v3;
	v8 =	vld.idx.msk [tilespmem:v8+s29+$0x0], $0xffff  }
0x1f5: {  	v45 =	vor.u32 $0x5, v2;
	v10 =	vld.idx.msk [tilespmem:v39+s3+$0x0], $0xffff  }
0x1f6: {  	v46 =	vor.u32 $0x5, v3;
	v12 =	vld.idx.msk [tilespmem:v41+s29+$0x0], $0xffff;
	v4 =	vadd.f32 v4, v5;
	v5 =	vmul.f32 v40, v38  }
0x1f7: {  	v48 =	vor.u32 $0x6, v2;
	v47 =	vld.idx.msk [tilespmem:v42+s3+$0x0], $0xffff  }
0x1f8: {  	v50 =	vor.u32 $0x6, v3;
	v49 =	vld.idx.msk [tilespmem:v43+s29+$0x0], $0xffff;
	v4 =	vadd.f32 v5, v4;
	v5 =	vmul.f32 v7, v6  }
0x1f9: {  	v6 =	vld.idx.msk [tilespmem:v44+s3+$0x0], $0xffff;
	v7 =	vor.u32 $0x7, v2  }
0x1fa: {  	v52 =	vor.u32 $0x7, v3;
	v51 =	vld.idx.msk [tilespmem:v45+s29+$0x0], $0xffff;
	v4 =	vadd.f32 v5, v4;
	v5 =	vmul.f32 v10, v8  }
0x1fb: {  	v53 =	vadd.s32 $0x8, v2;
	v8 =	vld.idx.msk [tilespmem:v46+s3+$0x0], $0xffff  }
0x1fc: {  	v54 =	vor.u32 $0x8, v3;
	v11 =	vld.idx.msk [tilespmem:v48+s29+$0x0], $0xffff;
	v4 =	vadd.f32 v5, v4;
	v5 =	vmul.f32 v47, v12  }
0x1fd: {  	v57 =	vor.u32 $0x9, v3;
	v55 =	vld.idx.msk [tilespmem:v50+s3+$0x0], $0xffff  }
0x1fe: {  	v56 =	vadd.s32 $0x9, v2;
	v7 =	vld.idx.msk [tilespmem:v7+s29+$0x0], $0xffff;
	v4 =	vadd.f32 v5, v4;
	v5 =	vmul.f32 v6, v49  }
0x1ff: {  	v58 =	vadd.s32 $0xA, v2;
	v6 =	vld.idx.msk [tilespmem:v52+s3+$0x0], $0xffff  }
0x200: {  	v59 =	vor.u32 $0xA, v3;
	v10 =	vld.idx.msk [tilespmem:v53+s29+$0x0], $0xffff;
	v4 =	vadd.f32 v5, v4;
	v5 =	vmul.f32 v8, v51  }
0x201: {  	v60 =	vadd.s32 $0xB, v2;
	v8 =	vld.idx.msk [tilespmem:v54+s3+$0x0], $0xffff  }
0x202: {  	v61 =	vor.u32 $0xB, v3;
	v62 =	vld.idx.msk [tilespmem:v57+s3+$0x0], $0xffff;
	v4 =	vadd.f32 v5, v4;
	v5 =	vmul.f32 v55, v11  }
0x203: {  	v20 =	vor.u32 $0xC, v3;
	v12 =	vld.idx.msk [tilespmem:v56+s29+$0x0], $0xffff  }
0x204: {  	v63 =	vadd.s32 $0xC, v2;
	v13 =	vld.idx.msk [tilespmem:v58+s29+$0x0], $0xffff;
	v4 =	vadd.f32 v5, v4;
	v5 =	vmul.f32 v6, v7  }
0x205: {  	v6 =	vld.idx.msk [tilespmem:v59+s3+$0x0], $0xffff;
	v7 =	vadd.s32 $0xD, v2  }
0x206: {  	v21 =	vor.u32 $0xD, v3;
	v15 =	vld.idx.msk [tilespmem:v60+s29+$0x0], $0xffff;
	v4 =	vadd.f32 v5, v4;
	v5 =	vmul.f32 v8, v10  }
0x207: {  	v22 =	vadd.s32 $0xE, v2;
	v8 =	vld.idx.msk [tilespmem:v61+s3+$0x0], $0xffff  }
0x208: {  	v23 =	vor.u32 $0xE, v3;
	v24 =	vld.idx.msk [tilespmem:v20+s3+$0x0], $0xffff;
	v4 =	vadd.f32 v5, v4;
	v5 =	vmul.f32 v62, v12  }
0x209: {  	v26 =	vor.u32 $0xF, v3;
	v11 =	vld.idx.msk [tilespmem:v63+s29+$0x0], $0xffff  }
0x20a: {  	v25 =	vadd.s32 $0xF, v2;
	v7 =	vld.idx.msk [tilespmem:v7+s29+$0x0], $0xffff;
	v4 =	vadd.f32 v5, v4;
	v5 =	vmul.f32 v6, v13  }
0x20b: {  	v27 =	vadd.s32 $0x10, v2;
	v6 =	vld.idx.msk [tilespmem:v21+s3+$0x0], $0xffff  }
0x20c: {  	v28 =	vor.u32 $0x10, v3;
	v10 =	vld.idx.msk [tilespmem:v22+s29+$0x0], $0xffff;
	v4 =	vadd.f32 v5, v4;
	v5 =	vmul.f32 v8, v15  }
0x20d: {  	v29 =	vadd.s32 $0x11, v2;
	v8 =	vld.idx.msk [tilespmem:v23+s3+$0x0], $0xffff  }
0x20e: {  	v30 =	vor.u32 $0x11, v3;
	v31 =	vld.idx.msk [tilespmem:v26+s3+$0x0], $0xffff;
	v4 =	vadd.f32 v5, v4;
	v5 =	vmul.f32 v24, v11  }
0x20f: {  	v33 =	vor.u32 $0x12, v3;
	v12 =	vld.idx.msk [tilespmem:v25+s29+$0x0], $0xffff  }
0x210: {  	v32 =	vadd.s32 $0x12, v2;
	v13 =	vld.idx.msk [tilespmem:v27+s29+$0x0], $0xffff;
	v4 =	vadd.f32 v5, v4;
	v5 =	vmul.f32 v6, v7  }
0x211: {  	v6 =	vld.idx.msk [tilespmem:v28+s3+$0x0], $0xffff;
	v7 =	vadd.s32 $0x13, v2  }
0x212: {  	v34 =	vor.u32 $0x13, v3;
	v15 =	vld.idx.msk [tilespmem:v29+s29+$0x0], $0xffff;
	v4 =	vadd.f32 v5, v4;
	v5 =	vmul.f32 v8, v10  }
0x213: {  	v35 =	vadd.s32 $0x14, v2;
	v8 =	vld.idx.msk [tilespmem:v30+s3+$0x0], $0xffff  }
0x214: {  	v36 =	vor.u32 $0x14, v3;
	v37 =	vld.idx.msk [tilespmem:v33+s3+$0x0], $0xffff;
	v4 =	vadd.f32 v5, v4;
	v5 =	vmul.f32 v31, v12  }
0x215: {  	v39 =	vor.u32 $0x15, v3;
	v11 =	vld.idx.msk [tilespmem:v32+s29+$0x0], $0xffff  }
0x216: {  	v38 =	vadd.s32 $0x15, v2;
	v7 =	vld.idx.msk [tilespmem:v7+s29+$0x0], $0xffff;
	v4 =	vadd.f32 v5, v4;
	v5 =	vmul.f32 v6, v13  }
0x217: {  	v40 =	vadd.s32 $0x16, v2;
	v6 =	vld.idx.msk [tilespmem:v34+s3+$0x0], $0xffff  }
0x218: {  	v41 =	vor.u32 $0x16, v3;
	v10 =	vld.idx.msk [tilespmem:v35+s29+$0x0], $0xffff;
	v4 =	vadd.f32 v5, v4;
	v5 =	vmul.f32 v8, v15  }
0x219: {  	v42 =	vadd.s32 $0x17, v2;
	v8 =	vld.idx.msk [tilespmem:v36+s3+$0x0], $0xffff  }
0x21a: {  	v43 =	vor.u32 $0x17, v3;
	v44 =	vld.idx.msk [tilespmem:v39+s3+$0x0], $0xffff;
	v4 =	vadd.f32 v5, v4;
	v5 =	vmul.f32 v37, v11  }
0x21b: {  	v46 =	vor.u32 $0x18, v3;
	v12 =	vld.idx.msk [tilespmem:v38+s29+$0x0], $0xffff  }
0x21c: {  	v45 =	vadd.s32 $0x18, v2;
	v13 =	vld.idx.msk [tilespmem:v40+s29+$0x0], $0xffff;
	v4 =	vadd.f32 v5, v4;
	v5 =	vmul.f32 v6, v7  }
0x21d: {  	v6 =	vld.idx.msk [tilespmem:v41+s3+$0x0], $0xffff;
	v7 =	vadd.s32 $0x19, v2  }
0x21e: {  	v47 =	vor.u32 $0x19, v3;
	v15 =	vld.idx.msk [tilespmem:v42+s29+$0x0], $0xffff;
	v4 =	vadd.f32 v5, v4;
	v5 =	vmul.f32 v8, v10  }
0x21f: {  	v48 =	vadd.s32 $0x1A, v2;
	v8 =	vld.idx.msk [tilespmem:v43+s3+$0x0], $0xffff  }
0x220: {  	v49 =	vor.u32 $0x1A, v3;
	v50 =	vld.idx.msk [tilespmem:v46+s3+$0x0], $0xffff;
	v4 =	vadd.f32 v5, v4;
	v5 =	vmul.f32 v44, v12  }
0x221: {  	v52 =	vor.u32 $0x1B, v3;
	v11 =	vld.idx.msk [tilespmem:v45+s29+$0x0], $0xffff  }
0x222: {  	v51 =	vadd.s32 $0x1B, v2;
	v7 =	vld.idx.msk [tilespmem:v7+s29+$0x0], $0xffff;
	v4 =	vadd.f32 v5, v4;
	v5 =	vmul.f32 v6, v13  }
0x223: {  	v53 =	vadd.s32 $0x1C, v2;
	v6 =	vld.idx.msk [tilespmem:v47+s3+$0x0], $0xffff  }
0x224: {  	v54 =	vor.u32 $0x1C, v3;
	v10 =	vld.idx.msk [tilespmem:v48+s29+$0x0], $0xffff;
	v4 =	vadd.f32 v5, v4;
	v5 =	vmul.f32 v8, v15  }
0x225: {  	v8 =	vld.idx.msk [tilespmem:v49+s3+$0x0], $0xffff  }
0x226: {  	v57 =	vld.idx.msk [tilespmem:v52+s3+$0x0], $0xffff;
	v4 =	vadd.f32 v5, v4;
	v5 =	vmul.f32 v50, v11  }
0x227: {  	v55 =	vadd.s32 $0x1D, v2;
	v12 =	vld.idx.msk [tilespmem:v51+s29+$0x0], $0xffff  }
0x228: {  	v56 =	vor.u32 $0x1D, v3;
	v13 =	vld.idx.msk [tilespmem:v53+s29+$0x0], $0xffff;
	v4 =	vadd.f32 v5, v4;
	v5 =	vmul.f32 v6, v7  }
0x229: {  	v58 =	vadd.s32 $0x1E, v2;
	v6 =	vld.idx.msk [tilespmem:v54+s3+$0x0], $0xffff  }
0x22a: {  	v59 =	vor.u32 $0x1E, v3;
	v4 =	vadd.f32 v5, v4;
	v5 =	vmul.f32 v8, v10  }
0x22b: {  	v2 =	vadd.s32 $0x1F, v2  }
0x22c: {  	v61 =	vor.u32 $0x1F, v3;
	v7 =	vld.idx.msk [tilespmem:v55+s29+$0x0], $0xffff;
	v4 =	vadd.f32 v5, v4;
	v5 =	vmul.f32 v57, v12  }
0x22d: {  	v8 =	vld.idx.msk [tilespmem:v56+s3+$0x0], $0xffff  }
0x22e: {  	v60 =	vld.idx.msk [tilespmem:v58+s29+$0x0], $0xffff;
	v3 =	vadd.f32 v5, v4;
	v4 =	vmul.f32 v6, v13  }
0x22f: {  	v62 =	vld.idx.msk [tilespmem:v59+s3+$0x0], $0xffff  }
0x230: {  	v63 =	vadd.f32 v4, v3;
	v3 =	vld.idx.msk [tilespmem:v2+s29+$0x0], $0xffff  }
0x231: {  	s8 =	simm.s32 $0x20;
	v4 =	vld.idx.msk [tilespmem:v61+s3+$0x0], $0xffff  }
0x232: {  	v5 =	vor.u32 s8, v0;
	v7 =	vmul.f32 v8, v7  }
0x233: {  	v6 =	vadd.s32 v1, v5  }
0x234: {  	s8 =	simm.s32 $0x30;
	v2 =	vmul.u32 $0x28, v5;
	v5 =	vadd.f32 v7, v63;
	v7 =	vmul.f32 v62, v60  }
.LBB2_5:
0x235: {  	p0 =	sne.s32 s8, $0x270;
	v6 =	vmulhi.u32 $0x51EB851F, v6  }
0x236: {  	v8 =	vadd.s32 $0x20, v2;
	v3 =	vmul.f32 v4, v3;
	v5 =	vadd.f32 v7, v5  }
0x237: {  	v4 =	vshrl.u32 v6, $0x4  }
0x238: {  	v5 =	vadd.f32 v3, v5  }
0x239: {  	s16 =	sadd.s32 $0x10, s16;
	v3 =	vshll.u32 v4, $0x5  }
0x23a: {  	v6 =	vor.u32 $0x1, v2;
	[tilespmem:s16+$0x0] =	vst v5  }
0x23b: {  	v7 =	vor.u32 $0x1, v3;
	v5 =	vld.idx.msk [tilespmem:v8+s29+$0x0], $0xffff  }
0x23c: {  	v8 =	vor.u32 $0x2, v2;
	v4 =	vld.idx.msk [tilespmem:v4+s15+$0x0], $0xffff  }
0x23d: {  	v10 =	vor.u32 $0x2, v3;
	v9 =	vld.idx.msk [tilespmem:v2+s29+$0x0], $0xffff  }
0x23e: {  	v12 =	vor.u32 $0x3, v2;
	v11 =	vld.idx.msk [tilespmem:v3+s3+$0x0], $0xffff  }
0x23f: {  	v13 =	vor.u32 $0x3, v3;
	v6 =	vld.idx.msk [tilespmem:v6+s29+$0x0], $0xffff  }
0x240: {  	v14 =	vor.u32 $0x4, v2;
	v7 =	vld.idx.msk [tilespmem:v7+s3+$0x0], $0xffff  }
0x241: {  	v15 =	vor.u32 $0x4, v3;
	v8 =	vld.idx.msk [tilespmem:v8+s29+$0x0], $0xffff  }
0x242: {  	v16 =	vor.u32 $0x5, v2;
	v10 =	vld.idx.msk [tilespmem:v10+s3+$0x0], $0xffff  }
0x243: {  	v17 =	vor.u32 $0x5, v3;
	v12 =	vld.idx.msk [tilespmem:v12+s29+$0x0], $0xffff  }
0x244: {  	v4 =	vadd.f32 v5, v4;
	v5 =	vmul.f32 v11, v9;
	v11 =	vor.u32 $0x6, v2;
	v9 =	vld.idx.msk [tilespmem:v13+s3+$0x0], $0xffff  }
0x245: {  	v13 =	vld.idx.msk [tilespmem:v14+s29+$0x0], $0xffff;
	v14 =	vor.u32 $0x6, v3  }
0x246: {  	v4 =	vadd.f32 v5, v4;
	v5 =	vmul.f32 v7, v6;
	v7 =	vor.u32 $0x7, v2;
	v6 =	vld.idx.msk [tilespmem:v15+s3+$0x0], $0xffff  }
0x247: {  	v15 =	vld.idx.msk [tilespmem:v16+s29+$0x0], $0xffff;
	v16 =	vor.u32 $0x7, v3  }
0x248: {  	v4 =	vadd.f32 v5, v4;
	v5 =	vmul.f32 v10, v8;
	v10 =	vadd.s32 $0x8, v2;
	v8 =	vld.idx.msk [tilespmem:v17+s3+$0x0], $0xffff  }
0x249: {  	v17 =	vor.u32 $0x8, v3;
	v11 =	vld.idx.msk [tilespmem:v11+s29+$0x0], $0xffff  }
0x24a: {  	v4 =	vadd.f32 v5, v4;
	v5 =	vmul.f32 v9, v12;
	v12 =	vadd.s32 $0x9, v2;
	v9 =	vld.idx.msk [tilespmem:v14+s3+$0x0], $0xffff  }
0x24b: {  	v14 =	vor.u32 $0x9, v3;
	v7 =	vld.idx.msk [tilespmem:v7+s29+$0x0], $0xffff  }
0x24c: {  	v4 =	vadd.f32 v5, v4;
	v5 =	vmul.f32 v6, v13;
	v13 =	vadd.s32 $0xA, v2;
	v6 =	vld.idx.msk [tilespmem:v16+s3+$0x0], $0xffff  }
0x24d: {  	v16 =	vor.u32 $0xA, v3;
	v10 =	vld.idx.msk [tilespmem:v10+s29+$0x0], $0xffff  }
0x24e: {  	v4 =	vadd.f32 v5, v4;
	v5 =	vmul.f32 v8, v15;
	v15 =	vadd.s32 $0xB, v2;
	v8 =	vld.idx.msk [tilespmem:v17+s3+$0x0], $0xffff  }
0x24f: {  	v17 =	vor.u32 $0xB, v3;
	v12 =	vld.idx.msk [tilespmem:v12+s29+$0x0], $0xffff  }
0x250: {  	v4 =	vadd.f32 v5, v4;
	v5 =	vmul.f32 v9, v11;
	v11 =	vadd.s32 $0xC, v2;
	v9 =	vld.idx.msk [tilespmem:v14+s3+$0x0], $0xffff  }
0x251: {  	v14 =	vor.u32 $0xC, v3;
	v13 =	vld.idx.msk [tilespmem:v13+s29+$0x0], $0xffff  }
0x252: {  	v4 =	vadd.f32 v5, v4;
	v5 =	vmul.f32 v6, v7;
	v7 =	vadd.s32 $0xD, v2;
	v6 =	vld.idx.msk [tilespmem:v16+s3+$0x0], $0xffff  }
0x253: {  	v16 =	vor.u32 $0xD, v3;
	v15 =	vld.idx.msk [tilespmem:v15+s29+$0x0], $0xffff  }
0x254: {  	v4 =	vadd.f32 v5, v4;
	v5 =	vmul.f32 v8, v10;
	v10 =	vadd.s32 $0xE, v2;
	v8 =	vld.idx.msk [tilespmem:v17+s3+$0x0], $0xffff  }
0x255: {  	v17 =	vor.u32 $0xE, v3;
	v11 =	vld.idx.msk [tilespmem:v11+s29+$0x0], $0xffff  }
0x256: {  	v4 =	vadd.f32 v5, v4;
	v5 =	vmul.f32 v9, v12;
	v12 =	vadd.s32 $0xF, v2;
	v9 =	vld.idx.msk [tilespmem:v14+s3+$0x0], $0xffff  }
0x257: {  	v14 =	vor.u32 $0xF, v3;
	v7 =	vld.idx.msk [tilespmem:v7+s29+$0x0], $0xffff  }
0x258: {  	v4 =	vadd.f32 v5, v4;
	v5 =	vmul.f32 v6, v13;
	v13 =	vadd.s32 $0x10, v2;
	v6 =	vld.idx.msk [tilespmem:v16+s3+$0x0], $0xffff  }
0x259: {  	v16 =	vor.u32 $0x10, v3;
	v10 =	vld.idx.msk [tilespmem:v10+s29+$0x0], $0xffff  }
0x25a: {  	v4 =	vadd.f32 v5, v4;
	v5 =	vmul.f32 v8, v15;
	v15 =	vadd.s32 $0x11, v2;
	v8 =	vld.idx.msk [tilespmem:v17+s3+$0x0], $0xffff  }
0x25b: {  	v17 =	vor.u32 $0x11, v3;
	v12 =	vld.idx.msk [tilespmem:v12+s29+$0x0], $0xffff  }
0x25c: {  	v4 =	vadd.f32 v5, v4;
	v5 =	vmul.f32 v9, v11;
	v11 =	vadd.s32 $0x12, v2;
	v9 =	vld.idx.msk [tilespmem:v14+s3+$0x0], $0xffff  }
0x25d: {  	v14 =	vor.u32 $0x12, v3;
	v13 =	vld.idx.msk [tilespmem:v13+s29+$0x0], $0xffff  }
0x25e: {  	v4 =	vadd.f32 v5, v4;
	v5 =	vmul.f32 v6, v7;
	v7 =	vadd.s32 $0x13, v2;
	v6 =	vld.idx.msk [tilespmem:v16+s3+$0x0], $0xffff  }
0x25f: {  	v16 =	vor.u32 $0x13, v3;
	v15 =	vld.idx.msk [tilespmem:v15+s29+$0x0], $0xffff  }
0x260: {  	v4 =	vadd.f32 v5, v4;
	v5 =	vmul.f32 v8, v10;
	v10 =	vadd.s32 $0x14, v2;
	v8 =	vld.idx.msk [tilespmem:v17+s3+$0x0], $0xffff  }
0x261: {  	v17 =	vor.u32 $0x14, v3;
	v11 =	vld.idx.msk [tilespmem:v11+s29+$0x0], $0xffff  }
0x262: {  	v4 =	vadd.f32 v5, v4;
	v5 =	vmul.f32 v9, v12;
	v12 =	vadd.s32 $0x15, v2;
	v9 =	vld.idx.msk [tilespmem:v14+s3+$0x0], $0xffff  }
0x263: {  	v14 =	vor.u32 $0x15, v3;
	v7 =	vld.idx.msk [tilespmem:v7+s29+$0x0], $0xffff  }
0x264: {  	v4 =	vadd.f32 v5, v4;
	v5 =	vmul.f32 v6, v13;
	v13 =	vadd.s32 $0x16, v2;
	v6 =	vld.idx.msk [tilespmem:v16+s3+$0x0], $0xffff  }
0x265: {  	v16 =	vor.u32 $0x16, v3;
	v10 =	vld.idx.msk [tilespmem:v10+s29+$0x0], $0xffff  }
0x266: {  	v4 =	vadd.f32 v5, v4;
	v5 =	vmul.f32 v8, v15;
	v15 =	vadd.s32 $0x17, v2;
	v8 =	vld.idx.msk [tilespmem:v17+s3+$0x0], $0xffff  }
0x267: {  	v17 =	vor.u32 $0x17, v3;
	v12 =	vld.idx.msk [tilespmem:v12+s29+$0x0], $0xffff  }
0x268: {  	v4 =	vadd.f32 v5, v4;
	v5 =	vmul.f32 v9, v11;
	v11 =	vadd.s32 $0x18, v2;
	v9 =	vld.idx.msk [tilespmem:v14+s3+$0x0], $0xffff  }
0x269: {  	v14 =	vor.u32 $0x18, v3;
	v13 =	vld.idx.msk [tilespmem:v13+s29+$0x0], $0xffff  }
0x26a: {  	v4 =	vadd.f32 v5, v4;
	v5 =	vmul.f32 v6, v7;
	v7 =	vadd.s32 $0x19, v2;
	v6 =	vld.idx.msk [tilespmem:v16+s3+$0x0], $0xffff  }
0x26b: {  	v16 =	vor.u32 $0x19, v3;
	v15 =	vld.idx.msk [tilespmem:v15+s29+$0x0], $0xffff  }
0x26c: {  	v4 =	vadd.f32 v5, v4;
	v5 =	vmul.f32 v8, v10;
	v10 =	vadd.s32 $0x1A, v2;
	v8 =	vld.idx.msk [tilespmem:v17+s3+$0x0], $0xffff  }
0x26d: {  	v17 =	vor.u32 $0x1A, v3;
	v11 =	vld.idx.msk [tilespmem:v11+s29+$0x0], $0xffff  }
0x26e: {  	v4 =	vadd.f32 v5, v4;
	v5 =	vmul.f32 v9, v12;
	v12 =	vadd.s32 $0x1B, v2;
	v9 =	vld.idx.msk [tilespmem:v14+s3+$0x0], $0xffff  }
0x26f: {  	v14 =	vor.u32 $0x1B, v3;
	v7 =	vld.idx.msk [tilespmem:v7+s29+$0x0], $0xffff  }
0x270: {  	v4 =	vadd.f32 v5, v4;
	v5 =	vmul.f32 v6, v13;
	v13 =	vadd.s32 $0x1C, v2;
	v6 =	vld.idx.msk [tilespmem:v16+s3+$0x0], $0xffff  }
0x271: {  	v16 =	vor.u32 $0x1C, v3;
	v10 =	vld.idx.msk [tilespmem:v10+s29+$0x0], $0xffff  }
0x272: {  	v4 =	vadd.f32 v5, v4;
	v5 =	vmul.f32 v8, v15;
	v15 =	vadd.s32 $0x1D, v2;
	v8 =	vld.idx.msk [tilespmem:v17+s3+$0x0], $0xffff  }
0x273: {  	v17 =	vor.u32 $0x1D, v3;
	v12 =	vld.idx.msk [tilespmem:v12+s29+$0x0], $0xffff  }
0x274: {  	v4 =	vadd.f32 v5, v4;
	v5 =	vmul.f32 v9, v11;
	v11 =	vadd.s32 $0x1E, v2;
	v9 =	vld.idx.msk [tilespmem:v14+s3+$0x0], $0xffff  }
0x275: {  	v14 =	vor.u32 $0x1E, v3;
	v13 =	vld.idx.msk [tilespmem:v13+s29+$0x0], $0xffff  }
0x276: {  	v2 =	vadd.s32 $0x1F, v2;
	v4 =	vadd.f32 v5, v4;
	v5 =	vmul.f32 v6, v7;
	v6 =	vld.idx.msk [tilespmem:v16+s3+$0x0], $0xffff  }
0x277: {  	v7 =	vld.idx.msk [tilespmem:v15+s29+$0x0], $0xffff;
	v15 =	vor.u32 $0x1F, v3  }
0x278: {  	v3 =	vadd.f32 v5, v4;
	v4 =	vmul.f32 v8, v10;
	v5 =	vld.idx.msk [tilespmem:v17+s3+$0x0], $0xffff  }
0x279: {  	v8 =	vld.idx.msk [tilespmem:v11+s29+$0x0], $0xffff  }
0x27a: {  	v4 =	vadd.f32 v4, v3;
	v9 =	vmul.f32 v9, v12;
	v10 =	vld.idx.msk [tilespmem:v14+s3+$0x0], $0xffff  }
0x27b: {  	v3 =	vld.idx.msk [tilespmem:v2+s29+$0x0], $0xffff  }
.Ltmp3:
0x27c: {  	v2 =	vadd.f32 v9, v4;
	v6 =	vmul.f32 v6, v13;
	v4 =	vld.idx.msk [tilespmem:v15+s3+$0x0], $0xffff;
	(pc) =	sbr.rel @p0 .LBB2_5-.Ltmp3, $4  }
0x27d: {  	_ = 	snop  }
0x27e: {  	v9 =	vor.u32 s8, v0;
	v11 =	vadd.f32 v6, v2;
	v5 =	vmul.f32 v5, v7  }
0x27f: {  	v2 =	vmul.u32 $0x28, v9  }
0x280: {  	s8 =	sadd.s32 $0x10, s8;
	v6 =	vadd.s32 v1, v9;
	v5 =	vadd.f32 v5, v11;
	v7 =	vmul.f32 v10, v8  }
0x281: {  	v1 =	vmulhi.u32 $0x51EB851F, v6  }
0x282: {  	v34 =	vadd.s32 $0x20, v2;
	v3 =	vmul.f32 v4, v3;
	v5 =	vadd.f32 v7, v5;
	_ =	sdelay $0x1  }
0x283: {  	v35 =	vshrl.u32 v1, $0x4;
	v3 =	vadd.f32 v3, v5  }
0x284: {  	s8 =	sadd.s32 $0x10, s16;
	v1 =	vshll.u32 v35, $0x5  }
0x285: {  	v36 =	vor.u32 $0x1, v2;
	[tilespmem:s8+$0x0] =	vst v3  }
0x286: {  	v37 =	vor.u32 $0x1, v1;
	v3 =	vld.idx.msk [tilespmem:v34+s29+$0x0], $0xffff  }
0x287: {  	v38 =	vor.u32 $0x2, v2;
	v8 =	vld.idx.msk [tilespmem:v2+s29+$0x0], $0xffff  }
0x288: {  	v9 =	vor.u32 $0x2, v1;
	v4 =	vld.idx.msk [tilespmem:v35+s15+$0x0], $0xffff  }
0x289: {  	v11 =	vor.u32 $0x3, v2;
	v10 =	vld.idx.msk [tilespmem:v1+s3+$0x0], $0xffff  }
0x28a: {  	v12 =	vor.u32 $0x3, v1;
	v5 =	vld.idx.msk [tilespmem:v36+s29+$0x0], $0xffff  }
0x28b: {  	v13 =	vor.u32 $0x4, v2;
	v6 =	vld.idx.msk [tilespmem:v37+s3+$0x0], $0xffff  }
0x28c: {  	v14 =	vor.u32 $0x4, v1;
	v7 =	vld.idx.msk [tilespmem:v38+s29+$0x0], $0xffff  }
0x28d: {  	v15 =	vor.u32 $0x5, v2;
	v9 =	vld.idx.msk [tilespmem:v9+s3+$0x0], $0xffff  }
0x28e: {  	v16 =	vor.u32 $0x5, v1;
	v11 =	vld.idx.msk [tilespmem:v11+s29+$0x0], $0xffff;
	v3 =	vadd.f32 v3, v4;
	v39 =	vmul.f32 v10, v8  }
0x28f: {  	v43 =	vor.u32 $0x6, v1;
	v40 =	vld.idx.msk [tilespmem:v12+s3+$0x0], $0xffff  }
0x290: {  	v41 =	vor.u32 $0x6, v2;
	v42 =	vld.idx.msk [tilespmem:v13+s29+$0x0], $0xffff;
	v44 =	vmul.f32 v6, v5;
	v3 =	vadd.f32 v39, v3  }
0x291: {  	v48 =	vor.u32 $0x7, v1;
	v45 =	vld.idx.msk [tilespmem:v14+s3+$0x0], $0xffff  }
0x292: {  	v46 =	vor.u32 $0x7, v2;
	v47 =	vld.idx.msk [tilespmem:v15+s29+$0x0], $0xffff;
	v49 =	vmul.f32 v9, v7;
	v3 =	vadd.f32 v44, v3  }
0x293: {  	v52 =	vor.u32 $0x8, v1;
	v50 =	vld.idx.msk [tilespmem:v16+s3+$0x0], $0xffff  }
0x294: {  	v51 =	vadd.s32 $0x8, v2;
	v54 =	vld.idx.msk [tilespmem:v43+s3+$0x0], $0xffff;
	v53 =	vmul.f32 v40, v11;
	v3 =	vadd.f32 v49, v3  }
0x295: {  	v56 =	vor.u32 $0x9, v1;
	v10 =	vld.idx.msk [tilespmem:v41+s29+$0x0], $0xffff  }
0x296: {  	v55 =	vadd.s32 $0x9, v2;
	v58 =	vld.idx.msk [tilespmem:v48+s3+$0x0], $0xffff;
	v57 =	vmul.f32 v45, v42;
	v3 =	vadd.f32 v53, v3  }
0x297: {  	v59 =	vadd.s32 $0xA, v2;
	v6 =	vld.idx.msk [tilespmem:v46+s29+$0x0], $0xffff  }
0x298: {  	v60 =	vor.u32 $0xA, v1;
	v62 =	vld.idx.msk [tilespmem:v52+s3+$0x0], $0xffff;
	v61 =	vmul.f32 v50, v47;
	v3 =	vadd.f32 v57, v3  }
0x299: {  	v63 =	vadd.s32 $0xB, v2;
	v9 =	vld.idx.msk [tilespmem:v51+s29+$0x0], $0xffff  }
0x29a: {  	v20 =	vor.u32 $0xB, v1;
	v22 =	vld.idx.msk [tilespmem:v56+s3+$0x0], $0xffff;
	v21 =	vmul.f32 v54, v10;
	v3 =	vadd.f32 v61, v3  }
0x29b: {  	v24 =	vor.u32 $0xC, v1;
	v11 =	vld.idx.msk [tilespmem:v55+s29+$0x0], $0xffff  }
0x29c: {  	v23 =	vadd.s32 $0xC, v2;
	v12 =	vld.idx.msk [tilespmem:v59+s29+$0x0], $0xffff;
	v25 =	vmul.f32 v58, v6;
	v3 =	vadd.f32 v21, v3  }
0x29d: {  	v28 =	vor.u32 $0xD, v1;
	v26 =	vld.idx.msk [tilespmem:v60+s3+$0x0], $0xffff  }
0x29e: {  	v27 =	vadd.s32 $0xD, v2;
	v14 =	vld.idx.msk [tilespmem:v63+s29+$0x0], $0xffff;
	v29 =	vmul.f32 v62, v9;
	v3 =	vadd.f32 v25, v3  }
0x29f: {  	v32 =	vor.u32 $0xE, v1;
	v30 =	vld.idx.msk [tilespmem:v20+s3+$0x0], $0xffff  }
0x2a0: {  	v31 =	vadd.s32 $0xE, v2;
	v34 =	vld.idx.msk [tilespmem:v24+s3+$0x0], $0xffff;
	v33 =	vmul.f32 v22, v11;
	v3 =	vadd.f32 v29, v3  }
0x2a1: {  	v36 =	vor.u32 $0xF, v1;
	v10 =	vld.idx.msk [tilespmem:v23+s29+$0x0], $0xffff  }
0x2a2: {  	v35 =	vadd.s32 $0xF, v2;
	v38 =	vld.idx.msk [tilespmem:v28+s3+$0x0], $0xffff;
	v37 =	vmul.f32 v26, v12;
	v3 =	vadd.f32 v33, v3  }
0x2a3: {  	v40 =	vor.u32 $0x10, v1;
	v6 =	vld.idx.msk [tilespmem:v27+s29+$0x0], $0xffff  }
0x2a4: {  	v41 =	vmul.f32 v30, v14;
	v42 =	vld.idx.msk [tilespmem:v32+s3+$0x0], $0xffff;
	v39 =	vadd.s32 $0x10, v2;
	v3 =	vadd.f32 v37, v3  }
0x2a5: {  	v43 =	vadd.s32 $0x11, v2;
	v9 =	vld.idx.msk [tilespmem:v31+s29+$0x0], $0xffff  }
0x2a6: {  	v46 =	vld.idx.msk [tilespmem:v36+s3+$0x0], $0xffff;
	v44 =	vor.u32 $0x11, v1;
	v45 =	vmul.f32 v34, v10;
	v3 =	vadd.f32 v41, v3  }
0x2a7: {  	v48 =	vor.u32 $0x12, v1;
	v11 =	vld.idx.msk [tilespmem:v35+s29+$0x0], $0xffff  }
0x2a8: {  	v47 =	vadd.s32 $0x12, v2;
	v50 =	vld.idx.msk [tilespmem:v40+s3+$0x0], $0xffff;
	v49 =	vmul.f32 v38, v6;
	v3 =	vadd.f32 v45, v3  }
0x2a9: {  	v52 =	vor.u32 $0x13, v1;
	v12 =	vld.idx.msk [tilespmem:v39+s29+$0x0], $0xffff  }
0x2aa: {  	v51 =	vadd.s32 $0x13, v2;
	v14 =	vld.idx.msk [tilespmem:v43+s29+$0x0], $0xffff;
	v53 =	vmul.f32 v42, v9;
	v3 =	vadd.f32 v49, v3  }
0x2ab: {  	v56 =	vor.u32 $0x14, v1;
	v54 =	vld.idx.msk [tilespmem:v44+s3+$0x0], $0xffff  }
0x2ac: {  	v55 =	vadd.s32 $0x14, v2;
	v58 =	vld.idx.msk [tilespmem:v48+s3+$0x0], $0xffff;
	v57 =	vmul.f32 v46, v11;
	v3 =	vadd.f32 v53, v3  }
0x2ad: {  	v60 =	vor.u32 $0x15, v1;
	v10 =	vld.idx.msk [tilespmem:v47+s29+$0x0], $0xffff  }
0x2ae: {  	v59 =	vadd.s32 $0x15, v2;
	v62 =	vld.idx.msk [tilespmem:v52+s3+$0x0], $0xffff;
	v61 =	vmul.f32 v50, v12;
	v3 =	vadd.f32 v57, v3  }
0x2af: {  	v20 =	vor.u32 $0x16, v1;
	v6 =	vld.idx.msk [tilespmem:v51+s29+$0x0], $0xffff  }
0x2b0: {  	v63 =	vadd.s32 $0x16, v2;
	v22 =	vld.idx.msk [tilespmem:v56+s3+$0x0], $0xffff;
	v21 =	vmul.f32 v54, v14;
	v3 =	vadd.f32 v61, v3  }
0x2b1: {  	v24 =	vor.u32 $0x17, v1;
	v9 =	vld.idx.msk [tilespmem:v55+s29+$0x0], $0xffff  }
0x2b2: {  	v26 =	vld.idx.msk [tilespmem:v60+s3+$0x0], $0xffff;
	v23 =	vadd.s32 $0x17, v2;
	v25 =	vmul.f32 v58, v10;
	v3 =	vadd.f32 v21, v3  }
0x2b3: {  	v28 =	vor.u32 $0x18, v1;
	v11 =	vld.idx.msk [tilespmem:v59+s29+$0x0], $0xffff  }
0x2b4: {  	v30 =	vld.idx.msk [tilespmem:v20+s3+$0x0], $0xffff;
	v27 =	vadd.s32 $0x18, v2;
	v29 =	vmul.f32 v62, v6;
	v3 =	vadd.f32 v25, v3  }
0x2b5: {  	v32 =	vor.u32 $0x19, v1;
	v12 =	vld.idx.msk [tilespmem:v63+s29+$0x0], $0xffff  }
0x2b6: {  	v31 =	vadd.s32 $0x19, v2;
	v34 =	vld.idx.msk [tilespmem:v24+s3+$0x0], $0xffff;
	v33 =	vmul.f32 v22, v9;
	v3 =	vadd.f32 v29, v3  }
0x2b7: {  	v36 =	vor.u32 $0x1A, v1;
	v14 =	vld.idx.msk [tilespmem:v23+s29+$0x0], $0xffff  }
0x2b8: {  	v35 =	vadd.s32 $0x1A, v2;
	v38 =	vld.idx.msk [tilespmem:v28+s3+$0x0], $0xffff;
	v37 =	vmul.f32 v26, v11;
	v3 =	vadd.f32 v33, v3  }
0x2b9: {  	v40 =	vor.u32 $0x1B, v1;
	v10 =	vld.idx.msk [tilespmem:v27+s29+$0x0], $0xffff  }
0x2ba: {  	v39 =	vadd.s32 $0x1B, v2;
	v42 =	vld.idx.msk [tilespmem:v32+s3+$0x0], $0xffff;
	v41 =	vmul.f32 v30, v12;
	v3 =	vadd.f32 v37, v3  }
0x2bb: {  	v44 =	vor.u32 $0x1C, v1;
	v6 =	vld.idx.msk [tilespmem:v31+s29+$0x0], $0xffff  }
0x2bc: {  	v43 =	vadd.s32 $0x1C, v2;
	v46 =	vld.idx.msk [tilespmem:v36+s3+$0x0], $0xffff;
	v45 =	vmul.f32 v34, v14;
	v3 =	vadd.f32 v41, v3  }
0x2bd: {  	v47 =	vadd.s32 $0x1D, v2;
	v9 =	vld.idx.msk [tilespmem:v35+s29+$0x0], $0xffff  }
0x2be: {  	v48 =	vor.u32 $0x1D, v1;
	v50 =	vld.idx.msk [tilespmem:v40+s3+$0x0], $0xffff;
	v49 =	vmul.f32 v38, v10;
	v3 =	vadd.f32 v45, v3  }
0x2bf: {  	v52 =	vor.u32 $0x1E, v1;
	v11 =	vld.idx.msk [tilespmem:v39+s29+$0x0], $0xffff  }
0x2c0: {  	v51 =	vadd.s32 $0x1E, v2;
	v54 =	vld.idx.msk [tilespmem:v44+s3+$0x0], $0xffff;
	v53 =	vmul.f32 v42, v6;
	v3 =	vadd.f32 v49, v3  }
0x2c1: {  	v1 =	vor.u32 $0x1F, v1;
	v12 =	vld.idx.msk [tilespmem:v43+s29+$0x0], $0xffff  }
0x2c2: {  	v2 =	vadd.s32 $0x1F, v2;
	v55 =	vld.idx.msk [tilespmem:v47+s29+$0x0], $0xffff;
	v56 =	vmul.f32 v46, v9;
	v3 =	vadd.f32 v53, v3  }
0x2c3: {  	v57 =	vld.idx.msk [tilespmem:v48+s3+$0x0], $0xffff  }
0x2c4: {  	v60 =	vld.idx.msk [tilespmem:v52+s3+$0x0], $0xffff;
	v59 =	vmul.f32 v50, v11;
	v3 =	vadd.f32 v56, v3  }
0x2c5: {  	v58 =	vld.idx.msk [tilespmem:v51+s29+$0x0], $0xffff  }
0x2c6: {  	v1 =	vld.idx.msk [tilespmem:v1+s3+$0x0], $0xffff;
	v61 =	vmul.f32 v54, v12;
	v3 =	vadd.f32 v59, v3  }
0x2c7: {  	v2 =	vld.idx.msk [tilespmem:v2+s29+$0x0], $0xffff  }
0x2c8: {  	v62 =	vmul.f32 v57, v55;
	v3 =	vadd.f32 v61, v3;
	_ =	sdelay $0x1  }
0x2c9: {  	v63 =	vmul.f32 v60, v58;
	v3 =	vadd.f32 v62, v3;
	_ =	sdelay $0x1  }
0x2ca: {  	v1 =	vmul.f32 v1, v2;
	v3 =	vadd.f32 v63, v3  }
.Ltmp4:
0x2cb: {  	_ = 	snop;
	(pc) =	sbr.rel @p1 .LBB2_8-.Ltmp4, $4  }
0x2cc: {  	s7 =	sadd.s32 s5, s7;
	v1 =	vadd.f32 v1, v3  }
0x2cd: {  	s7 =	sshrl.u32 s7, $0x3;
	s8 =	sadd.s32 $0x10, s8  }
0x2ce: {  	s7 =	sadd.s32 s6, s7;
	[tilespmem:s8+$0x0] =	vst v1  }
0x2cf: {  	[hbm4b:s7+s3] =	stream.linear.scatter [tilespmem:s26], [sflag:$0x4], $0x280, $0x38;
	[tilespmem:$0x11400] =	vst v63  }
0x2d0: {  	s7 =	sadd.s32 s13, s12  }
0x2d1: {  	s7 =	sshrl.u32 s7, $0x3  }
0x2d2: {  	s7 =	sadd.s32 s1, s7  }
0x2d3: {  	[tilespmem:s28], [sflag:$0x5] =	stream.linear.gather [hbm4b:s7+s3], $0x280, $0x38;
	[tilespmem:$0x11400] =	vst v63  }
0x2d4: {  	_ =	swait.ge [sflag:s14], $0x280  }
0x2d5: {  	[sflag:s14] =	ssyncset.done $0x0  }
0x2d6: {  	[sflag:s14] =	ssyncadd.s32 $0xFFFFFD80  }
0x2d7: {  	[tilespmem:s29], [sflag:$0x2] =	stream.indirect.gather [hbm4b:s4+s17], $0x28, s28, s17, $0xb8;
	[tilespmem:$0x11400] =	vst v63  }
0x2d8: {  	_ = 	snop  }
0x2d9: {  	[tilespmem:s31], [sflag:$0x2] =	stream.indirect.gather [hbm4b:s4+s17], $0x28, s30, s17, $0xb8;
	[tilespmem:$0x11400] =	vst v63  }
0x2da: {  	_ = 	snop  }
0x2db: {  	[tilespmem:s2], [sflag:$0x2] =	stream.indirect.gather [hbm4b:s4+s17], $0x28, s0, s17, $0xb8;
	[tilespmem:$0x11400] =	vst v63  }
.Ltmp5:
0x2dc: {  	_ = 	snop;
	(pc) =	sbr.rel .LBB2_2-.Ltmp5, $4  }
0x2dd: {  	_ = 	snop  }
0x2de: {  	[tilespmem:s20], [sflag:$0x2] =	stream.indirect.gather [hbm4b:s4+s17], $0x28, s19, s17, $0xb8;
	[tilespmem:$0x11400] =	vst v63  }
0x2df: {  	s10 =	sadd.s32 $0x1, s10  }
0x2e0: {  	[tilespmem:s22], [sflag:$0x2] =	stream.indirect.gather [hbm4b:s4+s17], $0x28, s21, s17, $0xb8;
	[tilespmem:$0x11400] =	vst v63  }
.LBB2_9:
0x2e1: {  	_ =	sfence.sel $0x180000  }
0x2e2: {  	[bflag:$0x0] =	sbarrier.arrive $0xFFFF  }
0x2e3: {  	_ =	strace $0x90000050  }
0x2e4: {  	s0 =	stileid.u32;
	[bflag:$0x2] =	sbarrier.arrive $0xFFFF  }
0x2e5: {  	p0 =	sne.s32 s0, $0x0;
	s0 =	rddreg [dreg:$0x2]  }
0x2e6: {  	s0 =	sadd.s32 @!p0 $0x100000, s0  }
0x2e7: {  	[sflag:s0] =	ssyncadd.tile.s32 @!p0 $0x1;
	_ =	shalt  }
.Lfunc_end2:
_tile_overlayer_lowered:
.L_overlay_start_2:
0x2e8: {  	(tag) =	ssettag $0x2  }
0x2e9: {  	s0 =	rddreg [dreg:$0x0];
	s2 =	stileid.u32  }
0x2ea: {  	s1 =	rddreg [dreg:$0x1];
	p0 =	sne.s32 s2, $0x0  }
0x2eb: {  	s3 =	rddreg [dreg:$0x2];
	[bflag:$0x3] =	sbarrier.arrive $0xFFFF;
	s2 =	simm.s32 @!p0 $0x1C05  }
0x2ec: {  	[timem:s3], [sflag:s2] =	dma.local @!p0 [hbm:s0], s1  }
0x2ed: {  	s0 =	simm.s32 @!p0 $0x5  }
0x2ee: {  	_ =	swait.ge @!p0 [sflag:s0], s1  }
0x2ef: {  	s1 =	ssub.s32 @!p0 $0x0, s1;
	[sflag:s0] =	ssyncset.done @!p0 $0x0  }
0x2f0: {  	[sflag:s0] =	ssyncadd.s32 @!p0 s1  }
0x2f1: {  	[bflag:$0x3] =	sbarrier.arrive $0xFFFF  }
0x2f2: {  	_ =	shalt  }

</sc_bundles>
